<compile_context>
chip_gen: v7x
topology: tpu7x:2x2x1
jax: 0.10.2.dev20260603
libtpu: 0.0.44.dev20260713+nightly
codegen_flags: <defaults>
</compile_context>

<pallas_src>
import functools

import jax
import jax.numpy as jnp
from jax import lax
from jax.experimental import pallas as pl
from jax.experimental.pallas import tpu as pltpu
from jax.experimental.pallas import tpu_sc as plsc

_B = 64
_V = 100000
_NS = 5
_K = 5
_EPS = 1.0

_NC = 2
_NSUB = 16
_NW = _NC * _NSUB
_L = 16
_KK = _K + 1

_NBLK = 8
_NQ = 4
_RPB = _B // _NBLK
_VC = 1024
_CPQ = 24
_VMAIN = _NQ * _CPQ * _VC
_TAILV = _VMAIN + _VC
_TAILN = _V - _TAILV
_NIT = _VC // _L
_NST = _NS * _RPB * _KK * _L

_NEG = float("-inf")


def _iota16():
    return lax.iota(jnp.int32, _L)


def _sc_partials(s2d, y, zt3, s_tail, z_tail):
    mesh = plsc.VectorSubcoreMesh(core_axis_name="c", subcore_axis_name="s")

    @functools.partial(
        pl.kernel,
        out_type=(
            jax.ShapeDtypeStruct((_NW * _NST,), jnp.float32),
            jax.ShapeDtypeStruct((_NW * _L,), jnp.float32),
        ),
        mesh=mesh,
        compiler_params=pltpu.CompilerParams(needs_layout_passes=False),
        scratch_types=[
            pltpu.VMEM((_NS, _RPB, _VC), jnp.float32),
            pltpu.VMEM((_NS, _RPB, _VC), jnp.float32),
            pltpu.VMEM((_RPB, _VC), jnp.float32),
            pltpu.VMEM((_RPB, _VC), jnp.float32),
            pltpu.VMEM((_NST,), jnp.float32),
            pltpu.VMEM((_B,), jnp.int32),
            pltpu.VMEM((_L,), jnp.float32),
            pltpu.SemaphoreType.DMA,
            pltpu.SemaphoreType.DMA,
        ],
    )
    def body(s_hbm, y_hbm, z_hbm, st_hbm, zt_hbm, cand_hbm, corr_hbm,
             zbuf0, zbuf1, sbuf0, sbuf1, st, ybuf, cbuf, sem0, sem1):
        wid = lax.axis_index("s") * _NC + lax.axis_index("c")
        iota = _iota16()
        bufs = ((zbuf0, sbuf0, sem0), (zbuf1, sbuf1, sem1))

        blk = wid // _NQ
        q = wid % _NQ
        row0 = pl.multiple_of(blk * _RPB, 8)
        c_lo = q * _CPQ

        pltpu.sync_copy(y_hbm, ybuf)
        yv8 = plsc.load_gather(ybuf, [row0 + (iota & (_RPB - 1))])
        lane_ok = iota < _RPB

        vneg = jnp.full((_L,), _NEG, jnp.float32)

        def init_st(t, _):
            st[pl.ds(t * _L, _L)] = vneg
            return 0

        lax.fori_loop(0, _NST // _L, init_st, 0)

        def copies(c, zb, sb, zsrc, ssrc):
            v0 = pl.multiple_of(c * _VC, 128)
            out = []
            for j in range(_NS):
                out.append((zsrc.at[j, pl.ds(row0, _RPB), pl.ds(v0, _VC)],
                            zb.at[j]))
            out.append((ssrc.at[pl.ds(row0, _RPB), pl.ds(v0, _VC)], sb))
            return out

        def start(c, zb, sb, sem, zsrc=None, ssrc=None):
            zsrc = z_hbm if zsrc is None else zsrc
            ssrc = s_hbm if ssrc is None else ssrc
            for src, dst in copies(c, zb, sb, zsrc, ssrc):
                pltpu.async_copy(src, dst, sem)

        def wait(c, zb, sb, sem, zsrc=None, ssrc=None):
            zsrc = z_hbm if zsrc is None else zsrc
            ssrc = s_hbm if ssrc is None else ssrc
            for src, dst in copies(c, zb, sb, zsrc, ssrc):
                pltpu.make_async_copy(src, dst, sem).wait()

        def corr_update(sb, base, corr):
            off = yv8 - base
            inr = jnp.logical_and(off >= 0, off < _VC)
            offc = jnp.clip(off, 0, _VC - 1)
            g = plsc.load_gather(sb, [iota & (_RPB - 1), offc])
            take = jnp.logical_and(inr, lane_ok)
            return corr + jnp.where(take, g, 0.0)

        def compute_chunk(zb, sb):
            def pval(i, v, j, zb=zb, sb=sb):
                sv = sb[i, pl.ds(v * _L, _L)]
                zv = zb[j, i, pl.ds(v * _L, _L)]
                return sv + zv if _EPS == 1.0 else sv + _EPS * zv

            def rbody(i, zb=zb, sb=sb):
                sbase = i * (_KK * _NS * _L)
                ms = []
                for j in range(_NS):
                    for r in range(_KK):
                        ms.append(st[pl.ds(sbase + (j * _KK + r) * _L, _L)])

                def inner(v, ms, zb=zb, sb=sb, i=i):
                    out = list(ms)
                    for j in range(_NS):
                        p = pval(i, v, j)
                        for r in range(_KK):
                            hi = jnp.maximum(out[j * _KK + r], p)
                            p = jnp.minimum(out[j * _KK + r], p)
                            out[j * _KK + r] = hi
                    return tuple(out)

                ms = plsc.parallel_loop(0, _NIT, 1, unroll=2,
                                        carry=tuple(ms))(inner)
                for j in range(_NS):
                    for r in range(_KK):
                        st[pl.ds(sbase + (j * _KK + r) * _L, _L)] = \
                            ms[j * _KK + r]

            plsc.parallel_loop(0, _RPB, 1)(rbody)

        for half in range(2):
            start(c_lo + half, bufs[half][0], bufs[half][1], bufs[half][2])

        def g_body(g, corr):
            for half in range(2):
                zb, sb, sem = bufs[half]
                c = c_lo + g * 2 + half
                wait(c, zb, sb, sem)
                corr = corr_update(sb, c * _VC, corr)
                compute_chunk(zb, sb)

                @pl.when(g < _CPQ // 2 - 1)
                def _(c=c, zb=zb, sb=sb, sem=sem):
                    start(c + 2, zb, sb, sem)

            return corr

        corr = lax.fori_loop(0, _CPQ // 2, g_body,
                             jnp.full((_L,), 0.0, jnp.float32))

        @pl.when(q == 0)
        def _():
            zb, sb, sem = bufs[0]
            ce = _VMAIN // _VC
            start(ce, zb, sb, sem)
            wait(ce, zb, sb, sem)
            c2 = corr_update(sb, ce * _VC, corr)
            compute_chunk(zb, sb)
            cbuf[...] = c2
            pltpu.sync_copy(cbuf, corr_hbm.at[pl.ds(wid * _L, _L)])

        @pl.when(q == 1)
        def _():
            zb, sb, sem = bufs[0]
            start(0, zb, sb, sem, zsrc=zt_hbm, ssrc=st_hbm)
            wait(0, zb, sb, sem, zsrc=zt_hbm, ssrc=st_hbm)
            c2 = corr_update(sb, _TAILV, corr)
            compute_chunk(zb, sb)
            cbuf[...] = c2
            pltpu.sync_copy(cbuf, corr_hbm.at[pl.ds(wid * _L, _L)])

        @pl.when(q >= 2)
        def _():
            cbuf[...] = corr
            pltpu.sync_copy(cbuf, corr_hbm.at[pl.ds(wid * _L, _L)])

        pltpu.sync_copy(st, cand_hbm.at[pl.ds(wid * _NST, _NST)])

    return body(s2d, y, zt3, s_tail, z_tail)


def _tc_loss(cand2d, corr2d):
    def fin(x_ref, c_ref, o_ref):
        x = x_ref[...]
        need = jnp.full((_NS * _B, 1), _KK, jnp.int32)
        ans = jnp.zeros((_NS * _B, 1), jnp.float32)
        t = jnp.full((_NS * _B, 1), jnp.inf, jnp.float32)
        for _ in range(_KK):
            masked = jnp.where(x < t, x, _NEG)
            m = jnp.max(masked, axis=1, keepdims=True)
            c = jnp.sum((x == m).astype(jnp.int32), axis=1, keepdims=True)
            hit = jnp.logical_and(need > 0, need <= c)
            ans = jnp.where(hit, m, ans)
            need = need - c
            t = m
        skp1 = jnp.zeros((_B, 1), jnp.float32)
        for j in range(_NS):
            skp1 = skp1 + ans[j * _B:(j + 1) * _B, :]
        skp1 = skp1 * jnp.float32(1.0 / _NS)
        corr = jnp.sum(c_ref[...], axis=1, keepdims=True)
        num = jnp.maximum(jnp.float32(1.0) + skp1 - corr, 0.0)
        o_ref[0, 0] = jnp.sum(num) * jnp.float32(1.0 / _B)

    return pl.pallas_call(
        fin,
        out_shape=jax.ShapeDtypeStruct((1, 1), jnp.float32),
        out_specs=pl.BlockSpec(memory_space=pltpu.SMEM),
    )(cand2d, corr2d)


def kernel(s, y, Z):
    zt3 = jnp.transpose(Z, (2, 0, 1))
    pad = _VC - _TAILN
    s_tail = jnp.pad(s[:, _TAILV:], ((0, 0), (0, pad)))
    z_tail = jnp.pad(zt3[:, :, _TAILV:], ((0, 0), (0, 0), (0, pad)),
                     constant_values=_NEG)
    cand, corr = _sc_partials(s, y.astype(jnp.int32), zt3, s_tail, z_tail)
    cand2d = cand.reshape(_NBLK, _NQ, _RPB, _NS, _KK * _L)
    cand2d = cand2d.transpose(3, 0, 2, 1, 4).reshape(_NS * _B, _NQ * _KK * _L)
    corr2d = (corr.reshape(_NBLK, _NQ, _L)[:, :, :_RPB]
              .transpose(0, 2, 1).reshape(_B, _NQ))
    return _tc_loss(cand2d, corr2d)[0, 0]

# --- scband reference (transcript-rebuilt; emitter-appended) ---
"""Pipeline reference for scband-bal-noised-top-k-51642686767234 (READ-ONLY COPY).

The authoritative reference and input builder live on the scoring server;
editing this copy changes nothing except your own understanding.
"""

import jax, jax.numpy as jnp
import numpy as np

B = 64
V = 100000
N_SAMPLE = 5
K = 5
EPSILON = 1.0


def setup_inputs(seed: int = 0) -> dict:
    key = jax.random.key(seed)
    k1, k2, k3 = jax.random.split(key, 3)
    s = jax.random.normal(k1, (B, V), dtype=jnp.float32)
    y = jax.random.randint(k2, (B,), 0, V, dtype=jnp.int32)
    # Noise tensor Z: in the torch module this is drawn inside forward as
    # torch.randn(n_batch, d, n_sample). We materialize it here so the
    # reference is deterministic.
    Z = jax.random.normal(k3, (B, V, N_SAMPLE), dtype=jnp.float32)
    return {"s": s, "y": y, "Z": Z}


def _soft_topk_kth_value(s, Z, kk, epsilon):
    # Stochastic smoothing of the kk-th largest score:
    # average over noise samples of the kk-th largest entry of (s + eps*Z_j).
    perturbed = s[:, :, None] + epsilon * Z            # [B, V, n_sample]
    pt = jnp.transpose(perturbed, (0, 2, 1))           # [B, n_sample, V]
    topv, _ = jax.lax.top_k(pt, kk)                    # [B, n_sample, kk]
    kth = topv[:, :, kk - 1]                           # [B, n_sample]
    return jnp.mean(kth, axis=1)                       # [B]


def reference(s, y, Z):
    # balanced_noise_topk_loss(s, y, k, epsilon, softtopk, Z)
    correct_scores = jnp.take_along_axis(s, y[:, None].astype(jnp.int32), axis=1)[:, 0]  # [B]
    skp1 = _soft_topk_kth_value(s, Z, K + 1, EPSILON)  # [B]
    num = jax.nn.relu(jnp.ones_like(skp1) + skp1 - correct_scores)
    return jnp.mean(num)

if __name__ == "__main__":
    import jax
    _d = setup_inputs()
    print(jax.jit(kernel)(*tuple(_d.values())))

</pallas_src>

<mosaic_0001>
#map = affine_map<(d0, d1) -> (0, 0)>
#map1 = affine_map<(d0, d1) -> (0)>
#map2 = affine_map<(d0, d1) -> (0, 0, 0)>
module attributes {stable_mosaic.version = 14 : i64} {
  func.func @body(%arg0: i32, %arg1: i32, %arg2: memref<64x100000xf32, #tpu.memory_space<hbm>>, %arg3: memref<64xi32, #tpu.memory_space<hbm>>, %arg4: memref<5x64x100000xf32, #tpu.memory_space<hbm>>, %arg5: memref<64x1024xf32, #tpu.memory_space<hbm>>, %arg6: memref<5x64x1024xf32, #tpu.memory_space<hbm>>, %arg7: memref<122880xf32, #tpu.memory_space<hbm>>, %arg8: memref<512xf32, #tpu.memory_space<hbm>>, %arg9: memref<5x8x1024xf32, #tpu.memory_space<vmem>>, %arg10: memref<5x8x1024xf32, #tpu.memory_space<vmem>>, %arg11: memref<8x1024xf32, #tpu.memory_space<vmem>>, %arg12: memref<8x1024xf32, #tpu.memory_space<vmem>>, %arg13: memref<3840xf32, #tpu.memory_space<vmem>>, %arg14: memref<64xi32, #tpu.memory_space<vmem>>, %arg15: memref<16xf32, #tpu.memory_space<vmem>>, %arg16: memref<!tpu.dma_semaphore, #tpu.memory_space<semaphore_mem>>, %arg17: memref<!tpu.dma_semaphore, #tpu.memory_space<semaphore_mem>>) attributes {dimension_semantics = [#tpu.dimension_semantics<core_parallel>, #tpu.dimension_semantics<subcore_parallel>], iteration_bounds = array<i64: 2, 16>, scalar_prefetch = 0 : i64, scratch_operands = 9 : i64, tpu.core_type = #tpu.core_type<sc_vector_subcore>, window_params = [{transform_indices = #map}, {transform_indices = #map1}, {transform_indices = #map2}, {transform_indices = #map}, {transform_indices = #map2}, {transform_indices = #map1}, {transform_indices = #map1}]} {
    %mul3A = arith.constant 2 : i32
    %mul3A_0 = arith.muli %arg1, %mul3A : i32
    %add3A = arith.addi %mul3A_0, %arg0 : i32
    %iota3A = tpu.iota {dimensions = array<i32: 0>} : vector<16xi32>
    %jit3A = arith.constant 4 : i32
    %div3A = arith.divsi %add3A, %jit3A : i32
    %sign3A = arith.constant 0 : i32
    %sign3A_1 = arith.cmpi sgt, %add3A, %sign3A : i32
    %sign3A_2 = arith.extui %sign3A_1 : i1 to i32
    %sign3A_3 = arith.constant 0 : i32
    %sign3A_4 = arith.cmpi slt, %add3A, %sign3A_3 : i32
    %sign3A_5 = arith.extui %sign3A_4 : i1 to i32
    %sign3A_6 = arith.subi %sign3A_2, %sign3A_5 : i32
    %sign3A_7 = arith.constant 0 : i32
    %sign3A_8 = arith.cmpi sgt, %jit3A, %sign3A_7 : i32
    %sign3A_9 = arith.extui %sign3A_8 : i1 to i32
    %sign3A_10 = arith.constant 0 : i32
    %sign3A_11 = arith.cmpi slt, %jit3A, %sign3A_10 : i32
    %sign3A_12 = arith.extui %sign3A_11 : i1 to i32
    %sign3A_13 = arith.subi %sign3A_9, %sign3A_12 : i32
    %ne3A = arith.cmpi ne, %sign3A_6, %sign3A_13 : i32
    %rem3A = arith.remsi %add3A, %jit3A : i32
    %ne3A_14 = arith.constant 0 : i32
    %ne3A_15 = arith.cmpi ne, %rem3A, %ne3A_14 : i32
    %and3A = arith.andi %ne3A, %ne3A_15 : i1
    %sub3A = arith.constant 1 : i32
    %sub3A_16 = arith.subi %div3A, %sub3A : i32
    %select_n3A = arith.select %and3A, %sub3A_16, %div3A : i32
    %jit3A_17 = arith.constant 4 : i32
    %eq3A = arith.constant 0 : i32
    %eq3A_18 = arith.cmpi eq, %jit3A_17, %eq3A : i32
    %jit3A_19 = arith.constant 1 : i32
    %select_n3A_20 = arith.select %eq3A_18, %jit3A_19, %jit3A_17 : i32
    %rem3A_21 = arith.remsi %add3A, %select_n3A_20 : i32
    %ne3A_22 = arith.constant 0 : i32
    %ne3A_23 = arith.cmpi ne, %rem3A_21, %ne3A_22 : i32
    %lt3A = arith.constant 0 : i32
    %lt3A_24 = arith.cmpi slt, %rem3A_21, %lt3A : i32
    %lt3A_25 = arith.constant 0 : i32
    %lt3A_26 = arith.cmpi slt, %select_n3A_20, %lt3A_25 : i32
    %ne3A_27 = arith.xori %lt3A_24, %lt3A_26 : i1
    %and3A_28 = arith.andi %ne3A_27, %ne3A_23 : i1
    %add3A_29 = arith.addi %rem3A_21, %select_n3A_20 : i32
    %select_n3A_30 = arith.select %and3A_28, %add3A_29, %rem3A_21 : i32
    %mul3A_31 = arith.constant 8 : i32
    %mul3A_32 = arith.muli %select_n3A, %mul3A_31 : i32
    %multiple_of3A = tpu.assume_multiple %mul3A_32, 8 : i32
    %mul3A_33 = arith.constant 24 : i32
    %mul3A_34 = arith.muli %select_n3A_30, %mul3A_33 : i32
    "tpu.region"() ({
      %run_scoped3A = tpu.sem_alloc : memref<!tpu.dma_semaphore, #tpu.memory_space<semaphore_mem>>
      tpu.enqueue_dma source(%arg3 : memref<64xi32, #tpu.memory_space<hbm>>) target(%arg14 : memref<64xi32, #tpu.memory_space<vmem>>) target_semaphore(%run_scoped3A : memref<!tpu.dma_semaphore, #tpu.memory_space<semaphore_mem>>)
      tpu.wait_dma2 semaphore(%run_scoped3A : memref<!tpu.dma_semaphore, #tpu.memory_space<semaphore_mem>>) src(%arg3 : memref<64xi32, #tpu.memory_space<hbm>>) dst(%arg14 : memref<64xi32, #tpu.memory_space<vmem>>)
      tpu.yield
    }) : () -> ()
    %and3A_35 = arith.constant 7 : i32
    %and3A_36 = vector.broadcast %and3A_35 : i32 to vector<16xi32>
    %and3A_37 = arith.andi %iota3A, %and3A_36 : vector<16xi32>
    %add3A_38 = vector.broadcast %multiple_of3A : i32 to vector<16xi32>
    %add3A_39 = arith.addi %add3A_38, %and3A_37 : vector<16xi32>
    %gather3A = tpu.vector_load_idx %arg14[%add3A_39] : memref<64xi32, #tpu.memory_space<vmem>>[vector<16xi32>], vector<16xi32>,
    %lt3A_40 = arith.constant 8 : i32
    %lt3A_41 = vector.broadcast %lt3A_40 : i32 to vector<16xi32>
    %lt3A_42 = arith.cmpi slt, %iota3A, %lt3A_41 : vector<16xi32>
    %broadcast_in_dim3A = arith.constant 0xFF800000 : f32
    %broadcast_in_dim3A_43 = vector.broadcast %broadcast_in_dim3A : f32 to vector<16xf32>
    %scan3A = arith.constant 0 : i32
    %scan3A_44 = arith.constant 0 : i32
    %scan3A_45 = arith.constant 240 : i32
    %scan3A_46 = arith.addi %scan3A_44, %scan3A_45 : i32
    %scan3A_47 = arith.constant 1 : i32
    %scan3A_48 = scf.for %scan3A_225 = %scan3A_44 to %scan3A_46 step %scan3A_47 iter_args(%scan3A_226 = %scan3A) -> (i32)  : i32 {
      %mul3A_227 = arith.constant 16 : i32
      %mul3A_228 = arith.muli %scan3A_225, %mul3A_227 : i32
      %swap3A = arith.index_cast %mul3A_228 : i32 to index
      %swap3A_229 = tpu.vector_load %arg13[%swap3A] {strides = array<i32>} : memref<3840xf32, #tpu.memory_space<vmem>>, vector<16xf32>,
      tpu.vector_store %arg13[%swap3A], %broadcast_in_dim3A_43 {strides = array<i32>} : memref<3840xf32, #tpu.memory_space<vmem>>, vector<16xf32>,
      %scan3A_230 = arith.constant 0 : i32
      scf.yield %scan3A_230 : i32
    }
    %scan3A_49 = arith.constant 240 : i32
    %add3A_50 = arith.constant 0 : i32
    %add3A_51 = arith.addi %mul3A_34, %add3A_50 : i32
    %mul3A_52 = arith.constant 1024 : i32
    %mul3A_53 = arith.muli %add3A_51, %mul3A_52 : i32
    %multiple_of3A_54 = tpu.assume_multiple %mul3A_53, 128 : i32
    %dma_start3A = arith.constant 0 : i32
    %dma_start3A_55 = arith.constant 0 : i32
    %dma_start3A_56 = arith.constant 0 : i32
    %dma_start3A_57 = arith.constant 0 : i32
    %dma_start3A_58 = tpu.memref_slice %arg9[%dma_start3A_55, %dma_start3A_56, %dma_start3A_57] : memref<5x8x1024xf32, #tpu.memory_space<vmem>> -> memref<1x8x1024xf32, #tpu.memory_space<vmem>>
    %dma_start3A_59 = tpu.memref_squeeze %dma_start3A_58 : memref<1x8x1024xf32, #tpu.memory_space<vmem>> -> memref<8x1024xf32, #tpu.memory_space<vmem>>
    %dma_start3A_60 = tpu.memref_slice %arg4[%dma_start3A, %multiple_of3A, %multiple_of3A_54] : memref<5x64x100000xf32, #tpu.memory_space<hbm>> -> memref<1x8x1024xf32, #tpu.memory_space<hbm>>
    %dma_start3A_61 = tpu.memref_squeeze %dma_start3A_60 : memref<1x8x1024xf32, #tpu.memory_space<hbm>> -> memref<8x1024xf32, #tpu.memory_space<hbm>>
    %dma_start3A_62 = arith.constant 0 : i32
    %dma_start3A_63 = arith.constant 0 : i32
    %dma_start3A_64 = tpu.memref_slice %arg9[%dma_start3A_55, %dma_start3A_62, %dma_start3A_63] : memref<5x8x1024xf32, #tpu.memory_space<vmem>> -> memref<1x8x1024xf32, #tpu.memory_space<vmem>>
    %dma_start3A_65 = tpu.memref_squeeze %dma_start3A_64 : memref<1x8x1024xf32, #tpu.memory_space<vmem>> -> memref<8x1024xf32, #tpu.memory_space<vmem>>
    %dma_start3A_66 = tpu.memref_slice %arg4[%dma_start3A, %multiple_of3A, %multiple_of3A_54] : memref<5x64x100000xf32, #tpu.memory_space<hbm>> -> memref<1x8x1024xf32, #tpu.memory_space<hbm>>
    %dma_start3A_67 = tpu.memref_squeeze %dma_start3A_66 : memref<1x8x1024xf32, #tpu.memory_space<hbm>> -> memref<8x1024xf32, #tpu.memory_space<hbm>>
    tpu.enqueue_dma source(%dma_start3A_67 : memref<8x1024xf32, #tpu.memory_space<hbm>>) target(%dma_start3A_65 : memref<8x1024xf32, #tpu.memory_space<vmem>>) target_semaphore(%arg16 : memref<!tpu.dma_semaphore, #tpu.memory_space<semaphore_mem>>)
    %dma_start3A_68 = arith.constant 1 : i32
    %dma_start3A_69 = arith.constant 1 : i32
    %dma_start3A_70 = arith.constant 0 : i32
    %dma_start3A_71 = arith.constant 0 : i32
    %dma_start3A_72 = tpu.memref_slice %arg9[%dma_start3A_69, %dma_start3A_70, %dma_start3A_71] : memref<5x8x1024xf32, #tpu.memory_space<vmem>> -> memref<1x8x1024xf32, #tpu.memory_space<vmem>>
    %dma_start3A_73 = tpu.memref_squeeze %dma_start3A_72 : memref<1x8x1024xf32, #tpu.memory_space<vmem>> -> memref<8x1024xf32, #tpu.memory_space<vmem>>
    %dma_start3A_74 = tpu.memref_slice %arg4[%dma_start3A_68, %multiple_of3A, %multiple_of3A_54] : memref<5x64x100000xf32, #tpu.memory_space<hbm>> -> memref<1x8x1024xf32, #tpu.memory_space<hbm>>
    %dma_start3A_75 = tpu.memref_squeeze %dma_start3A_74 : memref<1x8x1024xf32, #tpu.memory_space<hbm>> -> memref<8x1024xf32, #tpu.memory_space<hbm>>
    %dma_start3A_76 = arith.constant 0 : i32
    %dma_start3A_77 = arith.constant 0 : i32
    %dma_start3A_78 = tpu.memref_slice %arg9[%dma_start3A_69, %dma_start3A_76, %dma_start3A_77] : memref<5x8x1024xf32, #tpu.memory_space<vmem>> -> memref<1x8x1024xf32, #tpu.memory_space<vmem>>
    %dma_start3A_79 = tpu.memref_squeeze %dma_start3A_78 : memref<1x8x1024xf32, #tpu.memory_space<vmem>> -> memref<8x1024xf32, #tpu.memory_space<vmem>>
    %dma_start3A_80 = tpu.memref_slice %arg4[%dma_start3A_68, %multiple_of3A, %multiple_of3A_54] : memref<5x64x100000xf32, #tpu.memory_space<hbm>> -> memref<1x8x1024xf32, #tpu.memory_space<hbm>>
    %dma_start3A_81 = tpu.memref_squeeze %dma_start3A_80 : memref<1x8x1024xf32, #tpu.memory_space<hbm>> -> memref<8x1024xf32, #tpu.memory_space<hbm>>
    tpu.enqueue_dma source(%dma_start3A_81 : memref<8x1024xf32, #tpu.memory_space<hbm>>) target(%dma_start3A_79 : memref<8x1024xf32, #tpu.memory_space<vmem>>) target_semaphore(%arg16 : memref<!tpu.dma_semaphore, #tpu.memory_space<semaphore_mem>>)
    %dma_start3A_82 = arith.constant 2 : i32
    %dma_start3A_83 = arith.constant 2 : i32
    %dma_start3A_84 = arith.constant 0 : i32
    %dma_start3A_85 = arith.constant 0 : i32
    %dma_start3A_86 = tpu.memref_slice %arg9[%dma_start3A_83, %dma_start3A_84, %dma_start3A_85] : memref<5x8x1024xf32, #tpu.memory_space<vmem>> -> memref<1x8x1024xf32, #tpu.memory_space<vmem>>
    %dma_start3A_87 = tpu.memref_squeeze %dma_start3A_86 : memref<1x8x1024xf32, #tpu.memory_space<vmem>> -> memref<8x1024xf32, #tpu.memory_space<vmem>>
    %dma_start3A_88 = tpu.memref_slice %arg4[%dma_start3A_82, %multiple_of3A, %multiple_of3A_54] : memref<5x64x100000xf32, #tpu.memory_space<hbm>> -> memref<1x8x1024xf32, #tpu.memory_space<hbm>>
    %dma_start3A_89 = tpu.memref_squeeze %dma_start3A_88 : memref<1x8x1024xf32, #tpu.memory_space<hbm>> -> memref<8x1024xf32, #tpu.memory_space<hbm>>
    %dma_start3A_90 = arith.constant 0 : i32
    %dma_start3A_91 = arith.constant 0 : i32
    %dma_start3A_92 = tpu.memref_slice %arg9[%dma_start3A_83, %dma_start3A_90, %dma_start3A_91] : memref<5x8x1024xf32, #tpu.memory_space<vmem>> -> memref<1x8x1024xf32, #tpu.memory_space<vmem>>
    %dma_start3A_93 = tpu.memref_squeeze %dma_start3A_92 : memref<1x8x1024xf32, #tpu.memory_space<vmem>> -> memref<8x1024xf32, #tpu.memory_space<vmem>>
    %dma_start3A_94 = tpu.memref_slice %arg4[%dma_start3A_82, %multiple_of3A, %multiple_of3A_54] : memref<5x64x100000xf32, #tpu.memory_space<hbm>> -> memref<1x8x1024xf32, #tpu.memory_space<hbm>>
    %dma_start3A_95 = tpu.memref_squeeze %dma_start3A_94 : memref<1x8x1024xf32, #tpu.memory_space<hbm>> -> memref<8x1024xf32, #tpu.memory_space<hbm>>
    tpu.enqueue_dma source(%dma_start3A_95 : memref<8x1024xf32, #tpu.memory_space<hbm>>) target(%dma_start3A_93 : memref<8x1024xf32, #tpu.memory_space<vmem>>) target_semaphore(%arg16 : memref<!tpu.dma_semaphore, #tpu.memory_space<semaphore_mem>>)
    %dma_start3A_96 = arith.constant 3 : i32
    %dma_start3A_97 = arith.constant 3 : i32
    %dma_start3A_98 = arith.constant 0 : i32
    %dma_start3A_99 = arith.constant 0 : i32
    %dma_start3A_100 = tpu.memref_slice %arg9[%dma_start3A_97, %dma_start3A_98, %dma_start3A_99] : memref<5x8x1024xf32, #tpu.memory_space<vmem>> -> memref<1x8x1024xf32, #tpu.memory_space<vmem>>
    %dma_start3A_101 = tpu.memref_squeeze %dma_start3A_100 : memref<1x8x1024xf32, #tpu.memory_space<vmem>> -> memref<8x1024xf32, #tpu.memory_space<vmem>>
    %dma_start3A_102 = tpu.memref_slice %arg4[%dma_start3A_96, %multiple_of3A, %multiple_of3A_54] : memref<5x64x100000xf32, #tpu.memory_space<hbm>> -> memref<1x8x1024xf32, #tpu.memory_space<hbm>>
    %dma_start3A_103 = tpu.memref_squeeze %dma_start3A_102 : memref<1x8x1024xf32, #tpu.memory_space<hbm>> -> memref<8x1024xf32, #tpu.memory_space<hbm>>
    %dma_start3A_104 = arith.constant 0 : i32
    %dma_start3A_105 = arith.constant 0 : i32
    %dma_start3A_106 = tpu.memref_slice %arg9[%dma_start3A_97, %dma_start3A_104, %dma_start3A_105] : memref<5x8x1024xf32, #tpu.memory_space<vmem>> -> memref<1x8x1024xf32, #tpu.memory_space<vmem>>
    %dma_start3A_107 = tpu.memref_squeeze %dma_start3A_106 : memref<1x8x1024xf32, #tpu.memory_space<vmem>> -> memref<8x1024xf32, #tpu.memory_space<vmem>>
    %dma_start3A_108 = tpu.memref_slice %arg4[%dma_start3A_96, %multiple_of3A, %multiple_of3A_54] : memref<5x64x100000xf32, #tpu.memory_space<hbm>> -> memref<1x8x1024xf32, #tpu.memory_space<hbm>>
    %dma_start3A_109 = tpu.memref_squeeze %dma_start3A_108 : memref<1x8x1024xf32, #tpu.memory_space<hbm>> -> memref<8x1024xf32, #tpu.memory_space<hbm>>
    tpu.enqueue_dma source(%dma_start3A_109 : memref<8x1024xf32, #tpu.memory_space<hbm>>) target(%dma_start3A_107 : memref<8x1024xf32, #tpu.memory_space<vmem>>) target_semaphore(%arg16 : memref<!tpu.dma_semaphore, #tpu.memory_space<semaphore_mem>>)
    %dma_start3A_110 = arith.constant 4 : i32
    %dma_start3A_111 = arith.constant 4 : i32
    %dma_start3A_112 = arith.constant 0 : i32
    %dma_start3A_113 = arith.constant 0 : i32
    %dma_start3A_114 = tpu.memref_slice %arg9[%dma_start3A_111, %dma_start3A_112, %dma_start3A_113] : memref<5x8x1024xf32, #tpu.memory_space<vmem>> -> memref<1x8x1024xf32, #tpu.memory_space<vmem>>
    %dma_start3A_115 = tpu.memref_squeeze %dma_start3A_114 : memref<1x8x1024xf32, #tpu.memory_space<vmem>> -> memref<8x1024xf32, #tpu.memory_space<vmem>>
    %dma_start3A_116 = tpu.memref_slice %arg4[%dma_start3A_110, %multiple_of3A, %multiple_of3A_54] : memref<5x64x100000xf32, #tpu.memory_space<hbm>> -> memref<1x8x1024xf32, #tpu.memory_space<hbm>>
    %dma_start3A_117 = tpu.memref_squeeze %dma_start3A_116 : memref<1x8x1024xf32, #tpu.memory_space<hbm>> -> memref<8x1024xf32, #tpu.memory_space<hbm>>
    %dma_start3A_118 = arith.constant 0 : i32
    %dma_start3A_119 = arith.constant 0 : i32
    %dma_start3A_120 = tpu.memref_slice %arg9[%dma_start3A_111, %dma_start3A_118, %dma_start3A_119] : memref<5x8x1024xf32, #tpu.memory_space<vmem>> -> memref<1x8x1024xf32, #tpu.memory_space<vmem>>
    %dma_start3A_121 = tpu.memref_squeeze %dma_start3A_120 : memref<1x8x1024xf32, #tpu.memory_space<vmem>> -> memref<8x1024xf32, #tpu.memory_space<vmem>>
    %dma_start3A_122 = tpu.memref_slice %arg4[%dma_start3A_110, %multiple_of3A, %multiple_of3A_54] : memref<5x64x100000xf32, #tpu.memory_space<hbm>> -> memref<1x8x1024xf32, #tpu.memory_space<hbm>>
    %dma_start3A_123 = tpu.memref_squeeze %dma_start3A_122 : memref<1x8x1024xf32, #tpu.memory_space<hbm>> -> memref<8x1024xf32, #tpu.memory_space<hbm>>
    tpu.enqueue_dma source(%dma_start3A_123 : memref<8x1024xf32, #tpu.memory_space<hbm>>) target(%dma_start3A_121 : memref<8x1024xf32, #tpu.memory_space<vmem>>) target_semaphore(%arg16 : memref<!tpu.dma_semaphore, #tpu.memory_space<semaphore_mem>>)
    %dma_start3A_124 = tpu.memref_slice %arg2[%multiple_of3A, %multiple_of3A_54] : memref<64x100000xf32, #tpu.memory_space<hbm>> -> memref<8x1024xf32, #tpu.memory_space<hbm>>
    %dma_start3A_125 = tpu.memref_slice %arg2[%multiple_of3A, %multiple_of3A_54] : memref<64x100000xf32, #tpu.memory_space<hbm>> -> memref<8x1024xf32, #tpu.memory_space<hbm>>
    tpu.enqueue_dma source(%dma_start3A_125 : memref<8x1024xf32, #tpu.memory_space<hbm>>) target(%arg11 : memref<8x1024xf32, #tpu.memory_space<vmem>>) target_semaphore(%arg16 : memref<!tpu.dma_semaphore, #tpu.memory_space<semaphore_mem>>)
    %add3A_126 = arith.constant 1 : i32
    %add3A_127 = arith.addi %mul3A_34, %add3A_126 : i32
    %mul3A_128 = arith.constant 1024 : i32
    %mul3A_129 = arith.muli %add3A_127, %mul3A_128 : i32
    %multiple_of3A_130 = tpu.assume_multiple %mul3A_129, 128 : i32
    %dma_start3A_131 = arith.constant 0 : i32
    %dma_start3A_132 = arith.constant 0 : i32
    %dma_start3A_133 = arith.constant 0 : i32
    %dma_start3A_134 = arith.constant 0 : i32
    %dma_start3A_135 = tpu.memref_slice %arg10[%dma_start3A_132, %dma_start3A_133, %dma_start3A_134] : memref<5x8x1024xf32, #tpu.memory_space<vmem>> -> memref<1x8x1024xf32, #tpu.memory_space<vmem>>
    %dma_start3A_136 = tpu.memref_squeeze %dma_start3A_135 : memref<1x8x1024xf32, #tpu.memory_space<vmem>> -> memref<8x1024xf32, #tpu.memory_space<vmem>>
    %dma_start3A_137 = tpu.memref_slice %arg4[%dma_start3A_131, %multiple_of3A, %multiple_of3A_130] : memref<5x64x100000xf32, #tpu.memory_space<hbm>> -> memref<1x8x1024xf32, #tpu.memory_space<hbm>>
    %dma_start3A_138 = tpu.memref_squeeze %dma_start3A_137 : memref<1x8x1024xf32, #tpu.memory_space<hbm>> -> memref<8x1024xf32, #tpu.memory_space<hbm>>
    %dma_start3A_139 = arith.constant 0 : i32
    %dma_start3A_140 = arith.constant 0 : i32
    %dma_start3A_141 = tpu.memref_slice %arg10[%dma_start3A_132, %dma_start3A_139, %dma_start3A_140] : memref<5x8x1024xf32, #tpu.memory_space<vmem>> -> memref<1x8x1024xf32, #tpu.memory_space<vmem>>
    %dma_start3A_142 = tpu.memref_squeeze %dma_start3A_141 : memref<1x8x1024xf32, #tpu.memory_space<vmem>> -> memref<8x1024xf32, #tpu.memory_space<vmem>>
    %dma_start3A_143 = tpu.memref_slice %arg4[%dma_start3A_131, %multiple_of3A, %multiple_of3A_130] : memref<5x64x100000xf32, #tpu.memory_space<hbm>> -> memref<1x8x1024xf32, #tpu.memory_space<hbm>>
    %dma_start3A_144 = tpu.memref_squeeze %dma_start3A_143 : memref<1x8x1024xf32, #tpu.memory_space<hbm>> -> memref<8x1024xf32, #tpu.memory_space<hbm>>
    tpu.enqueue_dma source(%dma_start3A_144 : memref<8x1024xf32, #tpu.memory_space<hbm>>) target(%dma_start3A_142 : memref<8x1024xf32, #tpu.memory_space<vmem>>) target_semaphore(%arg17 : memref<!tpu.dma_semaphore, #tpu.memory_space<semaphore_mem>>)
    %dma_start3A_145 = arith.constant 1 : i32
    %dma_start3A_146 = arith.constant 1 : i32
    %dma_start3A_147 = arith.constant 0 : i32
    %dma_start3A_148 = arith.constant 0 : i32
    %dma_start3A_149 = tpu.memref_slice %arg10[%dma_start3A_146, %dma_start3A_147, %dma_start3A_148] : memref<5x8x1024xf32, #tpu.memory_space<vmem>> -> memref<1x8x1024xf32, #tpu.memory_space<vmem>>
    %dma_start3A_150 = tpu.memref_squeeze %dma_start3A_149 : memref<1x8x1024xf32, #tpu.memory_space<vmem>> -> memref<8x1024xf32, #tpu.memory_space<vmem>>
    %dma_start3A_151 = tpu.memref_slice %arg4[%dma_start3A_145, %multiple_of3A, %multiple_of3A_130] : memref<5x64x100000xf32, #tpu.memory_space<hbm>> -> memref<1x8x1024xf32, #tpu.memory_space<hbm>>
    %dma_start3A_152 = tpu.memref_squeeze %dma_start3A_151 : memref<1x8x1024xf32, #tpu.memory_space<hbm>> -> memref<8x1024xf32, #tpu.memory_space<hbm>>
    %dma_start3A_153 = arith.constant 0 : i32
    %dma_start3A_154 = arith.constant 0 : i32
    %dma_start3A_155 = tpu.memref_slice %arg10[%dma_start3A_146, %dma_start3A_153, %dma_start3A_154] : memref<5x8x1024xf32, #tpu.memory_space<vmem>> -> memref<1x8x1024xf32, #tpu.memory_space<vmem>>
    %dma_start3A_156 = tpu.memref_squeeze %dma_start3A_155 : memref<1x8x1024xf32, #tpu.memory_space<vmem>> -> memref<8x1024xf32, #tpu.memory_space<vmem>>
    %dma_start3A_157 = tpu.memref_slice %arg4[%dma_start3A_145, %multiple_of3A, %multiple_of3A_130] : memref<5x64x100000xf32, #tpu.memory_space<hbm>> -> memref<1x8x1024xf32, #tpu.memory_space<hbm>>
    %dma_start3A_158 = tpu.memref_squeeze %dma_start3A_157 : memref<1x8x1024xf32, #tpu.memory_space<hbm>> -> memref<8x1024xf32, #tpu.memory_space<hbm>>
    tpu.enqueue_dma source(%dma_start3A_158 : memref<8x1024xf32, #tpu.memory_space<hbm>>) target(%dma_start3A_156 : memref<8x1024xf32, #tpu.memory_space<vmem>>) target_semaphore(%arg17 : memref<!tpu.dma_semaphore, #tpu.memory_space<semaphore_mem>>)
    %dma_start3A_159 = arith.constant 2 : i32
    %dma_start3A_160 = arith.constant 2 : i32
    %dma_start3A_161 = arith.constant 0 : i32
    %dma_start3A_162 = arith.constant 0 : i32
    %dma_start3A_163 = tpu.memref_slice %arg10[%dma_start3A_160, %dma_start3A_161, %dma_start3A_162] : memref<5x8x1024xf32, #tpu.memory_space<vmem>> -> memref<1x8x1024xf32, #tpu.memory_space<vmem>>
    %dma_start3A_164 = tpu.memref_squeeze %dma_start3A_163 : memref<1x8x1024xf32, #tpu.memory_space<vmem>> -> memref<8x1024xf32, #tpu.memory_space<vmem>>
    %dma_start3A_165 = tpu.memref_slice %arg4[%dma_start3A_159, %multiple_of3A, %multiple_of3A_130] : memref<5x64x100000xf32, #tpu.memory_space<hbm>> -> memref<1x8x1024xf32, #tpu.memory_space<hbm>>
    %dma_start3A_166 = tpu.memref_squeeze %dma_start3A_165 : memref<1x8x1024xf32, #tpu.memory_space<hbm>> -> memref<8x1024xf32, #tpu.memory_space<hbm>>
    %dma_start3A_167 = arith.constant 0 : i32
    %dma_start3A_168 = arith.constant 0 : i32
    %dma_start3A_169 = tpu.memref_slice %arg10[%dma_start3A_160, %dma_start3A_167, %dma_start3A_168] : memref<5x8x1024xf32, #tpu.memory_space<vmem>> -> memref<1x8x1024xf32, #tpu.memory_space<vmem>>
    %dma_start3A_170 = tpu.memref_squeeze %dma_start3A_169 : memref<1x8x1024xf32, #tpu.memory_space<vmem>> -> memref<8x1024xf32, #tpu.memory_space<vmem>>
    %dma_start3A_171 = tpu.memref_slice %arg4[%dma_start3A_159, %multiple_of3A, %multiple_of3A_130] : memref<5x64x100000xf32, #tpu.memory_space<hbm>> -> memref<1x8x1024xf32, #tpu.memory_space<hbm>>
    %dma_start3A_172 = tpu.memref_squeeze %dma_start3A_171 : memref<1x8x1024xf32, #tpu.memory_space<hbm>> -> memref<8x1024xf32, #tpu.memory_space<hbm>>
    tpu.enqueue_dma source(%dma_start3A_172 : memref<8x1024xf32, #tpu.memory_space<hbm>>) target(%dma_start3A_170 : memref<8x1024xf32, #tpu.memory_space<vmem>>) target_semaphore(%arg17 : memref<!tpu.dma_semaphore, #tpu.memory_space<semaphore_mem>>)
    %dma_start3A_173 = arith.constant 3 : i32
    %dma_start3A_174 = arith.constant 3 : i32
    %dma_start3A_175 = arith.constant 0 : i32
    %dma_start3A_176 = arith.constant 0 : i32
    %dma_start3A_177 = tpu.memref_slice %arg10[%dma_start3A_174, %dma_start3A_175, %dma_start3A_176] : memref<5x8x1024xf32, #tpu.memory_space<vmem>> -> memref<1x8x1024xf32, #tpu.memory_space<vmem>>
    %dma_start3A_178 = tpu.memref_squeeze %dma_start3A_177 : memref<1x8x1024xf32, #tpu.memory_space<vmem>> -> memref<8x1024xf32, #tpu.memory_space<vmem>>
    %dma_start3A_179 = tpu.memref_slice %arg4[%dma_start3A_173, %multiple_of3A, %multiple_of3A_130] : memref<5x64x100000xf32, #tpu.memory_space<hbm>> -> memref<1x8x1024xf32, #tpu.memory_space<hbm>>
    %dma_start3A_180 = tpu.memref_squeeze %dma_start3A_179 : memref<1x8x1024xf32, #tpu.memory_space<hbm>> -> memref<8x1024xf32, #tpu.memory_space<hbm>>
    %dma_start3A_181 = arith.constant 0 : i32
    %dma_start3A_182 = arith.constant 0 : i32
    %dma_start3A_183 = tpu.memref_slice %arg10[%dma_start3A_174, %dma_start3A_181, %dma_start3A_182] : memref<5x8x1024xf32, #tpu.memory_space<vmem>> -> memref<1x8x1024xf32, #tpu.memory_space<vmem>>
    %dma_start3A_184 = tpu.memref_squeeze %dma_start3A_183 : memref<1x8x1024xf32, #tpu.memory_space<vmem>> -> memref<8x1024xf32, #tpu.memory_space<vmem>>
    %dma_start3A_185 = tpu.memref_slice %arg4[%dma_start3A_173, %multiple_of3A, %multiple_of3A_130] : memref<5x64x100000xf32, #tpu.memory_space<hbm>> -> memref<1x8x1024xf32, #tpu.memory_space<hbm>>
    %dma_start3A_186 = tpu.memref_squeeze %dma_start3A_185 : memref<1x8x1024xf32, #tpu.memory_space<hbm>> -> memref<8x1024xf32, #tpu.memory_space<hbm>>
    tpu.enqueue_dma source(%dma_start3A_186 : memref<8x1024xf32, #tpu.memory_space<hbm>>) target(%dma_start3A_184 : memref<8x1024xf32, #tpu.memory_space<vmem>>) target_semaphore(%arg17 : memref<!tpu.dma_semaphore, #tpu.memory_space<semaphore_mem>>)
    %dma_start3A_187 = arith.constant 4 : i32
    %dma_start3A_188 = arith.constant 4 : i32
    %dma_start3A_189 = arith.constant 0 : i32
    %dma_start3A_190 = arith.constant 0 : i32
    %dma_start3A_191 = tpu.memref_slice %arg10[%dma_start3A_188, %dma_start3A_189, %dma_start3A_190] : memref<5x8x1024xf32, #tpu.memory_space<vmem>> -> memref<1x8x1024xf32, #tpu.memory_space<vmem>>
    %dma_start3A_192 = tpu.memref_squeeze %dma_start3A_191 : memref<1x8x1024xf32, #tpu.memory_space<vmem>> -> memref<8x1024xf32, #tpu.memory_space<vmem>>
    %dma_start3A_193 = tpu.memref_slice %arg4[%dma_start3A_187, %multiple_of3A, %multiple_of3A_130] : memref<5x64x100000xf32, #tpu.memory_space<hbm>> -> memref<1x8x1024xf32, #tpu.memory_space<hbm>>
    %dma_start3A_194 = tpu.memref_squeeze %dma_start3A_193 : memref<1x8x1024xf32, #tpu.memory_space<hbm>> -> memref<8x1024xf32, #tpu.memory_space<hbm>>
    %dma_start3A_195 = arith.constant 0 : i32
    %dma_start3A_196 = arith.constant 0 : i32
    %dma_start3A_197 = tpu.memref_slice %arg10[%dma_start3A_188, %dma_start3A_195, %dma_start3A_196] : memref<5x8x1024xf32, #tpu.memory_space<vmem>> -> memref<1x8x1024xf32, #tpu.memory_space<vmem>>
    %dma_start3A_198 = tpu.memref_squeeze %dma_start3A_197 : memref<1x8x1024xf32, #tpu.memory_space<vmem>> -> memref<8x1024xf32, #tpu.memory_space<vmem>>
    %dma_start3A_199 = tpu.memref_slice %arg4[%dma_start3A_187, %multiple_of3A, %multiple_of3A_130] : memref<5x64x100000xf32, #tpu.memory_space<hbm>> -> memref<1x8x1024xf32, #tpu.memory_space<hbm>>
    %dma_start3A_200 = tpu.memref_squeeze %dma_start3A_199 : memref<1x8x1024xf32, #tpu.memory_space<hbm>> -> memref<8x1024xf32, #tpu.memory_space<hbm>>
    tpu.enqueue_dma source(%dma_start3A_200 : memref<8x1024xf32, #tpu.memory_space<hbm>>) target(%dma_start3A_198 : memref<8x1024xf32, #tpu.memory_space<vmem>>) target_semaphore(%arg17 : memref<!tpu.dma_semaphore, #tpu.memory_space<semaphore_mem>>)
    %dma_start3A_201 = tpu.memref_slice %arg2[%multiple_of3A, %multiple_of3A_130] : memref<64x100000xf32, #tpu.memory_space<hbm>> -> memref<8x1024xf32, #tpu.memory_space<hbm>>
    %dma_start3A_202 = tpu.memref_slice %arg2[%multiple_of3A, %multiple_of3A_130] : memref<64x100000xf32, #tpu.memory_space<hbm>> -> memref<8x1024xf32, #tpu.memory_space<hbm>>
    tpu.enqueue_dma source(%dma_start3A_202 : memref<8x1024xf32, #tpu.memory_space<hbm>>) target(%arg12 : memref<8x1024xf32, #tpu.memory_space<vmem>>) target_semaphore(%arg17 : memref<!tpu.dma_semaphore, #tpu.memory_space<semaphore_mem>>)
    %broadcast_in_dim3A_203 = arith.constant 0.000000e+00 : f32
    %broadcast_in_dim3A_204 = vector.broadcast %broadcast_in_dim3A_203 : f32 to vector<16xf32>
    %scan3A_205 = arith.constant 0 : i32
    %scan3A_206 = arith.constant 12 : i32
    %scan3A_207 = arith.addi %scan3A_205, %scan3A_206 : i32
    %scan3A_208 = arith.constant 1 : i32
    %scan3A_209 = scf.for %scan3A_225 = %scan3A_205 to %scan3A_207 step %scan3A_208 iter_args(%scan3A_226 = %broadcast_in_dim3A_204) -> (vector<16xf32>)  : i32 {
      %mul3A_227 = arith.constant 2 : i32
      %mul3A_228 = arith.muli %scan3A_225, %mul3A_227 : i32
      %add3A_229 = arith.addi %mul3A_34, %mul3A_228 : i32
      %add3A_230 = arith.constant 0 : i32
      %add3A_231 = arith.addi %add3A_229, %add3A_230 : i32
      %mul3A_232 = arith.constant 1024 : i32
      %mul3A_233 = arith.muli %add3A_231, %mul3A_232 : i32
      %multiple_of3A_234 = tpu.assume_multiple %mul3A_233, 128 : i32
      %dma_wait3A = arith.constant 0 : i32
      %dma_wait3A_235 = arith.constant 0 : i32
      %dma_wait3A_236 = arith.constant 0 : i32
      %dma_wait3A_237 = arith.constant 0 : i32
      %dma_wait3A_238 = tpu.memref_slice %arg9[%dma_wait3A_235, %dma_wait3A_236, %dma_wait3A_237] : memref<5x8x1024xf32, #tpu.memory_space<vmem>> -> memref<1x8x1024xf32, #tpu.memory_space<vmem>>
      %dma_wait3A_239 = tpu.memref_squeeze %dma_wait3A_238 : memref<1x8x1024xf32, #tpu.memory_space<vmem>> -> memref<8x1024xf32, #tpu.memory_space<vmem>>
      %dma_wait3A_240 = tpu.memref_slice %arg4[%dma_wait3A, %multiple_of3A, %multiple_of3A_234] : memref<5x64x100000xf32, #tpu.memory_space<hbm>> -> memref<1x8x1024xf32, #tpu.memory_space<hbm>>
      %dma_wait3A_241 = tpu.memref_squeeze %dma_wait3A_240 : memref<1x8x1024xf32, #tpu.memory_space<hbm>> -> memref<8x1024xf32, #tpu.memory_space<hbm>>
      %dma_wait3A_242 = arith.constant 0 : i32
      %dma_wait3A_243 = arith.constant 0 : i32
      %dma_wait3A_244 = tpu.memref_slice %arg9[%dma_wait3A_235, %dma_wait3A_242, %dma_wait3A_243] : memref<5x8x1024xf32, #tpu.memory_space<vmem>> -> memref<1x8x1024xf32, #tpu.memory_space<vmem>>
      %dma_wait3A_245 = tpu.memref_squeeze %dma_wait3A_244 : memref<1x8x1024xf32, #tpu.memory_space<vmem>> -> memref<8x1024xf32, #tpu.memory_space<vmem>>
      %dma_wait3A_246 = tpu.memref_slice %arg4[%dma_wait3A, %multiple_of3A, %multiple_of3A_234] : memref<5x64x100000xf32, #tpu.memory_space<hbm>> -> memref<1x8x1024xf32, #tpu.memory_space<hbm>>
      %dma_wait3A_247 = tpu.memref_squeeze %dma_wait3A_246 : memref<1x8x1024xf32, #tpu.memory_space<hbm>> -> memref<8x1024xf32, #tpu.memory_space<hbm>>
      tpu.wait_dma2 semaphore(%arg16 : memref<!tpu.dma_semaphore, #tpu.memory_space<semaphore_mem>>) src(%dma_wait3A_247 : memref<8x1024xf32, #tpu.memory_space<hbm>>) dst(%dma_wait3A_245 : memref<8x1024xf32, #tpu.memory_space<vmem>>)
      %dma_wait3A_248 = arith.constant 1 : i32
      %dma_wait3A_249 = arith.constant 1 : i32
      %dma_wait3A_250 = arith.constant 0 : i32
      %dma_wait3A_251 = arith.constant 0 : i32
      %dma_wait3A_252 = tpu.memref_slice %arg9[%dma_wait3A_249, %dma_wait3A_250, %dma_wait3A_251] : memref<5x8x1024xf32, #tpu.memory_space<vmem>> -> memref<1x8x1024xf32, #tpu.memory_space<vmem>>
      %dma_wait3A_253 = tpu.memref_squeeze %dma_wait3A_252 : memref<1x8x1024xf32, #tpu.memory_space<vmem>> -> memref<8x1024xf32, #tpu.memory_space<vmem>>
      %dma_wait3A_254 = tpu.memref_slice %arg4[%dma_wait3A_248, %multiple_of3A, %multiple_of3A_234] : memref<5x64x100000xf32, #tpu.memory_space<hbm>> -> memref<1x8x1024xf32, #tpu.memory_space<hbm>>
      %dma_wait3A_255 = tpu.memref_squeeze %dma_wait3A_254 : memref<1x8x1024xf32, #tpu.memory_space<hbm>> -> memref<8x1024xf32, #tpu.memory_space<hbm>>
      %dma_wait3A_256 = arith.constant 0 : i32
      %dma_wait3A_257 = arith.constant 0 : i32
      %dma_wait3A_258 = tpu.memref_slice %arg9[%dma_wait3A_249, %dma_wait3A_256, %dma_wait3A_257] : memref<5x8x1024xf32, #tpu.memory_space<vmem>> -> memref<1x8x1024xf32, #tpu.memory_space<vmem>>
      %dma_wait3A_259 = tpu.memref_squeeze %dma_wait3A_258 : memref<1x8x1024xf32, #tpu.memory_space<vmem>> -> memref<8x1024xf32, #tpu.memory_space<vmem>>
      %dma_wait3A_260 = tpu.memref_slice %arg4[%dma_wait3A_248, %multiple_of3A, %multiple_of3A_234] : memref<5x64x100000xf32, #tpu.memory_space<hbm>> -> memref<1x8x1024xf32, #tpu.memory_space<hbm>>
      %dma_wait3A_261 = tpu.memref_squeeze %dma_wait3A_260 : memref<1x8x1024xf32, #tpu.memory_space<hbm>> -> memref<8x1024xf32, #tpu.memory_space<hbm>>
      tpu.wait_dma2 semaphore(%arg16 : memref<!tpu.dma_semaphore, #tpu.memory_space<semaphore_mem>>) src(%dma_wait3A_261 : memref<8x1024xf32, #tpu.memory_space<hbm>>) dst(%dma_wait3A_259 : memref<8x1024xf32, #tpu.memory_space<vmem>>)
      %dma_wait3A_262 = arith.constant 2 : i32
      %dma_wait3A_263 = arith.constant 2 : i32
      %dma_wait3A_264 = arith.constant 0 : i32
      %dma_wait3A_265 = arith.constant 0 : i32
      %dma_wait3A_266 = tpu.memref_slice %arg9[%dma_wait3A_263, %dma_wait3A_264, %dma_wait3A_265] : memref<5x8x1024xf32, #tpu.memory_space<vmem>> -> memref<1x8x1024xf32, #tpu.memory_space<vmem>>
      %dma_wait3A_267 = tpu.memref_squeeze %dma_wait3A_266 : memref<1x8x1024xf32, #tpu.memory_space<vmem>> -> memref<8x1024xf32, #tpu.memory_space<vmem>>
      %dma_wait3A_268 = tpu.memref_slice %arg4[%dma_wait3A_262, %multiple_of3A, %multiple_of3A_234] : memref<5x64x100000xf32, #tpu.memory_space<hbm>> -> memref<1x8x1024xf32, #tpu.memory_space<hbm>>
      %dma_wait3A_269 = tpu.memref_squeeze %dma_wait3A_268 : memref<1x8x1024xf32, #tpu.memory_space<hbm>> -> memref<8x1024xf32, #tpu.memory_space<hbm>>
      %dma_wait3A_270 = arith.constant 0 : i32
      %dma_wait3A_271 = arith.constant 0 : i32
      %dma_wait3A_272 = tpu.memref_slice %arg9[%dma_wait3A_263, %dma_wait3A_270, %dma_wait3A_271] : memref<5x8x1024xf32, #tpu.memory_space<vmem>> -> memref<1x8x1024xf32, #tpu.memory_space<vmem>>
      %dma_wait3A_273 = tpu.memref_squeeze %dma_wait3A_272 : memref<1x8x1024xf32, #tpu.memory_space<vmem>> -> memref<8x1024xf32, #tpu.memory_space<vmem>>
      %dma_wait3A_274 = tpu.memref_slice %arg4[%dma_wait3A_262, %multiple_of3A, %multiple_of3A_234] : memref<5x64x100000xf32, #tpu.memory_space<hbm>> -> memref<1x8x1024xf32, #tpu.memory_space<hbm>>
      %dma_wait3A_275 = tpu.memref_squeeze %dma_wait3A_274 : memref<1x8x1024xf32, #tpu.memory_space<hbm>> -> memref<8x1024xf32, #tpu.memory_space<hbm>>
      tpu.wait_dma2 semaphore(%arg16 : memref<!tpu.dma_semaphore, #tpu.memory_space<semaphore_mem>>) src(%dma_wait3A_275 : memref<8x1024xf32, #tpu.memory_space<hbm>>) dst(%dma_wait3A_273 : memref<8x1024xf32, #tpu.memory_space<vmem>>)
      %dma_wait3A_276 = arith.constant 3 : i32
      %dma_wait3A_277 = arith.constant 3 : i32
      %dma_wait3A_278 = arith.constant 0 : i32
      %dma_wait3A_279 = arith.constant 0 : i32
      %dma_wait3A_280 = tpu.memref_slice %arg9[%dma_wait3A_277, %dma_wait3A_278, %dma_wait3A_279] : memref<5x8x1024xf32, #tpu.memory_space<vmem>> -> memref<1x8x1024xf32, #tpu.memory_space<vmem>>
      %dma_wait3A_281 = tpu.memref_squeeze %dma_wait3A_280 : memref<1x8x1024xf32, #tpu.memory_space<vmem>> -> memref<8x1024xf32, #tpu.memory_space<vmem>>
      %dma_wait3A_282 = tpu.memref_slice %arg4[%dma_wait3A_276, %multiple_of3A, %multiple_of3A_234] : memref<5x64x100000xf32, #tpu.memory_space<hbm>> -> memref<1x8x1024xf32, #tpu.memory_space<hbm>>
      %dma_wait3A_283 = tpu.memref_squeeze %dma_wait3A_282 : memref<1x8x1024xf32, #tpu.memory_space<hbm>> -> memref<8x1024xf32, #tpu.memory_space<hbm>>
      %dma_wait3A_284 = arith.constant 0 : i32
      %dma_wait3A_285 = arith.constant 0 : i32
      %dma_wait3A_286 = tpu.memref_slice %arg9[%dma_wait3A_277, %dma_wait3A_284, %dma_wait3A_285] : memref<5x8x1024xf32, #tpu.memory_space<vmem>> -> memref<1x8x1024xf32, #tpu.memory_space<vmem>>
      %dma_wait3A_287 = tpu.memref_squeeze %dma_wait3A_286 : memref<1x8x1024xf32, #tpu.memory_space<vmem>> -> memref<8x1024xf32, #tpu.memory_space<vmem>>
      %dma_wait3A_288 = tpu.memref_slice %arg4[%dma_wait3A_276, %multiple_of3A, %multiple_of3A_234] : memref<5x64x100000xf32, #tpu.memory_space<hbm>> -> memref<1x8x1024xf32, #tpu.memory_space<hbm>>
      %dma_wait3A_289 = tpu.memref_squeeze %dma_wait3A_288 : memref<1x8x1024xf32, #tpu.memory_space<hbm>> -> memref<8x1024xf32, #tpu.memory_space<hbm>>
      tpu.wait_dma2 semaphore(%arg16 : memref<!tpu.dma_semaphore, #tpu.memory_space<semaphore_mem>>) src(%dma_wait3A_289 : memref<8x1024xf32, #tpu.memory_space<hbm>>) dst(%dma_wait3A_287 : memref<8x1024xf32, #tpu.memory_space<vmem>>)
      %dma_wait3A_290 = arith.constant 4 : i32
      %dma_wait3A_291 = arith.constant 4 : i32
      %dma_wait3A_292 = arith.constant 0 : i32
      %dma_wait3A_293 = arith.constant 0 : i32
      %dma_wait3A_294 = tpu.memref_slice %arg9[%dma_wait3A_291, %dma_wait3A_292, %dma_wait3A_293] : memref<5x8x1024xf32, #tpu.memory_space<vmem>> -> memref<1x8x1024xf32, #tpu.memory_space<vmem>>
      %dma_wait3A_295 = tpu.memref_squeeze %dma_wait3A_294 : memref<1x8x1024xf32, #tpu.memory_space<vmem>> -> memref<8x1024xf32, #tpu.memory_space<vmem>>
      %dma_wait3A_296 = tpu.memref_slice %arg4[%dma_wait3A_290, %multiple_of3A, %multiple_of3A_234] : memref<5x64x100000xf32, #tpu.memory_space<hbm>> -> memref<1x8x1024xf32, #tpu.memory_space<hbm>>
      %dma_wait3A_297 = tpu.memref_squeeze %dma_wait3A_296 : memref<1x8x1024xf32, #tpu.memory_space<hbm>> -> memref<8x1024xf32, #tpu.memory_space<hbm>>
      %dma_wait3A_298 = arith.constant 0 : i32
      %dma_wait3A_299 = arith.constant 0 : i32
      %dma_wait3A_300 = tpu.memref_slice %arg9[%dma_wait3A_291, %dma_wait3A_298, %dma_wait3A_299] : memref<5x8x1024xf32, #tpu.memory_space<vmem>> -> memref<1x8x1024xf32, #tpu.memory_space<vmem>>
      %dma_wait3A_301 = tpu.memref_squeeze %dma_wait3A_300 : memref<1x8x1024xf32, #tpu.memory_space<vmem>> -> memref<8x1024xf32, #tpu.memory_space<vmem>>
      %dma_wait3A_302 = tpu.memref_slice %arg4[%dma_wait3A_290, %multiple_of3A, %multiple_of3A_234] : memref<5x64x100000xf32, #tpu.memory_space<hbm>> -> memref<1x8x1024xf32, #tpu.memory_space<hbm>>
      %dma_wait3A_303 = tpu.memref_squeeze %dma_wait3A_302 : memref<1x8x1024xf32, #tpu.memory_space<hbm>> -> memref<8x1024xf32, #tpu.memory_space<hbm>>
      tpu.wait_dma2 semaphore(%arg16 : memref<!tpu.dma_semaphore, #tpu.memory_space<semaphore_mem>>) src(%dma_wait3A_303 : memref<8x1024xf32, #tpu.memory_space<hbm>>) dst(%dma_wait3A_301 : memref<8x1024xf32, #tpu.memory_space<vmem>>)
      %dma_wait3A_304 = tpu.memref_slice %arg2[%multiple_of3A, %multiple_of3A_234] : memref<64x100000xf32, #tpu.memory_space<hbm>> -> memref<8x1024xf32, #tpu.memory_space<hbm>>
      %dma_wait3A_305 = tpu.memref_slice %arg2[%multiple_of3A, %multiple_of3A_234] : memref<64x100000xf32, #tpu.memory_space<hbm>> -> memref<8x1024xf32, #tpu.memory_space<hbm>>
      tpu.wait_dma2 semaphore(%arg16 : memref<!tpu.dma_semaphore, #tpu.memory_space<semaphore_mem>>) src(%dma_wait3A_305 : memref<8x1024xf32, #tpu.memory_space<hbm>>) dst(%arg11 : memref<8x1024xf32, #tpu.memory_space<vmem>>)
      %mul3A_306 = arith.constant 1024 : i32
      %mul3A_307 = arith.muli %add3A_231, %mul3A_306 : i32
      %sub3A_308 = vector.broadcast %mul3A_307 : i32 to vector<16xi32>
      %sub3A_309 = arith.subi %gather3A, %sub3A_308 : vector<16xi32>
      %ge3A_310 = arith.constant 0 : i32
      %ge3A_311 = vector.broadcast %ge3A_310 : i32 to vector<16xi32>
      %ge3A_312 = arith.cmpi sge, %sub3A_309, %ge3A_311 : vector<16xi32>
      %lt3A_313 = arith.constant 1024 : i32
      %lt3A_314 = vector.broadcast %lt3A_313 : i32 to vector<16xi32>
      %lt3A_315 = arith.cmpi slt, %sub3A_309, %lt3A_314 : vector<16xi32>
      %and3A_316 = arith.andi %ge3A_312, %lt3A_315 : vector<16xi1>
      %jit3A_317 = arith.constant 0 : i32
      %jit3A_318 = arith.constant 1023 : i32
      %max3A = vector.broadcast %jit3A_317 : i32 to vector<16xi32>
      %max3A_319 = arith.maxsi %max3A, %sub3A_309 : vector<16xi32>
      %min3A = vector.broadcast %jit3A_318 : i32 to vector<16xi32>
      %min3A_320 = arith.minsi %min3A, %max3A_319 : vector<16xi32>
      %and3A_321 = arith.constant 7 : i32
      %and3A_322 = vector.broadcast %and3A_321 : i32 to vector<16xi32>
      %and3A_323 = arith.andi %iota3A, %and3A_322 : vector<16xi32>
      %gather3A_324 = tpu.vector_load_idx %arg11[%and3A_323, %min3A_320] : memref<8x1024xf32, #tpu.memory_space<vmem>>[vector<16xi32>, vector<16xi32>], vector<16xf32>,
      %and3A_325 = arith.andi %and3A_316, %lt3A_42 : vector<16xi1>
      %jit3A_326 = arith.constant 0.000000e+00 : f32
      %broadcast_in_dim3A_327 = vector.broadcast %jit3A_326 : f32 to vector<16xf32>
      %select_n3A_328 = arith.select %and3A_325, %gather3A_324, %broadcast_in_dim3A_327 : vector<16xi1>, vector<16xf32>
      %add3A_329 = arith.addf %scan3A_226, %select_n3A_328 : vector<16xf32>
      %parallel_loop3A = arith.constant 0 : i32
      %parallel_loop3A_330 = arith.constant 8 : i32
      %parallel_loop3A_331 = arith.constant 1 : i32
      scf.for %parallel_loop3A_451 = %parallel_loop3A to %parallel_loop3A_330 step %parallel_loop3A_331  : i32 {
        %parallel_loop3A_452 = arith.constant 480 : i32
        %parallel_loop3A_453 = arith.muli %parallel_loop3A_451, %parallel_loop3A_452 : i32
        %parallel_loop3A_454 = arith.constant 0 : i32
        %parallel_loop3A_455 = arith.addi %parallel_loop3A_453, %parallel_loop3A_454 : i32
        %parallel_loop3A_456 = arith.index_cast %parallel_loop3A_455 : i32 to index
        %parallel_loop3A_457 = tpu.vector_load %arg13[%parallel_loop3A_456] {strides = array<i32>} : memref<3840xf32, #tpu.memory_space<vmem>>, vector<16xf32>,
        %parallel_loop3A_458 = arith.constant 16 : i32
        %parallel_loop3A_459 = arith.addi %parallel_loop3A_453, %parallel_loop3A_458 : i32
        %parallel_loop3A_460 = arith.index_cast %parallel_loop3A_459 : i32 to index
        %parallel_loop3A_461 = tpu.vector_load %arg13[%parallel_loop3A_460] {strides = array<i32>} : memref<3840xf32, #tpu.memory_space<vmem>>, vector<16xf32>,
        %parallel_loop3A_462 = arith.constant 32 : i32
        %parallel_loop3A_463 = arith.addi %parallel_loop3A_453, %parallel_loop3A_462 : i32
        %parallel_loop3A_464 = arith.index_cast %parallel_loop3A_463 : i32 to index
        %parallel_loop3A_465 = tpu.vector_load %arg13[%parallel_loop3A_464] {strides = array<i32>} : memref<3840xf32, #tpu.memory_space<vmem>>, vector<16xf32>,
        %parallel_loop3A_466 = arith.constant 48 : i32
        %parallel_loop3A_467 = arith.addi %parallel_loop3A_453, %parallel_loop3A_466 : i32
        %parallel_loop3A_468 = arith.index_cast %parallel_loop3A_467 : i32 to index
        %parallel_loop3A_469 = tpu.vector_load %arg13[%parallel_loop3A_468] {strides = array<i32>} : memref<3840xf32, #tpu.memory_space<vmem>>, vector<16xf32>,
        %parallel_loop3A_470 = arith.constant 64 : i32
        %parallel_loop3A_471 = arith.addi %parallel_loop3A_453, %parallel_loop3A_470 : i32
        %parallel_loop3A_472 = arith.index_cast %parallel_loop3A_471 : i32 to index
        %parallel_loop3A_473 = tpu.vector_load %arg13[%parallel_loop3A_472] {strides = array<i32>} : memref<3840xf32, #tpu.memory_space<vmem>>, vector<16xf32>,
        %parallel_loop3A_474 = arith.constant 80 : i32
        %parallel_loop3A_475 = arith.addi %parallel_loop3A_453, %parallel_loop3A_474 : i32
        %parallel_loop3A_476 = arith.index_cast %parallel_loop3A_475 : i32 to index
        %parallel_loop3A_477 = tpu.vector_load %arg13[%parallel_loop3A_476] {strides = array<i32>} : memref<3840xf32, #tpu.memory_space<vmem>>, vector<16xf32>,
        %parallel_loop3A_478 = arith.constant 96 : i32
        %parallel_loop3A_479 = arith.addi %parallel_loop3A_453, %parallel_loop3A_478 : i32
        %parallel_loop3A_480 = arith.index_cast %parallel_loop3A_479 : i32 to index
        %parallel_loop3A_481 = tpu.vector_load %arg13[%parallel_loop3A_480] {strides = array<i32>} : memref<3840xf32, #tpu.memory_space<vmem>>, vector<16xf32>,
        %parallel_loop3A_482 = arith.constant 112 : i32
        %parallel_loop3A_483 = arith.addi %parallel_loop3A_453, %parallel_loop3A_482 : i32
        %parallel_loop3A_484 = arith.index_cast %parallel_loop3A_483 : i32 to index
        %parallel_loop3A_485 = tpu.vector_load %arg13[%parallel_loop3A_484] {strides = array<i32>} : memref<3840xf32, #tpu.memory_space<vmem>>, vector<16xf32>,
        %parallel_loop3A_486 = arith.constant 128 : i32
        %parallel_loop3A_487 = arith.addi %parallel_loop3A_453, %parallel_loop3A_486 : i32
        %parallel_loop3A_488 = arith.index_cast %parallel_loop3A_487 : i32 to index
        %parallel_loop3A_489 = tpu.vector_load %arg13[%parallel_loop3A_488] {strides = array<i32>} : memref<3840xf32, #tpu.memory_space<vmem>>, vector<16xf32>,
        %parallel_loop3A_490 = arith.constant 144 : i32
        %parallel_loop3A_491 = arith.addi %parallel_loop3A_453, %parallel_loop3A_490 : i32
        %parallel_loop3A_492 = arith.index_cast %parallel_loop3A_491 : i32 to index
        %parallel_loop3A_493 = tpu.vector_load %arg13[%parallel_loop3A_492] {strides = array<i32>} : memref<3840xf32, #tpu.memory_space<vmem>>, vector<16xf32>,
        %parallel_loop3A_494 = arith.constant 160 : i32
        %parallel_loop3A_495 = arith.addi %parallel_loop3A_453, %parallel_loop3A_494 : i32
        %parallel_loop3A_496 = arith.index_cast %parallel_loop3A_495 : i32 to index
        %parallel_loop3A_497 = tpu.vector_load %arg13[%parallel_loop3A_496] {strides = array<i32>} : memref<3840xf32, #tpu.memory_space<vmem>>, vector<16xf32>,
        %parallel_loop3A_498 = arith.constant 176 : i32
        %parallel_loop3A_499 = arith.addi %parallel_loop3A_453, %parallel_loop3A_498 : i32
        %parallel_loop3A_500 = arith.index_cast %parallel_loop3A_499 : i32 to index
        %parallel_loop3A_501 = tpu.vector_load %arg13[%parallel_loop3A_500] {strides = array<i32>} : memref<3840xf32, #tpu.memory_space<vmem>>, vector<16xf32>,
        %parallel_loop3A_502 = arith.constant 192 : i32
        %parallel_loop3A_503 = arith.addi %parallel_loop3A_453, %parallel_loop3A_502 : i32
        %parallel_loop3A_504 = arith.index_cast %parallel_loop3A_503 : i32 to index
        %parallel_loop3A_505 = tpu.vector_load %arg13[%parallel_loop3A_504] {strides = array<i32>} : memref<3840xf32, #tpu.memory_space<vmem>>, vector<16xf32>,
        %parallel_loop3A_506 = arith.constant 208 : i32
        %parallel_loop3A_507 = arith.addi %parallel_loop3A_453, %parallel_loop3A_506 : i32
        %parallel_loop3A_508 = arith.index_cast %parallel_loop3A_507 : i32 to index
        %parallel_loop3A_509 = tpu.vector_load %arg13[%parallel_loop3A_508] {strides = array<i32>} : memref<3840xf32, #tpu.memory_space<vmem>>, vector<16xf32>,
        %parallel_loop3A_510 = arith.constant 224 : i32
        %parallel_loop3A_511 = arith.addi %parallel_loop3A_453, %parallel_loop3A_510 : i32
        %parallel_loop3A_512 = arith.index_cast %parallel_loop3A_511 : i32 to index
        %parallel_loop3A_513 = tpu.vector_load %arg13[%parallel_loop3A_512] {strides = array<i32>} : memref<3840xf32, #tpu.memory_space<vmem>>, vector<16xf32>,
        %parallel_loop3A_514 = arith.constant 240 : i32
        %parallel_loop3A_515 = arith.addi %parallel_loop3A_453, %parallel_loop3A_514 : i32
        %parallel_loop3A_516 = arith.index_cast %parallel_loop3A_515 : i32 to index
        %parallel_loop3A_517 = tpu.vector_load %arg13[%parallel_loop3A_516] {strides = array<i32>} : memref<3840xf32, #tpu.memory_space<vmem>>, vector<16xf32>,
        %parallel_loop3A_518 = arith.constant 256 : i32
        %parallel_loop3A_519 = arith.addi %parallel_loop3A_453, %parallel_loop3A_518 : i32
        %parallel_loop3A_520 = arith.index_cast %parallel_loop3A_519 : i32 to index
        %parallel_loop3A_521 = tpu.vector_load %arg13[%parallel_loop3A_520] {strides = array<i32>} : memref<3840xf32, #tpu.memory_space<vmem>>, vector<16xf32>,
        %parallel_loop3A_522 = arith.constant 272 : i32
        %parallel_loop3A_523 = arith.addi %parallel_loop3A_453, %parallel_loop3A_522 : i32
        %parallel_loop3A_524 = arith.index_cast %parallel_loop3A_523 : i32 to index
        %parallel_loop3A_525 = tpu.vector_load %arg13[%parallel_loop3A_524] {strides = array<i32>} : memref<3840xf32, #tpu.memory_space<vmem>>, vector<16xf32>,
        %parallel_loop3A_526 = arith.constant 288 : i32
        %parallel_loop3A_527 = arith.addi %parallel_loop3A_453, %parallel_loop3A_526 : i32
        %parallel_loop3A_528 = arith.index_cast %parallel_loop3A_527 : i32 to index
        %parallel_loop3A_529 = tpu.vector_load %arg13[%parallel_loop3A_528] {strides = array<i32>} : memref<3840xf32, #tpu.memory_space<vmem>>, vector<16xf32>,
        %parallel_loop3A_530 = arith.constant 304 : i32
        %parallel_loop3A_531 = arith.addi %parallel_loop3A_453, %parallel_loop3A_530 : i32
        %parallel_loop3A_532 = arith.index_cast %parallel_loop3A_531 : i32 to index
        %parallel_loop3A_533 = tpu.vector_load %arg13[%parallel_loop3A_532] {strides = array<i32>} : memref<3840xf32, #tpu.memory_space<vmem>>, vector<16xf32>,
        %parallel_loop3A_534 = arith.constant 320 : i32
        %parallel_loop3A_535 = arith.addi %parallel_loop3A_453, %parallel_loop3A_534 : i32
        %parallel_loop3A_536 = arith.index_cast %parallel_loop3A_535 : i32 to index
        %parallel_loop3A_537 = tpu.vector_load %arg13[%parallel_loop3A_536] {strides = array<i32>} : memref<3840xf32, #tpu.memory_space<vmem>>, vector<16xf32>,
        %parallel_loop3A_538 = arith.constant 336 : i32
        %parallel_loop3A_539 = arith.addi %parallel_loop3A_453, %parallel_loop3A_538 : i32
        %parallel_loop3A_540 = arith.index_cast %parallel_loop3A_539 : i32 to index
        %parallel_loop3A_541 = tpu.vector_load %arg13[%parallel_loop3A_540] {strides = array<i32>} : memref<3840xf32, #tpu.memory_space<vmem>>, vector<16xf32>,
        %parallel_loop3A_542 = arith.constant 352 : i32
        %parallel_loop3A_543 = arith.addi %parallel_loop3A_453, %parallel_loop3A_542 : i32
        %parallel_loop3A_544 = arith.index_cast %parallel_loop3A_543 : i32 to index
        %parallel_loop3A_545 = tpu.vector_load %arg13[%parallel_loop3A_544] {strides = array<i32>} : memref<3840xf32, #tpu.memory_space<vmem>>, vector<16xf32>,
        %parallel_loop3A_546 = arith.constant 368 : i32
        %parallel_loop3A_547 = arith.addi %parallel_loop3A_453, %parallel_loop3A_546 : i32
        %parallel_loop3A_548 = arith.index_cast %parallel_loop3A_547 : i32 to index
        %parallel_loop3A_549 = tpu.vector_load %arg13[%parallel_loop3A_548] {strides = array<i32>} : memref<3840xf32, #tpu.memory_space<vmem>>, vector<16xf32>,
        %parallel_loop3A_550 = arith.constant 384 : i32
        %parallel_loop3A_551 = arith.addi %parallel_loop3A_453, %parallel_loop3A_550 : i32
        %parallel_loop3A_552 = arith.index_cast %parallel_loop3A_551 : i32 to index
        %parallel_loop3A_553 = tpu.vector_load %arg13[%parallel_loop3A_552] {strides = array<i32>} : memref<3840xf32, #tpu.memory_space<vmem>>, vector<16xf32>,
        %parallel_loop3A_554 = arith.constant 400 : i32
        %parallel_loop3A_555 = arith.addi %parallel_loop3A_453, %parallel_loop3A_554 : i32
        %parallel_loop3A_556 = arith.index_cast %parallel_loop3A_555 : i32 to index
        %parallel_loop3A_557 = tpu.vector_load %arg13[%parallel_loop3A_556] {strides = array<i32>} : memref<3840xf32, #tpu.memory_space<vmem>>, vector<16xf32>,
        %parallel_loop3A_558 = arith.constant 416 : i32
        %parallel_loop3A_559 = arith.addi %parallel_loop3A_453, %parallel_loop3A_558 : i32
        %parallel_loop3A_560 = arith.index_cast %parallel_loop3A_559 : i32 to index
        %parallel_loop3A_561 = tpu.vector_load %arg13[%parallel_loop3A_560] {strides = array<i32>} : memref<3840xf32, #tpu.memory_space<vmem>>, vector<16xf32>,
        %parallel_loop3A_562 = arith.constant 432 : i32
        %parallel_loop3A_563 = arith.addi %parallel_loop3A_453, %parallel_loop3A_562 : i32
        %parallel_loop3A_564 = arith.index_cast %parallel_loop3A_563 : i32 to index
        %parallel_loop3A_565 = tpu.vector_load %arg13[%parallel_loop3A_564] {strides = array<i32>} : memref<3840xf32, #tpu.memory_space<vmem>>, vector<16xf32>,
        %parallel_loop3A_566 = arith.constant 448 : i32
        %parallel_loop3A_567 = arith.addi %parallel_loop3A_453, %parallel_loop3A_566 : i32
        %parallel_loop3A_568 = arith.index_cast %parallel_loop3A_567 : i32 to index
        %parallel_loop3A_569 = tpu.vector_load %arg13[%parallel_loop3A_568] {strides = array<i32>} : memref<3840xf32, #tpu.memory_space<vmem>>, vector<16xf32>,
        %parallel_loop3A_570 = arith.constant 464 : i32
        %parallel_loop3A_571 = arith.addi %parallel_loop3A_453, %parallel_loop3A_570 : i32
        %parallel_loop3A_572 = arith.index_cast %parallel_loop3A_571 : i32 to index
        %parallel_loop3A_573 = tpu.vector_load %arg13[%parallel_loop3A_572] {strides = array<i32>} : memref<3840xf32, #tpu.memory_space<vmem>>, vector<16xf32>,
        %parallel_loop3A_574 = arith.constant 0 : i32
        %parallel_loop3A_575 = arith.constant 64 : i32
        %parallel_loop3A_576 = arith.constant 1 : i32
        %parallel_loop3A_577:30 = scf.for %parallel_loop3A_698 = %parallel_loop3A_574 to %parallel_loop3A_575 step %parallel_loop3A_576 iter_args(%parallel_loop3A_699 = %parallel_loop3A_457, %parallel_loop3A_700 = %parallel_loop3A_461, %parallel_loop3A_701 = %parallel_loop3A_465, %parallel_loop3A_702 = %parallel_loop3A_469, %parallel_loop3A_703 = %parallel_loop3A_473, %parallel_loop3A_704 = %parallel_loop3A_477, %parallel_loop3A_705 = %parallel_loop3A_481, %parallel_loop3A_706 = %parallel_loop3A_485, %parallel_loop3A_707 = %parallel_loop3A_489, %parallel_loop3A_708 = %parallel_loop3A_493, %parallel_loop3A_709 = %parallel_loop3A_497, %parallel_loop3A_710 = %parallel_loop3A_501, %parallel_loop3A_711 = %parallel_loop3A_505, %parallel_loop3A_712 = %parallel_loop3A_509, %parallel_loop3A_713 = %parallel_loop3A_513, %parallel_loop3A_714 = %parallel_loop3A_517, %parallel_loop3A_715 = %parallel_loop3A_521, %parallel_loop3A_716 = %parallel_loop3A_525, %parallel_loop3A_717 = %parallel_loop3A_529, %parallel_loop3A_718 = %parallel_loop3A_533, %parallel_loop3A_719 = %parallel_loop3A_537, %parallel_loop3A_720 = %parallel_loop3A_541, %parallel_loop3A_721 = %parallel_loop3A_545, %parallel_loop3A_722 = %parallel_loop3A_549, %parallel_loop3A_723 = %parallel_loop3A_553, %parallel_loop3A_724 = %parallel_loop3A_557, %parallel_loop3A_725 = %parallel_loop3A_561, %parallel_loop3A_726 = %parallel_loop3A_565, %parallel_loop3A_727 = %parallel_loop3A_569, %parallel_loop3A_728 = %parallel_loop3A_573) -> (vector<16xf32>, vector<16xf32>, vector<16xf32>, vector<16xf32>, vector<16xf32>, vector<16xf32>, vector<16xf32>, vector<16xf32>, vector<16xf32>, vector<16xf32>, vector<16xf32>, vector<16xf32>, vector<16xf32>, vector<16xf32>, vector<16xf32>, vector<16xf32>, vector<16xf32>, vector<16xf32>, vector<16xf32>, vector<16xf32>, vector<16xf32>, vector<16xf32>, vector<16xf32>, vector<16xf32>, vector<16xf32>, vector<16xf32>, vector<16xf32>, vector<16xf32>, vector<16xf32>, vector<16xf32>)  : i32 {
          %parallel_loop3A_729 = arith.constant 16 : i32
          %parallel_loop3A_730 = arith.muli %parallel_loop3A_698, %parallel_loop3A_729 : i32
          %parallel_loop3A_731 = arith.index_cast %parallel_loop3A_451 : i32 to index
          %parallel_loop3A_732 = arith.index_cast %parallel_loop3A_730 : i32 to index
          %parallel_loop3A_733 = tpu.vector_load %arg11[%parallel_loop3A_731, %parallel_loop3A_732] {strides = array<i32>} : memref<8x1024xf32, #tpu.memory_space<vmem>>, vector<16xf32>,
          %parallel_loop3A_734 = arith.constant 16 : i32
          %parallel_loop3A_735 = arith.muli %parallel_loop3A_698, %parallel_loop3A_734 : i32
          %parallel_loop3A_736 = arith.constant 0 : i32
          %parallel_loop3A_737 = arith.index_cast %parallel_loop3A_736 : i32 to index
          %parallel_loop3A_738 = arith.index_cast %parallel_loop3A_451 : i32 to index
          %parallel_loop3A_739 = arith.index_cast %parallel_loop3A_735 : i32 to index
          %parallel_loop3A_740 = tpu.vector_load %arg9[%parallel_loop3A_737, %parallel_loop3A_738, %parallel_loop3A_739] {strides = array<i32>} : memref<5x8x1024xf32, #tpu.memory_space<vmem>>, vector<16xf32>,
          %parallel_loop3A_741 = arith.addf %parallel_loop3A_733, %parallel_loop3A_740 : vector<16xf32>
          %parallel_loop3A_742 = arith.maximumf %parallel_loop3A_699, %parallel_loop3A_741 : vector<16xf32>
          %parallel_loop3A_743 = arith.minimumf %parallel_loop3A_699, %parallel_loop3A_741 : vector<16xf32>
          %parallel_loop3A_744 = arith.maximumf %parallel_loop3A_700, %parallel_loop3A_743 : vector<16xf32>
          %parallel_loop3A_745 = arith.minimumf %parallel_loop3A_700, %parallel_loop3A_743 : vector<16xf32>
          %parallel_loop3A_746 = arith.maximumf %parallel_loop3A_701, %parallel_loop3A_745 : vector<16xf32>
          %parallel_loop3A_747 = arith.minimumf %parallel_loop3A_701, %parallel_loop3A_745 : vector<16xf32>
          %parallel_loop3A_748 = arith.maximumf %parallel_loop3A_702, %parallel_loop3A_747 : vector<16xf32>
          %parallel_loop3A_749 = arith.minimumf %parallel_loop3A_702, %parallel_loop3A_747 : vector<16xf32>
          %parallel_loop3A_750 = arith.maximumf %parallel_loop3A_703, %parallel_loop3A_749 : vector<16xf32>
          %parallel_loop3A_751 = arith.minimumf %parallel_loop3A_703, %parallel_loop3A_749 : vector<16xf32>
          %parallel_loop3A_752 = arith.maximumf %parallel_loop3A_704, %parallel_loop3A_751 : vector<16xf32>
          %parallel_loop3A_753 = arith.minimumf %parallel_loop3A_704, %parallel_loop3A_751 : vector<16xf32>
          %parallel_loop3A_754 = arith.constant 16 : i32
          %parallel_loop3A_755 = arith.muli %parallel_loop3A_698, %parallel_loop3A_754 : i32
          %parallel_loop3A_756 = arith.index_cast %parallel_loop3A_451 : i32 to index
          %parallel_loop3A_757 = arith.index_cast %parallel_loop3A_755 : i32 to index
          %parallel_loop3A_758 = tpu.vector_load %arg11[%parallel_loop3A_756, %parallel_loop3A_757] {strides = array<i32>} : memref<8x1024xf32, #tpu.memory_space<vmem>>, vector<16xf32>,
          %parallel_loop3A_759 = arith.constant 16 : i32
          %parallel_loop3A_760 = arith.muli %parallel_loop3A_698, %parallel_loop3A_759 : i32
          %parallel_loop3A_761 = arith.constant 1 : i32
          %parallel_loop3A_762 = arith.index_cast %parallel_loop3A_761 : i32 to index
          %parallel_loop3A_763 = arith.index_cast %parallel_loop3A_451 : i32 to index
          %parallel_loop3A_764 = arith.index_cast %parallel_loop3A_760 : i32 to index
          %parallel_loop3A_765 = tpu.vector_load %arg9[%parallel_loop3A_762, %parallel_loop3A_763, %parallel_loop3A_764] {strides = array<i32>} : memref<5x8x1024xf32, #tpu.memory_space<vmem>>, vector<16xf32>,
          %parallel_loop3A_766 = arith.addf %parallel_loop3A_758, %parallel_loop3A_765 : vector<16xf32>
          %parallel_loop3A_767 = arith.maximumf %parallel_loop3A_705, %parallel_loop3A_766 : vector<16xf32>
          %parallel_loop3A_768 = arith.minimumf %parallel_loop3A_705, %parallel_loop3A_766 : vector<16xf32>
          %parallel_loop3A_769 = arith.maximumf %parallel_loop3A_706, %parallel_loop3A_768 : vector<16xf32>
          %parallel_loop3A_770 = arith.minimumf %parallel_loop3A_706, %parallel_loop3A_768 : vector<16xf32>
          %parallel_loop3A_771 = arith.maximumf %parallel_loop3A_707, %parallel_loop3A_770 : vector<16xf32>
          %parallel_loop3A_772 = arith.minimumf %parallel_loop3A_707, %parallel_loop3A_770 : vector<16xf32>
          %parallel_loop3A_773 = arith.maximumf %parallel_loop3A_708, %parallel_loop3A_772 : vector<16xf32>
          %parallel_loop3A_774 = arith.minimumf %parallel_loop3A_708, %parallel_loop3A_772 : vector<16xf32>
          %parallel_loop3A_775 = arith.maximumf %parallel_loop3A_709, %parallel_loop3A_774 : vector<16xf32>
          %parallel_loop3A_776 = arith.minimumf %parallel_loop3A_709, %parallel_loop3A_774 : vector<16xf32>
          %parallel_loop3A_777 = arith.maximumf %parallel_loop3A_710, %parallel_loop3A_776 : vector<16xf32>
          %parallel_loop3A_778 = arith.minimumf %parallel_loop3A_710, %parallel_loop3A_776 : vector<16xf32>
          %parallel_loop3A_779 = arith.constant 16 : i32
          %parallel_loop3A_780 = arith.muli %parallel_loop3A_698, %parallel_loop3A_779 : i32
          %parallel_loop3A_781 = arith.index_cast %parallel_loop3A_451 : i32 to index
          %parallel_loop3A_782 = arith.index_cast %parallel_loop3A_780 : i32 to index
          %parallel_loop3A_783 = tpu.vector_load %arg11[%parallel_loop3A_781, %parallel_loop3A_782] {strides = array<i32>} : memref<8x1024xf32, #tpu.memory_space<vmem>>, vector<16xf32>,
          %parallel_loop3A_784 = arith.constant 16 : i32
          %parallel_loop3A_785 = arith.muli %parallel_loop3A_698, %parallel_loop3A_784 : i32
          %parallel_loop3A_786 = arith.constant 2 : i32
          %parallel_loop3A_787 = arith.index_cast %parallel_loop3A_786 : i32 to index
          %parallel_loop3A_788 = arith.index_cast %parallel_loop3A_451 : i32 to index
          %parallel_loop3A_789 = arith.index_cast %parallel_loop3A_785 : i32 to index
          %parallel_loop3A_790 = tpu.vector_load %arg9[%parallel_loop3A_787, %parallel_loop3A_788, %parallel_loop3A_789] {strides = array<i32>} : memref<5x8x1024xf32, #tpu.memory_space<vmem>>, vector<16xf32>,
          %parallel_loop3A_791 = arith.addf %parallel_loop3A_783, %parallel_loop3A_790 : vector<16xf32>
          %parallel_loop3A_792 = arith.maximumf %parallel_loop3A_711, %parallel_loop3A_791 : vector<16xf32>
          %parallel_loop3A_793 = arith.minimumf %parallel_loop3A_711, %parallel_loop3A_791 : vector<16xf32>
          %parallel_loop3A_794 = arith.maximumf %parallel_loop3A_712, %parallel_loop3A_793 : vector<16xf32>
          %parallel_loop3A_795 = arith.minimumf %parallel_loop3A_712, %parallel_loop3A_793 : vector<16xf32>
          %parallel_loop3A_796 = arith.maximumf %parallel_loop3A_713, %parallel_loop3A_795 : vector<16xf32>
          %parallel_loop3A_797 = arith.minimumf %parallel_loop3A_713, %parallel_loop3A_795 : vector<16xf32>
          %parallel_loop3A_798 = arith.maximumf %parallel_loop3A_714, %parallel_loop3A_797 : vector<16xf32>
          %parallel_loop3A_799 = arith.minimumf %parallel_loop3A_714, %parallel_loop3A_797 : vector<16xf32>
          %parallel_loop3A_800 = arith.maximumf %parallel_loop3A_715, %parallel_loop3A_799 : vector<16xf32>
          %parallel_loop3A_801 = arith.minimumf %parallel_loop3A_715, %parallel_loop3A_799 : vector<16xf32>
          %parallel_loop3A_802 = arith.maximumf %parallel_loop3A_716, %parallel_loop3A_801 : vector<16xf32>
          %parallel_loop3A_803 = arith.minimumf %parallel_loop3A_716, %parallel_loop3A_801 : vector<16xf32>
          %parallel_loop3A_804 = arith.constant 16 : i32
          %parallel_loop3A_805 = arith.muli %parallel_loop3A_698, %parallel_loop3A_804 : i32
          %parallel_loop3A_806 = arith.index_cast %parallel_loop3A_451 : i32 to index
          %parallel_loop3A_807 = arith.index_cast %parallel_loop3A_805 : i32 to index
          %parallel_loop3A_808 = tpu.vector_load %arg11[%parallel_loop3A_806, %parallel_loop3A_807] {strides = array<i32>} : memref<8x1024xf32, #tpu.memory_space<vmem>>, vector<16xf32>,
          %parallel_loop3A_809 = arith.constant 16 : i32
          %parallel_loop3A_810 = arith.muli %parallel_loop3A_698, %parallel_loop3A_809 : i32
          %parallel_loop3A_811 = arith.constant 3 : i32
          %parallel_loop3A_812 = arith.index_cast %parallel_loop3A_811 : i32 to index
          %parallel_loop3A_813 = arith.index_cast %parallel_loop3A_451 : i32 to index
          %parallel_loop3A_814 = arith.index_cast %parallel_loop3A_810 : i32 to index
          %parallel_loop3A_815 = tpu.vector_load %arg9[%parallel_loop3A_812, %parallel_loop3A_813, %parallel_loop3A_814] {strides = array<i32>} : memref<5x8x1024xf32, #tpu.memory_space<vmem>>, vector<16xf32>,
          %parallel_loop3A_816 = arith.addf %parallel_loop3A_808, %parallel_loop3A_815 : vector<16xf32>
          %parallel_loop3A_817 = arith.maximumf %parallel_loop3A_717, %parallel_loop3A_816 : vector<16xf32>
          %parallel_loop3A_818 = arith.minimumf %parallel_loop3A_717, %parallel_loop3A_816 : vector<16xf32>
          %parallel_loop3A_819 = arith.maximumf %parallel_loop3A_718, %parallel_loop3A_818 : vector<16xf32>
          %parallel_loop3A_820 = arith.minimumf %parallel_loop3A_718, %parallel_loop3A_818 : vector<16xf32>
          %parallel_loop3A_821 = arith.maximumf %parallel_loop3A_719, %parallel_loop3A_820 : vector<16xf32>
          %parallel_loop3A_822 = arith.minimumf %parallel_loop3A_719, %parallel_loop3A_820 : vector<16xf32>
          %parallel_loop3A_823 = arith.maximumf %parallel_loop3A_720, %parallel_loop3A_822 : vector<16xf32>
          %parallel_loop3A_824 = arith.minimumf %parallel_loop3A_720, %parallel_loop3A_822 : vector<16xf32>
          %parallel_loop3A_825 = arith.maximumf %parallel_loop3A_721, %parallel_loop3A_824 : vector<16xf32>
          %parallel_loop3A_826 = arith.minimumf %parallel_loop3A_721, %parallel_loop3A_824 : vector<16xf32>
          %parallel_loop3A_827 = arith.maximumf %parallel_loop3A_722, %parallel_loop3A_826 : vector<16xf32>
          %parallel_loop3A_828 = arith.minimumf %parallel_loop3A_722, %parallel_loop3A_826 : vector<16xf32>
          %parallel_loop3A_829 = arith.constant 16 : i32
          %parallel_loop3A_830 = arith.muli %parallel_loop3A_698, %parallel_loop3A_829 : i32
          %parallel_loop3A_831 = arith.index_cast %parallel_loop3A_451 : i32 to index
          %parallel_loop3A_832 = arith.index_cast %parallel_loop3A_830 : i32 to index
          %parallel_loop3A_833 = tpu.vector_load %arg11[%parallel_loop3A_831, %parallel_loop3A_832] {strides = array<i32>} : memref<8x1024xf32, #tpu.memory_space<vmem>>, vector<16xf32>,
          %parallel_loop3A_834 = arith.constant 16 : i32
          %parallel_loop3A_835 = arith.muli %parallel_loop3A_698, %parallel_loop3A_834 : i32
          %parallel_loop3A_836 = arith.constant 4 : i32
          %parallel_loop3A_837 = arith.index_cast %parallel_loop3A_836 : i32 to index
          %parallel_loop3A_838 = arith.index_cast %parallel_loop3A_451 : i32 to index
          %parallel_loop3A_839 = arith.index_cast %parallel_loop3A_835 : i32 to index
          %parallel_loop3A_840 = tpu.vector_load %arg9[%parallel_loop3A_837, %parallel_loop3A_838, %parallel_loop3A_839] {strides = array<i32>} : memref<5x8x1024xf32, #tpu.memory_space<vmem>>, vector<16xf32>,
          %parallel_loop3A_841 = arith.addf %parallel_loop3A_833, %parallel_loop3A_840 : vector<16xf32>
          %parallel_loop3A_842 = arith.maximumf %parallel_loop3A_723, %parallel_loop3A_841 : vector<16xf32>
          %parallel_loop3A_843 = arith.minimumf %parallel_loop3A_723, %parallel_loop3A_841 : vector<16xf32>
          %parallel_loop3A_844 = arith.maximumf %parallel_loop3A_724, %parallel_loop3A_843 : vector<16xf32>
          %parallel_loop3A_845 = arith.minimumf %parallel_loop3A_724, %parallel_loop3A_843 : vector<16xf32>
          %parallel_loop3A_846 = arith.maximumf %parallel_loop3A_725, %parallel_loop3A_845 : vector<16xf32>
          %parallel_loop3A_847 = arith.minimumf %parallel_loop3A_725, %parallel_loop3A_845 : vector<16xf32>
          %parallel_loop3A_848 = arith.maximumf %parallel_loop3A_726, %parallel_loop3A_847 : vector<16xf32>
          %parallel_loop3A_849 = arith.minimumf %parallel_loop3A_726, %parallel_loop3A_847 : vector<16xf32>
          %parallel_loop3A_850 = arith.maximumf %parallel_loop3A_727, %parallel_loop3A_849 : vector<16xf32>
          %parallel_loop3A_851 = arith.minimumf %parallel_loop3A_727, %parallel_loop3A_849 : vector<16xf32>
          %parallel_loop3A_852 = arith.maximumf %parallel_loop3A_728, %parallel_loop3A_851 : vector<16xf32>
          %parallel_loop3A_853 = arith.minimumf %parallel_loop3A_728, %parallel_loop3A_851 : vector<16xf32>
          scf.yield %parallel_loop3A_742, %parallel_loop3A_744, %parallel_loop3A_746, %parallel_loop3A_748, %parallel_loop3A_750, %parallel_loop3A_752, %parallel_loop3A_767, %parallel_loop3A_769, %parallel_loop3A_771, %parallel_loop3A_773, %parallel_loop3A_775, %parallel_loop3A_777, %parallel_loop3A_792, %parallel_loop3A_794, %parallel_loop3A_796, %parallel_loop3A_798, %parallel_loop3A_800, %parallel_loop3A_802, %parallel_loop3A_817, %parallel_loop3A_819, %parallel_loop3A_821, %parallel_loop3A_823, %parallel_loop3A_825, %parallel_loop3A_827, %parallel_loop3A_842, %parallel_loop3A_844, %parallel_loop3A_846, %parallel_loop3A_848, %parallel_loop3A_850, %parallel_loop3A_852 : vector<16xf32>, vector<16xf32>, vector<16xf32>, vector<16xf32>, vector<16xf32>, vector<16xf32>, vector<16xf32>, vector<16xf32>, vector<16xf32>, vector<16xf32>, vector<16xf32>, vector<16xf32>, vector<16xf32>, vector<16xf32>, vector<16xf32>, vector<16xf32>, vector<16xf32>, vector<16xf32>, vector<16xf32>, vector<16xf32>, vector<16xf32>, vector<16xf32>, vector<16xf32>, vector<16xf32>, vector<16xf32>, vector<16xf32>, vector<16xf32>, vector<16xf32>, vector<16xf32>, vector<16xf32>
        } {sc.loop_unroll_factor = 2 : i64, sc.parallel_access}
        %parallel_loop3A_578 = arith.constant 0 : i32
        %parallel_loop3A_579 = arith.addi %parallel_loop3A_453, %parallel_loop3A_578 : i32
        %parallel_loop3A_580 = arith.index_cast %parallel_loop3A_579 : i32 to index
        %parallel_loop3A_581 = tpu.vector_load %arg13[%parallel_loop3A_580] {strides = array<i32>} : memref<3840xf32, #tpu.memory_space<vmem>>, vector<16xf32>,
        tpu.vector_store %arg13[%parallel_loop3A_580], %parallel_loop3A_577#0 {strides = array<i32>} : memref<3840xf32, #tpu.memory_space<vmem>>, vector<16xf32>,
        %parallel_loop3A_582 = arith.constant 16 : i32
        %parallel_loop3A_583 = arith.addi %parallel_loop3A_453, %parallel_loop3A_582 : i32
        %parallel_loop3A_584 = arith.index_cast %parallel_loop3A_583 : i32 to index
        %parallel_loop3A_585 = tpu.vector_load %arg13[%parallel_loop3A_584] {strides = array<i32>} : memref<3840xf32, #tpu.memory_space<vmem>>, vector<16xf32>,
        tpu.vector_store %arg13[%parallel_loop3A_584], %parallel_loop3A_577#1 {strides = array<i32>} : memref<3840xf32, #tpu.memory_space<vmem>>, vector<16xf32>,
        %parallel_loop3A_586 = arith.constant 32 : i32
        %parallel_loop3A_587 = arith.addi %parallel_loop3A_453, %parallel_loop3A_586 : i32
        %parallel_loop3A_588 = arith.index_cast %parallel_loop3A_587 : i32 to index
        %parallel_loop3A_589 = tpu.vector_load %arg13[%parallel_loop3A_588] {strides = array<i32>} : memref<3840xf32, #tpu.memory_space<vmem>>, vector<16xf32>,
        tpu.vector_store %arg13[%parallel_loop3A_588], %parallel_loop3A_577#2 {strides = array<i32>} : memref<3840xf32, #tpu.memory_space<vmem>>, vector<16xf32>,
        %parallel_loop3A_590 = arith.constant 48 : i32
        %parallel_loop3A_591 = arith.addi %parallel_loop3A_453, %parallel_loop3A_590 : i32
        %parallel_loop3A_592 = arith.index_cast %parallel_loop3A_591 : i32 to index
        %parallel_loop3A_593 = tpu.vector_load %arg13[%parallel_loop3A_592] {strides = array<i32>} : memref<3840xf32, #tpu.memory_space<vmem>>, vector<16xf32>,
        tpu.vector_store %arg13[%parallel_loop3A_592], %parallel_loop3A_577#3 {strides = array<i32>} : memref<3840xf32, #tpu.memory_space<vmem>>, vector<16xf32>,
        %parallel_loop3A_594 = arith.constant 64 : i32
        %parallel_loop3A_595 = arith.addi %parallel_loop3A_453, %parallel_loop3A_594 : i32
        %parallel_loop3A_596 = arith.index_cast %parallel_loop3A_595 : i32 to index
        %parallel_loop3A_597 = tpu.vector_load %arg13[%parallel_loop3A_596] {strides = array<i32>} : memref<3840xf32, #tpu.memory_space<vmem>>, vector<16xf32>,
        tpu.vector_store %arg13[%parallel_loop3A_596], %parallel_loop3A_577#4 {strides = array<i32>} : memref<3840xf32, #tpu.memory_space<vmem>>, vector<16xf32>,
        %parallel_loop3A_598 = arith.constant 80 : i32
        %parallel_loop3A_599 = arith.addi %parallel_loop3A_453, %parallel_loop3A_598 : i32
        %parallel_loop3A_600 = arith.index_cast %parallel_loop3A_599 : i32 to index
        %parallel_loop3A_601 = tpu.vector_load %arg13[%parallel_loop3A_600] {strides = array<i32>} : memref<3840xf32, #tpu.memory_space<vmem>>, vector<16xf32>,
        tpu.vector_store %arg13[%parallel_loop3A_600], %parallel_loop3A_577#5 {strides = array<i32>} : memref<3840xf32, #tpu.memory_space<vmem>>, vector<16xf32>,
        %parallel_loop3A_602 = arith.constant 96 : i32
        %parallel_loop3A_603 = arith.addi %parallel_loop3A_453, %parallel_loop3A_602 : i32
        %parallel_loop3A_604 = arith.index_cast %parallel_loop3A_603 : i32 to index
        %parallel_loop3A_605 = tpu.vector_load %arg13[%parallel_loop3A_604] {strides = array<i32>} : memref<3840xf32, #tpu.memory_space<vmem>>, vector<16xf32>,
        tpu.vector_store %arg13[%parallel_loop3A_604], %parallel_loop3A_577#6 {strides = array<i32>} : memref<3840xf32, #tpu.memory_space<vmem>>, vector<16xf32>,
        %parallel_loop3A_606 = arith.constant 112 : i32
        %parallel_loop3A_607 = arith.addi %parallel_loop3A_453, %parallel_loop3A_606 : i32
        %parallel_loop3A_608 = arith.index_cast %parallel_loop3A_607 : i32 to index
        %parallel_loop3A_609 = tpu.vector_load %arg13[%parallel_loop3A_608] {strides = array<i32>} : memref<3840xf32, #tpu.memory_space<vmem>>, vector<16xf32>,
        tpu.vector_store %arg13[%parallel_loop3A_608], %parallel_loop3A_577#7 {strides = array<i32>} : memref<3840xf32, #tpu.memory_space<vmem>>, vector<16xf32>,
        %parallel_loop3A_610 = arith.constant 128 : i32
        %parallel_loop3A_611 = arith.addi %parallel_loop3A_453, %parallel_loop3A_610 : i32
        %parallel_loop3A_612 = arith.index_cast %parallel_loop3A_611 : i32 to index
        %parallel_loop3A_613 = tpu.vector_load %arg13[%parallel_loop3A_612] {strides = array<i32>} : memref<3840xf32, #tpu.memory_space<vmem>>, vector<16xf32>,
        tpu.vector_store %arg13[%parallel_loop3A_612], %parallel_loop3A_577#8 {strides = array<i32>} : memref<3840xf32, #tpu.memory_space<vmem>>, vector<16xf32>,
        %parallel_loop3A_614 = arith.constant 144 : i32
        %parallel_loop3A_615 = arith.addi %parallel_loop3A_453, %parallel_loop3A_614 : i32
        %parallel_loop3A_616 = arith.index_cast %parallel_loop3A_615 : i32 to index
        %parallel_loop3A_617 = tpu.vector_load %arg13[%parallel_loop3A_616] {strides = array<i32>} : memref<3840xf32, #tpu.memory_space<vmem>>, vector<16xf32>,
        tpu.vector_store %arg13[%parallel_loop3A_616], %parallel_loop3A_577#9 {strides = array<i32>} : memref<3840xf32, #tpu.memory_space<vmem>>, vector<16xf32>,
        %parallel_loop3A_618 = arith.constant 160 : i32
        %parallel_loop3A_619 = arith.addi %parallel_loop3A_453, %parallel_loop3A_618 : i32
        %parallel_loop3A_620 = arith.index_cast %parallel_loop3A_619 : i32 to index
        %parallel_loop3A_621 = tpu.vector_load %arg13[%parallel_loop3A_620] {strides = array<i32>} : memref<3840xf32, #tpu.memory_space<vmem>>, vector<16xf32>,
        tpu.vector_store %arg13[%parallel_loop3A_620], %parallel_loop3A_577#10 {strides = array<i32>} : memref<3840xf32, #tpu.memory_space<vmem>>, vector<16xf32>,
        %parallel_loop3A_622 = arith.constant 176 : i32
        %parallel_loop3A_623 = arith.addi %parallel_loop3A_453, %parallel_loop3A_622 : i32
        %parallel_loop3A_624 = arith.index_cast %parallel_loop3A_623 : i32 to index
        %parallel_loop3A_625 = tpu.vector_load %arg13[%parallel_loop3A_624] {strides = array<i32>} : memref<3840xf32, #tpu.memory_space<vmem>>, vector<16xf32>,
        tpu.vector_store %arg13[%parallel_loop3A_624], %parallel_loop3A_577#11 {strides = array<i32>} : memref<3840xf32, #tpu.memory_space<vmem>>, vector<16xf32>,
        %parallel_loop3A_626 = arith.constant 192 : i32
        %parallel_loop3A_627 = arith.addi %parallel_loop3A_453, %parallel_loop3A_626 : i32
        %parallel_loop3A_628 = arith.index_cast %parallel_loop3A_627 : i32 to index
        %parallel_loop3A_629 = tpu.vector_load %arg13[%parallel_loop3A_628] {strides = array<i32>} : memref<3840xf32, #tpu.memory_space<vmem>>, vector<16xf32>,
        tpu.vector_store %arg13[%parallel_loop3A_628], %parallel_loop3A_577#12 {strides = array<i32>} : memref<3840xf32, #tpu.memory_space<vmem>>, vector<16xf32>,
        %parallel_loop3A_630 = arith.constant 208 : i32
        %parallel_loop3A_631 = arith.addi %parallel_loop3A_453, %parallel_loop3A_630 : i32
        %parallel_loop3A_632 = arith.index_cast %parallel_loop3A_631 : i32 to index
        %parallel_loop3A_633 = tpu.vector_load %arg13[%parallel_loop3A_632] {strides = array<i32>} : memref<3840xf32, #tpu.memory_space<vmem>>, vector<16xf32>,
        tpu.vector_store %arg13[%parallel_loop3A_632], %parallel_loop3A_577#13 {strides = array<i32>} : memref<3840xf32, #tpu.memory_space<vmem>>, vector<16xf32>,
        %parallel_loop3A_634 = arith.constant 224 : i32
        %parallel_loop3A_635 = arith.addi %parallel_loop3A_453, %parallel_loop3A_634 : i32
        %parallel_loop3A_636 = arith.index_cast %parallel_loop3A_635 : i32 to index
        %parallel_loop3A_637 = tpu.vector_load %arg13[%parallel_loop3A_636] {strides = array<i32>} : memref<3840xf32, #tpu.memory_space<vmem>>, vector<16xf32>,
        tpu.vector_store %arg13[%parallel_loop3A_636], %parallel_loop3A_577#14 {strides = array<i32>} : memref<3840xf32, #tpu.memory_space<vmem>>, vector<16xf32>,
        %parallel_loop3A_638 = arith.constant 240 : i32
        %parallel_loop3A_639 = arith.addi %parallel_loop3A_453, %parallel_loop3A_638 : i32
        %parallel_loop3A_640 = arith.index_cast %parallel_loop3A_639 : i32 to index
        %parallel_loop3A_641 = tpu.vector_load %arg13[%parallel_loop3A_640] {strides = array<i32>} : memref<3840xf32, #tpu.memory_space<vmem>>, vector<16xf32>,
        tpu.vector_store %arg13[%parallel_loop3A_640], %parallel_loop3A_577#15 {strides = array<i32>} : memref<3840xf32, #tpu.memory_space<vmem>>, vector<16xf32>,
        %parallel_loop3A_642 = arith.constant 256 : i32
        %parallel_loop3A_643 = arith.addi %parallel_loop3A_453, %parallel_loop3A_642 : i32
        %parallel_loop3A_644 = arith.index_cast %parallel_loop3A_643 : i32 to index
        %parallel_loop3A_645 = tpu.vector_load %arg13[%parallel_loop3A_644] {strides = array<i32>} : memref<3840xf32, #tpu.memory_space<vmem>>, vector<16xf32>,
        tpu.vector_store %arg13[%parallel_loop3A_644], %parallel_loop3A_577#16 {strides = array<i32>} : memref<3840xf32, #tpu.memory_space<vmem>>, vector<16xf32>,
        %parallel_loop3A_646 = arith.constant 272 : i32
        %parallel_loop3A_647 = arith.addi %parallel_loop3A_453, %parallel_loop3A_646 : i32
        %parallel_loop3A_648 = arith.index_cast %parallel_loop3A_647 : i32 to index
        %parallel_loop3A_649 = tpu.vector_load %arg13[%parallel_loop3A_648] {strides = array<i32>} : memref<3840xf32, #tpu.memory_space<vmem>>, vector<16xf32>,
        tpu.vector_store %arg13[%parallel_loop3A_648], %parallel_loop3A_577#17 {strides = array<i32>} : memref<3840xf32, #tpu.memory_space<vmem>>, vector<16xf32>,
        %parallel_loop3A_650 = arith.constant 288 : i32
        %parallel_loop3A_651 = arith.addi %parallel_loop3A_453, %parallel_loop3A_650 : i32
        %parallel_loop3A_652 = arith.index_cast %parallel_loop3A_651 : i32 to index
        %parallel_loop3A_653 = tpu.vector_load %arg13[%parallel_loop3A_652] {strides = array<i32>} : memref<3840xf32, #tpu.memory_space<vmem>>, vector<16xf32>,
        tpu.vector_store %arg13[%parallel_loop3A_652], %parallel_loop3A_577#18 {strides = array<i32>} : memref<3840xf32, #tpu.memory_space<vmem>>, vector<16xf32>,
        %parallel_loop3A_654 = arith.constant 304 : i32
        %parallel_loop3A_655 = arith.addi %parallel_loop3A_453, %parallel_loop3A_654 : i32
        %parallel_loop3A_656 = arith.index_cast %parallel_loop3A_655 : i32 to index
        %parallel_loop3A_657 = tpu.vector_load %arg13[%parallel_loop3A_656] {strides = array<i32>} : memref<3840xf32, #tpu.memory_space<vmem>>, vector<16xf32>,
        tpu.vector_store %arg13[%parallel_loop3A_656], %parallel_loop3A_577#19 {strides = array<i32>} : memref<3840xf32, #tpu.memory_space<vmem>>, vector<16xf32>,
        %parallel_loop3A_658 = arith.constant 320 : i32
        %parallel_loop3A_659 = arith.addi %parallel_loop3A_453, %parallel_loop3A_658 : i32
        %parallel_loop3A_660 = arith.index_cast %parallel_loop3A_659 : i32 to index
        %parallel_loop3A_661 = tpu.vector_load %arg13[%parallel_loop3A_660] {strides = array<i32>} : memref<3840xf32, #tpu.memory_space<vmem>>, vector<16xf32>,
        tpu.vector_store %arg13[%parallel_loop3A_660], %parallel_loop3A_577#20 {strides = array<i32>} : memref<3840xf32, #tpu.memory_space<vmem>>, vector<16xf32>,
        %parallel_loop3A_662 = arith.constant 336 : i32
        %parallel_loop3A_663 = arith.addi %parallel_loop3A_453, %parallel_loop3A_662 : i32
        %parallel_loop3A_664 = arith.index_cast %parallel_loop3A_663 : i32 to index
        %parallel_loop3A_665 = tpu.vector_load %arg13[%parallel_loop3A_664] {strides = array<i32>} : memref<3840xf32, #tpu.memory_space<vmem>>, vector<16xf32>,
        tpu.vector_store %arg13[%parallel_loop3A_664], %parallel_loop3A_577#21 {strides = array<i32>} : memref<3840xf32, #tpu.memory_space<vmem>>, vector<16xf32>,
        %parallel_loop3A_666 = arith.constant 352 : i32
        %parallel_loop3A_667 = arith.addi %parallel_loop3A_453, %parallel_loop3A_666 : i32
        %parallel_loop3A_668 = arith.index_cast %parallel_loop3A_667 : i32 to index
        %parallel_loop3A_669 = tpu.vector_load %arg13[%parallel_loop3A_668] {strides = array<i32>} : memref<3840xf32, #tpu.memory_space<vmem>>, vector<16xf32>,
        tpu.vector_store %arg13[%parallel_loop3A_668], %parallel_loop3A_577#22 {strides = array<i32>} : memref<3840xf32, #tpu.memory_space<vmem>>, vector<16xf32>,
        %parallel_loop3A_670 = arith.constant 368 : i32
        %parallel_loop3A_671 = arith.addi %parallel_loop3A_453, %parallel_loop3A_670 : i32
        %parallel_loop3A_672 = arith.index_cast %parallel_loop3A_671 : i32 to index
        %parallel_loop3A_673 = tpu.vector_load %arg13[%parallel_loop3A_672] {strides = array<i32>} : memref<3840xf32, #tpu.memory_space<vmem>>, vector<16xf32>,
        tpu.vector_store %arg13[%parallel_loop3A_672], %parallel_loop3A_577#23 {strides = array<i32>} : memref<3840xf32, #tpu.memory_space<vmem>>, vector<16xf32>,
        %parallel_loop3A_674 = arith.constant 384 : i32
        %parallel_loop3A_675 = arith.addi %parallel_loop3A_453, %parallel_loop3A_674 : i32
        %parallel_loop3A_676 = arith.index_cast %parallel_loop3A_675 : i32 to index
        %parallel_loop3A_677 = tpu.vector_load %arg13[%parallel_loop3A_676] {strides = array<i32>} : memref<3840xf32, #tpu.memory_space<vmem>>, vector<16xf32>,
        tpu.vector_store %arg13[%parallel_loop3A_676], %parallel_loop3A_577#24 {strides = array<i32>} : memref<3840xf32, #tpu.memory_space<vmem>>, vector<16xf32>,
        %parallel_loop3A_678 = arith.constant 400 : i32
        %parallel_loop3A_679 = arith.addi %parallel_loop3A_453, %parallel_loop3A_678 : i32
        %parallel_loop3A_680 = arith.index_cast %parallel_loop3A_679 : i32 to index
        %parallel_loop3A_681 = tpu.vector_load %arg13[%parallel_loop3A_680] {strides = array<i32>} : memref<3840xf32, #tpu.memory_space<vmem>>, vector<16xf32>,
        tpu.vector_store %arg13[%parallel_loop3A_680], %parallel_loop3A_577#25 {strides = array<i32>} : memref<3840xf32, #tpu.memory_space<vmem>>, vector<16xf32>,
        %parallel_loop3A_682 = arith.constant 416 : i32
        %parallel_loop3A_683 = arith.addi %parallel_loop3A_453, %parallel_loop3A_682 : i32
        %parallel_loop3A_684 = arith.index_cast %parallel_loop3A_683 : i32 to index
        %parallel_loop3A_685 = tpu.vector_load %arg13[%parallel_loop3A_684] {strides = array<i32>} : memref<3840xf32, #tpu.memory_space<vmem>>, vector<16xf32>,
        tpu.vector_store %arg13[%parallel_loop3A_684], %parallel_loop3A_577#26 {strides = array<i32>} : memref<3840xf32, #tpu.memory_space<vmem>>, vector<16xf32>,
        %parallel_loop3A_686 = arith.constant 432 : i32
        %parallel_loop3A_687 = arith.addi %parallel_loop3A_453, %parallel_loop3A_686 : i32
        %parallel_loop3A_688 = arith.index_cast %parallel_loop3A_687 : i32 to index
        %parallel_loop3A_689 = tpu.vector_load %arg13[%parallel_loop3A_688] {strides = array<i32>} : memref<3840xf32, #tpu.memory_space<vmem>>, vector<16xf32>,
        tpu.vector_store %arg13[%parallel_loop3A_688], %parallel_loop3A_577#27 {strides = array<i32>} : memref<3840xf32, #tpu.memory_space<vmem>>, vector<16xf32>,
        %parallel_loop3A_690 = arith.constant 448 : i32
        %parallel_loop3A_691 = arith.addi %parallel_loop3A_453, %parallel_loop3A_690 : i32
        %parallel_loop3A_692 = arith.index_cast %parallel_loop3A_691 : i32 to index
        %parallel_loop3A_693 = tpu.vector_load %arg13[%parallel_loop3A_692] {strides = array<i32>} : memref<3840xf32, #tpu.memory_space<vmem>>, vector<16xf32>,
        tpu.vector_store %arg13[%parallel_loop3A_692], %parallel_loop3A_577#28 {strides = array<i32>} : memref<3840xf32, #tpu.memory_space<vmem>>, vector<16xf32>,
        %parallel_loop3A_694 = arith.constant 464 : i32
        %parallel_loop3A_695 = arith.addi %parallel_loop3A_453, %parallel_loop3A_694 : i32
        %parallel_loop3A_696 = arith.index_cast %parallel_loop3A_695 : i32 to index
        %parallel_loop3A_697 = tpu.vector_load %arg13[%parallel_loop3A_696] {strides = array<i32>} : memref<3840xf32, #tpu.memory_space<vmem>>, vector<16xf32>,
        tpu.vector_store %arg13[%parallel_loop3A_696], %parallel_loop3A_577#29 {strides = array<i32>} : memref<3840xf32, #tpu.memory_space<vmem>>, vector<16xf32>,
      } {sc.loop_unroll_factor = 1 : i64, sc.parallel_access}
      %lt3A_332 = arith.constant 11 : i32
      %lt3A_333 = arith.cmpi slt, %scan3A_225, %lt3A_332 : i32
      %convert_element_type3A_334 = arith.extui %lt3A_333 : i1 to i32
      %cond3A_335 = arith.constant 0 : i32
      %cond3A_336 = arith.cmpi ne, %convert_element_type3A_334, %cond3A_335 : i32
      scf.if %cond3A_336 {
        %add3A_451 = arith.constant 2 : i32
        %add3A_452 = arith.addi %add3A_231, %add3A_451 : i32
        %mul3A_453 = arith.constant 1024 : i32
        %mul3A_454 = arith.muli %add3A_452, %mul3A_453 : i32
        %multiple_of3A_455 = tpu.assume_multiple %mul3A_454, 128 : i32
        %dma_start3A_456 = arith.constant 0 : i32
        %dma_start3A_457 = arith.constant 0 : i32
        %dma_start3A_458 = arith.constant 0 : i32
        %dma_start3A_459 = arith.constant 0 : i32
        %dma_start3A_460 = tpu.memref_slice %arg9[%dma_start3A_457, %dma_start3A_458, %dma_start3A_459] : memref<5x8x1024xf32, #tpu.memory_space<vmem>> -> memref<1x8x1024xf32, #tpu.memory_space<vmem>>
        %dma_start3A_461 = tpu.memref_squeeze %dma_start3A_460 : memref<1x8x1024xf32, #tpu.memory_space<vmem>> -> memref<8x1024xf32, #tpu.memory_space<vmem>>
        %dma_start3A_462 = tpu.memref_slice %arg4[%dma_start3A_456, %multiple_of3A, %multiple_of3A_455] : memref<5x64x100000xf32, #tpu.memory_space<hbm>> -> memref<1x8x1024xf32, #tpu.memory_space<hbm>>
        %dma_start3A_463 = tpu.memref_squeeze %dma_start3A_462 : memref<1x8x1024xf32, #tpu.memory_space<hbm>> -> memref<8x1024xf32, #tpu.memory_space<hbm>>
        %dma_start3A_464 = arith.constant 0 : i32
        %dma_start3A_465 = arith.constant 0 : i32
        %dma_start3A_466 = tpu.memref_slice %arg9[%dma_start3A_457, %dma_start3A_464, %dma_start3A_465] : memref<5x8x1024xf32, #tpu.memory_space<vmem>> -> memref<1x8x1024xf32, #tpu.memory_space<vmem>>
        %dma_start3A_467 = tpu.memref_squeeze %dma_start3A_466 : memref<1x8x1024xf32, #tpu.memory_space<vmem>> -> memref<8x1024xf32, #tpu.memory_space<vmem>>
        %dma_start3A_468 = tpu.memref_slice %arg4[%dma_start3A_456, %multiple_of3A, %multiple_of3A_455] : memref<5x64x100000xf32, #tpu.memory_space<hbm>> -> memref<1x8x1024xf32, #tpu.memory_space<hbm>>
        %dma_start3A_469 = tpu.memref_squeeze %dma_start3A_468 : memref<1x8x1024xf32, #tpu.memory_space<hbm>> -> memref<8x1024xf32, #tpu.memory_space<hbm>>
        tpu.enqueue_dma source(%dma_start3A_469 : memref<8x1024xf32, #tpu.memory_space<hbm>>) target(%dma_start3A_467 : memref<8x1024xf32, #tpu.memory_space<vmem>>) target_semaphore(%arg16 : memref<!tpu.dma_semaphore, #tpu.memory_space<semaphore_mem>>)
        %dma_start3A_470 = arith.constant 1 : i32
        %dma_start3A_471 = arith.constant 1 : i32
        %dma_start3A_472 = arith.constant 0 : i32
        %dma_start3A_473 = arith.constant 0 : i32
        %dma_start3A_474 = tpu.memref_slice %arg9[%dma_start3A_471, %dma_start3A_472, %dma_start3A_473] : memref<5x8x1024xf32, #tpu.memory_space<vmem>> -> memref<1x8x1024xf32, #tpu.memory_space<vmem>>
        %dma_start3A_475 = tpu.memref_squeeze %dma_start3A_474 : memref<1x8x1024xf32, #tpu.memory_space<vmem>> -> memref<8x1024xf32, #tpu.memory_space<vmem>>
        %dma_start3A_476 = tpu.memref_slice %arg4[%dma_start3A_470, %multiple_of3A, %multiple_of3A_455] : memref<5x64x100000xf32, #tpu.memory_space<hbm>> -> memref<1x8x1024xf32, #tpu.memory_space<hbm>>
        %dma_start3A_477 = tpu.memref_squeeze %dma_start3A_476 : memref<1x8x1024xf32, #tpu.memory_space<hbm>> -> memref<8x1024xf32, #tpu.memory_space<hbm>>
        %dma_start3A_478 = arith.constant 0 : i32
        %dma_start3A_479 = arith.constant 0 : i32
        %dma_start3A_480 = tpu.memref_slice %arg9[%dma_start3A_471, %dma_start3A_478, %dma_start3A_479] : memref<5x8x1024xf32, #tpu.memory_space<vmem>> -> memref<1x8x1024xf32, #tpu.memory_space<vmem>>
        %dma_start3A_481 = tpu.memref_squeeze %dma_start3A_480 : memref<1x8x1024xf32, #tpu.memory_space<vmem>> -> memref<8x1024xf32, #tpu.memory_space<vmem>>
        %dma_start3A_482 = tpu.memref_slice %arg4[%dma_start3A_470, %multiple_of3A, %multiple_of3A_455] : memref<5x64x100000xf32, #tpu.memory_space<hbm>> -> memref<1x8x1024xf32, #tpu.memory_space<hbm>>
        %dma_start3A_483 = tpu.memref_squeeze %dma_start3A_482 : memref<1x8x1024xf32, #tpu.memory_space<hbm>> -> memref<8x1024xf32, #tpu.memory_space<hbm>>
        tpu.enqueue_dma source(%dma_start3A_483 : memref<8x1024xf32, #tpu.memory_space<hbm>>) target(%dma_start3A_481 : memref<8x1024xf32, #tpu.memory_space<vmem>>) target_semaphore(%arg16 : memref<!tpu.dma_semaphore, #tpu.memory_space<semaphore_mem>>)
        %dma_start3A_484 = arith.constant 2 : i32
        %dma_start3A_485 = arith.constant 2 : i32
        %dma_start3A_486 = arith.constant 0 : i32
        %dma_start3A_487 = arith.constant 0 : i32
        %dma_start3A_488 = tpu.memref_slice %arg9[%dma_start3A_485, %dma_start3A_486, %dma_start3A_487] : memref<5x8x1024xf32, #tpu.memory_space<vmem>> -> memref<1x8x1024xf32, #tpu.memory_space<vmem>>
        %dma_start3A_489 = tpu.memref_squeeze %dma_start3A_488 : memref<1x8x1024xf32, #tpu.memory_space<vmem>> -> memref<8x1024xf32, #tpu.memory_space<vmem>>
        %dma_start3A_490 = tpu.memref_slice %arg4[%dma_start3A_484, %multiple_of3A, %multiple_of3A_455] : memref<5x64x100000xf32, #tpu.memory_space<hbm>> -> memref<1x8x1024xf32, #tpu.memory_space<hbm>>
        %dma_start3A_491 = tpu.memref_squeeze %dma_start3A_490 : memref<1x8x1024xf32, #tpu.memory_space<hbm>> -> memref<8x1024xf32, #tpu.memory_space<hbm>>
        %dma_start3A_492 = arith.constant 0 : i32
        %dma_start3A_493 = arith.constant 0 : i32
        %dma_start3A_494 = tpu.memref_slice %arg9[%dma_start3A_485, %dma_start3A_492, %dma_start3A_493] : memref<5x8x1024xf32, #tpu.memory_space<vmem>> -> memref<1x8x1024xf32, #tpu.memory_space<vmem>>
        %dma_start3A_495 = tpu.memref_squeeze %dma_start3A_494 : memref<1x8x1024xf32, #tpu.memory_space<vmem>> -> memref<8x1024xf32, #tpu.memory_space<vmem>>
        %dma_start3A_496 = tpu.memref_slice %arg4[%dma_start3A_484, %multiple_of3A, %multiple_of3A_455] : memref<5x64x100000xf32, #tpu.memory_space<hbm>> -> memref<1x8x1024xf32, #tpu.memory_space<hbm>>
        %dma_start3A_497 = tpu.memref_squeeze %dma_start3A_496 : memref<1x8x1024xf32, #tpu.memory_space<hbm>> -> memref<8x1024xf32, #tpu.memory_space<hbm>>
        tpu.enqueue_dma source(%dma_start3A_497 : memref<8x1024xf32, #tpu.memory_space<hbm>>) target(%dma_start3A_495 : memref<8x1024xf32, #tpu.memory_space<vmem>>) target_semaphore(%arg16 : memref<!tpu.dma_semaphore, #tpu.memory_space<semaphore_mem>>)
        %dma_start3A_498 = arith.constant 3 : i32
        %dma_start3A_499 = arith.constant 3 : i32
        %dma_start3A_500 = arith.constant 0 : i32
        %dma_start3A_501 = arith.constant 0 : i32
        %dma_start3A_502 = tpu.memref_slice %arg9[%dma_start3A_499, %dma_start3A_500, %dma_start3A_501] : memref<5x8x1024xf32, #tpu.memory_space<vmem>> -> memref<1x8x1024xf32, #tpu.memory_space<vmem>>
        %dma_start3A_503 = tpu.memref_squeeze %dma_start3A_502 : memref<1x8x1024xf32, #tpu.memory_space<vmem>> -> memref<8x1024xf32, #tpu.memory_space<vmem>>
        %dma_start3A_504 = tpu.memref_slice %arg4[%dma_start3A_498, %multiple_of3A, %multiple_of3A_455] : memref<5x64x100000xf32, #tpu.memory_space<hbm>> -> memref<1x8x1024xf32, #tpu.memory_space<hbm>>
        %dma_start3A_505 = tpu.memref_squeeze %dma_start3A_504 : memref<1x8x1024xf32, #tpu.memory_space<hbm>> -> memref<8x1024xf32, #tpu.memory_space<hbm>>
        %dma_start3A_506 = arith.constant 0 : i32
        %dma_start3A_507 = arith.constant 0 : i32
        %dma_start3A_508 = tpu.memref_slice %arg9[%dma_start3A_499, %dma_start3A_506, %dma_start3A_507] : memref<5x8x1024xf32, #tpu.memory_space<vmem>> -> memref<1x8x1024xf32, #tpu.memory_space<vmem>>
        %dma_start3A_509 = tpu.memref_squeeze %dma_start3A_508 : memref<1x8x1024xf32, #tpu.memory_space<vmem>> -> memref<8x1024xf32, #tpu.memory_space<vmem>>
        %dma_start3A_510 = tpu.memref_slice %arg4[%dma_start3A_498, %multiple_of3A, %multiple_of3A_455] : memref<5x64x100000xf32, #tpu.memory_space<hbm>> -> memref<1x8x1024xf32, #tpu.memory_space<hbm>>
        %dma_start3A_511 = tpu.memref_squeeze %dma_start3A_510 : memref<1x8x1024xf32, #tpu.memory_space<hbm>> -> memref<8x1024xf32, #tpu.memory_space<hbm>>
        tpu.enqueue_dma source(%dma_start3A_511 : memref<8x1024xf32, #tpu.memory_space<hbm>>) target(%dma_start3A_509 : memref<8x1024xf32, #tpu.memory_space<vmem>>) target_semaphore(%arg16 : memref<!tpu.dma_semaphore, #tpu.memory_space<semaphore_mem>>)
        %dma_start3A_512 = arith.constant 4 : i32
        %dma_start3A_513 = arith.constant 4 : i32
        %dma_start3A_514 = arith.constant 0 : i32
        %dma_start3A_515 = arith.constant 0 : i32
        %dma_start3A_516 = tpu.memref_slice %arg9[%dma_start3A_513, %dma_start3A_514, %dma_start3A_515] : memref<5x8x1024xf32, #tpu.memory_space<vmem>> -> memref<1x8x1024xf32, #tpu.memory_space<vmem>>
        %dma_start3A_517 = tpu.memref_squeeze %dma_start3A_516 : memref<1x8x1024xf32, #tpu.memory_space<vmem>> -> memref<8x1024xf32, #tpu.memory_space<vmem>>
        %dma_start3A_518 = tpu.memref_slice %arg4[%dma_start3A_512, %multiple_of3A, %multiple_of3A_455] : memref<5x64x100000xf32, #tpu.memory_space<hbm>> -> memref<1x8x1024xf32, #tpu.memory_space<hbm>>
        %dma_start3A_519 = tpu.memref_squeeze %dma_start3A_518 : memref<1x8x1024xf32, #tpu.memory_space<hbm>> -> memref<8x1024xf32, #tpu.memory_space<hbm>>
        %dma_start3A_520 = arith.constant 0 : i32
        %dma_start3A_521 = arith.constant 0 : i32
        %dma_start3A_522 = tpu.memref_slice %arg9[%dma_start3A_513, %dma_start3A_520, %dma_start3A_521] : memref<5x8x1024xf32, #tpu.memory_space<vmem>> -> memref<1x8x1024xf32, #tpu.memory_space<vmem>>
        %dma_start3A_523 = tpu.memref_squeeze %dma_start3A_522 : memref<1x8x1024xf32, #tpu.memory_space<vmem>> -> memref<8x1024xf32, #tpu.memory_space<vmem>>
        %dma_start3A_524 = tpu.memref_slice %arg4[%dma_start3A_512, %multiple_of3A, %multiple_of3A_455] : memref<5x64x100000xf32, #tpu.memory_space<hbm>> -> memref<1x8x1024xf32, #tpu.memory_space<hbm>>
        %dma_start3A_525 = tpu.memref_squeeze %dma_start3A_524 : memref<1x8x1024xf32, #tpu.memory_space<hbm>> -> memref<8x1024xf32, #tpu.memory_space<hbm>>
        tpu.enqueue_dma source(%dma_start3A_525 : memref<8x1024xf32, #tpu.memory_space<hbm>>) target(%dma_start3A_523 : memref<8x1024xf32, #tpu.memory_space<vmem>>) target_semaphore(%arg16 : memref<!tpu.dma_semaphore, #tpu.memory_space<semaphore_mem>>)
        %dma_start3A_526 = tpu.memref_slice %arg2[%multiple_of3A, %multiple_of3A_455] : memref<64x100000xf32, #tpu.memory_space<hbm>> -> memref<8x1024xf32, #tpu.memory_space<hbm>>
        %dma_start3A_527 = tpu.memref_slice %arg2[%multiple_of3A, %multiple_of3A_455] : memref<64x100000xf32, #tpu.memory_space<hbm>> -> memref<8x1024xf32, #tpu.memory_space<hbm>>
        tpu.enqueue_dma source(%dma_start3A_527 : memref<8x1024xf32, #tpu.memory_space<hbm>>) target(%arg11 : memref<8x1024xf32, #tpu.memory_space<vmem>>) target_semaphore(%arg16 : memref<!tpu.dma_semaphore, #tpu.memory_space<semaphore_mem>>)
      } else {
      }
      %mul3A_337 = arith.constant 2 : i32
      %mul3A_338 = arith.muli %scan3A_225, %mul3A_337 : i32
      %add3A_339 = arith.addi %mul3A_34, %mul3A_338 : i32
      %add3A_340 = arith.constant 1 : i32
      %add3A_341 = arith.addi %add3A_339, %add3A_340 : i32
      %mul3A_342 = arith.constant 1024 : i32
      %mul3A_343 = arith.muli %add3A_341, %mul3A_342 : i32
      %multiple_of3A_344 = tpu.assume_multiple %mul3A_343, 128 : i32
      %dma_wait3A_345 = arith.constant 0 : i32
      %dma_wait3A_346 = arith.constant 0 : i32
      %dma_wait3A_347 = arith.constant 0 : i32
      %dma_wait3A_348 = arith.constant 0 : i32
      %dma_wait3A_349 = tpu.memref_slice %arg10[%dma_wait3A_346, %dma_wait3A_347, %dma_wait3A_348] : memref<5x8x1024xf32, #tpu.memory_space<vmem>> -> memref<1x8x1024xf32, #tpu.memory_space<vmem>>
      %dma_wait3A_350 = tpu.memref_squeeze %dma_wait3A_349 : memref<1x8x1024xf32, #tpu.memory_space<vmem>> -> memref<8x1024xf32, #tpu.memory_space<vmem>>
      %dma_wait3A_351 = tpu.memref_slice %arg4[%dma_wait3A_345, %multiple_of3A, %multiple_of3A_344] : memref<5x64x100000xf32, #tpu.memory_space<hbm>> -> memref<1x8x1024xf32, #tpu.memory_space<hbm>>
      %dma_wait3A_352 = tpu.memref_squeeze %dma_wait3A_351 : memref<1x8x1024xf32, #tpu.memory_space<hbm>> -> memref<8x1024xf32, #tpu.memory_space<hbm>>
      %dma_wait3A_353 = arith.constant 0 : i32
      %dma_wait3A_354 = arith.constant 0 : i32
      %dma_wait3A_355 = tpu.memref_slice %arg10[%dma_wait3A_346, %dma_wait3A_353, %dma_wait3A_354] : memref<5x8x1024xf32, #tpu.memory_space<vmem>> -> memref<1x8x1024xf32, #tpu.memory_space<vmem>>
      %dma_wait3A_356 = tpu.memref_squeeze %dma_wait3A_355 : memref<1x8x1024xf32, #tpu.memory_space<vmem>> -> memref<8x1024xf32, #tpu.memory_space<vmem>>
      %dma_wait3A_357 = tpu.memref_slice %arg4[%dma_wait3A_345, %multiple_of3A, %multiple_of3A_344] : memref<5x64x100000xf32, #tpu.memory_space<hbm>> -> memref<1x8x1024xf32, #tpu.memory_space<hbm>>
      %dma_wait3A_358 = tpu.memref_squeeze %dma_wait3A_357 : memref<1x8x1024xf32, #tpu.memory_space<hbm>> -> memref<8x1024xf32, #tpu.memory_space<hbm>>
      tpu.wait_dma2 semaphore(%arg17 : memref<!tpu.dma_semaphore, #tpu.memory_space<semaphore_mem>>) src(%dma_wait3A_358 : memref<8x1024xf32, #tpu.memory_space<hbm>>) dst(%dma_wait3A_356 : memref<8x1024xf32, #tpu.memory_space<vmem>>)
      %dma_wait3A_359 = arith.constant 1 : i32
      %dma_wait3A_360 = arith.constant 1 : i32
      %dma_wait3A_361 = arith.constant 0 : i32
      %dma_wait3A_362 = arith.constant 0 : i32
      %dma_wait3A_363 = tpu.memref_slice %arg10[%dma_wait3A_360, %dma_wait3A_361, %dma_wait3A_362] : memref<5x8x1024xf32, #tpu.memory_space<vmem>> -> memref<1x8x1024xf32, #tpu.memory_space<vmem>>
      %dma_wait3A_364 = tpu.memref_squeeze %dma_wait3A_363 : memref<1x8x1024xf32, #tpu.memory_space<vmem>> -> memref<8x1024xf32, #tpu.memory_space<vmem>>
      %dma_wait3A_365 = tpu.memref_slice %arg4[%dma_wait3A_359, %multiple_of3A, %multiple_of3A_344] : memref<5x64x100000xf32, #tpu.memory_space<hbm>> -> memref<1x8x1024xf32, #tpu.memory_space<hbm>>
      %dma_wait3A_366 = tpu.memref_squeeze %dma_wait3A_365 : memref<1x8x1024xf32, #tpu.memory_space<hbm>> -> memref<8x1024xf32, #tpu.memory_space<hbm>>
      %dma_wait3A_367 = arith.constant 0 : i32
      %dma_wait3A_368 = arith.constant 0 : i32
      %dma_wait3A_369 = tpu.memref_slice %arg10[%dma_wait3A_360, %dma_wait3A_367, %dma_wait3A_368] : memref<5x8x1024xf32, #tpu.memory_space<vmem>> -> memref<1x8x1024xf32, #tpu.memory_space<vmem>>
      %dma_wait3A_370 = tpu.memref_squeeze %dma_wait3A_369 : memref<1x8x1024xf32, #tpu.memory_space<vmem>> -> memref<8x1024xf32, #tpu.memory_space<vmem>>
      %dma_wait3A_371 = tpu.memref_slice %arg4[%dma_wait3A_359, %multiple_of3A, %multiple_of3A_344] : memref<5x64x100000xf32, #tpu.memory_space<hbm>> -> memref<1x8x1024xf32, #tpu.memory_space<hbm>>
      %dma_wait3A_372 = tpu.memref_squeeze %dma_wait3A_371 : memref<1x8x1024xf32, #tpu.memory_space<hbm>> -> memref<8x1024xf32, #tpu.memory_space<hbm>>
      tpu.wait_dma2 semaphore(%arg17 : memref<!tpu.dma_semaphore, #tpu.memory_space<semaphore_mem>>) src(%dma_wait3A_372 : memref<8x1024xf32, #tpu.memory_space<hbm>>) dst(%dma_wait3A_370 : memref<8x1024xf32, #tpu.memory_space<vmem>>)
      %dma_wait3A_373 = arith.constant 2 : i32
      %dma_wait3A_374 = arith.constant 2 : i32
      %dma_wait3A_375 = arith.constant 0 : i32
      %dma_wait3A_376 = arith.constant 0 : i32
      %dma_wait3A_377 = tpu.memref_slice %arg10[%dma_wait3A_374, %dma_wait3A_375, %dma_wait3A_376] : memref<5x8x1024xf32, #tpu.memory_space<vmem>> -> memref<1x8x1024xf32, #tpu.memory_space<vmem>>
      %dma_wait3A_378 = tpu.memref_squeeze %dma_wait3A_377 : memref<1x8x1024xf32, #tpu.memory_space<vmem>> -> memref<8x1024xf32, #tpu.memory_space<vmem>>
      %dma_wait3A_379 = tpu.memref_slice %arg4[%dma_wait3A_373, %multiple_of3A, %multiple_of3A_344] : memref<5x64x100000xf32, #tpu.memory_space<hbm>> -> memref<1x8x1024xf32, #tpu.memory_space<hbm>>
      %dma_wait3A_380 = tpu.memref_squeeze %dma_wait3A_379 : memref<1x8x1024xf32, #tpu.memory_space<hbm>> -> memref<8x1024xf32, #tpu.memory_space<hbm>>
      %dma_wait3A_381 = arith.constant 0 : i32
      %dma_wait3A_382 = arith.constant 0 : i32
      %dma_wait3A_383 = tpu.memref_slice %arg10[%dma_wait3A_374, %dma_wait3A_381, %dma_wait3A_382] : memref<5x8x1024xf32, #tpu.memory_space<vmem>> -> memref<1x8x1024xf32, #tpu.memory_space<vmem>>
      %dma_wait3A_384 = tpu.memref_squeeze %dma_wait3A_383 : memref<1x8x1024xf32, #tpu.memory_space<vmem>> -> memref<8x1024xf32, #tpu.memory_space<vmem>>
      %dma_wait3A_385 = tpu.memref_slice %arg4[%dma_wait3A_373, %multiple_of3A, %multiple_of3A_344] : memref<5x64x100000xf32, #tpu.memory_space<hbm>> -> memref<1x8x1024xf32, #tpu.memory_space<hbm>>
      %dma_wait3A_386 = tpu.memref_squeeze %dma_wait3A_385 : memref<1x8x1024xf32, #tpu.memory_space<hbm>> -> memref<8x1024xf32, #tpu.memory_space<hbm>>
      tpu.wait_dma2 semaphore(%arg17 : memref<!tpu.dma_semaphore, #tpu.memory_space<semaphore_mem>>) src(%dma_wait3A_386 : memref<8x1024xf32, #tpu.memory_space<hbm>>) dst(%dma_wait3A_384 : memref<8x1024xf32, #tpu.memory_space<vmem>>)
      %dma_wait3A_387 = arith.constant 3 : i32
      %dma_wait3A_388 = arith.constant 3 : i32
      %dma_wait3A_389 = arith.constant 0 : i32
      %dma_wait3A_390 = arith.constant 0 : i32
      %dma_wait3A_391 = tpu.memref_slice %arg10[%dma_wait3A_388, %dma_wait3A_389, %dma_wait3A_390] : memref<5x8x1024xf32, #tpu.memory_space<vmem>> -> memref<1x8x1024xf32, #tpu.memory_space<vmem>>
      %dma_wait3A_392 = tpu.memref_squeeze %dma_wait3A_391 : memref<1x8x1024xf32, #tpu.memory_space<vmem>> -> memref<8x1024xf32, #tpu.memory_space<vmem>>
      %dma_wait3A_393 = tpu.memref_slice %arg4[%dma_wait3A_387, %multiple_of3A, %multiple_of3A_344] : memref<5x64x100000xf32, #tpu.memory_space<hbm>> -> memref<1x8x1024xf32, #tpu.memory_space<hbm>>
      %dma_wait3A_394 = tpu.memref_squeeze %dma_wait3A_393 : memref<1x8x1024xf32, #tpu.memory_space<hbm>> -> memref<8x1024xf32, #tpu.memory_space<hbm>>
      %dma_wait3A_395 = arith.constant 0 : i32
      %dma_wait3A_396 = arith.constant 0 : i32
      %dma_wait3A_397 = tpu.memref_slice %arg10[%dma_wait3A_388, %dma_wait3A_395, %dma_wait3A_396] : memref<5x8x1024xf32, #tpu.memory_space<vmem>> -> memref<1x8x1024xf32, #tpu.memory_space<vmem>>
      %dma_wait3A_398 = tpu.memref_squeeze %dma_wait3A_397 : memref<1x8x1024xf32, #tpu.memory_space<vmem>> -> memref<8x1024xf32, #tpu.memory_space<vmem>>
      %dma_wait3A_399 = tpu.memref_slice %arg4[%dma_wait3A_387, %multiple_of3A, %multiple_of3A_344] : memref<5x64x100000xf32, #tpu.memory_space<hbm>> -> memref<1x8x1024xf32, #tpu.memory_space<hbm>>
      %dma_wait3A_400 = tpu.memref_squeeze %dma_wait3A_399 : memref<1x8x1024xf32, #tpu.memory_space<hbm>> -> memref<8x1024xf32, #tpu.memory_space<hbm>>
      tpu.wait_dma2 semaphore(%arg17 : memref<!tpu.dma_semaphore, #tpu.memory_space<semaphore_mem>>) src(%dma_wait3A_400 : memref<8x1024xf32, #tpu.memory_space<hbm>>) dst(%dma_wait3A_398 : memref<8x1024xf32, #tpu.memory_space<vmem>>)
      %dma_wait3A_401 = arith.constant 4 : i32
      %dma_wait3A_402 = arith.constant 4 : i32
      %dma_wait3A_403 = arith.constant 0 : i32
      %dma_wait3A_404 = arith.constant 0 : i32
      %dma_wait3A_405 = tpu.memref_slice %arg10[%dma_wait3A_402, %dma_wait3A_403, %dma_wait3A_404] : memref<5x8x1024xf32, #tpu.memory_space<vmem>> -> memref<1x8x1024xf32, #tpu.memory_space<vmem>>
      %dma_wait3A_406 = tpu.memref_squeeze %dma_wait3A_405 : memref<1x8x1024xf32, #tpu.memory_space<vmem>> -> memref<8x1024xf32, #tpu.memory_space<vmem>>
      %dma_wait3A_407 = tpu.memref_slice %arg4[%dma_wait3A_401, %multiple_of3A, %multiple_of3A_344] : memref<5x64x100000xf32, #tpu.memory_space<hbm>> -> memref<1x8x1024xf32, #tpu.memory_space<hbm>>
      %dma_wait3A_408 = tpu.memref_squeeze %dma_wait3A_407 : memref<1x8x1024xf32, #tpu.memory_space<hbm>> -> memref<8x1024xf32, #tpu.memory_space<hbm>>
      %dma_wait3A_409 = arith.constant 0 : i32
      %dma_wait3A_410 = arith.constant 0 : i32
      %dma_wait3A_411 = tpu.memref_slice %arg10[%dma_wait3A_402, %dma_wait3A_409, %dma_wait3A_410] : memref<5x8x1024xf32, #tpu.memory_space<vmem>> -> memref<1x8x1024xf32, #tpu.memory_space<vmem>>
      %dma_wait3A_412 = tpu.memref_squeeze %dma_wait3A_411 : memref<1x8x1024xf32, #tpu.memory_space<vmem>> -> memref<8x1024xf32, #tpu.memory_space<vmem>>
      %dma_wait3A_413 = tpu.memref_slice %arg4[%dma_wait3A_401, %multiple_of3A, %multiple_of3A_344] : memref<5x64x100000xf32, #tpu.memory_space<hbm>> -> memref<1x8x1024xf32, #tpu.memory_space<hbm>>
      %dma_wait3A_414 = tpu.memref_squeeze %dma_wait3A_413 : memref<1x8x1024xf32, #tpu.memory_space<hbm>> -> memref<8x1024xf32, #tpu.memory_space<hbm>>
      tpu.wait_dma2 semaphore(%arg17 : memref<!tpu.dma_semaphore, #tpu.memory_space<semaphore_mem>>) src(%dma_wait3A_414 : memref<8x1024xf32, #tpu.memory_space<hbm>>) dst(%dma_wait3A_412 : memref<8x1024xf32, #tpu.memory_space<vmem>>)
      %dma_wait3A_415 = tpu.memref_slice %arg2[%multiple_of3A, %multiple_of3A_344] : memref<64x100000xf32, #tpu.memory_space<hbm>> -> memref<8x1024xf32, #tpu.memory_space<hbm>>
      %dma_wait3A_416 = tpu.memref_slice %arg2[%multiple_of3A, %multiple_of3A_344] : memref<64x100000xf32, #tpu.memory_space<hbm>> -> memref<8x1024xf32, #tpu.memory_space<hbm>>
      tpu.wait_dma2 semaphore(%arg17 : memref<!tpu.dma_semaphore, #tpu.memory_space<semaphore_mem>>) src(%dma_wait3A_416 : memref<8x1024xf32, #tpu.memory_space<hbm>>) dst(%arg12 : memref<8x1024xf32, #tpu.memory_space<vmem>>)
      %mul3A_417 = arith.constant 1024 : i32
      %mul3A_418 = arith.muli %add3A_341, %mul3A_417 : i32
      %sub3A_419 = vector.broadcast %mul3A_418 : i32 to vector<16xi32>
      %sub3A_420 = arith.subi %gather3A, %sub3A_419 : vector<16xi32>
      %ge3A_421 = arith.constant 0 : i32
      %ge3A_422 = vector.broadcast %ge3A_421 : i32 to vector<16xi32>
      %ge3A_423 = arith.cmpi sge, %sub3A_420, %ge3A_422 : vector<16xi32>
      %lt3A_424 = arith.constant 1024 : i32
      %lt3A_425 = vector.broadcast %lt3A_424 : i32 to vector<16xi32>
      %lt3A_426 = arith.cmpi slt, %sub3A_420, %lt3A_425 : vector<16xi32>
      %and3A_427 = arith.andi %ge3A_423, %lt3A_426 : vector<16xi1>
      %jit3A_428 = arith.constant 0 : i32
      %jit3A_429 = arith.constant 1023 : i32
      %max3A_430 = vector.broadcast %jit3A_428 : i32 to vector<16xi32>
      %max3A_431 = arith.maxsi %max3A_430, %sub3A_420 : vector<16xi32>
      %min3A_432 = vector.broadcast %jit3A_429 : i32 to vector<16xi32>
      %min3A_433 = arith.minsi %min3A_432, %max3A_431 : vector<16xi32>
      %and3A_434 = arith.constant 7 : i32
      %and3A_435 = vector.broadcast %and3A_434 : i32 to vector<16xi32>
      %and3A_436 = arith.andi %iota3A, %and3A_435 : vector<16xi32>
      %gather3A_437 = tpu.vector_load_idx %arg12[%and3A_436, %min3A_433] : memref<8x1024xf32, #tpu.memory_space<vmem>>[vector<16xi32>, vector<16xi32>], vector<16xf32>,
      %and3A_438 = arith.andi %and3A_427, %lt3A_42 : vector<16xi1>
      %jit3A_439 = arith.constant 0.000000e+00 : f32
      %broadcast_in_dim3A_440 = vector.broadcast %jit3A_439 : f32 to vector<16xf32>
      %select_n3A_441 = arith.select %and3A_438, %gather3A_437, %broadcast_in_dim3A_440 : vector<16xi1>, vector<16xf32>
      %add3A_442 = arith.addf %add3A_329, %select_n3A_441 : vector<16xf32>
      %parallel_loop3A_443 = arith.constant 0 : i32
      %parallel_loop3A_444 = arith.constant 8 : i32
      %parallel_loop3A_445 = arith.constant 1 : i32
      scf.for %parallel_loop3A_451 = %parallel_loop3A_443 to %parallel_loop3A_444 step %parallel_loop3A_445  : i32 {
        %parallel_loop3A_452 = arith.constant 480 : i32
        %parallel_loop3A_453 = arith.muli %parallel_loop3A_451, %parallel_loop3A_452 : i32
        %parallel_loop3A_454 = arith.constant 0 : i32
        %parallel_loop3A_455 = arith.addi %parallel_loop3A_453, %parallel_loop3A_454 : i32
        %parallel_loop3A_456 = arith.index_cast %parallel_loop3A_455 : i32 to index
        %parallel_loop3A_457 = tpu.vector_load %arg13[%parallel_loop3A_456] {strides = array<i32>} : memref<3840xf32, #tpu.memory_space<vmem>>, vector<16xf32>,
        %parallel_loop3A_458 = arith.constant 16 : i32
        %parallel_loop3A_459 = arith.addi %parallel_loop3A_453, %parallel_loop3A_458 : i32
        %parallel_loop3A_460 = arith.index_cast %parallel_loop3A_459 : i32 to index
        %parallel_loop3A_461 = tpu.vector_load %arg13[%parallel_loop3A_460] {strides = array<i32>} : memref<3840xf32, #tpu.memory_space<vmem>>, vector<16xf32>,
        %parallel_loop3A_462 = arith.constant 32 : i32
        %parallel_loop3A_463 = arith.addi %parallel_loop3A_453, %parallel_loop3A_462 : i32
        %parallel_loop3A_464 = arith.index_cast %parallel_loop3A_463 : i32 to index
        %parallel_loop3A_465 = tpu.vector_load %arg13[%parallel_loop3A_464] {strides = array<i32>} : memref<3840xf32, #tpu.memory_space<vmem>>, vector<16xf32>,
        %parallel_loop3A_466 = arith.constant 48 : i32
        %parallel_loop3A_467 = arith.addi %parallel_loop3A_453, %parallel_loop3A_466 : i32
        %parallel_loop3A_468 = arith.index_cast %parallel_loop3A_467 : i32 to index
        %parallel_loop3A_469 = tpu.vector_load %arg13[%parallel_loop3A_468] {strides = array<i32>} : memref<3840xf32, #tpu.memory_space<vmem>>, vector<16xf32>,
        %parallel_loop3A_470 = arith.constant 64 : i32
        %parallel_loop3A_471 = arith.addi %parallel_loop3A_453, %parallel_loop3A_470 : i32
        %parallel_loop3A_472 = arith.index_cast %parallel_loop3A_471 : i32 to index
        %parallel_loop3A_473 = tpu.vector_load %arg13[%parallel_loop3A_472] {strides = array<i32>} : memref<3840xf32, #tpu.memory_space<vmem>>, vector<16xf32>,
        %parallel_loop3A_474 = arith.constant 80 : i32
        %parallel_loop3A_475 = arith.addi %parallel_loop3A_453, %parallel_loop3A_474 : i32
        %parallel_loop3A_476 = arith.index_cast %parallel_loop3A_475 : i32 to index
        %parallel_loop3A_477 = tpu.vector_load %arg13[%parallel_loop3A_476] {strides = array<i32>} : memref<3840xf32, #tpu.memory_space<vmem>>, vector<16xf32>,
        %parallel_loop3A_478 = arith.constant 96 : i32
        %parallel_loop3A_479 = arith.addi %parallel_loop3A_453, %parallel_loop3A_478 : i32
        %parallel_loop3A_480 = arith.index_cast %parallel_loop3A_479 : i32 to index
        %parallel_loop3A_481 = tpu.vector_load %arg13[%parallel_loop3A_480] {strides = array<i32>} : memref<3840xf32, #tpu.memory_space<vmem>>, vector<16xf32>,
        %parallel_loop3A_482 = arith.constant 112 : i32
        %parallel_loop3A_483 = arith.addi %parallel_loop3A_453, %parallel_loop3A_482 : i32
        %parallel_loop3A_484 = arith.index_cast %parallel_loop3A_483 : i32 to index
        %parallel_loop3A_485 = tpu.vector_load %arg13[%parallel_loop3A_484] {strides = array<i32>} : memref<3840xf32, #tpu.memory_space<vmem>>, vector<16xf32>,
        %parallel_loop3A_486 = arith.constant 128 : i32
        %parallel_loop3A_487 = arith.addi %parallel_loop3A_453, %parallel_loop3A_486 : i32
        %parallel_loop3A_488 = arith.index_cast %parallel_loop3A_487 : i32 to index
        %parallel_loop3A_489 = tpu.vector_load %arg13[%parallel_loop3A_488] {strides = array<i32>} : memref<3840xf32, #tpu.memory_space<vmem>>, vector<16xf32>,
        %parallel_loop3A_490 = arith.constant 144 : i32
        %parallel_loop3A_491 = arith.addi %parallel_loop3A_453, %parallel_loop3A_490 : i32
        %parallel_loop3A_492 = arith.index_cast %parallel_loop3A_491 : i32 to index
        %parallel_loop3A_493 = tpu.vector_load %arg13[%parallel_loop3A_492] {strides = array<i32>} : memref<3840xf32, #tpu.memory_space<vmem>>, vector<16xf32>,
        %parallel_loop3A_494 = arith.constant 160 : i32
        %parallel_loop3A_495 = arith.addi %parallel_loop3A_453, %parallel_loop3A_494 : i32
        %parallel_loop3A_496 = arith.index_cast %parallel_loop3A_495 : i32 to index
        %parallel_loop3A_497 = tpu.vector_load %arg13[%parallel_loop3A_496] {strides = array<i32>} : memref<3840xf32, #tpu.memory_space<vmem>>, vector<16xf32>,
        %parallel_loop3A_498 = arith.constant 176 : i32
        %parallel_loop3A_499 = arith.addi %parallel_loop3A_453, %parallel_loop3A_498 : i32
        %parallel_loop3A_500 = arith.index_cast %parallel_loop3A_499 : i32 to index
        %parallel_loop3A_501 = tpu.vector_load %arg13[%parallel_loop3A_500] {strides = array<i32>} : memref<3840xf32, #tpu.memory_space<vmem>>, vector<16xf32>,
        %parallel_loop3A_502 = arith.constant 192 : i32
        %parallel_loop3A_503 = arith.addi %parallel_loop3A_453, %parallel_loop3A_502 : i32
        %parallel_loop3A_504 = arith.index_cast %parallel_loop3A_503 : i32 to index
        %parallel_loop3A_505 = tpu.vector_load %arg13[%parallel_loop3A_504] {strides = array<i32>} : memref<3840xf32, #tpu.memory_space<vmem>>, vector<16xf32>,
        %parallel_loop3A_506 = arith.constant 208 : i32
        %parallel_loop3A_507 = arith.addi %parallel_loop3A_453, %parallel_loop3A_506 : i32
        %parallel_loop3A_508 = arith.index_cast %parallel_loop3A_507 : i32 to index
        %parallel_loop3A_509 = tpu.vector_load %arg13[%parallel_loop3A_508] {strides = array<i32>} : memref<3840xf32, #tpu.memory_space<vmem>>, vector<16xf32>,
        %parallel_loop3A_510 = arith.constant 224 : i32
        %parallel_loop3A_511 = arith.addi %parallel_loop3A_453, %parallel_loop3A_510 : i32
        %parallel_loop3A_512 = arith.index_cast %parallel_loop3A_511 : i32 to index
        %parallel_loop3A_513 = tpu.vector_load %arg13[%parallel_loop3A_512] {strides = array<i32>} : memref<3840xf32, #tpu.memory_space<vmem>>, vector<16xf32>,
        %parallel_loop3A_514 = arith.constant 240 : i32
        %parallel_loop3A_515 = arith.addi %parallel_loop3A_453, %parallel_loop3A_514 : i32
        %parallel_loop3A_516 = arith.index_cast %parallel_loop3A_515 : i32 to index
        %parallel_loop3A_517 = tpu.vector_load %arg13[%parallel_loop3A_516] {strides = array<i32>} : memref<3840xf32, #tpu.memory_space<vmem>>, vector<16xf32>,
        %parallel_loop3A_518 = arith.constant 256 : i32
        %parallel_loop3A_519 = arith.addi %parallel_loop3A_453, %parallel_loop3A_518 : i32
        %parallel_loop3A_520 = arith.index_cast %parallel_loop3A_519 : i32 to index
        %parallel_loop3A_521 = tpu.vector_load %arg13[%parallel_loop3A_520] {strides = array<i32>} : memref<3840xf32, #tpu.memory_space<vmem>>, vector<16xf32>,
        %parallel_loop3A_522 = arith.constant 272 : i32
        %parallel_loop3A_523 = arith.addi %parallel_loop3A_453, %parallel_loop3A_522 : i32
        %parallel_loop3A_524 = arith.index_cast %parallel_loop3A_523 : i32 to index
        %parallel_loop3A_525 = tpu.vector_load %arg13[%parallel_loop3A_524] {strides = array<i32>} : memref<3840xf32, #tpu.memory_space<vmem>>, vector<16xf32>,
        %parallel_loop3A_526 = arith.constant 288 : i32
        %parallel_loop3A_527 = arith.addi %parallel_loop3A_453, %parallel_loop3A_526 : i32
        %parallel_loop3A_528 = arith.index_cast %parallel_loop3A_527 : i32 to index
        %parallel_loop3A_529 = tpu.vector_load %arg13[%parallel_loop3A_528] {strides = array<i32>} : memref<3840xf32, #tpu.memory_space<vmem>>, vector<16xf32>,
        %parallel_loop3A_530 = arith.constant 304 : i32
        %parallel_loop3A_531 = arith.addi %parallel_loop3A_453, %parallel_loop3A_530 : i32
        %parallel_loop3A_532 = arith.index_cast %parallel_loop3A_531 : i32 to index
        %parallel_loop3A_533 = tpu.vector_load %arg13[%parallel_loop3A_532] {strides = array<i32>} : memref<3840xf32, #tpu.memory_space<vmem>>, vector<16xf32>,
        %parallel_loop3A_534 = arith.constant 320 : i32
        %parallel_loop3A_535 = arith.addi %parallel_loop3A_453, %parallel_loop3A_534 : i32
        %parallel_loop3A_536 = arith.index_cast %parallel_loop3A_535 : i32 to index
        %parallel_loop3A_537 = tpu.vector_load %arg13[%parallel_loop3A_536] {strides = array<i32>} : memref<3840xf32, #tpu.memory_space<vmem>>, vector<16xf32>,
        %parallel_loop3A_538 = arith.constant 336 : i32
        %parallel_loop3A_539 = arith.addi %parallel_loop3A_453, %parallel_loop3A_538 : i32
        %parallel_loop3A_540 = arith.index_cast %parallel_loop3A_539 : i32 to index
        %parallel_loop3A_541 = tpu.vector_load %arg13[%parallel_loop3A_540] {strides = array<i32>} : memref<3840xf32, #tpu.memory_space<vmem>>, vector<16xf32>,
        %parallel_loop3A_542 = arith.constant 352 : i32
        %parallel_loop3A_543 = arith.addi %parallel_loop3A_453, %parallel_loop3A_542 : i32
        %parallel_loop3A_544 = arith.index_cast %parallel_loop3A_543 : i32 to index
        %parallel_loop3A_545 = tpu.vector_load %arg13[%parallel_loop3A_544] {strides = array<i32>} : memref<3840xf32, #tpu.memory_space<vmem>>, vector<16xf32>,
        %parallel_loop3A_546 = arith.constant 368 : i32
        %parallel_loop3A_547 = arith.addi %parallel_loop3A_453, %parallel_loop3A_546 : i32
        %parallel_loop3A_548 = arith.index_cast %parallel_loop3A_547 : i32 to index
        %parallel_loop3A_549 = tpu.vector_load %arg13[%parallel_loop3A_548] {strides = array<i32>} : memref<3840xf32, #tpu.memory_space<vmem>>, vector<16xf32>,
        %parallel_loop3A_550 = arith.constant 384 : i32
        %parallel_loop3A_551 = arith.addi %parallel_loop3A_453, %parallel_loop3A_550 : i32
        %parallel_loop3A_552 = arith.index_cast %parallel_loop3A_551 : i32 to index
        %parallel_loop3A_553 = tpu.vector_load %arg13[%parallel_loop3A_552] {strides = array<i32>} : memref<3840xf32, #tpu.memory_space<vmem>>, vector<16xf32>,
        %parallel_loop3A_554 = arith.constant 400 : i32
        %parallel_loop3A_555 = arith.addi %parallel_loop3A_453, %parallel_loop3A_554 : i32
        %parallel_loop3A_556 = arith.index_cast %parallel_loop3A_555 : i32 to index
        %parallel_loop3A_557 = tpu.vector_load %arg13[%parallel_loop3A_556] {strides = array<i32>} : memref<3840xf32, #tpu.memory_space<vmem>>, vector<16xf32>,
        %parallel_loop3A_558 = arith.constant 416 : i32
        %parallel_loop3A_559 = arith.addi %parallel_loop3A_453, %parallel_loop3A_558 : i32
        %parallel_loop3A_560 = arith.index_cast %parallel_loop3A_559 : i32 to index
        %parallel_loop3A_561 = tpu.vector_load %arg13[%parallel_loop3A_560] {strides = array<i32>} : memref<3840xf32, #tpu.memory_space<vmem>>, vector<16xf32>,
        %parallel_loop3A_562 = arith.constant 432 : i32
        %parallel_loop3A_563 = arith.addi %parallel_loop3A_453, %parallel_loop3A_562 : i32
        %parallel_loop3A_564 = arith.index_cast %parallel_loop3A_563 : i32 to index
        %parallel_loop3A_565 = tpu.vector_load %arg13[%parallel_loop3A_564] {strides = array<i32>} : memref<3840xf32, #tpu.memory_space<vmem>>, vector<16xf32>,
        %parallel_loop3A_566 = arith.constant 448 : i32
        %parallel_loop3A_567 = arith.addi %parallel_loop3A_453, %parallel_loop3A_566 : i32
        %parallel_loop3A_568 = arith.index_cast %parallel_loop3A_567 : i32 to index
        %parallel_loop3A_569 = tpu.vector_load %arg13[%parallel_loop3A_568] {strides = array<i32>} : memref<3840xf32, #tpu.memory_space<vmem>>, vector<16xf32>,
        %parallel_loop3A_570 = arith.constant 464 : i32
        %parallel_loop3A_571 = arith.addi %parallel_loop3A_453, %parallel_loop3A_570 : i32
        %parallel_loop3A_572 = arith.index_cast %parallel_loop3A_571 : i32 to index
        %parallel_loop3A_573 = tpu.vector_load %arg13[%parallel_loop3A_572] {strides = array<i32>} : memref<3840xf32, #tpu.memory_space<vmem>>, vector<16xf32>,
        %parallel_loop3A_574 = arith.constant 0 : i32
        %parallel_loop3A_575 = arith.constant 64 : i32
        %parallel_loop3A_576 = arith.constant 1 : i32
        %parallel_loop3A_577:30 = scf.for %parallel_loop3A_698 = %parallel_loop3A_574 to %parallel_loop3A_575 step %parallel_loop3A_576 iter_args(%parallel_loop3A_699 = %parallel_loop3A_457, %parallel_loop3A_700 = %parallel_loop3A_461, %parallel_loop3A_701 = %parallel_loop3A_465, %parallel_loop3A_702 = %parallel_loop3A_469, %parallel_loop3A_703 = %parallel_loop3A_473, %parallel_loop3A_704 = %parallel_loop3A_477, %parallel_loop3A_705 = %parallel_loop3A_481, %parallel_loop3A_706 = %parallel_loop3A_485, %parallel_loop3A_707 = %parallel_loop3A_489, %parallel_loop3A_708 = %parallel_loop3A_493, %parallel_loop3A_709 = %parallel_loop3A_497, %parallel_loop3A_710 = %parallel_loop3A_501, %parallel_loop3A_711 = %parallel_loop3A_505, %parallel_loop3A_712 = %parallel_loop3A_509, %parallel_loop3A_713 = %parallel_loop3A_513, %parallel_loop3A_714 = %parallel_loop3A_517, %parallel_loop3A_715 = %parallel_loop3A_521, %parallel_loop3A_716 = %parallel_loop3A_525, %parallel_loop3A_717 = %parallel_loop3A_529, %parallel_loop3A_718 = %parallel_loop3A_533, %parallel_loop3A_719 = %parallel_loop3A_537, %parallel_loop3A_720 = %parallel_loop3A_541, %parallel_loop3A_721 = %parallel_loop3A_545, %parallel_loop3A_722 = %parallel_loop3A_549, %parallel_loop3A_723 = %parallel_loop3A_553, %parallel_loop3A_724 = %parallel_loop3A_557, %parallel_loop3A_725 = %parallel_loop3A_561, %parallel_loop3A_726 = %parallel_loop3A_565, %parallel_loop3A_727 = %parallel_loop3A_569, %parallel_loop3A_728 = %parallel_loop3A_573) -> (vector<16xf32>, vector<16xf32>, vector<16xf32>, vector<16xf32>, vector<16xf32>, vector<16xf32>, vector<16xf32>, vector<16xf32>, vector<16xf32>, vector<16xf32>, vector<16xf32>, vector<16xf32>, vector<16xf32>, vector<16xf32>, vector<16xf32>, vector<16xf32>, vector<16xf32>, vector<16xf32>, vector<16xf32>, vector<16xf32>, vector<16xf32>, vector<16xf32>, vector<16xf32>, vector<16xf32>, vector<16xf32>, vector<16xf32>, vector<16xf32>, vector<16xf32>, vector<16xf32>, vector<16xf32>)  : i32 {
          %parallel_loop3A_729 = arith.constant 16 : i32
          %parallel_loop3A_730 = arith.muli %parallel_loop3A_698, %parallel_loop3A_729 : i32
          %parallel_loop3A_731 = arith.index_cast %parallel_loop3A_451 : i32 to index
          %parallel_loop3A_732 = arith.index_cast %parallel_loop3A_730 : i32 to index
          %parallel_loop3A_733 = tpu.vector_load %arg12[%parallel_loop3A_731, %parallel_loop3A_732] {strides = array<i32>} : memref<8x1024xf32, #tpu.memory_space<vmem>>, vector<16xf32>,
          %parallel_loop3A_734 = arith.constant 16 : i32
          %parallel_loop3A_735 = arith.muli %parallel_loop3A_698, %parallel_loop3A_734 : i32
          %parallel_loop3A_736 = arith.constant 0 : i32
          %parallel_loop3A_737 = arith.index_cast %parallel_loop3A_736 : i32 to index
          %parallel_loop3A_738 = arith.index_cast %parallel_loop3A_451 : i32 to index
          %parallel_loop3A_739 = arith.index_cast %parallel_loop3A_735 : i32 to index
          %parallel_loop3A_740 = tpu.vector_load %arg10[%parallel_loop3A_737, %parallel_loop3A_738, %parallel_loop3A_739] {strides = array<i32>} : memref<5x8x1024xf32, #tpu.memory_space<vmem>>, vector<16xf32>,
          %parallel_loop3A_741 = arith.addf %parallel_loop3A_733, %parallel_loop3A_740 : vector<16xf32>
          %parallel_loop3A_742 = arith.maximumf %parallel_loop3A_699, %parallel_loop3A_741 : vector<16xf32>
          %parallel_loop3A_743 = arith.minimumf %parallel_loop3A_699, %parallel_loop3A_741 : vector<16xf32>
          %parallel_loop3A_744 = arith.maximumf %parallel_loop3A_700, %parallel_loop3A_743 : vector<16xf32>
          %parallel_loop3A_745 = arith.minimumf %parallel_loop3A_700, %parallel_loop3A_743 : vector<16xf32>
          %parallel_loop3A_746 = arith.maximumf %parallel_loop3A_701, %parallel_loop3A_745 : vector<16xf32>
          %parallel_loop3A_747 = arith.minimumf %parallel_loop3A_701, %parallel_loop3A_745 : vector<16xf32>
          %parallel_loop3A_748 = arith.maximumf %parallel_loop3A_702, %parallel_loop3A_747 : vector<16xf32>
          %parallel_loop3A_749 = arith.minimumf %parallel_loop3A_702, %parallel_loop3A_747 : vector<16xf32>
          %parallel_loop3A_750 = arith.maximumf %parallel_loop3A_703, %parallel_loop3A_749 : vector<16xf32>
          %parallel_loop3A_751 = arith.minimumf %parallel_loop3A_703, %parallel_loop3A_749 : vector<16xf32>
          %parallel_loop3A_752 = arith.maximumf %parallel_loop3A_704, %parallel_loop3A_751 : vector<16xf32>
          %parallel_loop3A_753 = arith.minimumf %parallel_loop3A_704, %parallel_loop3A_751 : vector<16xf32>
          %parallel_loop3A_754 = arith.constant 16 : i32
          %parallel_loop3A_755 = arith.muli %parallel_loop3A_698, %parallel_loop3A_754 : i32
          %parallel_loop3A_756 = arith.index_cast %parallel_loop3A_451 : i32 to index
          %parallel_loop3A_757 = arith.index_cast %parallel_loop3A_755 : i32 to index
          %parallel_loop3A_758 = tpu.vector_load %arg12[%parallel_loop3A_756, %parallel_loop3A_757] {strides = array<i32>} : memref<8x1024xf32, #tpu.memory_space<vmem>>, vector<16xf32>,
          %parallel_loop3A_759 = arith.constant 16 : i32
          %parallel_loop3A_760 = arith.muli %parallel_loop3A_698, %parallel_loop3A_759 : i32
          %parallel_loop3A_761 = arith.constant 1 : i32
          %parallel_loop3A_762 = arith.index_cast %parallel_loop3A_761 : i32 to index
          %parallel_loop3A_763 = arith.index_cast %parallel_loop3A_451 : i32 to index
          %parallel_loop3A_764 = arith.index_cast %parallel_loop3A_760 : i32 to index
          %parallel_loop3A_765 = tpu.vector_load %arg10[%parallel_loop3A_762, %parallel_loop3A_763, %parallel_loop3A_764] {strides = array<i32>} : memref<5x8x1024xf32, #tpu.memory_space<vmem>>, vector<16xf32>,
          %parallel_loop3A_766 = arith.addf %parallel_loop3A_758, %parallel_loop3A_765 : vector<16xf32>
          %parallel_loop3A_767 = arith.maximumf %parallel_loop3A_705, %parallel_loop3A_766 : vector<16xf32>
          %parallel_loop3A_768 = arith.minimumf %parallel_loop3A_705, %parallel_loop3A_766 : vector<16xf32>
          %parallel_loop3A_769 = arith.maximumf %parallel_loop3A_706, %parallel_loop3A_768 : vector<16xf32>
          %parallel_loop3A_770 = arith.minimumf %parallel_loop3A_706, %parallel_loop3A_768 : vector<16xf32>
          %parallel_loop3A_771 = arith.maximumf %parallel_loop3A_707, %parallel_loop3A_770 : vector<16xf32>
          %parallel_loop3A_772 = arith.minimumf %parallel_loop3A_707, %parallel_loop3A_770 : vector<16xf32>
          %parallel_loop3A_773 = arith.maximumf %parallel_loop3A_708, %parallel_loop3A_772 : vector<16xf32>
          %parallel_loop3A_774 = arith.minimumf %parallel_loop3A_708, %parallel_loop3A_772 : vector<16xf32>
          %parallel_loop3A_775 = arith.maximumf %parallel_loop3A_709, %parallel_loop3A_774 : vector<16xf32>
          %parallel_loop3A_776 = arith.minimumf %parallel_loop3A_709, %parallel_loop3A_774 : vector<16xf32>
          %parallel_loop3A_777 = arith.maximumf %parallel_loop3A_710, %parallel_loop3A_776 : vector<16xf32>
          %parallel_loop3A_778 = arith.minimumf %parallel_loop3A_710, %parallel_loop3A_776 : vector<16xf32>
          %parallel_loop3A_779 = arith.constant 16 : i32
          %parallel_loop3A_780 = arith.muli %parallel_loop3A_698, %parallel_loop3A_779 : i32
          %parallel_loop3A_781 = arith.index_cast %parallel_loop3A_451 : i32 to index
          %parallel_loop3A_782 = arith.index_cast %parallel_loop3A_780 : i32 to index
          %parallel_loop3A_783 = tpu.vector_load %arg12[%parallel_loop3A_781, %parallel_loop3A_782] {strides = array<i32>} : memref<8x1024xf32, #tpu.memory_space<vmem>>, vector<16xf32>,
          %parallel_loop3A_784 = arith.constant 16 : i32
          %parallel_loop3A_785 = arith.muli %parallel_loop3A_698, %parallel_loop3A_784 : i32
          %parallel_loop3A_786 = arith.constant 2 : i32
          %parallel_loop3A_787 = arith.index_cast %parallel_loop3A_786 : i32 to index
          %parallel_loop3A_788 = arith.index_cast %parallel_loop3A_451 : i32 to index
          %parallel_loop3A_789 = arith.index_cast %parallel_loop3A_785 : i32 to index
          %parallel_loop3A_790 = tpu.vector_load %arg10[%parallel_loop3A_787, %parallel_loop3A_788, %parallel_loop3A_789] {strides = array<i32>} : memref<5x8x1024xf32, #tpu.memory_space<vmem>>, vector<16xf32>,
          %parallel_loop3A_791 = arith.addf %parallel_loop3A_783, %parallel_loop3A_790 : vector<16xf32>
          %parallel_loop3A_792 = arith.maximumf %parallel_loop3A_711, %parallel_loop3A_791 : vector<16xf32>
          %parallel_loop3A_793 = arith.minimumf %parallel_loop3A_711, %parallel_loop3A_791 : vector<16xf32>
          %parallel_loop3A_794 = arith.maximumf %parallel_loop3A_712, %parallel_loop3A_793 : vector<16xf32>
          %parallel_loop3A_795 = arith.minimumf %parallel_loop3A_712, %parallel_loop3A_793 : vector<16xf32>
          %parallel_loop3A_796 = arith.maximumf %parallel_loop3A_713, %parallel_loop3A_795 : vector<16xf32>
          %parallel_loop3A_797 = arith.minimumf %parallel_loop3A_713, %parallel_loop3A_795 : vector<16xf32>
          %parallel_loop3A_798 = arith.maximumf %parallel_loop3A_714, %parallel_loop3A_797 : vector<16xf32>
          %parallel_loop3A_799 = arith.minimumf %parallel_loop3A_714, %parallel_loop3A_797 : vector<16xf32>
          %parallel_loop3A_800 = arith.maximumf %parallel_loop3A_715, %parallel_loop3A_799 : vector<16xf32>
          %parallel_loop3A_801 = arith.minimumf %parallel_loop3A_715, %parallel_loop3A_799 : vector<16xf32>
          %parallel_loop3A_802 = arith.maximumf %parallel_loop3A_716, %parallel_loop3A_801 : vector<16xf32>
          %parallel_loop3A_803 = arith.minimumf %parallel_loop3A_716, %parallel_loop3A_801 : vector<16xf32>
          %parallel_loop3A_804 = arith.constant 16 : i32
          %parallel_loop3A_805 = arith.muli %parallel_loop3A_698, %parallel_loop3A_804 : i32
          %parallel_loop3A_806 = arith.index_cast %parallel_loop3A_451 : i32 to index
          %parallel_loop3A_807 = arith.index_cast %parallel_loop3A_805 : i32 to index
          %parallel_loop3A_808 = tpu.vector_load %arg12[%parallel_loop3A_806, %parallel_loop3A_807] {strides = array<i32>} : memref<8x1024xf32, #tpu.memory_space<vmem>>, vector<16xf32>,
          %parallel_loop3A_809 = arith.constant 16 : i32
          %parallel_loop3A_810 = arith.muli %parallel_loop3A_698, %parallel_loop3A_809 : i32
          %parallel_loop3A_811 = arith.constant 3 : i32
          %parallel_loop3A_812 = arith.index_cast %parallel_loop3A_811 : i32 to index
          %parallel_loop3A_813 = arith.index_cast %parallel_loop3A_451 : i32 to index
          %parallel_loop3A_814 = arith.index_cast %parallel_loop3A_810 : i32 to index
          %parallel_loop3A_815 = tpu.vector_load %arg10[%parallel_loop3A_812, %parallel_loop3A_813, %parallel_loop3A_814] {strides = array<i32>} : memref<5x8x1024xf32, #tpu.memory_space<vmem>>, vector<16xf32>,
          %parallel_loop3A_816 = arith.addf %parallel_loop3A_808, %parallel_loop3A_815 : vector<16xf32>
          %parallel_loop3A_817 = arith.maximumf %parallel_loop3A_717, %parallel_loop3A_816 : vector<16xf32>
          %parallel_loop3A_818 = arith.minimumf %parallel_loop3A_717, %parallel_loop3A_816 : vector<16xf32>
          %parallel_loop3A_819 = arith.maximumf %parallel_loop3A_718, %parallel_loop3A_818 : vector<16xf32>
          %parallel_loop3A_820 = arith.minimumf %parallel_loop3A_718, %parallel_loop3A_818 : vector<16xf32>
          %parallel_loop3A_821 = arith.maximumf %parallel_loop3A_719, %parallel_loop3A_820 : vector<16xf32>
          %parallel_loop3A_822 = arith.minimumf %parallel_loop3A_719, %parallel_loop3A_820 : vector<16xf32>
          %parallel_loop3A_823 = arith.maximumf %parallel_loop3A_720, %parallel_loop3A_822 : vector<16xf32>
          %parallel_loop3A_824 = arith.minimumf %parallel_loop3A_720, %parallel_loop3A_822 : vector<16xf32>
          %parallel_loop3A_825 = arith.maximumf %parallel_loop3A_721, %parallel_loop3A_824 : vector<16xf32>
          %parallel_loop3A_826 = arith.minimumf %parallel_loop3A_721, %parallel_loop3A_824 : vector<16xf32>
          %parallel_loop3A_827 = arith.maximumf %parallel_loop3A_722, %parallel_loop3A_826 : vector<16xf32>
          %parallel_loop3A_828 = arith.minimumf %parallel_loop3A_722, %parallel_loop3A_826 : vector<16xf32>
          %parallel_loop3A_829 = arith.constant 16 : i32
          %parallel_loop3A_830 = arith.muli %parallel_loop3A_698, %parallel_loop3A_829 : i32
          %parallel_loop3A_831 = arith.index_cast %parallel_loop3A_451 : i32 to index
          %parallel_loop3A_832 = arith.index_cast %parallel_loop3A_830 : i32 to index
          %parallel_loop3A_833 = tpu.vector_load %arg12[%parallel_loop3A_831, %parallel_loop3A_832] {strides = array<i32>} : memref<8x1024xf32, #tpu.memory_space<vmem>>, vector<16xf32>,
          %parallel_loop3A_834 = arith.constant 16 : i32
          %parallel_loop3A_835 = arith.muli %parallel_loop3A_698, %parallel_loop3A_834 : i32
          %parallel_loop3A_836 = arith.constant 4 : i32
          %parallel_loop3A_837 = arith.index_cast %parallel_loop3A_836 : i32 to index
          %parallel_loop3A_838 = arith.index_cast %parallel_loop3A_451 : i32 to index
          %parallel_loop3A_839 = arith.index_cast %parallel_loop3A_835 : i32 to index
          %parallel_loop3A_840 = tpu.vector_load %arg10[%parallel_loop3A_837, %parallel_loop3A_838, %parallel_loop3A_839] {strides = array<i32>} : memref<5x8x1024xf32, #tpu.memory_space<vmem>>, vector<16xf32>,
          %parallel_loop3A_841 = arith.addf %parallel_loop3A_833, %parallel_loop3A_840 : vector<16xf32>
          %parallel_loop3A_842 = arith.maximumf %parallel_loop3A_723, %parallel_loop3A_841 : vector<16xf32>
          %parallel_loop3A_843 = arith.minimumf %parallel_loop3A_723, %parallel_loop3A_841 : vector<16xf32>
          %parallel_loop3A_844 = arith.maximumf %parallel_loop3A_724, %parallel_loop3A_843 : vector<16xf32>
          %parallel_loop3A_845 = arith.minimumf %parallel_loop3A_724, %parallel_loop3A_843 : vector<16xf32>
          %parallel_loop3A_846 = arith.maximumf %parallel_loop3A_725, %parallel_loop3A_845 : vector<16xf32>
          %parallel_loop3A_847 = arith.minimumf %parallel_loop3A_725, %parallel_loop3A_845 : vector<16xf32>
          %parallel_loop3A_848 = arith.maximumf %parallel_loop3A_726, %parallel_loop3A_847 : vector<16xf32>
          %parallel_loop3A_849 = arith.minimumf %parallel_loop3A_726, %parallel_loop3A_847 : vector<16xf32>
          %parallel_loop3A_850 = arith.maximumf %parallel_loop3A_727, %parallel_loop3A_849 : vector<16xf32>
          %parallel_loop3A_851 = arith.minimumf %parallel_loop3A_727, %parallel_loop3A_849 : vector<16xf32>
          %parallel_loop3A_852 = arith.maximumf %parallel_loop3A_728, %parallel_loop3A_851 : vector<16xf32>
          %parallel_loop3A_853 = arith.minimumf %parallel_loop3A_728, %parallel_loop3A_851 : vector<16xf32>
          scf.yield %parallel_loop3A_742, %parallel_loop3A_744, %parallel_loop3A_746, %parallel_loop3A_748, %parallel_loop3A_750, %parallel_loop3A_752, %parallel_loop3A_767, %parallel_loop3A_769, %parallel_loop3A_771, %parallel_loop3A_773, %parallel_loop3A_775, %parallel_loop3A_777, %parallel_loop3A_792, %parallel_loop3A_794, %parallel_loop3A_796, %parallel_loop3A_798, %parallel_loop3A_800, %parallel_loop3A_802, %parallel_loop3A_817, %parallel_loop3A_819, %parallel_loop3A_821, %parallel_loop3A_823, %parallel_loop3A_825, %parallel_loop3A_827, %parallel_loop3A_842, %parallel_loop3A_844, %parallel_loop3A_846, %parallel_loop3A_848, %parallel_loop3A_850, %parallel_loop3A_852 : vector<16xf32>, vector<16xf32>, vector<16xf32>, vector<16xf32>, vector<16xf32>, vector<16xf32>, vector<16xf32>, vector<16xf32>, vector<16xf32>, vector<16xf32>, vector<16xf32>, vector<16xf32>, vector<16xf32>, vector<16xf32>, vector<16xf32>, vector<16xf32>, vector<16xf32>, vector<16xf32>, vector<16xf32>, vector<16xf32>, vector<16xf32>, vector<16xf32>, vector<16xf32>, vector<16xf32>, vector<16xf32>, vector<16xf32>, vector<16xf32>, vector<16xf32>, vector<16xf32>, vector<16xf32>
        } {sc.loop_unroll_factor = 2 : i64, sc.parallel_access}
        %parallel_loop3A_578 = arith.constant 0 : i32
        %parallel_loop3A_579 = arith.addi %parallel_loop3A_453, %parallel_loop3A_578 : i32
        %parallel_loop3A_580 = arith.index_cast %parallel_loop3A_579 : i32 to index
        %parallel_loop3A_581 = tpu.vector_load %arg13[%parallel_loop3A_580] {strides = array<i32>} : memref<3840xf32, #tpu.memory_space<vmem>>, vector<16xf32>,
        tpu.vector_store %arg13[%parallel_loop3A_580], %parallel_loop3A_577#0 {strides = array<i32>} : memref<3840xf32, #tpu.memory_space<vmem>>, vector<16xf32>,
        %parallel_loop3A_582 = arith.constant 16 : i32
        %parallel_loop3A_583 = arith.addi %parallel_loop3A_453, %parallel_loop3A_582 : i32
        %parallel_loop3A_584 = arith.index_cast %parallel_loop3A_583 : i32 to index
        %parallel_loop3A_585 = tpu.vector_load %arg13[%parallel_loop3A_584] {strides = array<i32>} : memref<3840xf32, #tpu.memory_space<vmem>>, vector<16xf32>,
        tpu.vector_store %arg13[%parallel_loop3A_584], %parallel_loop3A_577#1 {strides = array<i32>} : memref<3840xf32, #tpu.memory_space<vmem>>, vector<16xf32>,
        %parallel_loop3A_586 = arith.constant 32 : i32
        %parallel_loop3A_587 = arith.addi %parallel_loop3A_453, %parallel_loop3A_586 : i32
        %parallel_loop3A_588 = arith.index_cast %parallel_loop3A_587 : i32 to index
        %parallel_loop3A_589 = tpu.vector_load %arg13[%parallel_loop3A_588] {strides = array<i32>} : memref<3840xf32, #tpu.memory_space<vmem>>, vector<16xf32>,
        tpu.vector_store %arg13[%parallel_loop3A_588], %parallel_loop3A_577#2 {strides = array<i32>} : memref<3840xf32, #tpu.memory_space<vmem>>, vector<16xf32>,
        %parallel_loop3A_590 = arith.constant 48 : i32
        %parallel_loop3A_591 = arith.addi %parallel_loop3A_453, %parallel_loop3A_590 : i32
        %parallel_loop3A_592 = arith.index_cast %parallel_loop3A_591 : i32 to index
        %parallel_loop3A_593 = tpu.vector_load %arg13[%parallel_loop3A_592] {strides = array<i32>} : memref<3840xf32, #tpu.memory_space<vmem>>, vector<16xf32>,
        tpu.vector_store %arg13[%parallel_loop3A_592], %parallel_loop3A_577#3 {strides = array<i32>} : memref<3840xf32, #tpu.memory_space<vmem>>, vector<16xf32>,
        %parallel_loop3A_594 = arith.constant 64 : i32
        %parallel_loop3A_595 = arith.addi %parallel_loop3A_453, %parallel_loop3A_594 : i32
        %parallel_loop3A_596 = arith.index_cast %parallel_loop3A_595 : i32 to index
        %parallel_loop3A_597 = tpu.vector_load %arg13[%parallel_loop3A_596] {strides = array<i32>} : memref<3840xf32, #tpu.memory_space<vmem>>, vector<16xf32>,
        tpu.vector_store %arg13[%parallel_loop3A_596], %parallel_loop3A_577#4 {strides = array<i32>} : memref<3840xf32, #tpu.memory_space<vmem>>, vector<16xf32>,
        %parallel_loop3A_598 = arith.constant 80 : i32
        %parallel_loop3A_599 = arith.addi %parallel_loop3A_453, %parallel_loop3A_598 : i32
        %parallel_loop3A_600 = arith.index_cast %parallel_loop3A_599 : i32 to index
        %parallel_loop3A_601 = tpu.vector_load %arg13[%parallel_loop3A_600] {strides = array<i32>} : memref<3840xf32, #tpu.memory_space<vmem>>, vector<16xf32>,
        tpu.vector_store %arg13[%parallel_loop3A_600], %parallel_loop3A_577#5 {strides = array<i32>} : memref<3840xf32, #tpu.memory_space<vmem>>, vector<16xf32>,
        %parallel_loop3A_602 = arith.constant 96 : i32
        %parallel_loop3A_603 = arith.addi %parallel_loop3A_453, %parallel_loop3A_602 : i32
        %parallel_loop3A_604 = arith.index_cast %parallel_loop3A_603 : i32 to index
        %parallel_loop3A_605 = tpu.vector_load %arg13[%parallel_loop3A_604] {strides = array<i32>} : memref<3840xf32, #tpu.memory_space<vmem>>, vector<16xf32>,
        tpu.vector_store %arg13[%parallel_loop3A_604], %parallel_loop3A_577#6 {strides = array<i32>} : memref<3840xf32, #tpu.memory_space<vmem>>, vector<16xf32>,
        %parallel_loop3A_606 = arith.constant 112 : i32
        %parallel_loop3A_607 = arith.addi %parallel_loop3A_453, %parallel_loop3A_606 : i32
        %parallel_loop3A_608 = arith.index_cast %parallel_loop3A_607 : i32 to index
        %parallel_loop3A_609 = tpu.vector_load %arg13[%parallel_loop3A_608] {strides = array<i32>} : memref<3840xf32, #tpu.memory_space<vmem>>, vector<16xf32>,
        tpu.vector_store %arg13[%parallel_loop3A_608], %parallel_loop3A_577#7 {strides = array<i32>} : memref<3840xf32, #tpu.memory_space<vmem>>, vector<16xf32>,
        %parallel_loop3A_610 = arith.constant 128 : i32
        %parallel_loop3A_611 = arith.addi %parallel_loop3A_453, %parallel_loop3A_610 : i32
        %parallel_loop3A_612 = arith.index_cast %parallel_loop3A_611 : i32 to index
        %parallel_loop3A_613 = tpu.vector_load %arg13[%parallel_loop3A_612] {strides = array<i32>} : memref<3840xf32, #tpu.memory_space<vmem>>, vector<16xf32>,
        tpu.vector_store %arg13[%parallel_loop3A_612], %parallel_loop3A_577#8 {strides = array<i32>} : memref<3840xf32, #tpu.memory_space<vmem>>, vector<16xf32>,
        %parallel_loop3A_614 = arith.constant 144 : i32
        %parallel_loop3A_615 = arith.addi %parallel_loop3A_453, %parallel_loop3A_614 : i32
        %parallel_loop3A_616 = arith.index_cast %parallel_loop3A_615 : i32 to index
        %parallel_loop3A_617 = tpu.vector_load %arg13[%parallel_loop3A_616] {strides = array<i32>} : memref<3840xf32, #tpu.memory_space<vmem>>, vector<16xf32>,
        tpu.vector_store %arg13[%parallel_loop3A_616], %parallel_loop3A_577#9 {strides = array<i32>} : memref<3840xf32, #tpu.memory_space<vmem>>, vector<16xf32>,
        %parallel_loop3A_618 = arith.constant 160 : i32
        %parallel_loop3A_619 = arith.addi %parallel_loop3A_453, %parallel_loop3A_618 : i32
        %parallel_loop3A_620 = arith.index_cast %parallel_loop3A_619 : i32 to index
        %parallel_loop3A_621 = tpu.vector_load %arg13[%parallel_loop3A_620] {strides = array<i32>} : memref<3840xf32, #tpu.memory_space<vmem>>, vector<16xf32>,
        tpu.vector_store %arg13[%parallel_loop3A_620], %parallel_loop3A_577#10 {strides = array<i32>} : memref<3840xf32, #tpu.memory_space<vmem>>, vector<16xf32>,
        %parallel_loop3A_622 = arith.constant 176 : i32
        %parallel_loop3A_623 = arith.addi %parallel_loop3A_453, %parallel_loop3A_622 : i32
        %parallel_loop3A_624 = arith.index_cast %parallel_loop3A_623 : i32 to index
        %parallel_loop3A_625 = tpu.vector_load %arg13[%parallel_loop3A_624] {strides = array<i32>} : memref<3840xf32, #tpu.memory_space<vmem>>, vector<16xf32>,
        tpu.vector_store %arg13[%parallel_loop3A_624], %parallel_loop3A_577#11 {strides = array<i32>} : memref<3840xf32, #tpu.memory_space<vmem>>, vector<16xf32>,
        %parallel_loop3A_626 = arith.constant 192 : i32
        %parallel_loop3A_627 = arith.addi %parallel_loop3A_453, %parallel_loop3A_626 : i32
        %parallel_loop3A_628 = arith.index_cast %parallel_loop3A_627 : i32 to index
        %parallel_loop3A_629 = tpu.vector_load %arg13[%parallel_loop3A_628] {strides = array<i32>} : memref<3840xf32, #tpu.memory_space<vmem>>, vector<16xf32>,
        tpu.vector_store %arg13[%parallel_loop3A_628], %parallel_loop3A_577#12 {strides = array<i32>} : memref<3840xf32, #tpu.memory_space<vmem>>, vector<16xf32>,
        %parallel_loop3A_630 = arith.constant 208 : i32
        %parallel_loop3A_631 = arith.addi %parallel_loop3A_453, %parallel_loop3A_630 : i32
        %parallel_loop3A_632 = arith.index_cast %parallel_loop3A_631 : i32 to index
        %parallel_loop3A_633 = tpu.vector_load %arg13[%parallel_loop3A_632] {strides = array<i32>} : memref<3840xf32, #tpu.memory_space<vmem>>, vector<16xf32>,
        tpu.vector_store %arg13[%parallel_loop3A_632], %parallel_loop3A_577#13 {strides = array<i32>} : memref<3840xf32, #tpu.memory_space<vmem>>, vector<16xf32>,
        %parallel_loop3A_634 = arith.constant 224 : i32
        %parallel_loop3A_635 = arith.addi %parallel_loop3A_453, %parallel_loop3A_634 : i32
        %parallel_loop3A_636 = arith.index_cast %parallel_loop3A_635 : i32 to index
        %parallel_loop3A_637 = tpu.vector_load %arg13[%parallel_loop3A_636] {strides = array<i32>} : memref<3840xf32, #tpu.memory_space<vmem>>, vector<16xf32>,
        tpu.vector_store %arg13[%parallel_loop3A_636], %parallel_loop3A_577#14 {strides = array<i32>} : memref<3840xf32, #tpu.memory_space<vmem>>, vector<16xf32>,
        %parallel_loop3A_638 = arith.constant 240 : i32
        %parallel_loop3A_639 = arith.addi %parallel_loop3A_453, %parallel_loop3A_638 : i32
        %parallel_loop3A_640 = arith.index_cast %parallel_loop3A_639 : i32 to index
        %parallel_loop3A_641 = tpu.vector_load %arg13[%parallel_loop3A_640] {strides = array<i32>} : memref<3840xf32, #tpu.memory_space<vmem>>, vector<16xf32>,
        tpu.vector_store %arg13[%parallel_loop3A_640], %parallel_loop3A_577#15 {strides = array<i32>} : memref<3840xf32, #tpu.memory_space<vmem>>, vector<16xf32>,
        %parallel_loop3A_642 = arith.constant 256 : i32
        %parallel_loop3A_643 = arith.addi %parallel_loop3A_453, %parallel_loop3A_642 : i32
        %parallel_loop3A_644 = arith.index_cast %parallel_loop3A_643 : i32 to index
        %parallel_loop3A_645 = tpu.vector_load %arg13[%parallel_loop3A_644] {strides = array<i32>} : memref<3840xf32, #tpu.memory_space<vmem>>, vector<16xf32>,
        tpu.vector_store %arg13[%parallel_loop3A_644], %parallel_loop3A_577#16 {strides = array<i32>} : memref<3840xf32, #tpu.memory_space<vmem>>, vector<16xf32>,
        %parallel_loop3A_646 = arith.constant 272 : i32
        %parallel_loop3A_647 = arith.addi %parallel_loop3A_453, %parallel_loop3A_646 : i32
        %parallel_loop3A_648 = arith.index_cast %parallel_loop3A_647 : i32 to index
        %parallel_loop3A_649 = tpu.vector_load %arg13[%parallel_loop3A_648] {strides = array<i32>} : memref<3840xf32, #tpu.memory_space<vmem>>, vector<16xf32>,
        tpu.vector_store %arg13[%parallel_loop3A_648], %parallel_loop3A_577#17 {strides = array<i32>} : memref<3840xf32, #tpu.memory_space<vmem>>, vector<16xf32>,
        %parallel_loop3A_650 = arith.constant 288 : i32
        %parallel_loop3A_651 = arith.addi %parallel_loop3A_453, %parallel_loop3A_650 : i32
        %parallel_loop3A_652 = arith.index_cast %parallel_loop3A_651 : i32 to index
        %parallel_loop3A_653 = tpu.vector_load %arg13[%parallel_loop3A_652] {strides = array<i32>} : memref<3840xf32, #tpu.memory_space<vmem>>, vector<16xf32>,
        tpu.vector_store %arg13[%parallel_loop3A_652], %parallel_loop3A_577#18 {strides = array<i32>} : memref<3840xf32, #tpu.memory_space<vmem>>, vector<16xf32>,
        %parallel_loop3A_654 = arith.constant 304 : i32
        %parallel_loop3A_655 = arith.addi %parallel_loop3A_453, %parallel_loop3A_654 : i32
        %parallel_loop3A_656 = arith.index_cast %parallel_loop3A_655 : i32 to index
        %parallel_loop3A_657 = tpu.vector_load %arg13[%parallel_loop3A_656] {strides = array<i32>} : memref<3840xf32, #tpu.memory_space<vmem>>, vector<16xf32>,
        tpu.vector_store %arg13[%parallel_loop3A_656], %parallel_loop3A_577#19 {strides = array<i32>} : memref<3840xf32, #tpu.memory_space<vmem>>, vector<16xf32>,
        %parallel_loop3A_658 = arith.constant 320 : i32
        %parallel_loop3A_659 = arith.addi %parallel_loop3A_453, %parallel_loop3A_658 : i32
        %parallel_loop3A_660 = arith.index_cast %parallel_loop3A_659 : i32 to index
        %parallel_loop3A_661 = tpu.vector_load %arg13[%parallel_loop3A_660] {strides = array<i32>} : memref<3840xf32, #tpu.memory_space<vmem>>, vector<16xf32>,
        tpu.vector_store %arg13[%parallel_loop3A_660], %parallel_loop3A_577#20 {strides = array<i32>} : memref<3840xf32, #tpu.memory_space<vmem>>, vector<16xf32>,
        %parallel_loop3A_662 = arith.constant 336 : i32
        %parallel_loop3A_663 = arith.addi %parallel_loop3A_453, %parallel_loop3A_662 : i32
        %parallel_loop3A_664 = arith.index_cast %parallel_loop3A_663 : i32 to index
        %parallel_loop3A_665 = tpu.vector_load %arg13[%parallel_loop3A_664] {strides = array<i32>} : memref<3840xf32, #tpu.memory_space<vmem>>, vector<16xf32>,
        tpu.vector_store %arg13[%parallel_loop3A_664], %parallel_loop3A_577#21 {strides = array<i32>} : memref<3840xf32, #tpu.memory_space<vmem>>, vector<16xf32>,
        %parallel_loop3A_666 = arith.constant 352 : i32
        %parallel_loop3A_667 = arith.addi %parallel_loop3A_453, %parallel_loop3A_666 : i32
        %parallel_loop3A_668 = arith.index_cast %parallel_loop3A_667 : i32 to index
        %parallel_loop3A_669 = tpu.vector_load %arg13[%parallel_loop3A_668] {strides = array<i32>} : memref<3840xf32, #tpu.memory_space<vmem>>, vector<16xf32>,
        tpu.vector_store %arg13[%parallel_loop3A_668], %parallel_loop3A_577#22 {strides = array<i32>} : memref<3840xf32, #tpu.memory_space<vmem>>, vector<16xf32>,
        %parallel_loop3A_670 = arith.constant 368 : i32
        %parallel_loop3A_671 = arith.addi %parallel_loop3A_453, %parallel_loop3A_670 : i32
        %parallel_loop3A_672 = arith.index_cast %parallel_loop3A_671 : i32 to index
        %parallel_loop3A_673 = tpu.vector_load %arg13[%parallel_loop3A_672] {strides = array<i32>} : memref<3840xf32, #tpu.memory_space<vmem>>, vector<16xf32>,
        tpu.vector_store %arg13[%parallel_loop3A_672], %parallel_loop3A_577#23 {strides = array<i32>} : memref<3840xf32, #tpu.memory_space<vmem>>, vector<16xf32>,
        %parallel_loop3A_674 = arith.constant 384 : i32
        %parallel_loop3A_675 = arith.addi %parallel_loop3A_453, %parallel_loop3A_674 : i32
        %parallel_loop3A_676 = arith.index_cast %parallel_loop3A_675 : i32 to index
        %parallel_loop3A_677 = tpu.vector_load %arg13[%parallel_loop3A_676] {strides = array<i32>} : memref<3840xf32, #tpu.memory_space<vmem>>, vector<16xf32>,
        tpu.vector_store %arg13[%parallel_loop3A_676], %parallel_loop3A_577#24 {strides = array<i32>} : memref<3840xf32, #tpu.memory_space<vmem>>, vector<16xf32>,
        %parallel_loop3A_678 = arith.constant 400 : i32
        %parallel_loop3A_679 = arith.addi %parallel_loop3A_453, %parallel_loop3A_678 : i32
        %parallel_loop3A_680 = arith.index_cast %parallel_loop3A_679 : i32 to index
        %parallel_loop3A_681 = tpu.vector_load %arg13[%parallel_loop3A_680] {strides = array<i32>} : memref<3840xf32, #tpu.memory_space<vmem>>, vector<16xf32>,
        tpu.vector_store %arg13[%parallel_loop3A_680], %parallel_loop3A_577#25 {strides = array<i32>} : memref<3840xf32, #tpu.memory_space<vmem>>, vector<16xf32>,
        %parallel_loop3A_682 = arith.constant 416 : i32
        %parallel_loop3A_683 = arith.addi %parallel_loop3A_453, %parallel_loop3A_682 : i32
        %parallel_loop3A_684 = arith.index_cast %parallel_loop3A_683 : i32 to index
        %parallel_loop3A_685 = tpu.vector_load %arg13[%parallel_loop3A_684] {strides = array<i32>} : memref<3840xf32, #tpu.memory_space<vmem>>, vector<16xf32>,
        tpu.vector_store %arg13[%parallel_loop3A_684], %parallel_loop3A_577#26 {strides = array<i32>} : memref<3840xf32, #tpu.memory_space<vmem>>, vector<16xf32>,
        %parallel_loop3A_686 = arith.constant 432 : i32
        %parallel_loop3A_687 = arith.addi %parallel_loop3A_453, %parallel_loop3A_686 : i32
        %parallel_loop3A_688 = arith.index_cast %parallel_loop3A_687 : i32 to index
        %parallel_loop3A_689 = tpu.vector_load %arg13[%parallel_loop3A_688] {strides = array<i32>} : memref<3840xf32, #tpu.memory_space<vmem>>, vector<16xf32>,
        tpu.vector_store %arg13[%parallel_loop3A_688], %parallel_loop3A_577#27 {strides = array<i32>} : memref<3840xf32, #tpu.memory_space<vmem>>, vector<16xf32>,
        %parallel_loop3A_690 = arith.constant 448 : i32
        %parallel_loop3A_691 = arith.addi %parallel_loop3A_453, %parallel_loop3A_690 : i32
        %parallel_loop3A_692 = arith.index_cast %parallel_loop3A_691 : i32 to index
        %parallel_loop3A_693 = tpu.vector_load %arg13[%parallel_loop3A_692] {strides = array<i32>} : memref<3840xf32, #tpu.memory_space<vmem>>, vector<16xf32>,
        tpu.vector_store %arg13[%parallel_loop3A_692], %parallel_loop3A_577#28 {strides = array<i32>} : memref<3840xf32, #tpu.memory_space<vmem>>, vector<16xf32>,
        %parallel_loop3A_694 = arith.constant 464 : i32
        %parallel_loop3A_695 = arith.addi %parallel_loop3A_453, %parallel_loop3A_694 : i32
        %parallel_loop3A_696 = arith.index_cast %parallel_loop3A_695 : i32 to index
        %parallel_loop3A_697 = tpu.vector_load %arg13[%parallel_loop3A_696] {strides = array<i32>} : memref<3840xf32, #tpu.memory_space<vmem>>, vector<16xf32>,
        tpu.vector_store %arg13[%parallel_loop3A_696], %parallel_loop3A_577#29 {strides = array<i32>} : memref<3840xf32, #tpu.memory_space<vmem>>, vector<16xf32>,
      } {sc.loop_unroll_factor = 1 : i64, sc.parallel_access}
      %lt3A_446 = arith.constant 11 : i32
      %lt3A_447 = arith.cmpi slt, %scan3A_225, %lt3A_446 : i32
      %convert_element_type3A_448 = arith.extui %lt3A_447 : i1 to i32
      %cond3A_449 = arith.constant 0 : i32
      %cond3A_450 = arith.cmpi ne, %convert_element_type3A_448, %cond3A_449 : i32
      scf.if %cond3A_450 {
        %add3A_451 = arith.constant 2 : i32
        %add3A_452 = arith.addi %add3A_341, %add3A_451 : i32
        %mul3A_453 = arith.constant 1024 : i32
        %mul3A_454 = arith.muli %add3A_452, %mul3A_453 : i32
        %multiple_of3A_455 = tpu.assume_multiple %mul3A_454, 128 : i32
        %dma_start3A_456 = arith.constant 0 : i32
        %dma_start3A_457 = arith.constant 0 : i32
        %dma_start3A_458 = arith.constant 0 : i32
        %dma_start3A_459 = arith.constant 0 : i32
        %dma_start3A_460 = tpu.memref_slice %arg10[%dma_start3A_457, %dma_start3A_458, %dma_start3A_459] : memref<5x8x1024xf32, #tpu.memory_space<vmem>> -> memref<1x8x1024xf32, #tpu.memory_space<vmem>>
        %dma_start3A_461 = tpu.memref_squeeze %dma_start3A_460 : memref<1x8x1024xf32, #tpu.memory_space<vmem>> -> memref<8x1024xf32, #tpu.memory_space<vmem>>
        %dma_start3A_462 = tpu.memref_slice %arg4[%dma_start3A_456, %multiple_of3A, %multiple_of3A_455] : memref<5x64x100000xf32, #tpu.memory_space<hbm>> -> memref<1x8x1024xf32, #tpu.memory_space<hbm>>
        %dma_start3A_463 = tpu.memref_squeeze %dma_start3A_462 : memref<1x8x1024xf32, #tpu.memory_space<hbm>> -> memref<8x1024xf32, #tpu.memory_space<hbm>>
        %dma_start3A_464 = arith.constant 0 : i32
        %dma_start3A_465 = arith.constant 0 : i32
        %dma_start3A_466 = tpu.memref_slice %arg10[%dma_start3A_457, %dma_start3A_464, %dma_start3A_465] : memref<5x8x1024xf32, #tpu.memory_space<vmem>> -> memref<1x8x1024xf32, #tpu.memory_space<vmem>>
        %dma_start3A_467 = tpu.memref_squeeze %dma_start3A_466 : memref<1x8x1024xf32, #tpu.memory_space<vmem>> -> memref<8x1024xf32, #tpu.memory_space<vmem>>
        %dma_start3A_468 = tpu.memref_slice %arg4[%dma_start3A_456, %multiple_of3A, %multiple_of3A_455] : memref<5x64x100000xf32, #tpu.memory_space<hbm>> -> memref<1x8x1024xf32, #tpu.memory_space<hbm>>
        %dma_start3A_469 = tpu.memref_squeeze %dma_start3A_468 : memref<1x8x1024xf32, #tpu.memory_space<hbm>> -> memref<8x1024xf32, #tpu.memory_space<hbm>>
        tpu.enqueue_dma source(%dma_start3A_469 : memref<8x1024xf32, #tpu.memory_space<hbm>>) target(%dma_start3A_467 : memref<8x1024xf32, #tpu.memory_space<vmem>>) target_semaphore(%arg17 : memref<!tpu.dma_semaphore, #tpu.memory_space<semaphore_mem>>)
        %dma_start3A_470 = arith.constant 1 : i32
        %dma_start3A_471 = arith.constant 1 : i32
        %dma_start3A_472 = arith.constant 0 : i32
        %dma_start3A_473 = arith.constant 0 : i32
        %dma_start3A_474 = tpu.memref_slice %arg10[%dma_start3A_471, %dma_start3A_472, %dma_start3A_473] : memref<5x8x1024xf32, #tpu.memory_space<vmem>> -> memref<1x8x1024xf32, #tpu.memory_space<vmem>>
        %dma_start3A_475 = tpu.memref_squeeze %dma_start3A_474 : memref<1x8x1024xf32, #tpu.memory_space<vmem>> -> memref<8x1024xf32, #tpu.memory_space<vmem>>
        %dma_start3A_476 = tpu.memref_slice %arg4[%dma_start3A_470, %multiple_of3A, %multiple_of3A_455] : memref<5x64x100000xf32, #tpu.memory_space<hbm>> -> memref<1x8x1024xf32, #tpu.memory_space<hbm>>
        %dma_start3A_477 = tpu.memref_squeeze %dma_start3A_476 : memref<1x8x1024xf32, #tpu.memory_space<hbm>> -> memref<8x1024xf32, #tpu.memory_space<hbm>>
        %dma_start3A_478 = arith.constant 0 : i32
        %dma_start3A_479 = arith.constant 0 : i32
        %dma_start3A_480 = tpu.memref_slice %arg10[%dma_start3A_471, %dma_start3A_478, %dma_start3A_479] : memref<5x8x1024xf32, #tpu.memory_space<vmem>> -> memref<1x8x1024xf32, #tpu.memory_space<vmem>>
        %dma_start3A_481 = tpu.memref_squeeze %dma_start3A_480 : memref<1x8x1024xf32, #tpu.memory_space<vmem>> -> memref<8x1024xf32, #tpu.memory_space<vmem>>
        %dma_start3A_482 = tpu.memref_slice %arg4[%dma_start3A_470, %multiple_of3A, %multiple_of3A_455] : memref<5x64x100000xf32, #tpu.memory_space<hbm>> -> memref<1x8x1024xf32, #tpu.memory_space<hbm>>
        %dma_start3A_483 = tpu.memref_squeeze %dma_start3A_482 : memref<1x8x1024xf32, #tpu.memory_space<hbm>> -> memref<8x1024xf32, #tpu.memory_space<hbm>>
        tpu.enqueue_dma source(%dma_start3A_483 : memref<8x1024xf32, #tpu.memory_space<hbm>>) target(%dma_start3A_481 : memref<8x1024xf32, #tpu.memory_space<vmem>>) target_semaphore(%arg17 : memref<!tpu.dma_semaphore, #tpu.memory_space<semaphore_mem>>)
        %dma_start3A_484 = arith.constant 2 : i32
        %dma_start3A_485 = arith.constant 2 : i32
        %dma_start3A_486 = arith.constant 0 : i32
        %dma_start3A_487 = arith.constant 0 : i32
        %dma_start3A_488 = tpu.memref_slice %arg10[%dma_start3A_485, %dma_start3A_486, %dma_start3A_487] : memref<5x8x1024xf32, #tpu.memory_space<vmem>> -> memref<1x8x1024xf32, #tpu.memory_space<vmem>>
        %dma_start3A_489 = tpu.memref_squeeze %dma_start3A_488 : memref<1x8x1024xf32, #tpu.memory_space<vmem>> -> memref<8x1024xf32, #tpu.memory_space<vmem>>
        %dma_start3A_490 = tpu.memref_slice %arg4[%dma_start3A_484, %multiple_of3A, %multiple_of3A_455] : memref<5x64x100000xf32, #tpu.memory_space<hbm>> -> memref<1x8x1024xf32, #tpu.memory_space<hbm>>
        %dma_start3A_491 = tpu.memref_squeeze %dma_start3A_490 : memref<1x8x1024xf32, #tpu.memory_space<hbm>> -> memref<8x1024xf32, #tpu.memory_space<hbm>>
        %dma_start3A_492 = arith.constant 0 : i32
        %dma_start3A_493 = arith.constant 0 : i32
        %dma_start3A_494 = tpu.memref_slice %arg10[%dma_start3A_485, %dma_start3A_492, %dma_start3A_493] : memref<5x8x1024xf32, #tpu.memory_space<vmem>> -> memref<1x8x1024xf32, #tpu.memory_space<vmem>>
        %dma_start3A_495 = tpu.memref_squeeze %dma_start3A_494 : memref<1x8x1024xf32, #tpu.memory_space<vmem>> -> memref<8x1024xf32, #tpu.memory_space<vmem>>
        %dma_start3A_496 = tpu.memref_slice %arg4[%dma_start3A_484, %multiple_of3A, %multiple_of3A_455] : memref<5x64x100000xf32, #tpu.memory_space<hbm>> -> memref<1x8x1024xf32, #tpu.memory_space<hbm>>
        %dma_start3A_497 = tpu.memref_squeeze %dma_start3A_496 : memref<1x8x1024xf32, #tpu.memory_space<hbm>> -> memref<8x1024xf32, #tpu.memory_space<hbm>>
        tpu.enqueue_dma source(%dma_start3A_497 : memref<8x1024xf32, #tpu.memory_space<hbm>>) target(%dma_start3A_495 : memref<8x1024xf32, #tpu.memory_space<vmem>>) target_semaphore(%arg17 : memref<!tpu.dma_semaphore, #tpu.memory_space<semaphore_mem>>)
        %dma_start3A_498 = arith.constant 3 : i32
        %dma_start3A_499 = arith.constant 3 : i32
        %dma_start3A_500 = arith.constant 0 : i32
        %dma_start3A_501 = arith.constant 0 : i32
        %dma_start3A_502 = tpu.memref_slice %arg10[%dma_start3A_499, %dma_start3A_500, %dma_start3A_501] : memref<5x8x1024xf32, #tpu.memory_space<vmem>> -> memref<1x8x1024xf32, #tpu.memory_space<vmem>>
        %dma_start3A_503 = tpu.memref_squeeze %dma_start3A_502 : memref<1x8x1024xf32, #tpu.memory_space<vmem>> -> memref<8x1024xf32, #tpu.memory_space<vmem>>
        %dma_start3A_504 = tpu.memref_slice %arg4[%dma_start3A_498, %multiple_of3A, %multiple_of3A_455] : memref<5x64x100000xf32, #tpu.memory_space<hbm>> -> memref<1x8x1024xf32, #tpu.memory_space<hbm>>
        %dma_start3A_505 = tpu.memref_squeeze %dma_start3A_504 : memref<1x8x1024xf32, #tpu.memory_space<hbm>> -> memref<8x1024xf32, #tpu.memory_space<hbm>>
        %dma_start3A_506 = arith.constant 0 : i32
        %dma_start3A_507 = arith.constant 0 : i32
        %dma_start3A_508 = tpu.memref_slice %arg10[%dma_start3A_499, %dma_start3A_506, %dma_start3A_507] : memref<5x8x1024xf32, #tpu.memory_space<vmem>> -> memref<1x8x1024xf32, #tpu.memory_space<vmem>>
        %dma_start3A_509 = tpu.memref_squeeze %dma_start3A_508 : memref<1x8x1024xf32, #tpu.memory_space<vmem>> -> memref<8x1024xf32, #tpu.memory_space<vmem>>
        %dma_start3A_510 = tpu.memref_slice %arg4[%dma_start3A_498, %multiple_of3A, %multiple_of3A_455] : memref<5x64x100000xf32, #tpu.memory_space<hbm>> -> memref<1x8x1024xf32, #tpu.memory_space<hbm>>
        %dma_start3A_511 = tpu.memref_squeeze %dma_start3A_510 : memref<1x8x1024xf32, #tpu.memory_space<hbm>> -> memref<8x1024xf32, #tpu.memory_space<hbm>>
        tpu.enqueue_dma source(%dma_start3A_511 : memref<8x1024xf32, #tpu.memory_space<hbm>>) target(%dma_start3A_509 : memref<8x1024xf32, #tpu.memory_space<vmem>>) target_semaphore(%arg17 : memref<!tpu.dma_semaphore, #tpu.memory_space<semaphore_mem>>)
        %dma_start3A_512 = arith.constant 4 : i32
        %dma_start3A_513 = arith.constant 4 : i32
        %dma_start3A_514 = arith.constant 0 : i32
        %dma_start3A_515 = arith.constant 0 : i32
        %dma_start3A_516 = tpu.memref_slice %arg10[%dma_start3A_513, %dma_start3A_514, %dma_start3A_515] : memref<5x8x1024xf32, #tpu.memory_space<vmem>> -> memref<1x8x1024xf32, #tpu.memory_space<vmem>>
        %dma_start3A_517 = tpu.memref_squeeze %dma_start3A_516 : memref<1x8x1024xf32, #tpu.memory_space<vmem>> -> memref<8x1024xf32, #tpu.memory_space<vmem>>
        %dma_start3A_518 = tpu.memref_slice %arg4[%dma_start3A_512, %multiple_of3A, %multiple_of3A_455] : memref<5x64x100000xf32, #tpu.memory_space<hbm>> -> memref<1x8x1024xf32, #tpu.memory_space<hbm>>
        %dma_start3A_519 = tpu.memref_squeeze %dma_start3A_518 : memref<1x8x1024xf32, #tpu.memory_space<hbm>> -> memref<8x1024xf32, #tpu.memory_space<hbm>>
        %dma_start3A_520 = arith.constant 0 : i32
        %dma_start3A_521 = arith.constant 0 : i32
        %dma_start3A_522 = tpu.memref_slice %arg10[%dma_start3A_513, %dma_start3A_520, %dma_start3A_521] : memref<5x8x1024xf32, #tpu.memory_space<vmem>> -> memref<1x8x1024xf32, #tpu.memory_space<vmem>>
        %dma_start3A_523 = tpu.memref_squeeze %dma_start3A_522 : memref<1x8x1024xf32, #tpu.memory_space<vmem>> -> memref<8x1024xf32, #tpu.memory_space<vmem>>
        %dma_start3A_524 = tpu.memref_slice %arg4[%dma_start3A_512, %multiple_of3A, %multiple_of3A_455] : memref<5x64x100000xf32, #tpu.memory_space<hbm>> -> memref<1x8x1024xf32, #tpu.memory_space<hbm>>
        %dma_start3A_525 = tpu.memref_squeeze %dma_start3A_524 : memref<1x8x1024xf32, #tpu.memory_space<hbm>> -> memref<8x1024xf32, #tpu.memory_space<hbm>>
        tpu.enqueue_dma source(%dma_start3A_525 : memref<8x1024xf32, #tpu.memory_space<hbm>>) target(%dma_start3A_523 : memref<8x1024xf32, #tpu.memory_space<vmem>>) target_semaphore(%arg17 : memref<!tpu.dma_semaphore, #tpu.memory_space<semaphore_mem>>)
        %dma_start3A_526 = tpu.memref_slice %arg2[%multiple_of3A, %multiple_of3A_455] : memref<64x100000xf32, #tpu.memory_space<hbm>> -> memref<8x1024xf32, #tpu.memory_space<hbm>>
        %dma_start3A_527 = tpu.memref_slice %arg2[%multiple_of3A, %multiple_of3A_455] : memref<64x100000xf32, #tpu.memory_space<hbm>> -> memref<8x1024xf32, #tpu.memory_space<hbm>>
        tpu.enqueue_dma source(%dma_start3A_527 : memref<8x1024xf32, #tpu.memory_space<hbm>>) target(%arg12 : memref<8x1024xf32, #tpu.memory_space<vmem>>) target_semaphore(%arg17 : memref<!tpu.dma_semaphore, #tpu.memory_space<semaphore_mem>>)
      } else {
      }
      scf.yield %add3A_442 : vector<16xf32>
    }
    %scan3A_210 = arith.constant 12 : i32
    %eq3A_211 = arith.constant 0 : i32
    %eq3A_212 = arith.cmpi eq, %select_n3A_30, %eq3A_211 : i32
    %convert_element_type3A = arith.extui %eq3A_212 : i1 to i32
    %cond3A = arith.constant 0 : i32
    %cond3A_213 = arith.cmpi ne, %convert_element_type3A, %cond3A : i32
    scf.if %cond3A_213 {
      %multiple_of3A_225 = arith.constant 98304 : i32
      %multiple_of3A_226 = tpu.assume_multiple %multiple_of3A_225, 128 : i32
      %dma_start3A_227 = arith.constant 0 : i32
      %dma_start3A_228 = arith.constant 0 : i32
      %dma_start3A_229 = arith.constant 0 : i32
      %dma_start3A_230 = arith.constant 0 : i32
      %dma_start3A_231 = tpu.memref_slice %arg9[%dma_start3A_228, %dma_start3A_229, %dma_start3A_230] : memref<5x8x1024xf32, #tpu.memory_space<vmem>> -> memref<1x8x1024xf32, #tpu.memory_space<vmem>>
      %dma_start3A_232 = tpu.memref_squeeze %dma_start3A_231 : memref<1x8x1024xf32, #tpu.memory_space<vmem>> -> memref<8x1024xf32, #tpu.memory_space<vmem>>
      %dma_start3A_233 = tpu.memref_slice %arg4[%dma_start3A_227, %multiple_of3A, %multiple_of3A_226] : memref<5x64x100000xf32, #tpu.memory_space<hbm>> -> memref<1x8x1024xf32, #tpu.memory_space<hbm>>
      %dma_start3A_234 = tpu.memref_squeeze %dma_start3A_233 : memref<1x8x1024xf32, #tpu.memory_space<hbm>> -> memref<8x1024xf32, #tpu.memory_space<hbm>>
      %dma_start3A_235 = arith.constant 0 : i32
      %dma_start3A_236 = arith.constant 0 : i32
      %dma_start3A_237 = tpu.memref_slice %arg9[%dma_start3A_228, %dma_start3A_235, %dma_start3A_236] : memref<5x8x1024xf32, #tpu.memory_space<vmem>> -> memref<1x8x1024xf32, #tpu.memory_space<vmem>>
      %dma_start3A_238 = tpu.memref_squeeze %dma_start3A_237 : memref<1x8x1024xf32, #tpu.memory_space<vmem>> -> memref<8x1024xf32, #tpu.memory_space<vmem>>
      %dma_start3A_239 = tpu.memref_slice %arg4[%dma_start3A_227, %multiple_of3A, %multiple_of3A_226] : memref<5x64x100000xf32, #tpu.memory_space<hbm>> -> memref<1x8x1024xf32, #tpu.memory_space<hbm>>
      %dma_start3A_240 = tpu.memref_squeeze %dma_start3A_239 : memref<1x8x1024xf32, #tpu.memory_space<hbm>> -> memref<8x1024xf32, #tpu.memory_space<hbm>>
      tpu.enqueue_dma source(%dma_start3A_240 : memref<8x1024xf32, #tpu.memory_space<hbm>>) target(%dma_start3A_238 : memref<8x1024xf32, #tpu.memory_space<vmem>>) target_semaphore(%arg16 : memref<!tpu.dma_semaphore, #tpu.memory_space<semaphore_mem>>)
      %dma_start3A_241 = arith.constant 1 : i32
      %dma_start3A_242 = arith.constant 1 : i32
      %dma_start3A_243 = arith.constant 0 : i32
      %dma_start3A_244 = arith.constant 0 : i32
      %dma_start3A_245 = tpu.memref_slice %arg9[%dma_start3A_242, %dma_start3A_243, %dma_start3A_244] : memref<5x8x1024xf32, #tpu.memory_space<vmem>> -> memref<1x8x1024xf32, #tpu.memory_space<vmem>>
      %dma_start3A_246 = tpu.memref_squeeze %dma_start3A_245 : memref<1x8x1024xf32, #tpu.memory_space<vmem>> -> memref<8x1024xf32, #tpu.memory_space<vmem>>
      %dma_start3A_247 = tpu.memref_slice %arg4[%dma_start3A_241, %multiple_of3A, %multiple_of3A_226] : memref<5x64x100000xf32, #tpu.memory_space<hbm>> -> memref<1x8x1024xf32, #tpu.memory_space<hbm>>
      %dma_start3A_248 = tpu.memref_squeeze %dma_start3A_247 : memref<1x8x1024xf32, #tpu.memory_space<hbm>> -> memref<8x1024xf32, #tpu.memory_space<hbm>>
      %dma_start3A_249 = arith.constant 0 : i32
      %dma_start3A_250 = arith.constant 0 : i32
      %dma_start3A_251 = tpu.memref_slice %arg9[%dma_start3A_242, %dma_start3A_249, %dma_start3A_250] : memref<5x8x1024xf32, #tpu.memory_space<vmem>> -> memref<1x8x1024xf32, #tpu.memory_space<vmem>>
      %dma_start3A_252 = tpu.memref_squeeze %dma_start3A_251 : memref<1x8x1024xf32, #tpu.memory_space<vmem>> -> memref<8x1024xf32, #tpu.memory_space<vmem>>
      %dma_start3A_253 = tpu.memref_slice %arg4[%dma_start3A_241, %multiple_of3A, %multiple_of3A_226] : memref<5x64x100000xf32, #tpu.memory_space<hbm>> -> memref<1x8x1024xf32, #tpu.memory_space<hbm>>
      %dma_start3A_254 = tpu.memref_squeeze %dma_start3A_253 : memref<1x8x1024xf32, #tpu.memory_space<hbm>> -> memref<8x1024xf32, #tpu.memory_space<hbm>>
      tpu.enqueue_dma source(%dma_start3A_254 : memref<8x1024xf32, #tpu.memory_space<hbm>>) target(%dma_start3A_252 : memref<8x1024xf32, #tpu.memory_space<vmem>>) target_semaphore(%arg16 : memref<!tpu.dma_semaphore, #tpu.memory_space<semaphore_mem>>)
      %dma_start3A_255 = arith.constant 2 : i32
      %dma_start3A_256 = arith.constant 2 : i32
      %dma_start3A_257 = arith.constant 0 : i32
      %dma_start3A_258 = arith.constant 0 : i32
      %dma_start3A_259 = tpu.memref_slice %arg9[%dma_start3A_256, %dma_start3A_257, %dma_start3A_258] : memref<5x8x1024xf32, #tpu.memory_space<vmem>> -> memref<1x8x1024xf32, #tpu.memory_space<vmem>>
      %dma_start3A_260 = tpu.memref_squeeze %dma_start3A_259 : memref<1x8x1024xf32, #tpu.memory_space<vmem>> -> memref<8x1024xf32, #tpu.memory_space<vmem>>
      %dma_start3A_261 = tpu.memref_slice %arg4[%dma_start3A_255, %multiple_of3A, %multiple_of3A_226] : memref<5x64x100000xf32, #tpu.memory_space<hbm>> -> memref<1x8x1024xf32, #tpu.memory_space<hbm>>
      %dma_start3A_262 = tpu.memref_squeeze %dma_start3A_261 : memref<1x8x1024xf32, #tpu.memory_space<hbm>> -> memref<8x1024xf32, #tpu.memory_space<hbm>>
      %dma_start3A_263 = arith.constant 0 : i32
      %dma_start3A_264 = arith.constant 0 : i32
      %dma_start3A_265 = tpu.memref_slice %arg9[%dma_start3A_256, %dma_start3A_263, %dma_start3A_264] : memref<5x8x1024xf32, #tpu.memory_space<vmem>> -> memref<1x8x1024xf32, #tpu.memory_space<vmem>>
      %dma_start3A_266 = tpu.memref_squeeze %dma_start3A_265 : memref<1x8x1024xf32, #tpu.memory_space<vmem>> -> memref<8x1024xf32, #tpu.memory_space<vmem>>
      %dma_start3A_267 = tpu.memref_slice %arg4[%dma_start3A_255, %multiple_of3A, %multiple_of3A_226] : memref<5x64x100000xf32, #tpu.memory_space<hbm>> -> memref<1x8x1024xf32, #tpu.memory_space<hbm>>
      %dma_start3A_268 = tpu.memref_squeeze %dma_start3A_267 : memref<1x8x1024xf32, #tpu.memory_space<hbm>> -> memref<8x1024xf32, #tpu.memory_space<hbm>>
      tpu.enqueue_dma source(%dma_start3A_268 : memref<8x1024xf32, #tpu.memory_space<hbm>>) target(%dma_start3A_266 : memref<8x1024xf32, #tpu.memory_space<vmem>>) target_semaphore(%arg16 : memref<!tpu.dma_semaphore, #tpu.memory_space<semaphore_mem>>)
      %dma_start3A_269 = arith.constant 3 : i32
      %dma_start3A_270 = arith.constant 3 : i32
      %dma_start3A_271 = arith.constant 0 : i32
      %dma_start3A_272 = arith.constant 0 : i32
      %dma_start3A_273 = tpu.memref_slice %arg9[%dma_start3A_270, %dma_start3A_271, %dma_start3A_272] : memref<5x8x1024xf32, #tpu.memory_space<vmem>> -> memref<1x8x1024xf32, #tpu.memory_space<vmem>>
      %dma_start3A_274 = tpu.memref_squeeze %dma_start3A_273 : memref<1x8x1024xf32, #tpu.memory_space<vmem>> -> memref<8x1024xf32, #tpu.memory_space<vmem>>
      %dma_start3A_275 = tpu.memref_slice %arg4[%dma_start3A_269, %multiple_of3A, %multiple_of3A_226] : memref<5x64x100000xf32, #tpu.memory_space<hbm>> -> memref<1x8x1024xf32, #tpu.memory_space<hbm>>
      %dma_start3A_276 = tpu.memref_squeeze %dma_start3A_275 : memref<1x8x1024xf32, #tpu.memory_space<hbm>> -> memref<8x1024xf32, #tpu.memory_space<hbm>>
      %dma_start3A_277 = arith.constant 0 : i32
      %dma_start3A_278 = arith.constant 0 : i32
      %dma_start3A_279 = tpu.memref_slice %arg9[%dma_start3A_270, %dma_start3A_277, %dma_start3A_278] : memref<5x8x1024xf32, #tpu.memory_space<vmem>> -> memref<1x8x1024xf32, #tpu.memory_space<vmem>>
      %dma_start3A_280 = tpu.memref_squeeze %dma_start3A_279 : memref<1x8x1024xf32, #tpu.memory_space<vmem>> -> memref<8x1024xf32, #tpu.memory_space<vmem>>
      %dma_start3A_281 = tpu.memref_slice %arg4[%dma_start3A_269, %multiple_of3A, %multiple_of3A_226] : memref<5x64x100000xf32, #tpu.memory_space<hbm>> -> memref<1x8x1024xf32, #tpu.memory_space<hbm>>
      %dma_start3A_282 = tpu.memref_squeeze %dma_start3A_281 : memref<1x8x1024xf32, #tpu.memory_space<hbm>> -> memref<8x1024xf32, #tpu.memory_space<hbm>>
      tpu.enqueue_dma source(%dma_start3A_282 : memref<8x1024xf32, #tpu.memory_space<hbm>>) target(%dma_start3A_280 : memref<8x1024xf32, #tpu.memory_space<vmem>>) target_semaphore(%arg16 : memref<!tpu.dma_semaphore, #tpu.memory_space<semaphore_mem>>)
      %dma_start3A_283 = arith.constant 4 : i32
      %dma_start3A_284 = arith.constant 4 : i32
      %dma_start3A_285 = arith.constant 0 : i32
      %dma_start3A_286 = arith.constant 0 : i32
      %dma_start3A_287 = tpu.memref_slice %arg9[%dma_start3A_284, %dma_start3A_285, %dma_start3A_286] : memref<5x8x1024xf32, #tpu.memory_space<vmem>> -> memref<1x8x1024xf32, #tpu.memory_space<vmem>>
      %dma_start3A_288 = tpu.memref_squeeze %dma_start3A_287 : memref<1x8x1024xf32, #tpu.memory_space<vmem>> -> memref<8x1024xf32, #tpu.memory_space<vmem>>
      %dma_start3A_289 = tpu.memref_slice %arg4[%dma_start3A_283, %multiple_of3A, %multiple_of3A_226] : memref<5x64x100000xf32, #tpu.memory_space<hbm>> -> memref<1x8x1024xf32, #tpu.memory_space<hbm>>
      %dma_start3A_290 = tpu.memref_squeeze %dma_start3A_289 : memref<1x8x1024xf32, #tpu.memory_space<hbm>> -> memref<8x1024xf32, #tpu.memory_space<hbm>>
      %dma_start3A_291 = arith.constant 0 : i32
      %dma_start3A_292 = arith.constant 0 : i32
      %dma_start3A_293 = tpu.memref_slice %arg9[%dma_start3A_284, %dma_start3A_291, %dma_start3A_292] : memref<5x8x1024xf32, #tpu.memory_space<vmem>> -> memref<1x8x1024xf32, #tpu.memory_space<vmem>>
      %dma_start3A_294 = tpu.memref_squeeze %dma_start3A_293 : memref<1x8x1024xf32, #tpu.memory_space<vmem>> -> memref<8x1024xf32, #tpu.memory_space<vmem>>
      %dma_start3A_295 = tpu.memref_slice %arg4[%dma_start3A_283, %multiple_of3A, %multiple_of3A_226] : memref<5x64x100000xf32, #tpu.memory_space<hbm>> -> memref<1x8x1024xf32, #tpu.memory_space<hbm>>
      %dma_start3A_296 = tpu.memref_squeeze %dma_start3A_295 : memref<1x8x1024xf32, #tpu.memory_space<hbm>> -> memref<8x1024xf32, #tpu.memory_space<hbm>>
      tpu.enqueue_dma source(%dma_start3A_296 : memref<8x1024xf32, #tpu.memory_space<hbm>>) target(%dma_start3A_294 : memref<8x1024xf32, #tpu.memory_space<vmem>>) target_semaphore(%arg16 : memref<!tpu.dma_semaphore, #tpu.memory_space<semaphore_mem>>)
      %dma_start3A_297 = tpu.memref_slice %arg2[%multiple_of3A, %multiple_of3A_226] : memref<64x100000xf32, #tpu.memory_space<hbm>> -> memref<8x1024xf32, #tpu.memory_space<hbm>>
      %dma_start3A_298 = tpu.memref_slice %arg2[%multiple_of3A, %multiple_of3A_226] : memref<64x100000xf32, #tpu.memory_space<hbm>> -> memref<8x1024xf32, #tpu.memory_space<hbm>>
      tpu.enqueue_dma source(%dma_start3A_298 : memref<8x1024xf32, #tpu.memory_space<hbm>>) target(%arg11 : memref<8x1024xf32, #tpu.memory_space<vmem>>) target_semaphore(%arg16 : memref<!tpu.dma_semaphore, #tpu.memory_space<semaphore_mem>>)
      %multiple_of3A_299 = arith.constant 98304 : i32
      %multiple_of3A_300 = tpu.assume_multiple %multiple_of3A_299, 128 : i32
      %dma_wait3A = arith.constant 0 : i32
      %dma_wait3A_301 = arith.constant 0 : i32
      %dma_wait3A_302 = arith.constant 0 : i32
      %dma_wait3A_303 = arith.constant 0 : i32
      %dma_wait3A_304 = tpu.memref_slice %arg9[%dma_wait3A_301, %dma_wait3A_302, %dma_wait3A_303] : memref<5x8x1024xf32, #tpu.memory_space<vmem>> -> memref<1x8x1024xf32, #tpu.memory_space<vmem>>
      %dma_wait3A_305 = tpu.memref_squeeze %dma_wait3A_304 : memref<1x8x1024xf32, #tpu.memory_space<vmem>> -> memref<8x1024xf32, #tpu.memory_space<vmem>>
      %dma_wait3A_306 = tpu.memref_slice %arg4[%dma_wait3A, %multiple_of3A, %multiple_of3A_300] : memref<5x64x100000xf32, #tpu.memory_space<hbm>> -> memref<1x8x1024xf32, #tpu.memory_space<hbm>>
      %dma_wait3A_307 = tpu.memref_squeeze %dma_wait3A_306 : memref<1x8x1024xf32, #tpu.memory_space<hbm>> -> memref<8x1024xf32, #tpu.memory_space<hbm>>
      %dma_wait3A_308 = arith.constant 0 : i32
      %dma_wait3A_309 = arith.constant 0 : i32
      %dma_wait3A_310 = tpu.memref_slice %arg9[%dma_wait3A_301, %dma_wait3A_308, %dma_wait3A_309] : memref<5x8x1024xf32, #tpu.memory_space<vmem>> -> memref<1x8x1024xf32, #tpu.memory_space<vmem>>
      %dma_wait3A_311 = tpu.memref_squeeze %dma_wait3A_310 : memref<1x8x1024xf32, #tpu.memory_space<vmem>> -> memref<8x1024xf32, #tpu.memory_space<vmem>>
      %dma_wait3A_312 = tpu.memref_slice %arg4[%dma_wait3A, %multiple_of3A, %multiple_of3A_300] : memref<5x64x100000xf32, #tpu.memory_space<hbm>> -> memref<1x8x1024xf32, #tpu.memory_space<hbm>>
      %dma_wait3A_313 = tpu.memref_squeeze %dma_wait3A_312 : memref<1x8x1024xf32, #tpu.memory_space<hbm>> -> memref<8x1024xf32, #tpu.memory_space<hbm>>
      tpu.wait_dma2 semaphore(%arg16 : memref<!tpu.dma_semaphore, #tpu.memory_space<semaphore_mem>>) src(%dma_wait3A_313 : memref<8x1024xf32, #tpu.memory_space<hbm>>) dst(%dma_wait3A_311 : memref<8x1024xf32, #tpu.memory_space<vmem>>)
      %dma_wait3A_314 = arith.constant 1 : i32
      %dma_wait3A_315 = arith.constant 1 : i32
      %dma_wait3A_316 = arith.constant 0 : i32
      %dma_wait3A_317 = arith.constant 0 : i32
      %dma_wait3A_318 = tpu.memref_slice %arg9[%dma_wait3A_315, %dma_wait3A_316, %dma_wait3A_317] : memref<5x8x1024xf32, #tpu.memory_space<vmem>> -> memref<1x8x1024xf32, #tpu.memory_space<vmem>>
      %dma_wait3A_319 = tpu.memref_squeeze %dma_wait3A_318 : memref<1x8x1024xf32, #tpu.memory_space<vmem>> -> memref<8x1024xf32, #tpu.memory_space<vmem>>
      %dma_wait3A_320 = tpu.memref_slice %arg4[%dma_wait3A_314, %multiple_of3A, %multiple_of3A_300] : memref<5x64x100000xf32, #tpu.memory_space<hbm>> -> memref<1x8x1024xf32, #tpu.memory_space<hbm>>
      %dma_wait3A_321 = tpu.memref_squeeze %dma_wait3A_320 : memref<1x8x1024xf32, #tpu.memory_space<hbm>> -> memref<8x1024xf32, #tpu.memory_space<hbm>>
      %dma_wait3A_322 = arith.constant 0 : i32
      %dma_wait3A_323 = arith.constant 0 : i32
      %dma_wait3A_324 = tpu.memref_slice %arg9[%dma_wait3A_315, %dma_wait3A_322, %dma_wait3A_323] : memref<5x8x1024xf32, #tpu.memory_space<vmem>> -> memref<1x8x1024xf32, #tpu.memory_space<vmem>>
      %dma_wait3A_325 = tpu.memref_squeeze %dma_wait3A_324 : memref<1x8x1024xf32, #tpu.memory_space<vmem>> -> memref<8x1024xf32, #tpu.memory_space<vmem>>
      %dma_wait3A_326 = tpu.memref_slice %arg4[%dma_wait3A_314, %multiple_of3A, %multiple_of3A_300] : memref<5x64x100000xf32, #tpu.memory_space<hbm>> -> memref<1x8x1024xf32, #tpu.memory_space<hbm>>
      %dma_wait3A_327 = tpu.memref_squeeze %dma_wait3A_326 : memref<1x8x1024xf32, #tpu.memory_space<hbm>> -> memref<8x1024xf32, #tpu.memory_space<hbm>>
      tpu.wait_dma2 semaphore(%arg16 : memref<!tpu.dma_semaphore, #tpu.memory_space<semaphore_mem>>) src(%dma_wait3A_327 : memref<8x1024xf32, #tpu.memory_space<hbm>>) dst(%dma_wait3A_325 : memref<8x1024xf32, #tpu.memory_space<vmem>>)
      %dma_wait3A_328 = arith.constant 2 : i32
      %dma_wait3A_329 = arith.constant 2 : i32
      %dma_wait3A_330 = arith.constant 0 : i32
      %dma_wait3A_331 = arith.constant 0 : i32
      %dma_wait3A_332 = tpu.memref_slice %arg9[%dma_wait3A_329, %dma_wait3A_330, %dma_wait3A_331] : memref<5x8x1024xf32, #tpu.memory_space<vmem>> -> memref<1x8x1024xf32, #tpu.memory_space<vmem>>
      %dma_wait3A_333 = tpu.memref_squeeze %dma_wait3A_332 : memref<1x8x1024xf32, #tpu.memory_space<vmem>> -> memref<8x1024xf32, #tpu.memory_space<vmem>>
      %dma_wait3A_334 = tpu.memref_slice %arg4[%dma_wait3A_328, %multiple_of3A, %multiple_of3A_300] : memref<5x64x100000xf32, #tpu.memory_space<hbm>> -> memref<1x8x1024xf32, #tpu.memory_space<hbm>>
      %dma_wait3A_335 = tpu.memref_squeeze %dma_wait3A_334 : memref<1x8x1024xf32, #tpu.memory_space<hbm>> -> memref<8x1024xf32, #tpu.memory_space<hbm>>
      %dma_wait3A_336 = arith.constant 0 : i32
      %dma_wait3A_337 = arith.constant 0 : i32
      %dma_wait3A_338 = tpu.memref_slice %arg9[%dma_wait3A_329, %dma_wait3A_336, %dma_wait3A_337] : memref<5x8x1024xf32, #tpu.memory_space<vmem>> -> memref<1x8x1024xf32, #tpu.memory_space<vmem>>
      %dma_wait3A_339 = tpu.memref_squeeze %dma_wait3A_338 : memref<1x8x1024xf32, #tpu.memory_space<vmem>> -> memref<8x1024xf32, #tpu.memory_space<vmem>>
      %dma_wait3A_340 = tpu.memref_slice %arg4[%dma_wait3A_328, %multiple_of3A, %multiple_of3A_300] : memref<5x64x100000xf32, #tpu.memory_space<hbm>> -> memref<1x8x1024xf32, #tpu.memory_space<hbm>>
      %dma_wait3A_341 = tpu.memref_squeeze %dma_wait3A_340 : memref<1x8x1024xf32, #tpu.memory_space<hbm>> -> memref<8x1024xf32, #tpu.memory_space<hbm>>
      tpu.wait_dma2 semaphore(%arg16 : memref<!tpu.dma_semaphore, #tpu.memory_space<semaphore_mem>>) src(%dma_wait3A_341 : memref<8x1024xf32, #tpu.memory_space<hbm>>) dst(%dma_wait3A_339 : memref<8x1024xf32, #tpu.memory_space<vmem>>)
      %dma_wait3A_342 = arith.constant 3 : i32
      %dma_wait3A_343 = arith.constant 3 : i32
      %dma_wait3A_344 = arith.constant 0 : i32
      %dma_wait3A_345 = arith.constant 0 : i32
      %dma_wait3A_346 = tpu.memref_slice %arg9[%dma_wait3A_343, %dma_wait3A_344, %dma_wait3A_345] : memref<5x8x1024xf32, #tpu.memory_space<vmem>> -> memref<1x8x1024xf32, #tpu.memory_space<vmem>>
      %dma_wait3A_347 = tpu.memref_squeeze %dma_wait3A_346 : memref<1x8x1024xf32, #tpu.memory_space<vmem>> -> memref<8x1024xf32, #tpu.memory_space<vmem>>
      %dma_wait3A_348 = tpu.memref_slice %arg4[%dma_wait3A_342, %multiple_of3A, %multiple_of3A_300] : memref<5x64x100000xf32, #tpu.memory_space<hbm>> -> memref<1x8x1024xf32, #tpu.memory_space<hbm>>
      %dma_wait3A_349 = tpu.memref_squeeze %dma_wait3A_348 : memref<1x8x1024xf32, #tpu.memory_space<hbm>> -> memref<8x1024xf32, #tpu.memory_space<hbm>>
      %dma_wait3A_350 = arith.constant 0 : i32
      %dma_wait3A_351 = arith.constant 0 : i32
      %dma_wait3A_352 = tpu.memref_slice %arg9[%dma_wait3A_343, %dma_wait3A_350, %dma_wait3A_351] : memref<5x8x1024xf32, #tpu.memory_space<vmem>> -> memref<1x8x1024xf32, #tpu.memory_space<vmem>>
      %dma_wait3A_353 = tpu.memref_squeeze %dma_wait3A_352 : memref<1x8x1024xf32, #tpu.memory_space<vmem>> -> memref<8x1024xf32, #tpu.memory_space<vmem>>
      %dma_wait3A_354 = tpu.memref_slice %arg4[%dma_wait3A_342, %multiple_of3A, %multiple_of3A_300] : memref<5x64x100000xf32, #tpu.memory_space<hbm>> -> memref<1x8x1024xf32, #tpu.memory_space<hbm>>
      %dma_wait3A_355 = tpu.memref_squeeze %dma_wait3A_354 : memref<1x8x1024xf32, #tpu.memory_space<hbm>> -> memref<8x1024xf32, #tpu.memory_space<hbm>>
      tpu.wait_dma2 semaphore(%arg16 : memref<!tpu.dma_semaphore, #tpu.memory_space<semaphore_mem>>) src(%dma_wait3A_355 : memref<8x1024xf32, #tpu.memory_space<hbm>>) dst(%dma_wait3A_353 : memref<8x1024xf32, #tpu.memory_space<vmem>>)
      %dma_wait3A_356 = arith.constant 4 : i32
      %dma_wait3A_357 = arith.constant 4 : i32
      %dma_wait3A_358 = arith.constant 0 : i32
      %dma_wait3A_359 = arith.constant 0 : i32
      %dma_wait3A_360 = tpu.memref_slice %arg9[%dma_wait3A_357, %dma_wait3A_358, %dma_wait3A_359] : memref<5x8x1024xf32, #tpu.memory_space<vmem>> -> memref<1x8x1024xf32, #tpu.memory_space<vmem>>
      %dma_wait3A_361 = tpu.memref_squeeze %dma_wait3A_360 : memref<1x8x1024xf32, #tpu.memory_space<vmem>> -> memref<8x1024xf32, #tpu.memory_space<vmem>>
      %dma_wait3A_362 = tpu.memref_slice %arg4[%dma_wait3A_356, %multiple_of3A, %multiple_of3A_300] : memref<5x64x100000xf32, #tpu.memory_space<hbm>> -> memref<1x8x1024xf32, #tpu.memory_space<hbm>>
      %dma_wait3A_363 = tpu.memref_squeeze %dma_wait3A_362 : memref<1x8x1024xf32, #tpu.memory_space<hbm>> -> memref<8x1024xf32, #tpu.memory_space<hbm>>
      %dma_wait3A_364 = arith.constant 0 : i32
      %dma_wait3A_365 = arith.constant 0 : i32
      %dma_wait3A_366 = tpu.memref_slice %arg9[%dma_wait3A_357, %dma_wait3A_364, %dma_wait3A_365] : memref<5x8x1024xf32, #tpu.memory_space<vmem>> -> memref<1x8x1024xf32, #tpu.memory_space<vmem>>
      %dma_wait3A_367 = tpu.memref_squeeze %dma_wait3A_366 : memref<1x8x1024xf32, #tpu.memory_space<vmem>> -> memref<8x1024xf32, #tpu.memory_space<vmem>>
      %dma_wait3A_368 = tpu.memref_slice %arg4[%dma_wait3A_356, %multiple_of3A, %multiple_of3A_300] : memref<5x64x100000xf32, #tpu.memory_space<hbm>> -> memref<1x8x1024xf32, #tpu.memory_space<hbm>>
      %dma_wait3A_369 = tpu.memref_squeeze %dma_wait3A_368 : memref<1x8x1024xf32, #tpu.memory_space<hbm>> -> memref<8x1024xf32, #tpu.memory_space<hbm>>
      tpu.wait_dma2 semaphore(%arg16 : memref<!tpu.dma_semaphore, #tpu.memory_space<semaphore_mem>>) src(%dma_wait3A_369 : memref<8x1024xf32, #tpu.memory_space<hbm>>) dst(%dma_wait3A_367 : memref<8x1024xf32, #tpu.memory_space<vmem>>)
      %dma_wait3A_370 = tpu.memref_slice %arg2[%multiple_of3A, %multiple_of3A_300] : memref<64x100000xf32, #tpu.memory_space<hbm>> -> memref<8x1024xf32, #tpu.memory_space<hbm>>
      %dma_wait3A_371 = tpu.memref_slice %arg2[%multiple_of3A, %multiple_of3A_300] : memref<64x100000xf32, #tpu.memory_space<hbm>> -> memref<8x1024xf32, #tpu.memory_space<hbm>>
      tpu.wait_dma2 semaphore(%arg16 : memref<!tpu.dma_semaphore, #tpu.memory_space<semaphore_mem>>) src(%dma_wait3A_371 : memref<8x1024xf32, #tpu.memory_space<hbm>>) dst(%arg11 : memref<8x1024xf32, #tpu.memory_space<vmem>>)
      %sub3A_372 = arith.constant 98304 : i32
      %sub3A_373 = vector.broadcast %sub3A_372 : i32 to vector<16xi32>
      %sub3A_374 = arith.subi %gather3A, %sub3A_373 : vector<16xi32>
      %ge3A_375 = arith.constant 0 : i32
      %ge3A_376 = vector.broadcast %ge3A_375 : i32 to vector<16xi32>
      %ge3A_377 = arith.cmpi sge, %sub3A_374, %ge3A_376 : vector<16xi32>
      %lt3A_378 = arith.constant 1024 : i32
      %lt3A_379 = vector.broadcast %lt3A_378 : i32 to vector<16xi32>
      %lt3A_380 = arith.cmpi slt, %sub3A_374, %lt3A_379 : vector<16xi32>
      %and3A_381 = arith.andi %ge3A_377, %lt3A_380 : vector<16xi1>
      %jit3A_382 = arith.constant 0 : i32
      %jit3A_383 = arith.constant 1023 : i32
      %max3A = vector.broadcast %jit3A_382 : i32 to vector<16xi32>
      %max3A_384 = arith.maxsi %max3A, %sub3A_374 : vector<16xi32>
      %min3A = vector.broadcast %jit3A_383 : i32 to vector<16xi32>
      %min3A_385 = arith.minsi %min3A, %max3A_384 : vector<16xi32>
      %and3A_386 = arith.constant 7 : i32
      %and3A_387 = vector.broadcast %and3A_386 : i32 to vector<16xi32>
      %and3A_388 = arith.andi %iota3A, %and3A_387 : vector<16xi32>
      %gather3A_389 = tpu.vector_load_idx %arg11[%and3A_388, %min3A_385] : memref<8x1024xf32, #tpu.memory_space<vmem>>[vector<16xi32>, vector<16xi32>], vector<16xf32>,
      %and3A_390 = arith.andi %and3A_381, %lt3A_42 : vector<16xi1>
      %jit3A_391 = arith.constant 0.000000e+00 : f32
      %broadcast_in_dim3A_392 = vector.broadcast %jit3A_391 : f32 to vector<16xf32>
      %select_n3A_393 = arith.select %and3A_390, %gather3A_389, %broadcast_in_dim3A_392 : vector<16xi1>, vector<16xf32>
      %add3A_394 = arith.addf %scan3A_209, %select_n3A_393 : vector<16xf32>
      %parallel_loop3A = arith.constant 0 : i32
      %parallel_loop3A_395 = arith.constant 8 : i32
      %parallel_loop3A_396 = arith.constant 1 : i32
      scf.for %parallel_loop3A_400 = %parallel_loop3A to %parallel_loop3A_395 step %parallel_loop3A_396  : i32 {
        %parallel_loop3A_401 = arith.constant 480 : i32
        %parallel_loop3A_402 = arith.muli %parallel_loop3A_400, %parallel_loop3A_401 : i32
        %parallel_loop3A_403 = arith.constant 0 : i32
        %parallel_loop3A_404 = arith.addi %parallel_loop3A_402, %parallel_loop3A_403 : i32
        %parallel_loop3A_405 = arith.index_cast %parallel_loop3A_404 : i32 to index
        %parallel_loop3A_406 = tpu.vector_load %arg13[%parallel_loop3A_405] {strides = array<i32>} : memref<3840xf32, #tpu.memory_space<vmem>>, vector<16xf32>,
        %parallel_loop3A_407 = arith.constant 16 : i32
        %parallel_loop3A_408 = arith.addi %parallel_loop3A_402, %parallel_loop3A_407 : i32
        %parallel_loop3A_409 = arith.index_cast %parallel_loop3A_408 : i32 to index
        %parallel_loop3A_410 = tpu.vector_load %arg13[%parallel_loop3A_409] {strides = array<i32>} : memref<3840xf32, #tpu.memory_space<vmem>>, vector<16xf32>,
        %parallel_loop3A_411 = arith.constant 32 : i32
        %parallel_loop3A_412 = arith.addi %parallel_loop3A_402, %parallel_loop3A_411 : i32
        %parallel_loop3A_413 = arith.index_cast %parallel_loop3A_412 : i32 to index
        %parallel_loop3A_414 = tpu.vector_load %arg13[%parallel_loop3A_413] {strides = array<i32>} : memref<3840xf32, #tpu.memory_space<vmem>>, vector<16xf32>,
        %parallel_loop3A_415 = arith.constant 48 : i32
        %parallel_loop3A_416 = arith.addi %parallel_loop3A_402, %parallel_loop3A_415 : i32
        %parallel_loop3A_417 = arith.index_cast %parallel_loop3A_416 : i32 to index
        %parallel_loop3A_418 = tpu.vector_load %arg13[%parallel_loop3A_417] {strides = array<i32>} : memref<3840xf32, #tpu.memory_space<vmem>>, vector<16xf32>,
        %parallel_loop3A_419 = arith.constant 64 : i32
        %parallel_loop3A_420 = arith.addi %parallel_loop3A_402, %parallel_loop3A_419 : i32
        %parallel_loop3A_421 = arith.index_cast %parallel_loop3A_420 : i32 to index
        %parallel_loop3A_422 = tpu.vector_load %arg13[%parallel_loop3A_421] {strides = array<i32>} : memref<3840xf32, #tpu.memory_space<vmem>>, vector<16xf32>,
        %parallel_loop3A_423 = arith.constant 80 : i32
        %parallel_loop3A_424 = arith.addi %parallel_loop3A_402, %parallel_loop3A_423 : i32
        %parallel_loop3A_425 = arith.index_cast %parallel_loop3A_424 : i32 to index
        %parallel_loop3A_426 = tpu.vector_load %arg13[%parallel_loop3A_425] {strides = array<i32>} : memref<3840xf32, #tpu.memory_space<vmem>>, vector<16xf32>,
        %parallel_loop3A_427 = arith.constant 96 : i32
        %parallel_loop3A_428 = arith.addi %parallel_loop3A_402, %parallel_loop3A_427 : i32
        %parallel_loop3A_429 = arith.index_cast %parallel_loop3A_428 : i32 to index
        %parallel_loop3A_430 = tpu.vector_load %arg13[%parallel_loop3A_429] {strides = array<i32>} : memref<3840xf32, #tpu.memory_space<vmem>>, vector<16xf32>,
        %parallel_loop3A_431 = arith.constant 112 : i32
        %parallel_loop3A_432 = arith.addi %parallel_loop3A_402, %parallel_loop3A_431 : i32
        %parallel_loop3A_433 = arith.index_cast %parallel_loop3A_432 : i32 to index
        %parallel_loop3A_434 = tpu.vector_load %arg13[%parallel_loop3A_433] {strides = array<i32>} : memref<3840xf32, #tpu.memory_space<vmem>>, vector<16xf32>,
        %parallel_loop3A_435 = arith.constant 128 : i32
        %parallel_loop3A_436 = arith.addi %parallel_loop3A_402, %parallel_loop3A_435 : i32
        %parallel_loop3A_437 = arith.index_cast %parallel_loop3A_436 : i32 to index
        %parallel_loop3A_438 = tpu.vector_load %arg13[%parallel_loop3A_437] {strides = array<i32>} : memref<3840xf32, #tpu.memory_space<vmem>>, vector<16xf32>,
        %parallel_loop3A_439 = arith.constant 144 : i32
        %parallel_loop3A_440 = arith.addi %parallel_loop3A_402, %parallel_loop3A_439 : i32
        %parallel_loop3A_441 = arith.index_cast %parallel_loop3A_440 : i32 to index
        %parallel_loop3A_442 = tpu.vector_load %arg13[%parallel_loop3A_441] {strides = array<i32>} : memref<3840xf32, #tpu.memory_space<vmem>>, vector<16xf32>,
        %parallel_loop3A_443 = arith.constant 160 : i32
        %parallel_loop3A_444 = arith.addi %parallel_loop3A_402, %parallel_loop3A_443 : i32
        %parallel_loop3A_445 = arith.index_cast %parallel_loop3A_444 : i32 to index
        %parallel_loop3A_446 = tpu.vector_load %arg13[%parallel_loop3A_445] {strides = array<i32>} : memref<3840xf32, #tpu.memory_space<vmem>>, vector<16xf32>,
        %parallel_loop3A_447 = arith.constant 176 : i32
        %parallel_loop3A_448 = arith.addi %parallel_loop3A_402, %parallel_loop3A_447 : i32
        %parallel_loop3A_449 = arith.index_cast %parallel_loop3A_448 : i32 to index
        %parallel_loop3A_450 = tpu.vector_load %arg13[%parallel_loop3A_449] {strides = array<i32>} : memref<3840xf32, #tpu.memory_space<vmem>>, vector<16xf32>,
        %parallel_loop3A_451 = arith.constant 192 : i32
        %parallel_loop3A_452 = arith.addi %parallel_loop3A_402, %parallel_loop3A_451 : i32
        %parallel_loop3A_453 = arith.index_cast %parallel_loop3A_452 : i32 to index
        %parallel_loop3A_454 = tpu.vector_load %arg13[%parallel_loop3A_453] {strides = array<i32>} : memref<3840xf32, #tpu.memory_space<vmem>>, vector<16xf32>,
        %parallel_loop3A_455 = arith.constant 208 : i32
        %parallel_loop3A_456 = arith.addi %parallel_loop3A_402, %parallel_loop3A_455 : i32
        %parallel_loop3A_457 = arith.index_cast %parallel_loop3A_456 : i32 to index
        %parallel_loop3A_458 = tpu.vector_load %arg13[%parallel_loop3A_457] {strides = array<i32>} : memref<3840xf32, #tpu.memory_space<vmem>>, vector<16xf32>,
        %parallel_loop3A_459 = arith.constant 224 : i32
        %parallel_loop3A_460 = arith.addi %parallel_loop3A_402, %parallel_loop3A_459 : i32
        %parallel_loop3A_461 = arith.index_cast %parallel_loop3A_460 : i32 to index
        %parallel_loop3A_462 = tpu.vector_load %arg13[%parallel_loop3A_461] {strides = array<i32>} : memref<3840xf32, #tpu.memory_space<vmem>>, vector<16xf32>,
        %parallel_loop3A_463 = arith.constant 240 : i32
        %parallel_loop3A_464 = arith.addi %parallel_loop3A_402, %parallel_loop3A_463 : i32
        %parallel_loop3A_465 = arith.index_cast %parallel_loop3A_464 : i32 to index
        %parallel_loop3A_466 = tpu.vector_load %arg13[%parallel_loop3A_465] {strides = array<i32>} : memref<3840xf32, #tpu.memory_space<vmem>>, vector<16xf32>,
        %parallel_loop3A_467 = arith.constant 256 : i32
        %parallel_loop3A_468 = arith.addi %parallel_loop3A_402, %parallel_loop3A_467 : i32
        %parallel_loop3A_469 = arith.index_cast %parallel_loop3A_468 : i32 to index
        %parallel_loop3A_470 = tpu.vector_load %arg13[%parallel_loop3A_469] {strides = array<i32>} : memref<3840xf32, #tpu.memory_space<vmem>>, vector<16xf32>,
        %parallel_loop3A_471 = arith.constant 272 : i32
        %parallel_loop3A_472 = arith.addi %parallel_loop3A_402, %parallel_loop3A_471 : i32
        %parallel_loop3A_473 = arith.index_cast %parallel_loop3A_472 : i32 to index
        %parallel_loop3A_474 = tpu.vector_load %arg13[%parallel_loop3A_473] {strides = array<i32>} : memref<3840xf32, #tpu.memory_space<vmem>>, vector<16xf32>,
        %parallel_loop3A_475 = arith.constant 288 : i32
        %parallel_loop3A_476 = arith.addi %parallel_loop3A_402, %parallel_loop3A_475 : i32
        %parallel_loop3A_477 = arith.index_cast %parallel_loop3A_476 : i32 to index
        %parallel_loop3A_478 = tpu.vector_load %arg13[%parallel_loop3A_477] {strides = array<i32>} : memref<3840xf32, #tpu.memory_space<vmem>>, vector<16xf32>,
        %parallel_loop3A_479 = arith.constant 304 : i32
        %parallel_loop3A_480 = arith.addi %parallel_loop3A_402, %parallel_loop3A_479 : i32
        %parallel_loop3A_481 = arith.index_cast %parallel_loop3A_480 : i32 to index
        %parallel_loop3A_482 = tpu.vector_load %arg13[%parallel_loop3A_481] {strides = array<i32>} : memref<3840xf32, #tpu.memory_space<vmem>>, vector<16xf32>,
        %parallel_loop3A_483 = arith.constant 320 : i32
        %parallel_loop3A_484 = arith.addi %parallel_loop3A_402, %parallel_loop3A_483 : i32
        %parallel_loop3A_485 = arith.index_cast %parallel_loop3A_484 : i32 to index
        %parallel_loop3A_486 = tpu.vector_load %arg13[%parallel_loop3A_485] {strides = array<i32>} : memref<3840xf32, #tpu.memory_space<vmem>>, vector<16xf32>,
        %parallel_loop3A_487 = arith.constant 336 : i32
        %parallel_loop3A_488 = arith.addi %parallel_loop3A_402, %parallel_loop3A_487 : i32
        %parallel_loop3A_489 = arith.index_cast %parallel_loop3A_488 : i32 to index
        %parallel_loop3A_490 = tpu.vector_load %arg13[%parallel_loop3A_489] {strides = array<i32>} : memref<3840xf32, #tpu.memory_space<vmem>>, vector<16xf32>,
        %parallel_loop3A_491 = arith.constant 352 : i32
        %parallel_loop3A_492 = arith.addi %parallel_loop3A_402, %parallel_loop3A_491 : i32
        %parallel_loop3A_493 = arith.index_cast %parallel_loop3A_492 : i32 to index
        %parallel_loop3A_494 = tpu.vector_load %arg13[%parallel_loop3A_493] {strides = array<i32>} : memref<3840xf32, #tpu.memory_space<vmem>>, vector<16xf32>,
        %parallel_loop3A_495 = arith.constant 368 : i32
        %parallel_loop3A_496 = arith.addi %parallel_loop3A_402, %parallel_loop3A_495 : i32
        %parallel_loop3A_497 = arith.index_cast %parallel_loop3A_496 : i32 to index
        %parallel_loop3A_498 = tpu.vector_load %arg13[%parallel_loop3A_497] {strides = array<i32>} : memref<3840xf32, #tpu.memory_space<vmem>>, vector<16xf32>,
        %parallel_loop3A_499 = arith.constant 384 : i32
        %parallel_loop3A_500 = arith.addi %parallel_loop3A_402, %parallel_loop3A_499 : i32
        %parallel_loop3A_501 = arith.index_cast %parallel_loop3A_500 : i32 to index
        %parallel_loop3A_502 = tpu.vector_load %arg13[%parallel_loop3A_501] {strides = array<i32>} : memref<3840xf32, #tpu.memory_space<vmem>>, vector<16xf32>,
        %parallel_loop3A_503 = arith.constant 400 : i32
        %parallel_loop3A_504 = arith.addi %parallel_loop3A_402, %parallel_loop3A_503 : i32
        %parallel_loop3A_505 = arith.index_cast %parallel_loop3A_504 : i32 to index
        %parallel_loop3A_506 = tpu.vector_load %arg13[%parallel_loop3A_505] {strides = array<i32>} : memref<3840xf32, #tpu.memory_space<vmem>>, vector<16xf32>,
        %parallel_loop3A_507 = arith.constant 416 : i32
        %parallel_loop3A_508 = arith.addi %parallel_loop3A_402, %parallel_loop3A_507 : i32
        %parallel_loop3A_509 = arith.index_cast %parallel_loop3A_508 : i32 to index
        %parallel_loop3A_510 = tpu.vector_load %arg13[%parallel_loop3A_509] {strides = array<i32>} : memref<3840xf32, #tpu.memory_space<vmem>>, vector<16xf32>,
        %parallel_loop3A_511 = arith.constant 432 : i32
        %parallel_loop3A_512 = arith.addi %parallel_loop3A_402, %parallel_loop3A_511 : i32
        %parallel_loop3A_513 = arith.index_cast %parallel_loop3A_512 : i32 to index
        %parallel_loop3A_514 = tpu.vector_load %arg13[%parallel_loop3A_513] {strides = array<i32>} : memref<3840xf32, #tpu.memory_space<vmem>>, vector<16xf32>,
        %parallel_loop3A_515 = arith.constant 448 : i32
        %parallel_loop3A_516 = arith.addi %parallel_loop3A_402, %parallel_loop3A_515 : i32
        %parallel_loop3A_517 = arith.index_cast %parallel_loop3A_516 : i32 to index
        %parallel_loop3A_518 = tpu.vector_load %arg13[%parallel_loop3A_517] {strides = array<i32>} : memref<3840xf32, #tpu.memory_space<vmem>>, vector<16xf32>,
        %parallel_loop3A_519 = arith.constant 464 : i32
        %parallel_loop3A_520 = arith.addi %parallel_loop3A_402, %parallel_loop3A_519 : i32
        %parallel_loop3A_521 = arith.index_cast %parallel_loop3A_520 : i32 to index
        %parallel_loop3A_522 = tpu.vector_load %arg13[%parallel_loop3A_521] {strides = array<i32>} : memref<3840xf32, #tpu.memory_space<vmem>>, vector<16xf32>,
        %parallel_loop3A_523 = arith.constant 0 : i32
        %parallel_loop3A_524 = arith.constant 64 : i32
        %parallel_loop3A_525 = arith.constant 1 : i32
        %parallel_loop3A_526:30 = scf.for %parallel_loop3A_647 = %parallel_loop3A_523 to %parallel_loop3A_524 step %parallel_loop3A_525 iter_args(%parallel_loop3A_648 = %parallel_loop3A_406, %parallel_loop3A_649 = %parallel_loop3A_410, %parallel_loop3A_650 = %parallel_loop3A_414, %parallel_loop3A_651 = %parallel_loop3A_418, %parallel_loop3A_652 = %parallel_loop3A_422, %parallel_loop3A_653 = %parallel_loop3A_426, %parallel_loop3A_654 = %parallel_loop3A_430, %parallel_loop3A_655 = %parallel_loop3A_434, %parallel_loop3A_656 = %parallel_loop3A_438, %parallel_loop3A_657 = %parallel_loop3A_442, %parallel_loop3A_658 = %parallel_loop3A_446, %parallel_loop3A_659 = %parallel_loop3A_450, %parallel_loop3A_660 = %parallel_loop3A_454, %parallel_loop3A_661 = %parallel_loop3A_458, %parallel_loop3A_662 = %parallel_loop3A_462, %parallel_loop3A_663 = %parallel_loop3A_466, %parallel_loop3A_664 = %parallel_loop3A_470, %parallel_loop3A_665 = %parallel_loop3A_474, %parallel_loop3A_666 = %parallel_loop3A_478, %parallel_loop3A_667 = %parallel_loop3A_482, %parallel_loop3A_668 = %parallel_loop3A_486, %parallel_loop3A_669 = %parallel_loop3A_490, %parallel_loop3A_670 = %parallel_loop3A_494, %parallel_loop3A_671 = %parallel_loop3A_498, %parallel_loop3A_672 = %parallel_loop3A_502, %parallel_loop3A_673 = %parallel_loop3A_506, %parallel_loop3A_674 = %parallel_loop3A_510, %parallel_loop3A_675 = %parallel_loop3A_514, %parallel_loop3A_676 = %parallel_loop3A_518, %parallel_loop3A_677 = %parallel_loop3A_522) -> (vector<16xf32>, vector<16xf32>, vector<16xf32>, vector<16xf32>, vector<16xf32>, vector<16xf32>, vector<16xf32>, vector<16xf32>, vector<16xf32>, vector<16xf32>, vector<16xf32>, vector<16xf32>, vector<16xf32>, vector<16xf32>, vector<16xf32>, vector<16xf32>, vector<16xf32>, vector<16xf32>, vector<16xf32>, vector<16xf32>, vector<16xf32>, vector<16xf32>, vector<16xf32>, vector<16xf32>, vector<16xf32>, vector<16xf32>, vector<16xf32>, vector<16xf32>, vector<16xf32>, vector<16xf32>)  : i32 {
          %parallel_loop3A_678 = arith.constant 16 : i32
          %parallel_loop3A_679 = arith.muli %parallel_loop3A_647, %parallel_loop3A_678 : i32
          %parallel_loop3A_680 = arith.index_cast %parallel_loop3A_400 : i32 to index
          %parallel_loop3A_681 = arith.index_cast %parallel_loop3A_679 : i32 to index
          %parallel_loop3A_682 = tpu.vector_load %arg11[%parallel_loop3A_680, %parallel_loop3A_681] {strides = array<i32>} : memref<8x1024xf32, #tpu.memory_space<vmem>>, vector<16xf32>,
          %parallel_loop3A_683 = arith.constant 16 : i32
          %parallel_loop3A_684 = arith.muli %parallel_loop3A_647, %parallel_loop3A_683 : i32
          %parallel_loop3A_685 = arith.constant 0 : i32
          %parallel_loop3A_686 = arith.index_cast %parallel_loop3A_685 : i32 to index
          %parallel_loop3A_687 = arith.index_cast %parallel_loop3A_400 : i32 to index
          %parallel_loop3A_688 = arith.index_cast %parallel_loop3A_684 : i32 to index
          %parallel_loop3A_689 = tpu.vector_load %arg9[%parallel_loop3A_686, %parallel_loop3A_687, %parallel_loop3A_688] {strides = array<i32>} : memref<5x8x1024xf32, #tpu.memory_space<vmem>>, vector<16xf32>,
          %parallel_loop3A_690 = arith.addf %parallel_loop3A_682, %parallel_loop3A_689 : vector<16xf32>
          %parallel_loop3A_691 = arith.maximumf %parallel_loop3A_648, %parallel_loop3A_690 : vector<16xf32>
          %parallel_loop3A_692 = arith.minimumf %parallel_loop3A_648, %parallel_loop3A_690 : vector<16xf32>
          %parallel_loop3A_693 = arith.maximumf %parallel_loop3A_649, %parallel_loop3A_692 : vector<16xf32>
          %parallel_loop3A_694 = arith.minimumf %parallel_loop3A_649, %parallel_loop3A_692 : vector<16xf32>
          %parallel_loop3A_695 = arith.maximumf %parallel_loop3A_650, %parallel_loop3A_694 : vector<16xf32>
          %parallel_loop3A_696 = arith.minimumf %parallel_loop3A_650, %parallel_loop3A_694 : vector<16xf32>
          %parallel_loop3A_697 = arith.maximumf %parallel_loop3A_651, %parallel_loop3A_696 : vector<16xf32>
          %parallel_loop3A_698 = arith.minimumf %parallel_loop3A_651, %parallel_loop3A_696 : vector<16xf32>
          %parallel_loop3A_699 = arith.maximumf %parallel_loop3A_652, %parallel_loop3A_698 : vector<16xf32>
          %parallel_loop3A_700 = arith.minimumf %parallel_loop3A_652, %parallel_loop3A_698 : vector<16xf32>
          %parallel_loop3A_701 = arith.maximumf %parallel_loop3A_653, %parallel_loop3A_700 : vector<16xf32>
          %parallel_loop3A_702 = arith.minimumf %parallel_loop3A_653, %parallel_loop3A_700 : vector<16xf32>
          %parallel_loop3A_703 = arith.constant 16 : i32
          %parallel_loop3A_704 = arith.muli %parallel_loop3A_647, %parallel_loop3A_703 : i32
          %parallel_loop3A_705 = arith.index_cast %parallel_loop3A_400 : i32 to index
          %parallel_loop3A_706 = arith.index_cast %parallel_loop3A_704 : i32 to index
          %parallel_loop3A_707 = tpu.vector_load %arg11[%parallel_loop3A_705, %parallel_loop3A_706] {strides = array<i32>} : memref<8x1024xf32, #tpu.memory_space<vmem>>, vector<16xf32>,
          %parallel_loop3A_708 = arith.constant 16 : i32
          %parallel_loop3A_709 = arith.muli %parallel_loop3A_647, %parallel_loop3A_708 : i32
          %parallel_loop3A_710 = arith.constant 1 : i32
          %parallel_loop3A_711 = arith.index_cast %parallel_loop3A_710 : i32 to index
          %parallel_loop3A_712 = arith.index_cast %parallel_loop3A_400 : i32 to index
          %parallel_loop3A_713 = arith.index_cast %parallel_loop3A_709 : i32 to index
          %parallel_loop3A_714 = tpu.vector_load %arg9[%parallel_loop3A_711, %parallel_loop3A_712, %parallel_loop3A_713] {strides = array<i32>} : memref<5x8x1024xf32, #tpu.memory_space<vmem>>, vector<16xf32>,
          %parallel_loop3A_715 = arith.addf %parallel_loop3A_707, %parallel_loop3A_714 : vector<16xf32>
          %parallel_loop3A_716 = arith.maximumf %parallel_loop3A_654, %parallel_loop3A_715 : vector<16xf32>
          %parallel_loop3A_717 = arith.minimumf %parallel_loop3A_654, %parallel_loop3A_715 : vector<16xf32>
          %parallel_loop3A_718 = arith.maximumf %parallel_loop3A_655, %parallel_loop3A_717 : vector<16xf32>
          %parallel_loop3A_719 = arith.minimumf %parallel_loop3A_655, %parallel_loop3A_717 : vector<16xf32>
          %parallel_loop3A_720 = arith.maximumf %parallel_loop3A_656, %parallel_loop3A_719 : vector<16xf32>
          %parallel_loop3A_721 = arith.minimumf %parallel_loop3A_656, %parallel_loop3A_719 : vector<16xf32>
          %parallel_loop3A_722 = arith.maximumf %parallel_loop3A_657, %parallel_loop3A_721 : vector<16xf32>
          %parallel_loop3A_723 = arith.minimumf %parallel_loop3A_657, %parallel_loop3A_721 : vector<16xf32>
          %parallel_loop3A_724 = arith.maximumf %parallel_loop3A_658, %parallel_loop3A_723 : vector<16xf32>
          %parallel_loop3A_725 = arith.minimumf %parallel_loop3A_658, %parallel_loop3A_723 : vector<16xf32>
          %parallel_loop3A_726 = arith.maximumf %parallel_loop3A_659, %parallel_loop3A_725 : vector<16xf32>
          %parallel_loop3A_727 = arith.minimumf %parallel_loop3A_659, %parallel_loop3A_725 : vector<16xf32>
          %parallel_loop3A_728 = arith.constant 16 : i32
          %parallel_loop3A_729 = arith.muli %parallel_loop3A_647, %parallel_loop3A_728 : i32
          %parallel_loop3A_730 = arith.index_cast %parallel_loop3A_400 : i32 to index
          %parallel_loop3A_731 = arith.index_cast %parallel_loop3A_729 : i32 to index
          %parallel_loop3A_732 = tpu.vector_load %arg11[%parallel_loop3A_730, %parallel_loop3A_731] {strides = array<i32>} : memref<8x1024xf32, #tpu.memory_space<vmem>>, vector<16xf32>,
          %parallel_loop3A_733 = arith.constant 16 : i32
          %parallel_loop3A_734 = arith.muli %parallel_loop3A_647, %parallel_loop3A_733 : i32
          %parallel_loop3A_735 = arith.constant 2 : i32
          %parallel_loop3A_736 = arith.index_cast %parallel_loop3A_735 : i32 to index
          %parallel_loop3A_737 = arith.index_cast %parallel_loop3A_400 : i32 to index
          %parallel_loop3A_738 = arith.index_cast %parallel_loop3A_734 : i32 to index
          %parallel_loop3A_739 = tpu.vector_load %arg9[%parallel_loop3A_736, %parallel_loop3A_737, %parallel_loop3A_738] {strides = array<i32>} : memref<5x8x1024xf32, #tpu.memory_space<vmem>>, vector<16xf32>,
          %parallel_loop3A_740 = arith.addf %parallel_loop3A_732, %parallel_loop3A_739 : vector<16xf32>
          %parallel_loop3A_741 = arith.maximumf %parallel_loop3A_660, %parallel_loop3A_740 : vector<16xf32>
          %parallel_loop3A_742 = arith.minimumf %parallel_loop3A_660, %parallel_loop3A_740 : vector<16xf32>
          %parallel_loop3A_743 = arith.maximumf %parallel_loop3A_661, %parallel_loop3A_742 : vector<16xf32>
          %parallel_loop3A_744 = arith.minimumf %parallel_loop3A_661, %parallel_loop3A_742 : vector<16xf32>
          %parallel_loop3A_745 = arith.maximumf %parallel_loop3A_662, %parallel_loop3A_744 : vector<16xf32>
          %parallel_loop3A_746 = arith.minimumf %parallel_loop3A_662, %parallel_loop3A_744 : vector<16xf32>
          %parallel_loop3A_747 = arith.maximumf %parallel_loop3A_663, %parallel_loop3A_746 : vector<16xf32>
          %parallel_loop3A_748 = arith.minimumf %parallel_loop3A_663, %parallel_loop3A_746 : vector<16xf32>
          %parallel_loop3A_749 = arith.maximumf %parallel_loop3A_664, %parallel_loop3A_748 : vector<16xf32>
          %parallel_loop3A_750 = arith.minimumf %parallel_loop3A_664, %parallel_loop3A_748 : vector<16xf32>
          %parallel_loop3A_751 = arith.maximumf %parallel_loop3A_665, %parallel_loop3A_750 : vector<16xf32>
          %parallel_loop3A_752 = arith.minimumf %parallel_loop3A_665, %parallel_loop3A_750 : vector<16xf32>
          %parallel_loop3A_753 = arith.constant 16 : i32
          %parallel_loop3A_754 = arith.muli %parallel_loop3A_647, %parallel_loop3A_753 : i32
          %parallel_loop3A_755 = arith.index_cast %parallel_loop3A_400 : i32 to index
          %parallel_loop3A_756 = arith.index_cast %parallel_loop3A_754 : i32 to index
          %parallel_loop3A_757 = tpu.vector_load %arg11[%parallel_loop3A_755, %parallel_loop3A_756] {strides = array<i32>} : memref<8x1024xf32, #tpu.memory_space<vmem>>, vector<16xf32>,
          %parallel_loop3A_758 = arith.constant 16 : i32
          %parallel_loop3A_759 = arith.muli %parallel_loop3A_647, %parallel_loop3A_758 : i32
          %parallel_loop3A_760 = arith.constant 3 : i32
          %parallel_loop3A_761 = arith.index_cast %parallel_loop3A_760 : i32 to index
          %parallel_loop3A_762 = arith.index_cast %parallel_loop3A_400 : i32 to index
          %parallel_loop3A_763 = arith.index_cast %parallel_loop3A_759 : i32 to index
          %parallel_loop3A_764 = tpu.vector_load %arg9[%parallel_loop3A_761, %parallel_loop3A_762, %parallel_loop3A_763] {strides = array<i32>} : memref<5x8x1024xf32, #tpu.memory_space<vmem>>, vector<16xf32>,
          %parallel_loop3A_765 = arith.addf %parallel_loop3A_757, %parallel_loop3A_764 : vector<16xf32>
          %parallel_loop3A_766 = arith.maximumf %parallel_loop3A_666, %parallel_loop3A_765 : vector<16xf32>
          %parallel_loop3A_767 = arith.minimumf %parallel_loop3A_666, %parallel_loop3A_765 : vector<16xf32>
          %parallel_loop3A_768 = arith.maximumf %parallel_loop3A_667, %parallel_loop3A_767 : vector<16xf32>
          %parallel_loop3A_769 = arith.minimumf %parallel_loop3A_667, %parallel_loop3A_767 : vector<16xf32>
          %parallel_loop3A_770 = arith.maximumf %parallel_loop3A_668, %parallel_loop3A_769 : vector<16xf32>
          %parallel_loop3A_771 = arith.minimumf %parallel_loop3A_668, %parallel_loop3A_769 : vector<16xf32>
          %parallel_loop3A_772 = arith.maximumf %parallel_loop3A_669, %parallel_loop3A_771 : vector<16xf32>
          %parallel_loop3A_773 = arith.minimumf %parallel_loop3A_669, %parallel_loop3A_771 : vector<16xf32>
          %parallel_loop3A_774 = arith.maximumf %parallel_loop3A_670, %parallel_loop3A_773 : vector<16xf32>
          %parallel_loop3A_775 = arith.minimumf %parallel_loop3A_670, %parallel_loop3A_773 : vector<16xf32>
          %parallel_loop3A_776 = arith.maximumf %parallel_loop3A_671, %parallel_loop3A_775 : vector<16xf32>
          %parallel_loop3A_777 = arith.minimumf %parallel_loop3A_671, %parallel_loop3A_775 : vector<16xf32>
          %parallel_loop3A_778 = arith.constant 16 : i32
          %parallel_loop3A_779 = arith.muli %parallel_loop3A_647, %parallel_loop3A_778 : i32
          %parallel_loop3A_780 = arith.index_cast %parallel_loop3A_400 : i32 to index
          %parallel_loop3A_781 = arith.index_cast %parallel_loop3A_779 : i32 to index
          %parallel_loop3A_782 = tpu.vector_load %arg11[%parallel_loop3A_780, %parallel_loop3A_781] {strides = array<i32>} : memref<8x1024xf32, #tpu.memory_space<vmem>>, vector<16xf32>,
          %parallel_loop3A_783 = arith.constant 16 : i32
          %parallel_loop3A_784 = arith.muli %parallel_loop3A_647, %parallel_loop3A_783 : i32
          %parallel_loop3A_785 = arith.constant 4 : i32
          %parallel_loop3A_786 = arith.index_cast %parallel_loop3A_785 : i32 to index
          %parallel_loop3A_787 = arith.index_cast %parallel_loop3A_400 : i32 to index
          %parallel_loop3A_788 = arith.index_cast %parallel_loop3A_784 : i32 to index
          %parallel_loop3A_789 = tpu.vector_load %arg9[%parallel_loop3A_786, %parallel_loop3A_787, %parallel_loop3A_788] {strides = array<i32>} : memref<5x8x1024xf32, #tpu.memory_space<vmem>>, vector<16xf32>,
          %parallel_loop3A_790 = arith.addf %parallel_loop3A_782, %parallel_loop3A_789 : vector<16xf32>
          %parallel_loop3A_791 = arith.maximumf %parallel_loop3A_672, %parallel_loop3A_790 : vector<16xf32>
          %parallel_loop3A_792 = arith.minimumf %parallel_loop3A_672, %parallel_loop3A_790 : vector<16xf32>
          %parallel_loop3A_793 = arith.maximumf %parallel_loop3A_673, %parallel_loop3A_792 : vector<16xf32>
          %parallel_loop3A_794 = arith.minimumf %parallel_loop3A_673, %parallel_loop3A_792 : vector<16xf32>
          %parallel_loop3A_795 = arith.maximumf %parallel_loop3A_674, %parallel_loop3A_794 : vector<16xf32>
          %parallel_loop3A_796 = arith.minimumf %parallel_loop3A_674, %parallel_loop3A_794 : vector<16xf32>
          %parallel_loop3A_797 = arith.maximumf %parallel_loop3A_675, %parallel_loop3A_796 : vector<16xf32>
          %parallel_loop3A_798 = arith.minimumf %parallel_loop3A_675, %parallel_loop3A_796 : vector<16xf32>
          %parallel_loop3A_799 = arith.maximumf %parallel_loop3A_676, %parallel_loop3A_798 : vector<16xf32>
          %parallel_loop3A_800 = arith.minimumf %parallel_loop3A_676, %parallel_loop3A_798 : vector<16xf32>
          %parallel_loop3A_801 = arith.maximumf %parallel_loop3A_677, %parallel_loop3A_800 : vector<16xf32>
          %parallel_loop3A_802 = arith.minimumf %parallel_loop3A_677, %parallel_loop3A_800 : vector<16xf32>
          scf.yield %parallel_loop3A_691, %parallel_loop3A_693, %parallel_loop3A_695, %parallel_loop3A_697, %parallel_loop3A_699, %parallel_loop3A_701, %parallel_loop3A_716, %parallel_loop3A_718, %parallel_loop3A_720, %parallel_loop3A_722, %parallel_loop3A_724, %parallel_loop3A_726, %parallel_loop3A_741, %parallel_loop3A_743, %parallel_loop3A_745, %parallel_loop3A_747, %parallel_loop3A_749, %parallel_loop3A_751, %parallel_loop3A_766, %parallel_loop3A_768, %parallel_loop3A_770, %parallel_loop3A_772, %parallel_loop3A_774, %parallel_loop3A_776, %parallel_loop3A_791, %parallel_loop3A_793, %parallel_loop3A_795, %parallel_loop3A_797, %parallel_loop3A_799, %parallel_loop3A_801 : vector<16xf32>, vector<16xf32>, vector<16xf32>, vector<16xf32>, vector<16xf32>, vector<16xf32>, vector<16xf32>, vector<16xf32>, vector<16xf32>, vector<16xf32>, vector<16xf32>, vector<16xf32>, vector<16xf32>, vector<16xf32>, vector<16xf32>, vector<16xf32>, vector<16xf32>, vector<16xf32>, vector<16xf32>, vector<16xf32>, vector<16xf32>, vector<16xf32>, vector<16xf32>, vector<16xf32>, vector<16xf32>, vector<16xf32>, vector<16xf32>, vector<16xf32>, vector<16xf32>, vector<16xf32>
        } {sc.loop_unroll_factor = 2 : i64, sc.parallel_access}
        %parallel_loop3A_527 = arith.constant 0 : i32
        %parallel_loop3A_528 = arith.addi %parallel_loop3A_402, %parallel_loop3A_527 : i32
        %parallel_loop3A_529 = arith.index_cast %parallel_loop3A_528 : i32 to index
        %parallel_loop3A_530 = tpu.vector_load %arg13[%parallel_loop3A_529] {strides = array<i32>} : memref<3840xf32, #tpu.memory_space<vmem>>, vector<16xf32>,
        tpu.vector_store %arg13[%parallel_loop3A_529], %parallel_loop3A_526#0 {strides = array<i32>} : memref<3840xf32, #tpu.memory_space<vmem>>, vector<16xf32>,
        %parallel_loop3A_531 = arith.constant 16 : i32
        %parallel_loop3A_532 = arith.addi %parallel_loop3A_402, %parallel_loop3A_531 : i32
        %parallel_loop3A_533 = arith.index_cast %parallel_loop3A_532 : i32 to index
        %parallel_loop3A_534 = tpu.vector_load %arg13[%parallel_loop3A_533] {strides = array<i32>} : memref<3840xf32, #tpu.memory_space<vmem>>, vector<16xf32>,
        tpu.vector_store %arg13[%parallel_loop3A_533], %parallel_loop3A_526#1 {strides = array<i32>} : memref<3840xf32, #tpu.memory_space<vmem>>, vector<16xf32>,
        %parallel_loop3A_535 = arith.constant 32 : i32
        %parallel_loop3A_536 = arith.addi %parallel_loop3A_402, %parallel_loop3A_535 : i32
        %parallel_loop3A_537 = arith.index_cast %parallel_loop3A_536 : i32 to index
        %parallel_loop3A_538 = tpu.vector_load %arg13[%parallel_loop3A_537] {strides = array<i32>} : memref<3840xf32, #tpu.memory_space<vmem>>, vector<16xf32>,
        tpu.vector_store %arg13[%parallel_loop3A_537], %parallel_loop3A_526#2 {strides = array<i32>} : memref<3840xf32, #tpu.memory_space<vmem>>, vector<16xf32>,
        %parallel_loop3A_539 = arith.constant 48 : i32
        %parallel_loop3A_540 = arith.addi %parallel_loop3A_402, %parallel_loop3A_539 : i32
        %parallel_loop3A_541 = arith.index_cast %parallel_loop3A_540 : i32 to index
        %parallel_loop3A_542 = tpu.vector_load %arg13[%parallel_loop3A_541] {strides = array<i32>} : memref<3840xf32, #tpu.memory_space<vmem>>, vector<16xf32>,
        tpu.vector_store %arg13[%parallel_loop3A_541], %parallel_loop3A_526#3 {strides = array<i32>} : memref<3840xf32, #tpu.memory_space<vmem>>, vector<16xf32>,
        %parallel_loop3A_543 = arith.constant 64 : i32
        %parallel_loop3A_544 = arith.addi %parallel_loop3A_402, %parallel_loop3A_543 : i32
        %parallel_loop3A_545 = arith.index_cast %parallel_loop3A_544 : i32 to index
        %parallel_loop3A_546 = tpu.vector_load %arg13[%parallel_loop3A_545] {strides = array<i32>} : memref<3840xf32, #tpu.memory_space<vmem>>, vector<16xf32>,
        tpu.vector_store %arg13[%parallel_loop3A_545], %parallel_loop3A_526#4 {strides = array<i32>} : memref<3840xf32, #tpu.memory_space<vmem>>, vector<16xf32>,
        %parallel_loop3A_547 = arith.constant 80 : i32
        %parallel_loop3A_548 = arith.addi %parallel_loop3A_402, %parallel_loop3A_547 : i32
        %parallel_loop3A_549 = arith.index_cast %parallel_loop3A_548 : i32 to index
        %parallel_loop3A_550 = tpu.vector_load %arg13[%parallel_loop3A_549] {strides = array<i32>} : memref<3840xf32, #tpu.memory_space<vmem>>, vector<16xf32>,
        tpu.vector_store %arg13[%parallel_loop3A_549], %parallel_loop3A_526#5 {strides = array<i32>} : memref<3840xf32, #tpu.memory_space<vmem>>, vector<16xf32>,
        %parallel_loop3A_551 = arith.constant 96 : i32
        %parallel_loop3A_552 = arith.addi %parallel_loop3A_402, %parallel_loop3A_551 : i32
        %parallel_loop3A_553 = arith.index_cast %parallel_loop3A_552 : i32 to index
        %parallel_loop3A_554 = tpu.vector_load %arg13[%parallel_loop3A_553] {strides = array<i32>} : memref<3840xf32, #tpu.memory_space<vmem>>, vector<16xf32>,
        tpu.vector_store %arg13[%parallel_loop3A_553], %parallel_loop3A_526#6 {strides = array<i32>} : memref<3840xf32, #tpu.memory_space<vmem>>, vector<16xf32>,
        %parallel_loop3A_555 = arith.constant 112 : i32
        %parallel_loop3A_556 = arith.addi %parallel_loop3A_402, %parallel_loop3A_555 : i32
        %parallel_loop3A_557 = arith.index_cast %parallel_loop3A_556 : i32 to index
        %parallel_loop3A_558 = tpu.vector_load %arg13[%parallel_loop3A_557] {strides = array<i32>} : memref<3840xf32, #tpu.memory_space<vmem>>, vector<16xf32>,
        tpu.vector_store %arg13[%parallel_loop3A_557], %parallel_loop3A_526#7 {strides = array<i32>} : memref<3840xf32, #tpu.memory_space<vmem>>, vector<16xf32>,
        %parallel_loop3A_559 = arith.constant 128 : i32
        %parallel_loop3A_560 = arith.addi %parallel_loop3A_402, %parallel_loop3A_559 : i32
        %parallel_loop3A_561 = arith.index_cast %parallel_loop3A_560 : i32 to index
        %parallel_loop3A_562 = tpu.vector_load %arg13[%parallel_loop3A_561] {strides = array<i32>} : memref<3840xf32, #tpu.memory_space<vmem>>, vector<16xf32>,
        tpu.vector_store %arg13[%parallel_loop3A_561], %parallel_loop3A_526#8 {strides = array<i32>} : memref<3840xf32, #tpu.memory_space<vmem>>, vector<16xf32>,
        %parallel_loop3A_563 = arith.constant 144 : i32
        %parallel_loop3A_564 = arith.addi %parallel_loop3A_402, %parallel_loop3A_563 : i32
        %parallel_loop3A_565 = arith.index_cast %parallel_loop3A_564 : i32 to index
        %parallel_loop3A_566 = tpu.vector_load %arg13[%parallel_loop3A_565] {strides = array<i32>} : memref<3840xf32, #tpu.memory_space<vmem>>, vector<16xf32>,
        tpu.vector_store %arg13[%parallel_loop3A_565], %parallel_loop3A_526#9 {strides = array<i32>} : memref<3840xf32, #tpu.memory_space<vmem>>, vector<16xf32>,
        %parallel_loop3A_567 = arith.constant 160 : i32
        %parallel_loop3A_568 = arith.addi %parallel_loop3A_402, %parallel_loop3A_567 : i32
        %parallel_loop3A_569 = arith.index_cast %parallel_loop3A_568 : i32 to index
        %parallel_loop3A_570 = tpu.vector_load %arg13[%parallel_loop3A_569] {strides = array<i32>} : memref<3840xf32, #tpu.memory_space<vmem>>, vector<16xf32>,
        tpu.vector_store %arg13[%parallel_loop3A_569], %parallel_loop3A_526#10 {strides = array<i32>} : memref<3840xf32, #tpu.memory_space<vmem>>, vector<16xf32>,
        %parallel_loop3A_571 = arith.constant 176 : i32
        %parallel_loop3A_572 = arith.addi %parallel_loop3A_402, %parallel_loop3A_571 : i32
        %parallel_loop3A_573 = arith.index_cast %parallel_loop3A_572 : i32 to index
        %parallel_loop3A_574 = tpu.vector_load %arg13[%parallel_loop3A_573] {strides = array<i32>} : memref<3840xf32, #tpu.memory_space<vmem>>, vector<16xf32>,
        tpu.vector_store %arg13[%parallel_loop3A_573], %parallel_loop3A_526#11 {strides = array<i32>} : memref<3840xf32, #tpu.memory_space<vmem>>, vector<16xf32>,
        %parallel_loop3A_575 = arith.constant 192 : i32
        %parallel_loop3A_576 = arith.addi %parallel_loop3A_402, %parallel_loop3A_575 : i32
        %parallel_loop3A_577 = arith.index_cast %parallel_loop3A_576 : i32 to index
        %parallel_loop3A_578 = tpu.vector_load %arg13[%parallel_loop3A_577] {strides = array<i32>} : memref<3840xf32, #tpu.memory_space<vmem>>, vector<16xf32>,
        tpu.vector_store %arg13[%parallel_loop3A_577], %parallel_loop3A_526#12 {strides = array<i32>} : memref<3840xf32, #tpu.memory_space<vmem>>, vector<16xf32>,
        %parallel_loop3A_579 = arith.constant 208 : i32
        %parallel_loop3A_580 = arith.addi %parallel_loop3A_402, %parallel_loop3A_579 : i32
        %parallel_loop3A_581 = arith.index_cast %parallel_loop3A_580 : i32 to index
        %parallel_loop3A_582 = tpu.vector_load %arg13[%parallel_loop3A_581] {strides = array<i32>} : memref<3840xf32, #tpu.memory_space<vmem>>, vector<16xf32>,
        tpu.vector_store %arg13[%parallel_loop3A_581], %parallel_loop3A_526#13 {strides = array<i32>} : memref<3840xf32, #tpu.memory_space<vmem>>, vector<16xf32>,
        %parallel_loop3A_583 = arith.constant 224 : i32
        %parallel_loop3A_584 = arith.addi %parallel_loop3A_402, %parallel_loop3A_583 : i32
        %parallel_loop3A_585 = arith.index_cast %parallel_loop3A_584 : i32 to index
        %parallel_loop3A_586 = tpu.vector_load %arg13[%parallel_loop3A_585] {strides = array<i32>} : memref<3840xf32, #tpu.memory_space<vmem>>, vector<16xf32>,
        tpu.vector_store %arg13[%parallel_loop3A_585], %parallel_loop3A_526#14 {strides = array<i32>} : memref<3840xf32, #tpu.memory_space<vmem>>, vector<16xf32>,
        %parallel_loop3A_587 = arith.constant 240 : i32
        %parallel_loop3A_588 = arith.addi %parallel_loop3A_402, %parallel_loop3A_587 : i32
        %parallel_loop3A_589 = arith.index_cast %parallel_loop3A_588 : i32 to index
        %parallel_loop3A_590 = tpu.vector_load %arg13[%parallel_loop3A_589] {strides = array<i32>} : memref<3840xf32, #tpu.memory_space<vmem>>, vector<16xf32>,
        tpu.vector_store %arg13[%parallel_loop3A_589], %parallel_loop3A_526#15 {strides = array<i32>} : memref<3840xf32, #tpu.memory_space<vmem>>, vector<16xf32>,
        %parallel_loop3A_591 = arith.constant 256 : i32
        %parallel_loop3A_592 = arith.addi %parallel_loop3A_402, %parallel_loop3A_591 : i32
        %parallel_loop3A_593 = arith.index_cast %parallel_loop3A_592 : i32 to index
        %parallel_loop3A_594 = tpu.vector_load %arg13[%parallel_loop3A_593] {strides = array<i32>} : memref<3840xf32, #tpu.memory_space<vmem>>, vector<16xf32>,
        tpu.vector_store %arg13[%parallel_loop3A_593], %parallel_loop3A_526#16 {strides = array<i32>} : memref<3840xf32, #tpu.memory_space<vmem>>, vector<16xf32>,
        %parallel_loop3A_595 = arith.constant 272 : i32
        %parallel_loop3A_596 = arith.addi %parallel_loop3A_402, %parallel_loop3A_595 : i32
        %parallel_loop3A_597 = arith.index_cast %parallel_loop3A_596 : i32 to index
        %parallel_loop3A_598 = tpu.vector_load %arg13[%parallel_loop3A_597] {strides = array<i32>} : memref<3840xf32, #tpu.memory_space<vmem>>, vector<16xf32>,
        tpu.vector_store %arg13[%parallel_loop3A_597], %parallel_loop3A_526#17 {strides = array<i32>} : memref<3840xf32, #tpu.memory_space<vmem>>, vector<16xf32>,
        %parallel_loop3A_599 = arith.constant 288 : i32
        %parallel_loop3A_600 = arith.addi %parallel_loop3A_402, %parallel_loop3A_599 : i32
        %parallel_loop3A_601 = arith.index_cast %parallel_loop3A_600 : i32 to index
        %parallel_loop3A_602 = tpu.vector_load %arg13[%parallel_loop3A_601] {strides = array<i32>} : memref<3840xf32, #tpu.memory_space<vmem>>, vector<16xf32>,
        tpu.vector_store %arg13[%parallel_loop3A_601], %parallel_loop3A_526#18 {strides = array<i32>} : memref<3840xf32, #tpu.memory_space<vmem>>, vector<16xf32>,
        %parallel_loop3A_603 = arith.constant 304 : i32
        %parallel_loop3A_604 = arith.addi %parallel_loop3A_402, %parallel_loop3A_603 : i32
        %parallel_loop3A_605 = arith.index_cast %parallel_loop3A_604 : i32 to index
        %parallel_loop3A_606 = tpu.vector_load %arg13[%parallel_loop3A_605] {strides = array<i32>} : memref<3840xf32, #tpu.memory_space<vmem>>, vector<16xf32>,
        tpu.vector_store %arg13[%parallel_loop3A_605], %parallel_loop3A_526#19 {strides = array<i32>} : memref<3840xf32, #tpu.memory_space<vmem>>, vector<16xf32>,
        %parallel_loop3A_607 = arith.constant 320 : i32
        %parallel_loop3A_608 = arith.addi %parallel_loop3A_402, %parallel_loop3A_607 : i32
        %parallel_loop3A_609 = arith.index_cast %parallel_loop3A_608 : i32 to index
        %parallel_loop3A_610 = tpu.vector_load %arg13[%parallel_loop3A_609] {strides = array<i32>} : memref<3840xf32, #tpu.memory_space<vmem>>, vector<16xf32>,
        tpu.vector_store %arg13[%parallel_loop3A_609], %parallel_loop3A_526#20 {strides = array<i32>} : memref<3840xf32, #tpu.memory_space<vmem>>, vector<16xf32>,
        %parallel_loop3A_611 = arith.constant 336 : i32
        %parallel_loop3A_612 = arith.addi %parallel_loop3A_402, %parallel_loop3A_611 : i32
        %parallel_loop3A_613 = arith.index_cast %parallel_loop3A_612 : i32 to index
        %parallel_loop3A_614 = tpu.vector_load %arg13[%parallel_loop3A_613] {strides = array<i32>} : memref<3840xf32, #tpu.memory_space<vmem>>, vector<16xf32>,
        tpu.vector_store %arg13[%parallel_loop3A_613], %parallel_loop3A_526#21 {strides = array<i32>} : memref<3840xf32, #tpu.memory_space<vmem>>, vector<16xf32>,
        %parallel_loop3A_615 = arith.constant 352 : i32
        %parallel_loop3A_616 = arith.addi %parallel_loop3A_402, %parallel_loop3A_615 : i32
        %parallel_loop3A_617 = arith.index_cast %parallel_loop3A_616 : i32 to index
        %parallel_loop3A_618 = tpu.vector_load %arg13[%parallel_loop3A_617] {strides = array<i32>} : memref<3840xf32, #tpu.memory_space<vmem>>, vector<16xf32>,
        tpu.vector_store %arg13[%parallel_loop3A_617], %parallel_loop3A_526#22 {strides = array<i32>} : memref<3840xf32, #tpu.memory_space<vmem>>, vector<16xf32>,
        %parallel_loop3A_619 = arith.constant 368 : i32
        %parallel_loop3A_620 = arith.addi %parallel_loop3A_402, %parallel_loop3A_619 : i32
        %parallel_loop3A_621 = arith.index_cast %parallel_loop3A_620 : i32 to index
        %parallel_loop3A_622 = tpu.vector_load %arg13[%parallel_loop3A_621] {strides = array<i32>} : memref<3840xf32, #tpu.memory_space<vmem>>, vector<16xf32>,
        tpu.vector_store %arg13[%parallel_loop3A_621], %parallel_loop3A_526#23 {strides = array<i32>} : memref<3840xf32, #tpu.memory_space<vmem>>, vector<16xf32>,
        %parallel_loop3A_623 = arith.constant 384 : i32
        %parallel_loop3A_624 = arith.addi %parallel_loop3A_402, %parallel_loop3A_623 : i32
        %parallel_loop3A_625 = arith.index_cast %parallel_loop3A_624 : i32 to index
        %parallel_loop3A_626 = tpu.vector_load %arg13[%parallel_loop3A_625] {strides = array<i32>} : memref<3840xf32, #tpu.memory_space<vmem>>, vector<16xf32>,
        tpu.vector_store %arg13[%parallel_loop3A_625], %parallel_loop3A_526#24 {strides = array<i32>} : memref<3840xf32, #tpu.memory_space<vmem>>, vector<16xf32>,
        %parallel_loop3A_627 = arith.constant 400 : i32
        %parallel_loop3A_628 = arith.addi %parallel_loop3A_402, %parallel_loop3A_627 : i32
        %parallel_loop3A_629 = arith.index_cast %parallel_loop3A_628 : i32 to index
        %parallel_loop3A_630 = tpu.vector_load %arg13[%parallel_loop3A_629] {strides = array<i32>} : memref<3840xf32, #tpu.memory_space<vmem>>, vector<16xf32>,
        tpu.vector_store %arg13[%parallel_loop3A_629], %parallel_loop3A_526#25 {strides = array<i32>} : memref<3840xf32, #tpu.memory_space<vmem>>, vector<16xf32>,
        %parallel_loop3A_631 = arith.constant 416 : i32
        %parallel_loop3A_632 = arith.addi %parallel_loop3A_402, %parallel_loop3A_631 : i32
        %parallel_loop3A_633 = arith.index_cast %parallel_loop3A_632 : i32 to index
        %parallel_loop3A_634 = tpu.vector_load %arg13[%parallel_loop3A_633] {strides = array<i32>} : memref<3840xf32, #tpu.memory_space<vmem>>, vector<16xf32>,
        tpu.vector_store %arg13[%parallel_loop3A_633], %parallel_loop3A_526#26 {strides = array<i32>} : memref<3840xf32, #tpu.memory_space<vmem>>, vector<16xf32>,
        %parallel_loop3A_635 = arith.constant 432 : i32
        %parallel_loop3A_636 = arith.addi %parallel_loop3A_402, %parallel_loop3A_635 : i32
        %parallel_loop3A_637 = arith.index_cast %parallel_loop3A_636 : i32 to index
        %parallel_loop3A_638 = tpu.vector_load %arg13[%parallel_loop3A_637] {strides = array<i32>} : memref<3840xf32, #tpu.memory_space<vmem>>, vector<16xf32>,
        tpu.vector_store %arg13[%parallel_loop3A_637], %parallel_loop3A_526#27 {strides = array<i32>} : memref<3840xf32, #tpu.memory_space<vmem>>, vector<16xf32>,
        %parallel_loop3A_639 = arith.constant 448 : i32
        %parallel_loop3A_640 = arith.addi %parallel_loop3A_402, %parallel_loop3A_639 : i32
        %parallel_loop3A_641 = arith.index_cast %parallel_loop3A_640 : i32 to index
        %parallel_loop3A_642 = tpu.vector_load %arg13[%parallel_loop3A_641] {strides = array<i32>} : memref<3840xf32, #tpu.memory_space<vmem>>, vector<16xf32>,
        tpu.vector_store %arg13[%parallel_loop3A_641], %parallel_loop3A_526#28 {strides = array<i32>} : memref<3840xf32, #tpu.memory_space<vmem>>, vector<16xf32>,
        %parallel_loop3A_643 = arith.constant 464 : i32
        %parallel_loop3A_644 = arith.addi %parallel_loop3A_402, %parallel_loop3A_643 : i32
        %parallel_loop3A_645 = arith.index_cast %parallel_loop3A_644 : i32 to index
        %parallel_loop3A_646 = tpu.vector_load %arg13[%parallel_loop3A_645] {strides = array<i32>} : memref<3840xf32, #tpu.memory_space<vmem>>, vector<16xf32>,
        tpu.vector_store %arg13[%parallel_loop3A_645], %parallel_loop3A_526#29 {strides = array<i32>} : memref<3840xf32, #tpu.memory_space<vmem>>, vector<16xf32>,
      } {sc.loop_unroll_factor = 1 : i64, sc.parallel_access}
      %swap3A = arith.constant 0 : index
      %swap3A_397 = tpu.vector_load %arg15[%swap3A] {strides = array<i32>} : memref<16xf32, #tpu.memory_space<vmem>>, vector<16xf32>,
      tpu.vector_store %arg15[%swap3A], %add3A_394 {strides = array<i32>} : memref<16xf32, #tpu.memory_space<vmem>>, vector<16xf32>,
      %mul3A_398 = arith.constant 16 : i32
      %mul3A_399 = arith.muli %add3A, %mul3A_398 : i32
      "tpu.region"() ({
        %run_scoped3A = tpu.sem_alloc : memref<!tpu.dma_semaphore, #tpu.memory_space<semaphore_mem>>
        %dma_start3A_400 = tpu.memref_slice %arg8[%mul3A_399] : memref<512xf32, #tpu.memory_space<hbm>> -> memref<16xf32, #tpu.memory_space<hbm>>
        %dma_start3A_401 = tpu.memref_slice %arg8[%mul3A_399] : memref<512xf32, #tpu.memory_space<hbm>> -> memref<16xf32, #tpu.memory_space<hbm>>
        tpu.enqueue_dma source(%arg15 : memref<16xf32, #tpu.memory_space<vmem>>) target(%dma_start3A_401 : memref<16xf32, #tpu.memory_space<hbm>>) target_semaphore(%run_scoped3A : memref<!tpu.dma_semaphore, #tpu.memory_space<semaphore_mem>>)
        %dma_wait3A_402 = tpu.memref_slice %arg8[%mul3A_399] : memref<512xf32, #tpu.memory_space<hbm>> -> memref<16xf32, #tpu.memory_space<hbm>>
        %dma_wait3A_403 = tpu.memref_slice %arg8[%mul3A_399] : memref<512xf32, #tpu.memory_space<hbm>> -> memref<16xf32, #tpu.memory_space<hbm>>
        tpu.wait_dma2 semaphore(%run_scoped3A : memref<!tpu.dma_semaphore, #tpu.memory_space<semaphore_mem>>) src(%arg15 : memref<16xf32, #tpu.memory_space<vmem>>) dst(%dma_wait3A_403 : memref<16xf32, #tpu.memory_space<hbm>>)
        tpu.yield
      }) : () -> ()
    } else {
    }
    %eq3A_214 = arith.constant 1 : i32
    %eq3A_215 = arith.cmpi eq, %select_n3A_30, %eq3A_214 : i32
    %convert_element_type3A_216 = arith.extui %eq3A_215 : i1 to i32
    %cond3A_217 = arith.constant 0 : i32
    %cond3A_218 = arith.cmpi ne, %convert_element_type3A_216, %cond3A_217 : i32
    scf.if %cond3A_218 {
      %multiple_of3A_225 = arith.constant 0 : i32
      %multiple_of3A_226 = tpu.assume_multiple %multiple_of3A_225, 128 : i32
      %dma_start3A_227 = arith.constant 0 : i32
      %dma_start3A_228 = arith.constant 0 : i32
      %dma_start3A_229 = arith.constant 0 : i32
      %dma_start3A_230 = arith.constant 0 : i32
      %dma_start3A_231 = tpu.memref_slice %arg9[%dma_start3A_228, %dma_start3A_229, %dma_start3A_230] : memref<5x8x1024xf32, #tpu.memory_space<vmem>> -> memref<1x8x1024xf32, #tpu.memory_space<vmem>>
      %dma_start3A_232 = tpu.memref_squeeze %dma_start3A_231 : memref<1x8x1024xf32, #tpu.memory_space<vmem>> -> memref<8x1024xf32, #tpu.memory_space<vmem>>
      %dma_start3A_233 = tpu.memref_slice %arg6[%dma_start3A_227, %multiple_of3A, %multiple_of3A_226] : memref<5x64x1024xf32, #tpu.memory_space<hbm>> -> memref<1x8x1024xf32, #tpu.memory_space<hbm>>
      %dma_start3A_234 = tpu.memref_squeeze %dma_start3A_233 : memref<1x8x1024xf32, #tpu.memory_space<hbm>> -> memref<8x1024xf32, #tpu.memory_space<hbm>>
      %dma_start3A_235 = arith.constant 0 : i32
      %dma_start3A_236 = arith.constant 0 : i32
      %dma_start3A_237 = tpu.memref_slice %arg9[%dma_start3A_228, %dma_start3A_235, %dma_start3A_236] : memref<5x8x1024xf32, #tpu.memory_space<vmem>> -> memref<1x8x1024xf32, #tpu.memory_space<vmem>>
      %dma_start3A_238 = tpu.memref_squeeze %dma_start3A_237 : memref<1x8x1024xf32, #tpu.memory_space<vmem>> -> memref<8x1024xf32, #tpu.memory_space<vmem>>
      %dma_start3A_239 = tpu.memref_slice %arg6[%dma_start3A_227, %multiple_of3A, %multiple_of3A_226] : memref<5x64x1024xf32, #tpu.memory_space<hbm>> -> memref<1x8x1024xf32, #tpu.memory_space<hbm>>
      %dma_start3A_240 = tpu.memref_squeeze %dma_start3A_239 : memref<1x8x1024xf32, #tpu.memory_space<hbm>> -> memref<8x1024xf32, #tpu.memory_space<hbm>>
      tpu.enqueue_dma source(%dma_start3A_240 : memref<8x1024xf32, #tpu.memory_space<hbm>>) target(%dma_start3A_238 : memref<8x1024xf32, #tpu.memory_space<vmem>>) target_semaphore(%arg16 : memref<!tpu.dma_semaphore, #tpu.memory_space<semaphore_mem>>)
      %dma_start3A_241 = arith.constant 1 : i32
      %dma_start3A_242 = arith.constant 1 : i32
      %dma_start3A_243 = arith.constant 0 : i32
      %dma_start3A_244 = arith.constant 0 : i32
      %dma_start3A_245 = tpu.memref_slice %arg9[%dma_start3A_242, %dma_start3A_243, %dma_start3A_244] : memref<5x8x1024xf32, #tpu.memory_space<vmem>> -> memref<1x8x1024xf32, #tpu.memory_space<vmem>>
      %dma_start3A_246 = tpu.memref_squeeze %dma_start3A_245 : memref<1x8x1024xf32, #tpu.memory_space<vmem>> -> memref<8x1024xf32, #tpu.memory_space<vmem>>
      %dma_start3A_247 = tpu.memref_slice %arg6[%dma_start3A_241, %multiple_of3A, %multiple_of3A_226] : memref<5x64x1024xf32, #tpu.memory_space<hbm>> -> memref<1x8x1024xf32, #tpu.memory_space<hbm>>
      %dma_start3A_248 = tpu.memref_squeeze %dma_start3A_247 : memref<1x8x1024xf32, #tpu.memory_space<hbm>> -> memref<8x1024xf32, #tpu.memory_space<hbm>>
      %dma_start3A_249 = arith.constant 0 : i32
      %dma_start3A_250 = arith.constant 0 : i32
      %dma_start3A_251 = tpu.memref_slice %arg9[%dma_start3A_242, %dma_start3A_249, %dma_start3A_250] : memref<5x8x1024xf32, #tpu.memory_space<vmem>> -> memref<1x8x1024xf32, #tpu.memory_space<vmem>>
      %dma_start3A_252 = tpu.memref_squeeze %dma_start3A_251 : memref<1x8x1024xf32, #tpu.memory_space<vmem>> -> memref<8x1024xf32, #tpu.memory_space<vmem>>
      %dma_start3A_253 = tpu.memref_slice %arg6[%dma_start3A_241, %multiple_of3A, %multiple_of3A_226] : memref<5x64x1024xf32, #tpu.memory_space<hbm>> -> memref<1x8x1024xf32, #tpu.memory_space<hbm>>
      %dma_start3A_254 = tpu.memref_squeeze %dma_start3A_253 : memref<1x8x1024xf32, #tpu.memory_space<hbm>> -> memref<8x1024xf32, #tpu.memory_space<hbm>>
      tpu.enqueue_dma source(%dma_start3A_254 : memref<8x1024xf32, #tpu.memory_space<hbm>>) target(%dma_start3A_252 : memref<8x1024xf32, #tpu.memory_space<vmem>>) target_semaphore(%arg16 : memref<!tpu.dma_semaphore, #tpu.memory_space<semaphore_mem>>)
      %dma_start3A_255 = arith.constant 2 : i32
      %dma_start3A_256 = arith.constant 2 : i32
      %dma_start3A_257 = arith.constant 0 : i32
      %dma_start3A_258 = arith.constant 0 : i32
      %dma_start3A_259 = tpu.memref_slice %arg9[%dma_start3A_256, %dma_start3A_257, %dma_start3A_258] : memref<5x8x1024xf32, #tpu.memory_space<vmem>> -> memref<1x8x1024xf32, #tpu.memory_space<vmem>>
      %dma_start3A_260 = tpu.memref_squeeze %dma_start3A_259 : memref<1x8x1024xf32, #tpu.memory_space<vmem>> -> memref<8x1024xf32, #tpu.memory_space<vmem>>
      %dma_start3A_261 = tpu.memref_slice %arg6[%dma_start3A_255, %multiple_of3A, %multiple_of3A_226] : memref<5x64x1024xf32, #tpu.memory_space<hbm>> -> memref<1x8x1024xf32, #tpu.memory_space<hbm>>
      %dma_start3A_262 = tpu.memref_squeeze %dma_start3A_261 : memref<1x8x1024xf32, #tpu.memory_space<hbm>> -> memref<8x1024xf32, #tpu.memory_space<hbm>>
      %dma_start3A_263 = arith.constant 0 : i32
      %dma_start3A_264 = arith.constant 0 : i32
      %dma_start3A_265 = tpu.memref_slice %arg9[%dma_start3A_256, %dma_start3A_263, %dma_start3A_264] : memref<5x8x1024xf32, #tpu.memory_space<vmem>> -> memref<1x8x1024xf32, #tpu.memory_space<vmem>>
      %dma_start3A_266 = tpu.memref_squeeze %dma_start3A_265 : memref<1x8x1024xf32, #tpu.memory_space<vmem>> -> memref<8x1024xf32, #tpu.memory_space<vmem>>
      %dma_start3A_267 = tpu.memref_slice %arg6[%dma_start3A_255, %multiple_of3A, %multiple_of3A_226] : memref<5x64x1024xf32, #tpu.memory_space<hbm>> -> memref<1x8x1024xf32, #tpu.memory_space<hbm>>
      %dma_start3A_268 = tpu.memref_squeeze %dma_start3A_267 : memref<1x8x1024xf32, #tpu.memory_space<hbm>> -> memref<8x1024xf32, #tpu.memory_space<hbm>>
      tpu.enqueue_dma source(%dma_start3A_268 : memref<8x1024xf32, #tpu.memory_space<hbm>>) target(%dma_start3A_266 : memref<8x1024xf32, #tpu.memory_space<vmem>>) target_semaphore(%arg16 : memref<!tpu.dma_semaphore, #tpu.memory_space<semaphore_mem>>)
      %dma_start3A_269 = arith.constant 3 : i32
      %dma_start3A_270 = arith.constant 3 : i32
      %dma_start3A_271 = arith.constant 0 : i32
      %dma_start3A_272 = arith.constant 0 : i32
      %dma_start3A_273 = tpu.memref_slice %arg9[%dma_start3A_270, %dma_start3A_271, %dma_start3A_272] : memref<5x8x1024xf32, #tpu.memory_space<vmem>> -> memref<1x8x1024xf32, #tpu.memory_space<vmem>>
      %dma_start3A_274 = tpu.memref_squeeze %dma_start3A_273 : memref<1x8x1024xf32, #tpu.memory_space<vmem>> -> memref<8x1024xf32, #tpu.memory_space<vmem>>
      %dma_start3A_275 = tpu.memref_slice %arg6[%dma_start3A_269, %multiple_of3A, %multiple_of3A_226] : memref<5x64x1024xf32, #tpu.memory_space<hbm>> -> memref<1x8x1024xf32, #tpu.memory_space<hbm>>
      %dma_start3A_276 = tpu.memref_squeeze %dma_start3A_275 : memref<1x8x1024xf32, #tpu.memory_space<hbm>> -> memref<8x1024xf32, #tpu.memory_space<hbm>>
      %dma_start3A_277 = arith.constant 0 : i32
      %dma_start3A_278 = arith.constant 0 : i32
      %dma_start3A_279 = tpu.memref_slice %arg9[%dma_start3A_270, %dma_start3A_277, %dma_start3A_278] : memref<5x8x1024xf32, #tpu.memory_space<vmem>> -> memref<1x8x1024xf32, #tpu.memory_space<vmem>>
      %dma_start3A_280 = tpu.memref_squeeze %dma_start3A_279 : memref<1x8x1024xf32, #tpu.memory_space<vmem>> -> memref<8x1024xf32, #tpu.memory_space<vmem>>
      %dma_start3A_281 = tpu.memref_slice %arg6[%dma_start3A_269, %multiple_of3A, %multiple_of3A_226] : memref<5x64x1024xf32, #tpu.memory_space<hbm>> -> memref<1x8x1024xf32, #tpu.memory_space<hbm>>
      %dma_start3A_282 = tpu.memref_squeeze %dma_start3A_281 : memref<1x8x1024xf32, #tpu.memory_space<hbm>> -> memref<8x1024xf32, #tpu.memory_space<hbm>>
      tpu.enqueue_dma source(%dma_start3A_282 : memref<8x1024xf32, #tpu.memory_space<hbm>>) target(%dma_start3A_280 : memref<8x1024xf32, #tpu.memory_space<vmem>>) target_semaphore(%arg16 : memref<!tpu.dma_semaphore, #tpu.memory_space<semaphore_mem>>)
      %dma_start3A_283 = arith.constant 4 : i32
      %dma_start3A_284 = arith.constant 4 : i32
      %dma_start3A_285 = arith.constant 0 : i32
      %dma_start3A_286 = arith.constant 0 : i32
      %dma_start3A_287 = tpu.memref_slice %arg9[%dma_start3A_284, %dma_start3A_285, %dma_start3A_286] : memref<5x8x1024xf32, #tpu.memory_space<vmem>> -> memref<1x8x1024xf32, #tpu.memory_space<vmem>>
      %dma_start3A_288 = tpu.memref_squeeze %dma_start3A_287 : memref<1x8x1024xf32, #tpu.memory_space<vmem>> -> memref<8x1024xf32, #tpu.memory_space<vmem>>
      %dma_start3A_289 = tpu.memref_slice %arg6[%dma_start3A_283, %multiple_of3A, %multiple_of3A_226] : memref<5x64x1024xf32, #tpu.memory_space<hbm>> -> memref<1x8x1024xf32, #tpu.memory_space<hbm>>
      %dma_start3A_290 = tpu.memref_squeeze %dma_start3A_289 : memref<1x8x1024xf32, #tpu.memory_space<hbm>> -> memref<8x1024xf32, #tpu.memory_space<hbm>>
      %dma_start3A_291 = arith.constant 0 : i32
      %dma_start3A_292 = arith.constant 0 : i32
      %dma_start3A_293 = tpu.memref_slice %arg9[%dma_start3A_284, %dma_start3A_291, %dma_start3A_292] : memref<5x8x1024xf32, #tpu.memory_space<vmem>> -> memref<1x8x1024xf32, #tpu.memory_space<vmem>>
      %dma_start3A_294 = tpu.memref_squeeze %dma_start3A_293 : memref<1x8x1024xf32, #tpu.memory_space<vmem>> -> memref<8x1024xf32, #tpu.memory_space<vmem>>
      %dma_start3A_295 = tpu.memref_slice %arg6[%dma_start3A_283, %multiple_of3A, %multiple_of3A_226] : memref<5x64x1024xf32, #tpu.memory_space<hbm>> -> memref<1x8x1024xf32, #tpu.memory_space<hbm>>
      %dma_start3A_296 = tpu.memref_squeeze %dma_start3A_295 : memref<1x8x1024xf32, #tpu.memory_space<hbm>> -> memref<8x1024xf32, #tpu.memory_space<hbm>>
      tpu.enqueue_dma source(%dma_start3A_296 : memref<8x1024xf32, #tpu.memory_space<hbm>>) target(%dma_start3A_294 : memref<8x1024xf32, #tpu.memory_space<vmem>>) target_semaphore(%arg16 : memref<!tpu.dma_semaphore, #tpu.memory_space<semaphore_mem>>)
      %dma_start3A_297 = tpu.memref_slice %arg5[%multiple_of3A, %multiple_of3A_226] : memref<64x1024xf32, #tpu.memory_space<hbm>> -> memref<8x1024xf32, #tpu.memory_space<hbm>>
      %dma_start3A_298 = tpu.memref_slice %arg5[%multiple_of3A, %multiple_of3A_226] : memref<64x1024xf32, #tpu.memory_space<hbm>> -> memref<8x1024xf32, #tpu.memory_space<hbm>>
      tpu.enqueue_dma source(%dma_start3A_298 : memref<8x1024xf32, #tpu.memory_space<hbm>>) target(%arg11 : memref<8x1024xf32, #tpu.memory_space<vmem>>) target_semaphore(%arg16 : memref<!tpu.dma_semaphore, #tpu.memory_space<semaphore_mem>>)
      %multiple_of3A_299 = arith.constant 0 : i32
      %multiple_of3A_300 = tpu.assume_multiple %multiple_of3A_299, 128 : i32
      %dma_wait3A = arith.constant 0 : i32
      %dma_wait3A_301 = arith.constant 0 : i32
      %dma_wait3A_302 = arith.constant 0 : i32
      %dma_wait3A_303 = arith.constant 0 : i32
      %dma_wait3A_304 = tpu.memref_slice %arg9[%dma_wait3A_301, %dma_wait3A_302, %dma_wait3A_303] : memref<5x8x1024xf32, #tpu.memory_space<vmem>> -> memref<1x8x1024xf32, #tpu.memory_space<vmem>>
      %dma_wait3A_305 = tpu.memref_squeeze %dma_wait3A_304 : memref<1x8x1024xf32, #tpu.memory_space<vmem>> -> memref<8x1024xf32, #tpu.memory_space<vmem>>
      %dma_wait3A_306 = tpu.memref_slice %arg6[%dma_wait3A, %multiple_of3A, %multiple_of3A_300] : memref<5x64x1024xf32, #tpu.memory_space<hbm>> -> memref<1x8x1024xf32, #tpu.memory_space<hbm>>
      %dma_wait3A_307 = tpu.memref_squeeze %dma_wait3A_306 : memref<1x8x1024xf32, #tpu.memory_space<hbm>> -> memref<8x1024xf32, #tpu.memory_space<hbm>>
      %dma_wait3A_308 = arith.constant 0 : i32
      %dma_wait3A_309 = arith.constant 0 : i32
      %dma_wait3A_310 = tpu.memref_slice %arg9[%dma_wait3A_301, %dma_wait3A_308, %dma_wait3A_309] : memref<5x8x1024xf32, #tpu.memory_space<vmem>> -> memref<1x8x1024xf32, #tpu.memory_space<vmem>>
      %dma_wait3A_311 = tpu.memref_squeeze %dma_wait3A_310 : memref<1x8x1024xf32, #tpu.memory_space<vmem>> -> memref<8x1024xf32, #tpu.memory_space<vmem>>
      %dma_wait3A_312 = tpu.memref_slice %arg6[%dma_wait3A, %multiple_of3A, %multiple_of3A_300] : memref<5x64x1024xf32, #tpu.memory_space<hbm>> -> memref<1x8x1024xf32, #tpu.memory_space<hbm>>
      %dma_wait3A_313 = tpu.memref_squeeze %dma_wait3A_312 : memref<1x8x1024xf32, #tpu.memory_space<hbm>> -> memref<8x1024xf32, #tpu.memory_space<hbm>>
      tpu.wait_dma2 semaphore(%arg16 : memref<!tpu.dma_semaphore, #tpu.memory_space<semaphore_mem>>) src(%dma_wait3A_313 : memref<8x1024xf32, #tpu.memory_space<hbm>>) dst(%dma_wait3A_311 : memref<8x1024xf32, #tpu.memory_space<vmem>>)
      %dma_wait3A_314 = arith.constant 1 : i32
      %dma_wait3A_315 = arith.constant 1 : i32
      %dma_wait3A_316 = arith.constant 0 : i32
      %dma_wait3A_317 = arith.constant 0 : i32
      %dma_wait3A_318 = tpu.memref_slice %arg9[%dma_wait3A_315, %dma_wait3A_316, %dma_wait3A_317] : memref<5x8x1024xf32, #tpu.memory_space<vmem>> -> memref<1x8x1024xf32, #tpu.memory_space<vmem>>
      %dma_wait3A_319 = tpu.memref_squeeze %dma_wait3A_318 : memref<1x8x1024xf32, #tpu.memory_space<vmem>> -> memref<8x1024xf32, #tpu.memory_space<vmem>>
      %dma_wait3A_320 = tpu.memref_slice %arg6[%dma_wait3A_314, %multiple_of3A, %multiple_of3A_300] : memref<5x64x1024xf32, #tpu.memory_space<hbm>> -> memref<1x8x1024xf32, #tpu.memory_space<hbm>>
      %dma_wait3A_321 = tpu.memref_squeeze %dma_wait3A_320 : memref<1x8x1024xf32, #tpu.memory_space<hbm>> -> memref<8x1024xf32, #tpu.memory_space<hbm>>
      %dma_wait3A_322 = arith.constant 0 : i32
      %dma_wait3A_323 = arith.constant 0 : i32
      %dma_wait3A_324 = tpu.memref_slice %arg9[%dma_wait3A_315, %dma_wait3A_322, %dma_wait3A_323] : memref<5x8x1024xf32, #tpu.memory_space<vmem>> -> memref<1x8x1024xf32, #tpu.memory_space<vmem>>
      %dma_wait3A_325 = tpu.memref_squeeze %dma_wait3A_324 : memref<1x8x1024xf32, #tpu.memory_space<vmem>> -> memref<8x1024xf32, #tpu.memory_space<vmem>>
      %dma_wait3A_326 = tpu.memref_slice %arg6[%dma_wait3A_314, %multiple_of3A, %multiple_of3A_300] : memref<5x64x1024xf32, #tpu.memory_space<hbm>> -> memref<1x8x1024xf32, #tpu.memory_space<hbm>>
      %dma_wait3A_327 = tpu.memref_squeeze %dma_wait3A_326 : memref<1x8x1024xf32, #tpu.memory_space<hbm>> -> memref<8x1024xf32, #tpu.memory_space<hbm>>
      tpu.wait_dma2 semaphore(%arg16 : memref<!tpu.dma_semaphore, #tpu.memory_space<semaphore_mem>>) src(%dma_wait3A_327 : memref<8x1024xf32, #tpu.memory_space<hbm>>) dst(%dma_wait3A_325 : memref<8x1024xf32, #tpu.memory_space<vmem>>)
      %dma_wait3A_328 = arith.constant 2 : i32
      %dma_wait3A_329 = arith.constant 2 : i32
      %dma_wait3A_330 = arith.constant 0 : i32
      %dma_wait3A_331 = arith.constant 0 : i32
      %dma_wait3A_332 = tpu.memref_slice %arg9[%dma_wait3A_329, %dma_wait3A_330, %dma_wait3A_331] : memref<5x8x1024xf32, #tpu.memory_space<vmem>> -> memref<1x8x1024xf32, #tpu.memory_space<vmem>>
      %dma_wait3A_333 = tpu.memref_squeeze %dma_wait3A_332 : memref<1x8x1024xf32, #tpu.memory_space<vmem>> -> memref<8x1024xf32, #tpu.memory_space<vmem>>
      %dma_wait3A_334 = tpu.memref_slice %arg6[%dma_wait3A_328, %multiple_of3A, %multiple_of3A_300] : memref<5x64x1024xf32, #tpu.memory_space<hbm>> -> memref<1x8x1024xf32, #tpu.memory_space<hbm>>
      %dma_wait3A_335 = tpu.memref_squeeze %dma_wait3A_334 : memref<1x8x1024xf32, #tpu.memory_space<hbm>> -> memref<8x1024xf32, #tpu.memory_space<hbm>>
      %dma_wait3A_336 = arith.constant 0 : i32
      %dma_wait3A_337 = arith.constant 0 : i32
      %dma_wait3A_338 = tpu.memref_slice %arg9[%dma_wait3A_329, %dma_wait3A_336, %dma_wait3A_337] : memref<5x8x1024xf32, #tpu.memory_space<vmem>> -> memref<1x8x1024xf32, #tpu.memory_space<vmem>>
      %dma_wait3A_339 = tpu.memref_squeeze %dma_wait3A_338 : memref<1x8x1024xf32, #tpu.memory_space<vmem>> -> memref<8x1024xf32, #tpu.memory_space<vmem>>
      %dma_wait3A_340 = tpu.memref_slice %arg6[%dma_wait3A_328, %multiple_of3A, %multiple_of3A_300] : memref<5x64x1024xf32, #tpu.memory_space<hbm>> -> memref<1x8x1024xf32, #tpu.memory_space<hbm>>
      %dma_wait3A_341 = tpu.memref_squeeze %dma_wait3A_340 : memref<1x8x1024xf32, #tpu.memory_space<hbm>> -> memref<8x1024xf32, #tpu.memory_space<hbm>>
      tpu.wait_dma2 semaphore(%arg16 : memref<!tpu.dma_semaphore, #tpu.memory_space<semaphore_mem>>) src(%dma_wait3A_341 : memref<8x1024xf32, #tpu.memory_space<hbm>>) dst(%dma_wait3A_339 : memref<8x1024xf32, #tpu.memory_space<vmem>>)
      %dma_wait3A_342 = arith.constant 3 : i32
      %dma_wait3A_343 = arith.constant 3 : i32
      %dma_wait3A_344 = arith.constant 0 : i32
      %dma_wait3A_345 = arith.constant 0 : i32
      %dma_wait3A_346 = tpu.memref_slice %arg9[%dma_wait3A_343, %dma_wait3A_344, %dma_wait3A_345] : memref<5x8x1024xf32, #tpu.memory_space<vmem>> -> memref<1x8x1024xf32, #tpu.memory_space<vmem>>
      %dma_wait3A_347 = tpu.memref_squeeze %dma_wait3A_346 : memref<1x8x1024xf32, #tpu.memory_space<vmem>> -> memref<8x1024xf32, #tpu.memory_space<vmem>>
      %dma_wait3A_348 = tpu.memref_slice %arg6[%dma_wait3A_342, %multiple_of3A, %multiple_of3A_300] : memref<5x64x1024xf32, #tpu.memory_space<hbm>> -> memref<1x8x1024xf32, #tpu.memory_space<hbm>>
      %dma_wait3A_349 = tpu.memref_squeeze %dma_wait3A_348 : memref<1x8x1024xf32, #tpu.memory_space<hbm>> -> memref<8x1024xf32, #tpu.memory_space<hbm>>
      %dma_wait3A_350 = arith.constant 0 : i32
      %dma_wait3A_351 = arith.constant 0 : i32
      %dma_wait3A_352 = tpu.memref_slice %arg9[%dma_wait3A_343, %dma_wait3A_350, %dma_wait3A_351] : memref<5x8x1024xf32, #tpu.memory_space<vmem>> -> memref<1x8x1024xf32, #tpu.memory_space<vmem>>
      %dma_wait3A_353 = tpu.memref_squeeze %dma_wait3A_352 : memref<1x8x1024xf32, #tpu.memory_space<vmem>> -> memref<8x1024xf32, #tpu.memory_space<vmem>>
      %dma_wait3A_354 = tpu.memref_slice %arg6[%dma_wait3A_342, %multiple_of3A, %multiple_of3A_300] : memref<5x64x1024xf32, #tpu.memory_space<hbm>> -> memref<1x8x1024xf32, #tpu.memory_space<hbm>>
      %dma_wait3A_355 = tpu.memref_squeeze %dma_wait3A_354 : memref<1x8x1024xf32, #tpu.memory_space<hbm>> -> memref<8x1024xf32, #tpu.memory_space<hbm>>
      tpu.wait_dma2 semaphore(%arg16 : memref<!tpu.dma_semaphore, #tpu.memory_space<semaphore_mem>>) src(%dma_wait3A_355 : memref<8x1024xf32, #tpu.memory_space<hbm>>) dst(%dma_wait3A_353 : memref<8x1024xf32, #tpu.memory_space<vmem>>)
      %dma_wait3A_356 = arith.constant 4 : i32
      %dma_wait3A_357 = arith.constant 4 : i32
      %dma_wait3A_358 = arith.constant 0 : i32
      %dma_wait3A_359 = arith.constant 0 : i32
      %dma_wait3A_360 = tpu.memref_slice %arg9[%dma_wait3A_357, %dma_wait3A_358, %dma_wait3A_359] : memref<5x8x1024xf32, #tpu.memory_space<vmem>> -> memref<1x8x1024xf32, #tpu.memory_space<vmem>>
      %dma_wait3A_361 = tpu.memref_squeeze %dma_wait3A_360 : memref<1x8x1024xf32, #tpu.memory_space<vmem>> -> memref<8x1024xf32, #tpu.memory_space<vmem>>
      %dma_wait3A_362 = tpu.memref_slice %arg6[%dma_wait3A_356, %multiple_of3A, %multiple_of3A_300] : memref<5x64x1024xf32, #tpu.memory_space<hbm>> -> memref<1x8x1024xf32, #tpu.memory_space<hbm>>
      %dma_wait3A_363 = tpu.memref_squeeze %dma_wait3A_362 : memref<1x8x1024xf32, #tpu.memory_space<hbm>> -> memref<8x1024xf32, #tpu.memory_space<hbm>>
      %dma_wait3A_364 = arith.constant 0 : i32
      %dma_wait3A_365 = arith.constant 0 : i32
      %dma_wait3A_366 = tpu.memref_slice %arg9[%dma_wait3A_357, %dma_wait3A_364, %dma_wait3A_365] : memref<5x8x1024xf32, #tpu.memory_space<vmem>> -> memref<1x8x1024xf32, #tpu.memory_space<vmem>>
      %dma_wait3A_367 = tpu.memref_squeeze %dma_wait3A_366 : memref<1x8x1024xf32, #tpu.memory_space<vmem>> -> memref<8x1024xf32, #tpu.memory_space<vmem>>
      %dma_wait3A_368 = tpu.memref_slice %arg6[%dma_wait3A_356, %multiple_of3A, %multiple_of3A_300] : memref<5x64x1024xf32, #tpu.memory_space<hbm>> -> memref<1x8x1024xf32, #tpu.memory_space<hbm>>
      %dma_wait3A_369 = tpu.memref_squeeze %dma_wait3A_368 : memref<1x8x1024xf32, #tpu.memory_space<hbm>> -> memref<8x1024xf32, #tpu.memory_space<hbm>>
      tpu.wait_dma2 semaphore(%arg16 : memref<!tpu.dma_semaphore, #tpu.memory_space<semaphore_mem>>) src(%dma_wait3A_369 : memref<8x1024xf32, #tpu.memory_space<hbm>>) dst(%dma_wait3A_367 : memref<8x1024xf32, #tpu.memory_space<vmem>>)
      %dma_wait3A_370 = tpu.memref_slice %arg5[%multiple_of3A, %multiple_of3A_300] : memref<64x1024xf32, #tpu.memory_space<hbm>> -> memref<8x1024xf32, #tpu.memory_space<hbm>>
      %dma_wait3A_371 = tpu.memref_slice %arg5[%multiple_of3A, %multiple_of3A_300] : memref<64x1024xf32, #tpu.memory_space<hbm>> -> memref<8x1024xf32, #tpu.memory_space<hbm>>
      tpu.wait_dma2 semaphore(%arg16 : memref<!tpu.dma_semaphore, #tpu.memory_space<semaphore_mem>>) src(%dma_wait3A_371 : memref<8x1024xf32, #tpu.memory_space<hbm>>) dst(%arg11 : memref<8x1024xf32, #tpu.memory_space<vmem>>)
      %sub3A_372 = arith.constant 99328 : i32
      %sub3A_373 = vector.broadcast %sub3A_372 : i32 to vector<16xi32>
      %sub3A_374 = arith.subi %gather3A, %sub3A_373 : vector<16xi32>
      %ge3A_375 = arith.constant 0 : i32
      %ge3A_376 = vector.broadcast %ge3A_375 : i32 to vector<16xi32>
      %ge3A_377 = arith.cmpi sge, %sub3A_374, %ge3A_376 : vector<16xi32>
      %lt3A_378 = arith.constant 1024 : i32
      %lt3A_379 = vector.broadcast %lt3A_378 : i32 to vector<16xi32>
      %lt3A_380 = arith.cmpi slt, %sub3A_374, %lt3A_379 : vector<16xi32>
      %and3A_381 = arith.andi %ge3A_377, %lt3A_380 : vector<16xi1>
      %jit3A_382 = arith.constant 0 : i32
      %jit3A_383 = arith.constant 1023 : i32
      %max3A = vector.broadcast %jit3A_382 : i32 to vector<16xi32>
      %max3A_384 = arith.maxsi %max3A, %sub3A_374 : vector<16xi32>
      %min3A = vector.broadcast %jit3A_383 : i32 to vector<16xi32>
      %min3A_385 = arith.minsi %min3A, %max3A_384 : vector<16xi32>
      %and3A_386 = arith.constant 7 : i32
      %and3A_387 = vector.broadcast %and3A_386 : i32 to vector<16xi32>
      %and3A_388 = arith.andi %iota3A, %and3A_387 : vector<16xi32>
      %gather3A_389 = tpu.vector_load_idx %arg11[%and3A_388, %min3A_385] : memref<8x1024xf32, #tpu.memory_space<vmem>>[vector<16xi32>, vector<16xi32>], vector<16xf32>,
      %and3A_390 = arith.andi %and3A_381, %lt3A_42 : vector<16xi1>
      %jit3A_391 = arith.constant 0.000000e+00 : f32
      %broadcast_in_dim3A_392 = vector.broadcast %jit3A_391 : f32 to vector<16xf32>
      %select_n3A_393 = arith.select %and3A_390, %gather3A_389, %broadcast_in_dim3A_392 : vector<16xi1>, vector<16xf32>
      %add3A_394 = arith.addf %scan3A_209, %select_n3A_393 : vector<16xf32>
      %parallel_loop3A = arith.constant 0 : i32
      %parallel_loop3A_395 = arith.constant 8 : i32
      %parallel_loop3A_396 = arith.constant 1 : i32
      scf.for %parallel_loop3A_400 = %parallel_loop3A to %parallel_loop3A_395 step %parallel_loop3A_396  : i32 {
        %parallel_loop3A_401 = arith.constant 480 : i32
        %parallel_loop3A_402 = arith.muli %parallel_loop3A_400, %parallel_loop3A_401 : i32
        %parallel_loop3A_403 = arith.constant 0 : i32
        %parallel_loop3A_404 = arith.addi %parallel_loop3A_402, %parallel_loop3A_403 : i32
        %parallel_loop3A_405 = arith.index_cast %parallel_loop3A_404 : i32 to index
        %parallel_loop3A_406 = tpu.vector_load %arg13[%parallel_loop3A_405] {strides = array<i32>} : memref<3840xf32, #tpu.memory_space<vmem>>, vector<16xf32>,
        %parallel_loop3A_407 = arith.constant 16 : i32
        %parallel_loop3A_408 = arith.addi %parallel_loop3A_402, %parallel_loop3A_407 : i32
        %parallel_loop3A_409 = arith.index_cast %parallel_loop3A_408 : i32 to index
        %parallel_loop3A_410 = tpu.vector_load %arg13[%parallel_loop3A_409] {strides = array<i32>} : memref<3840xf32, #tpu.memory_space<vmem>>, vector<16xf32>,
        %parallel_loop3A_411 = arith.constant 32 : i32
        %parallel_loop3A_412 = arith.addi %parallel_loop3A_402, %parallel_loop3A_411 : i32
        %parallel_loop3A_413 = arith.index_cast %parallel_loop3A_412 : i32 to index
        %parallel_loop3A_414 = tpu.vector_load %arg13[%parallel_loop3A_413] {strides = array<i32>} : memref<3840xf32, #tpu.memory_space<vmem>>, vector<16xf32>,
        %parallel_loop3A_415 = arith.constant 48 : i32
        %parallel_loop3A_416 = arith.addi %parallel_loop3A_402, %parallel_loop3A_415 : i32
        %parallel_loop3A_417 = arith.index_cast %parallel_loop3A_416 : i32 to index
        %parallel_loop3A_418 = tpu.vector_load %arg13[%parallel_loop3A_417] {strides = array<i32>} : memref<3840xf32, #tpu.memory_space<vmem>>, vector<16xf32>,
        %parallel_loop3A_419 = arith.constant 64 : i32
        %parallel_loop3A_420 = arith.addi %parallel_loop3A_402, %parallel_loop3A_419 : i32
        %parallel_loop3A_421 = arith.index_cast %parallel_loop3A_420 : i32 to index
        %parallel_loop3A_422 = tpu.vector_load %arg13[%parallel_loop3A_421] {strides = array<i32>} : memref<3840xf32, #tpu.memory_space<vmem>>, vector<16xf32>,
        %parallel_loop3A_423 = arith.constant 80 : i32
        %parallel_loop3A_424 = arith.addi %parallel_loop3A_402, %parallel_loop3A_423 : i32
        %parallel_loop3A_425 = arith.index_cast %parallel_loop3A_424 : i32 to index
        %parallel_loop3A_426 = tpu.vector_load %arg13[%parallel_loop3A_425] {strides = array<i32>} : memref<3840xf32, #tpu.memory_space<vmem>>, vector<16xf32>,
        %parallel_loop3A_427 = arith.constant 96 : i32
        %parallel_loop3A_428 = arith.addi %parallel_loop3A_402, %parallel_loop3A_427 : i32
        %parallel_loop3A_429 = arith.index_cast %parallel_loop3A_428 : i32 to index
        %parallel_loop3A_430 = tpu.vector_load %arg13[%parallel_loop3A_429] {strides = array<i32>} : memref<3840xf32, #tpu.memory_space<vmem>>, vector<16xf32>,
        %parallel_loop3A_431 = arith.constant 112 : i32
        %parallel_loop3A_432 = arith.addi %parallel_loop3A_402, %parallel_loop3A_431 : i32
        %parallel_loop3A_433 = arith.index_cast %parallel_loop3A_432 : i32 to index
        %parallel_loop3A_434 = tpu.vector_load %arg13[%parallel_loop3A_433] {strides = array<i32>} : memref<3840xf32, #tpu.memory_space<vmem>>, vector<16xf32>,
        %parallel_loop3A_435 = arith.constant 128 : i32
        %parallel_loop3A_436 = arith.addi %parallel_loop3A_402, %parallel_loop3A_435 : i32
        %parallel_loop3A_437 = arith.index_cast %parallel_loop3A_436 : i32 to index
        %parallel_loop3A_438 = tpu.vector_load %arg13[%parallel_loop3A_437] {strides = array<i32>} : memref<3840xf32, #tpu.memory_space<vmem>>, vector<16xf32>,
        %parallel_loop3A_439 = arith.constant 144 : i32
        %parallel_loop3A_440 = arith.addi %parallel_loop3A_402, %parallel_loop3A_439 : i32
        %parallel_loop3A_441 = arith.index_cast %parallel_loop3A_440 : i32 to index
        %parallel_loop3A_442 = tpu.vector_load %arg13[%parallel_loop3A_441] {strides = array<i32>} : memref<3840xf32, #tpu.memory_space<vmem>>, vector<16xf32>,
        %parallel_loop3A_443 = arith.constant 160 : i32
        %parallel_loop3A_444 = arith.addi %parallel_loop3A_402, %parallel_loop3A_443 : i32
        %parallel_loop3A_445 = arith.index_cast %parallel_loop3A_444 : i32 to index
        %parallel_loop3A_446 = tpu.vector_load %arg13[%parallel_loop3A_445] {strides = array<i32>} : memref<3840xf32, #tpu.memory_space<vmem>>, vector<16xf32>,
        %parallel_loop3A_447 = arith.constant 176 : i32
        %parallel_loop3A_448 = arith.addi %parallel_loop3A_402, %parallel_loop3A_447 : i32
        %parallel_loop3A_449 = arith.index_cast %parallel_loop3A_448 : i32 to index
        %parallel_loop3A_450 = tpu.vector_load %arg13[%parallel_loop3A_449] {strides = array<i32>} : memref<3840xf32, #tpu.memory_space<vmem>>, vector<16xf32>,
        %parallel_loop3A_451 = arith.constant 192 : i32
        %parallel_loop3A_452 = arith.addi %parallel_loop3A_402, %parallel_loop3A_451 : i32
        %parallel_loop3A_453 = arith.index_cast %parallel_loop3A_452 : i32 to index
        %parallel_loop3A_454 = tpu.vector_load %arg13[%parallel_loop3A_453] {strides = array<i32>} : memref<3840xf32, #tpu.memory_space<vmem>>, vector<16xf32>,
        %parallel_loop3A_455 = arith.constant 208 : i32
        %parallel_loop3A_456 = arith.addi %parallel_loop3A_402, %parallel_loop3A_455 : i32
        %parallel_loop3A_457 = arith.index_cast %parallel_loop3A_456 : i32 to index
        %parallel_loop3A_458 = tpu.vector_load %arg13[%parallel_loop3A_457] {strides = array<i32>} : memref<3840xf32, #tpu.memory_space<vmem>>, vector<16xf32>,
        %parallel_loop3A_459 = arith.constant 224 : i32
        %parallel_loop3A_460 = arith.addi %parallel_loop3A_402, %parallel_loop3A_459 : i32
        %parallel_loop3A_461 = arith.index_cast %parallel_loop3A_460 : i32 to index
        %parallel_loop3A_462 = tpu.vector_load %arg13[%parallel_loop3A_461] {strides = array<i32>} : memref<3840xf32, #tpu.memory_space<vmem>>, vector<16xf32>,
        %parallel_loop3A_463 = arith.constant 240 : i32
        %parallel_loop3A_464 = arith.addi %parallel_loop3A_402, %parallel_loop3A_463 : i32
        %parallel_loop3A_465 = arith.index_cast %parallel_loop3A_464 : i32 to index
        %parallel_loop3A_466 = tpu.vector_load %arg13[%parallel_loop3A_465] {strides = array<i32>} : memref<3840xf32, #tpu.memory_space<vmem>>, vector<16xf32>,
        %parallel_loop3A_467 = arith.constant 256 : i32
        %parallel_loop3A_468 = arith.addi %parallel_loop3A_402, %parallel_loop3A_467 : i32
        %parallel_loop3A_469 = arith.index_cast %parallel_loop3A_468 : i32 to index
        %parallel_loop3A_470 = tpu.vector_load %arg13[%parallel_loop3A_469] {strides = array<i32>} : memref<3840xf32, #tpu.memory_space<vmem>>, vector<16xf32>,
        %parallel_loop3A_471 = arith.constant 272 : i32
        %parallel_loop3A_472 = arith.addi %parallel_loop3A_402, %parallel_loop3A_471 : i32
        %parallel_loop3A_473 = arith.index_cast %parallel_loop3A_472 : i32 to index
        %parallel_loop3A_474 = tpu.vector_load %arg13[%parallel_loop3A_473] {strides = array<i32>} : memref<3840xf32, #tpu.memory_space<vmem>>, vector<16xf32>,
        %parallel_loop3A_475 = arith.constant 288 : i32
        %parallel_loop3A_476 = arith.addi %parallel_loop3A_402, %parallel_loop3A_475 : i32
        %parallel_loop3A_477 = arith.index_cast %parallel_loop3A_476 : i32 to index
        %parallel_loop3A_478 = tpu.vector_load %arg13[%parallel_loop3A_477] {strides = array<i32>} : memref<3840xf32, #tpu.memory_space<vmem>>, vector<16xf32>,
        %parallel_loop3A_479 = arith.constant 304 : i32
        %parallel_loop3A_480 = arith.addi %parallel_loop3A_402, %parallel_loop3A_479 : i32
        %parallel_loop3A_481 = arith.index_cast %parallel_loop3A_480 : i32 to index
        %parallel_loop3A_482 = tpu.vector_load %arg13[%parallel_loop3A_481] {strides = array<i32>} : memref<3840xf32, #tpu.memory_space<vmem>>, vector<16xf32>,
        %parallel_loop3A_483 = arith.constant 320 : i32
        %parallel_loop3A_484 = arith.addi %parallel_loop3A_402, %parallel_loop3A_483 : i32
        %parallel_loop3A_485 = arith.index_cast %parallel_loop3A_484 : i32 to index
        %parallel_loop3A_486 = tpu.vector_load %arg13[%parallel_loop3A_485] {strides = array<i32>} : memref<3840xf32, #tpu.memory_space<vmem>>, vector<16xf32>,
        %parallel_loop3A_487 = arith.constant 336 : i32
        %parallel_loop3A_488 = arith.addi %parallel_loop3A_402, %parallel_loop3A_487 : i32
        %parallel_loop3A_489 = arith.index_cast %parallel_loop3A_488 : i32 to index
        %parallel_loop3A_490 = tpu.vector_load %arg13[%parallel_loop3A_489] {strides = array<i32>} : memref<3840xf32, #tpu.memory_space<vmem>>, vector<16xf32>,
        %parallel_loop3A_491 = arith.constant 352 : i32
        %parallel_loop3A_492 = arith.addi %parallel_loop3A_402, %parallel_loop3A_491 : i32
        %parallel_loop3A_493 = arith.index_cast %parallel_loop3A_492 : i32 to index
        %parallel_loop3A_494 = tpu.vector_load %arg13[%parallel_loop3A_493] {strides = array<i32>} : memref<3840xf32, #tpu.memory_space<vmem>>, vector<16xf32>,
        %parallel_loop3A_495 = arith.constant 368 : i32
        %parallel_loop3A_496 = arith.addi %parallel_loop3A_402, %parallel_loop3A_495 : i32
        %parallel_loop3A_497 = arith.index_cast %parallel_loop3A_496 : i32 to index
        %parallel_loop3A_498 = tpu.vector_load %arg13[%parallel_loop3A_497] {strides = array<i32>} : memref<3840xf32, #tpu.memory_space<vmem>>, vector<16xf32>,
        %parallel_loop3A_499 = arith.constant 384 : i32
        %parallel_loop3A_500 = arith.addi %parallel_loop3A_402, %parallel_loop3A_499 : i32
        %parallel_loop3A_501 = arith.index_cast %parallel_loop3A_500 : i32 to index
        %parallel_loop3A_502 = tpu.vector_load %arg13[%parallel_loop3A_501] {strides = array<i32>} : memref<3840xf32, #tpu.memory_space<vmem>>, vector<16xf32>,
        %parallel_loop3A_503 = arith.constant 400 : i32
        %parallel_loop3A_504 = arith.addi %parallel_loop3A_402, %parallel_loop3A_503 : i32
        %parallel_loop3A_505 = arith.index_cast %parallel_loop3A_504 : i32 to index
        %parallel_loop3A_506 = tpu.vector_load %arg13[%parallel_loop3A_505] {strides = array<i32>} : memref<3840xf32, #tpu.memory_space<vmem>>, vector<16xf32>,
        %parallel_loop3A_507 = arith.constant 416 : i32
        %parallel_loop3A_508 = arith.addi %parallel_loop3A_402, %parallel_loop3A_507 : i32
        %parallel_loop3A_509 = arith.index_cast %parallel_loop3A_508 : i32 to index
        %parallel_loop3A_510 = tpu.vector_load %arg13[%parallel_loop3A_509] {strides = array<i32>} : memref<3840xf32, #tpu.memory_space<vmem>>, vector<16xf32>,
        %parallel_loop3A_511 = arith.constant 432 : i32
        %parallel_loop3A_512 = arith.addi %parallel_loop3A_402, %parallel_loop3A_511 : i32
        %parallel_loop3A_513 = arith.index_cast %parallel_loop3A_512 : i32 to index
        %parallel_loop3A_514 = tpu.vector_load %arg13[%parallel_loop3A_513] {strides = array<i32>} : memref<3840xf32, #tpu.memory_space<vmem>>, vector<16xf32>,
        %parallel_loop3A_515 = arith.constant 448 : i32
        %parallel_loop3A_516 = arith.addi %parallel_loop3A_402, %parallel_loop3A_515 : i32
        %parallel_loop3A_517 = arith.index_cast %parallel_loop3A_516 : i32 to index
        %parallel_loop3A_518 = tpu.vector_load %arg13[%parallel_loop3A_517] {strides = array<i32>} : memref<3840xf32, #tpu.memory_space<vmem>>, vector<16xf32>,
        %parallel_loop3A_519 = arith.constant 464 : i32
        %parallel_loop3A_520 = arith.addi %parallel_loop3A_402, %parallel_loop3A_519 : i32
        %parallel_loop3A_521 = arith.index_cast %parallel_loop3A_520 : i32 to index
        %parallel_loop3A_522 = tpu.vector_load %arg13[%parallel_loop3A_521] {strides = array<i32>} : memref<3840xf32, #tpu.memory_space<vmem>>, vector<16xf32>,
        %parallel_loop3A_523 = arith.constant 0 : i32
        %parallel_loop3A_524 = arith.constant 64 : i32
        %parallel_loop3A_525 = arith.constant 1 : i32
        %parallel_loop3A_526:30 = scf.for %parallel_loop3A_647 = %parallel_loop3A_523 to %parallel_loop3A_524 step %parallel_loop3A_525 iter_args(%parallel_loop3A_648 = %parallel_loop3A_406, %parallel_loop3A_649 = %parallel_loop3A_410, %parallel_loop3A_650 = %parallel_loop3A_414, %parallel_loop3A_651 = %parallel_loop3A_418, %parallel_loop3A_652 = %parallel_loop3A_422, %parallel_loop3A_653 = %parallel_loop3A_426, %parallel_loop3A_654 = %parallel_loop3A_430, %parallel_loop3A_655 = %parallel_loop3A_434, %parallel_loop3A_656 = %parallel_loop3A_438, %parallel_loop3A_657 = %parallel_loop3A_442, %parallel_loop3A_658 = %parallel_loop3A_446, %parallel_loop3A_659 = %parallel_loop3A_450, %parallel_loop3A_660 = %parallel_loop3A_454, %parallel_loop3A_661 = %parallel_loop3A_458, %parallel_loop3A_662 = %parallel_loop3A_462, %parallel_loop3A_663 = %parallel_loop3A_466, %parallel_loop3A_664 = %parallel_loop3A_470, %parallel_loop3A_665 = %parallel_loop3A_474, %parallel_loop3A_666 = %parallel_loop3A_478, %parallel_loop3A_667 = %parallel_loop3A_482, %parallel_loop3A_668 = %parallel_loop3A_486, %parallel_loop3A_669 = %parallel_loop3A_490, %parallel_loop3A_670 = %parallel_loop3A_494, %parallel_loop3A_671 = %parallel_loop3A_498, %parallel_loop3A_672 = %parallel_loop3A_502, %parallel_loop3A_673 = %parallel_loop3A_506, %parallel_loop3A_674 = %parallel_loop3A_510, %parallel_loop3A_675 = %parallel_loop3A_514, %parallel_loop3A_676 = %parallel_loop3A_518, %parallel_loop3A_677 = %parallel_loop3A_522) -> (vector<16xf32>, vector<16xf32>, vector<16xf32>, vector<16xf32>, vector<16xf32>, vector<16xf32>, vector<16xf32>, vector<16xf32>, vector<16xf32>, vector<16xf32>, vector<16xf32>, vector<16xf32>, vector<16xf32>, vector<16xf32>, vector<16xf32>, vector<16xf32>, vector<16xf32>, vector<16xf32>, vector<16xf32>, vector<16xf32>, vector<16xf32>, vector<16xf32>, vector<16xf32>, vector<16xf32>, vector<16xf32>, vector<16xf32>, vector<16xf32>, vector<16xf32>, vector<16xf32>, vector<16xf32>)  : i32 {
          %parallel_loop3A_678 = arith.constant 16 : i32
          %parallel_loop3A_679 = arith.muli %parallel_loop3A_647, %parallel_loop3A_678 : i32
          %parallel_loop3A_680 = arith.index_cast %parallel_loop3A_400 : i32 to index
          %parallel_loop3A_681 = arith.index_cast %parallel_loop3A_679 : i32 to index
          %parallel_loop3A_682 = tpu.vector_load %arg11[%parallel_loop3A_680, %parallel_loop3A_681] {strides = array<i32>} : memref<8x1024xf32, #tpu.memory_space<vmem>>, vector<16xf32>,
          %parallel_loop3A_683 = arith.constant 16 : i32
          %parallel_loop3A_684 = arith.muli %parallel_loop3A_647, %parallel_loop3A_683 : i32
          %parallel_loop3A_685 = arith.constant 0 : i32
          %parallel_loop3A_686 = arith.index_cast %parallel_loop3A_685 : i32 to index
          %parallel_loop3A_687 = arith.index_cast %parallel_loop3A_400 : i32 to index
          %parallel_loop3A_688 = arith.index_cast %parallel_loop3A_684 : i32 to index
          %parallel_loop3A_689 = tpu.vector_load %arg9[%parallel_loop3A_686, %parallel_loop3A_687, %parallel_loop3A_688] {strides = array<i32>} : memref<5x8x1024xf32, #tpu.memory_space<vmem>>, vector<16xf32>,
          %parallel_loop3A_690 = arith.addf %parallel_loop3A_682, %parallel_loop3A_689 : vector<16xf32>
          %parallel_loop3A_691 = arith.maximumf %parallel_loop3A_648, %parallel_loop3A_690 : vector<16xf32>
          %parallel_loop3A_692 = arith.minimumf %parallel_loop3A_648, %parallel_loop3A_690 : vector<16xf32>
          %parallel_loop3A_693 = arith.maximumf %parallel_loop3A_649, %parallel_loop3A_692 : vector<16xf32>
          %parallel_loop3A_694 = arith.minimumf %parallel_loop3A_649, %parallel_loop3A_692 : vector<16xf32>
          %parallel_loop3A_695 = arith.maximumf %parallel_loop3A_650, %parallel_loop3A_694 : vector<16xf32>
          %parallel_loop3A_696 = arith.minimumf %parallel_loop3A_650, %parallel_loop3A_694 : vector<16xf32>
          %parallel_loop3A_697 = arith.maximumf %parallel_loop3A_651, %parallel_loop3A_696 : vector<16xf32>
          %parallel_loop3A_698 = arith.minimumf %parallel_loop3A_651, %parallel_loop3A_696 : vector<16xf32>
          %parallel_loop3A_699 = arith.maximumf %parallel_loop3A_652, %parallel_loop3A_698 : vector<16xf32>
          %parallel_loop3A_700 = arith.minimumf %parallel_loop3A_652, %parallel_loop3A_698 : vector<16xf32>
          %parallel_loop3A_701 = arith.maximumf %parallel_loop3A_653, %parallel_loop3A_700 : vector<16xf32>
          %parallel_loop3A_702 = arith.minimumf %parallel_loop3A_653, %parallel_loop3A_700 : vector<16xf32>
          %parallel_loop3A_703 = arith.constant 16 : i32
          %parallel_loop3A_704 = arith.muli %parallel_loop3A_647, %parallel_loop3A_703 : i32
          %parallel_loop3A_705 = arith.index_cast %parallel_loop3A_400 : i32 to index
          %parallel_loop3A_706 = arith.index_cast %parallel_loop3A_704 : i32 to index
          %parallel_loop3A_707 = tpu.vector_load %arg11[%parallel_loop3A_705, %parallel_loop3A_706] {strides = array<i32>} : memref<8x1024xf32, #tpu.memory_space<vmem>>, vector<16xf32>,
          %parallel_loop3A_708 = arith.constant 16 : i32
          %parallel_loop3A_709 = arith.muli %parallel_loop3A_647, %parallel_loop3A_708 : i32
          %parallel_loop3A_710 = arith.constant 1 : i32
          %parallel_loop3A_711 = arith.index_cast %parallel_loop3A_710 : i32 to index
          %parallel_loop3A_712 = arith.index_cast %parallel_loop3A_400 : i32 to index
          %parallel_loop3A_713 = arith.index_cast %parallel_loop3A_709 : i32 to index
          %parallel_loop3A_714 = tpu.vector_load %arg9[%parallel_loop3A_711, %parallel_loop3A_712, %parallel_loop3A_713] {strides = array<i32>} : memref<5x8x1024xf32, #tpu.memory_space<vmem>>, vector<16xf32>,
          %parallel_loop3A_715 = arith.addf %parallel_loop3A_707, %parallel_loop3A_714 : vector<16xf32>
          %parallel_loop3A_716 = arith.maximumf %parallel_loop3A_654, %parallel_loop3A_715 : vector<16xf32>
          %parallel_loop3A_717 = arith.minimumf %parallel_loop3A_654, %parallel_loop3A_715 : vector<16xf32>
          %parallel_loop3A_718 = arith.maximumf %parallel_loop3A_655, %parallel_loop3A_717 : vector<16xf32>
          %parallel_loop3A_719 = arith.minimumf %parallel_loop3A_655, %parallel_loop3A_717 : vector<16xf32>
          %parallel_loop3A_720 = arith.maximumf %parallel_loop3A_656, %parallel_loop3A_719 : vector<16xf32>
          %parallel_loop3A_721 = arith.minimumf %parallel_loop3A_656, %parallel_loop3A_719 : vector<16xf32>
          %parallel_loop3A_722 = arith.maximumf %parallel_loop3A_657, %parallel_loop3A_721 : vector<16xf32>
          %parallel_loop3A_723 = arith.minimumf %parallel_loop3A_657, %parallel_loop3A_721 : vector<16xf32>
          %parallel_loop3A_724 = arith.maximumf %parallel_loop3A_658, %parallel_loop3A_723 : vector<16xf32>
          %parallel_loop3A_725 = arith.minimumf %parallel_loop3A_658, %parallel_loop3A_723 : vector<16xf32>
          %parallel_loop3A_726 = arith.maximumf %parallel_loop3A_659, %parallel_loop3A_725 : vector<16xf32>
          %parallel_loop3A_727 = arith.minimumf %parallel_loop3A_659, %parallel_loop3A_725 : vector<16xf32>
          %parallel_loop3A_728 = arith.constant 16 : i32
          %parallel_loop3A_729 = arith.muli %parallel_loop3A_647, %parallel_loop3A_728 : i32
          %parallel_loop3A_730 = arith.index_cast %parallel_loop3A_400 : i32 to index
          %parallel_loop3A_731 = arith.index_cast %parallel_loop3A_729 : i32 to index
          %parallel_loop3A_732 = tpu.vector_load %arg11[%parallel_loop3A_730, %parallel_loop3A_731] {strides = array<i32>} : memref<8x1024xf32, #tpu.memory_space<vmem>>, vector<16xf32>,
          %parallel_loop3A_733 = arith.constant 16 : i32
          %parallel_loop3A_734 = arith.muli %parallel_loop3A_647, %parallel_loop3A_733 : i32
          %parallel_loop3A_735 = arith.constant 2 : i32
          %parallel_loop3A_736 = arith.index_cast %parallel_loop3A_735 : i32 to index
          %parallel_loop3A_737 = arith.index_cast %parallel_loop3A_400 : i32 to index
          %parallel_loop3A_738 = arith.index_cast %parallel_loop3A_734 : i32 to index
          %parallel_loop3A_739 = tpu.vector_load %arg9[%parallel_loop3A_736, %parallel_loop3A_737, %parallel_loop3A_738] {strides = array<i32>} : memref<5x8x1024xf32, #tpu.memory_space<vmem>>, vector<16xf32>,
          %parallel_loop3A_740 = arith.addf %parallel_loop3A_732, %parallel_loop3A_739 : vector<16xf32>
          %parallel_loop3A_741 = arith.maximumf %parallel_loop3A_660, %parallel_loop3A_740 : vector<16xf32>
          %parallel_loop3A_742 = arith.minimumf %parallel_loop3A_660, %parallel_loop3A_740 : vector<16xf32>
          %parallel_loop3A_743 = arith.maximumf %parallel_loop3A_661, %parallel_loop3A_742 : vector<16xf32>
          %parallel_loop3A_744 = arith.minimumf %parallel_loop3A_661, %parallel_loop3A_742 : vector<16xf32>
          %parallel_loop3A_745 = arith.maximumf %parallel_loop3A_662, %parallel_loop3A_744 : vector<16xf32>
          %parallel_loop3A_746 = arith.minimumf %parallel_loop3A_662, %parallel_loop3A_744 : vector<16xf32>
          %parallel_loop3A_747 = arith.maximumf %parallel_loop3A_663, %parallel_loop3A_746 : vector<16xf32>
          %parallel_loop3A_748 = arith.minimumf %parallel_loop3A_663, %parallel_loop3A_746 : vector<16xf32>
          %parallel_loop3A_749 = arith.maximumf %parallel_loop3A_664, %parallel_loop3A_748 : vector<16xf32>
          %parallel_loop3A_750 = arith.minimumf %parallel_loop3A_664, %parallel_loop3A_748 : vector<16xf32>
          %parallel_loop3A_751 = arith.maximumf %parallel_loop3A_665, %parallel_loop3A_750 : vector<16xf32>
          %parallel_loop3A_752 = arith.minimumf %parallel_loop3A_665, %parallel_loop3A_750 : vector<16xf32>
          %parallel_loop3A_753 = arith.constant 16 : i32
          %parallel_loop3A_754 = arith.muli %parallel_loop3A_647, %parallel_loop3A_753 : i32
          %parallel_loop3A_755 = arith.index_cast %parallel_loop3A_400 : i32 to index
          %parallel_loop3A_756 = arith.index_cast %parallel_loop3A_754 : i32 to index
          %parallel_loop3A_757 = tpu.vector_load %arg11[%parallel_loop3A_755, %parallel_loop3A_756] {strides = array<i32>} : memref<8x1024xf32, #tpu.memory_space<vmem>>, vector<16xf32>,
          %parallel_loop3A_758 = arith.constant 16 : i32
          %parallel_loop3A_759 = arith.muli %parallel_loop3A_647, %parallel_loop3A_758 : i32
          %parallel_loop3A_760 = arith.constant 3 : i32
          %parallel_loop3A_761 = arith.index_cast %parallel_loop3A_760 : i32 to index
          %parallel_loop3A_762 = arith.index_cast %parallel_loop3A_400 : i32 to index
          %parallel_loop3A_763 = arith.index_cast %parallel_loop3A_759 : i32 to index
          %parallel_loop3A_764 = tpu.vector_load %arg9[%parallel_loop3A_761, %parallel_loop3A_762, %parallel_loop3A_763] {strides = array<i32>} : memref<5x8x1024xf32, #tpu.memory_space<vmem>>, vector<16xf32>,
          %parallel_loop3A_765 = arith.addf %parallel_loop3A_757, %parallel_loop3A_764 : vector<16xf32>
          %parallel_loop3A_766 = arith.maximumf %parallel_loop3A_666, %parallel_loop3A_765 : vector<16xf32>
          %parallel_loop3A_767 = arith.minimumf %parallel_loop3A_666, %parallel_loop3A_765 : vector<16xf32>
          %parallel_loop3A_768 = arith.maximumf %parallel_loop3A_667, %parallel_loop3A_767 : vector<16xf32>
          %parallel_loop3A_769 = arith.minimumf %parallel_loop3A_667, %parallel_loop3A_767 : vector<16xf32>
          %parallel_loop3A_770 = arith.maximumf %parallel_loop3A_668, %parallel_loop3A_769 : vector<16xf32>
          %parallel_loop3A_771 = arith.minimumf %parallel_loop3A_668, %parallel_loop3A_769 : vector<16xf32>
          %parallel_loop3A_772 = arith.maximumf %parallel_loop3A_669, %parallel_loop3A_771 : vector<16xf32>
          %parallel_loop3A_773 = arith.minimumf %parallel_loop3A_669, %parallel_loop3A_771 : vector<16xf32>
          %parallel_loop3A_774 = arith.maximumf %parallel_loop3A_670, %parallel_loop3A_773 : vector<16xf32>
          %parallel_loop3A_775 = arith.minimumf %parallel_loop3A_670, %parallel_loop3A_773 : vector<16xf32>
          %parallel_loop3A_776 = arith.maximumf %parallel_loop3A_671, %parallel_loop3A_775 : vector<16xf32>
          %parallel_loop3A_777 = arith.minimumf %parallel_loop3A_671, %parallel_loop3A_775 : vector<16xf32>
          %parallel_loop3A_778 = arith.constant 16 : i32
          %parallel_loop3A_779 = arith.muli %parallel_loop3A_647, %parallel_loop3A_778 : i32
          %parallel_loop3A_780 = arith.index_cast %parallel_loop3A_400 : i32 to index
          %parallel_loop3A_781 = arith.index_cast %parallel_loop3A_779 : i32 to index
          %parallel_loop3A_782 = tpu.vector_load %arg11[%parallel_loop3A_780, %parallel_loop3A_781] {strides = array<i32>} : memref<8x1024xf32, #tpu.memory_space<vmem>>, vector<16xf32>,
          %parallel_loop3A_783 = arith.constant 16 : i32
          %parallel_loop3A_784 = arith.muli %parallel_loop3A_647, %parallel_loop3A_783 : i32
          %parallel_loop3A_785 = arith.constant 4 : i32
          %parallel_loop3A_786 = arith.index_cast %parallel_loop3A_785 : i32 to index
          %parallel_loop3A_787 = arith.index_cast %parallel_loop3A_400 : i32 to index
          %parallel_loop3A_788 = arith.index_cast %parallel_loop3A_784 : i32 to index
          %parallel_loop3A_789 = tpu.vector_load %arg9[%parallel_loop3A_786, %parallel_loop3A_787, %parallel_loop3A_788] {strides = array<i32>} : memref<5x8x1024xf32, #tpu.memory_space<vmem>>, vector<16xf32>,
          %parallel_loop3A_790 = arith.addf %parallel_loop3A_782, %parallel_loop3A_789 : vector<16xf32>
          %parallel_loop3A_791 = arith.maximumf %parallel_loop3A_672, %parallel_loop3A_790 : vector<16xf32>
          %parallel_loop3A_792 = arith.minimumf %parallel_loop3A_672, %parallel_loop3A_790 : vector<16xf32>
          %parallel_loop3A_793 = arith.maximumf %parallel_loop3A_673, %parallel_loop3A_792 : vector<16xf32>
          %parallel_loop3A_794 = arith.minimumf %parallel_loop3A_673, %parallel_loop3A_792 : vector<16xf32>
          %parallel_loop3A_795 = arith.maximumf %parallel_loop3A_674, %parallel_loop3A_794 : vector<16xf32>
          %parallel_loop3A_796 = arith.minimumf %parallel_loop3A_674, %parallel_loop3A_794 : vector<16xf32>
          %parallel_loop3A_797 = arith.maximumf %parallel_loop3A_675, %parallel_loop3A_796 : vector<16xf32>
          %parallel_loop3A_798 = arith.minimumf %parallel_loop3A_675, %parallel_loop3A_796 : vector<16xf32>
          %parallel_loop3A_799 = arith.maximumf %parallel_loop3A_676, %parallel_loop3A_798 : vector<16xf32>
          %parallel_loop3A_800 = arith.minimumf %parallel_loop3A_676, %parallel_loop3A_798 : vector<16xf32>
          %parallel_loop3A_801 = arith.maximumf %parallel_loop3A_677, %parallel_loop3A_800 : vector<16xf32>
          %parallel_loop3A_802 = arith.minimumf %parallel_loop3A_677, %parallel_loop3A_800 : vector<16xf32>
          scf.yield %parallel_loop3A_691, %parallel_loop3A_693, %parallel_loop3A_695, %parallel_loop3A_697, %parallel_loop3A_699, %parallel_loop3A_701, %parallel_loop3A_716, %parallel_loop3A_718, %parallel_loop3A_720, %parallel_loop3A_722, %parallel_loop3A_724, %parallel_loop3A_726, %parallel_loop3A_741, %parallel_loop3A_743, %parallel_loop3A_745, %parallel_loop3A_747, %parallel_loop3A_749, %parallel_loop3A_751, %parallel_loop3A_766, %parallel_loop3A_768, %parallel_loop3A_770, %parallel_loop3A_772, %parallel_loop3A_774, %parallel_loop3A_776, %parallel_loop3A_791, %parallel_loop3A_793, %parallel_loop3A_795, %parallel_loop3A_797, %parallel_loop3A_799, %parallel_loop3A_801 : vector<16xf32>, vector<16xf32>, vector<16xf32>, vector<16xf32>, vector<16xf32>, vector<16xf32>, vector<16xf32>, vector<16xf32>, vector<16xf32>, vector<16xf32>, vector<16xf32>, vector<16xf32>, vector<16xf32>, vector<16xf32>, vector<16xf32>, vector<16xf32>, vector<16xf32>, vector<16xf32>, vector<16xf32>, vector<16xf32>, vector<16xf32>, vector<16xf32>, vector<16xf32>, vector<16xf32>, vector<16xf32>, vector<16xf32>, vector<16xf32>, vector<16xf32>, vector<16xf32>, vector<16xf32>
        } {sc.loop_unroll_factor = 2 : i64, sc.parallel_access}
        %parallel_loop3A_527 = arith.constant 0 : i32
        %parallel_loop3A_528 = arith.addi %parallel_loop3A_402, %parallel_loop3A_527 : i32
        %parallel_loop3A_529 = arith.index_cast %parallel_loop3A_528 : i32 to index
        %parallel_loop3A_530 = tpu.vector_load %arg13[%parallel_loop3A_529] {strides = array<i32>} : memref<3840xf32, #tpu.memory_space<vmem>>, vector<16xf32>,
        tpu.vector_store %arg13[%parallel_loop3A_529], %parallel_loop3A_526#0 {strides = array<i32>} : memref<3840xf32, #tpu.memory_space<vmem>>, vector<16xf32>,
        %parallel_loop3A_531 = arith.constant 16 : i32
        %parallel_loop3A_532 = arith.addi %parallel_loop3A_402, %parallel_loop3A_531 : i32
        %parallel_loop3A_533 = arith.index_cast %parallel_loop3A_532 : i32 to index
        %parallel_loop3A_534 = tpu.vector_load %arg13[%parallel_loop3A_533] {strides = array<i32>} : memref<3840xf32, #tpu.memory_space<vmem>>, vector<16xf32>,
        tpu.vector_store %arg13[%parallel_loop3A_533], %parallel_loop3A_526#1 {strides = array<i32>} : memref<3840xf32, #tpu.memory_space<vmem>>, vector<16xf32>,
        %parallel_loop3A_535 = arith.constant 32 : i32
        %parallel_loop3A_536 = arith.addi %parallel_loop3A_402, %parallel_loop3A_535 : i32
        %parallel_loop3A_537 = arith.index_cast %parallel_loop3A_536 : i32 to index
        %parallel_loop3A_538 = tpu.vector_load %arg13[%parallel_loop3A_537] {strides = array<i32>} : memref<3840xf32, #tpu.memory_space<vmem>>, vector<16xf32>,
        tpu.vector_store %arg13[%parallel_loop3A_537], %parallel_loop3A_526#2 {strides = array<i32>} : memref<3840xf32, #tpu.memory_space<vmem>>, vector<16xf32>,
        %parallel_loop3A_539 = arith.constant 48 : i32
        %parallel_loop3A_540 = arith.addi %parallel_loop3A_402, %parallel_loop3A_539 : i32
        %parallel_loop3A_541 = arith.index_cast %parallel_loop3A_540 : i32 to index
        %parallel_loop3A_542 = tpu.vector_load %arg13[%parallel_loop3A_541] {strides = array<i32>} : memref<3840xf32, #tpu.memory_space<vmem>>, vector<16xf32>,
        tpu.vector_store %arg13[%parallel_loop3A_541], %parallel_loop3A_526#3 {strides = array<i32>} : memref<3840xf32, #tpu.memory_space<vmem>>, vector<16xf32>,
        %parallel_loop3A_543 = arith.constant 64 : i32
        %parallel_loop3A_544 = arith.addi %parallel_loop3A_402, %parallel_loop3A_543 : i32
        %parallel_loop3A_545 = arith.index_cast %parallel_loop3A_544 : i32 to index
        %parallel_loop3A_546 = tpu.vector_load %arg13[%parallel_loop3A_545] {strides = array<i32>} : memref<3840xf32, #tpu.memory_space<vmem>>, vector<16xf32>,
        tpu.vector_store %arg13[%parallel_loop3A_545], %parallel_loop3A_526#4 {strides = array<i32>} : memref<3840xf32, #tpu.memory_space<vmem>>, vector<16xf32>,
        %parallel_loop3A_547 = arith.constant 80 : i32
        %parallel_loop3A_548 = arith.addi %parallel_loop3A_402, %parallel_loop3A_547 : i32
        %parallel_loop3A_549 = arith.index_cast %parallel_loop3A_548 : i32 to index
        %parallel_loop3A_550 = tpu.vector_load %arg13[%parallel_loop3A_549] {strides = array<i32>} : memref<3840xf32, #tpu.memory_space<vmem>>, vector<16xf32>,
        tpu.vector_store %arg13[%parallel_loop3A_549], %parallel_loop3A_526#5 {strides = array<i32>} : memref<3840xf32, #tpu.memory_space<vmem>>, vector<16xf32>,
        %parallel_loop3A_551 = arith.constant 96 : i32
        %parallel_loop3A_552 = arith.addi %parallel_loop3A_402, %parallel_loop3A_551 : i32
        %parallel_loop3A_553 = arith.index_cast %parallel_loop3A_552 : i32 to index
        %parallel_loop3A_554 = tpu.vector_load %arg13[%parallel_loop3A_553] {strides = array<i32>} : memref<3840xf32, #tpu.memory_space<vmem>>, vector<16xf32>,
        tpu.vector_store %arg13[%parallel_loop3A_553], %parallel_loop3A_526#6 {strides = array<i32>} : memref<3840xf32, #tpu.memory_space<vmem>>, vector<16xf32>,
        %parallel_loop3A_555 = arith.constant 112 : i32
        %parallel_loop3A_556 = arith.addi %parallel_loop3A_402, %parallel_loop3A_555 : i32
        %parallel_loop3A_557 = arith.index_cast %parallel_loop3A_556 : i32 to index
        %parallel_loop3A_558 = tpu.vector_load %arg13[%parallel_loop3A_557] {strides = array<i32>} : memref<3840xf32, #tpu.memory_space<vmem>>, vector<16xf32>,
        tpu.vector_store %arg13[%parallel_loop3A_557], %parallel_loop3A_526#7 {strides = array<i32>} : memref<3840xf32, #tpu.memory_space<vmem>>, vector<16xf32>,
        %parallel_loop3A_559 = arith.constant 128 : i32
        %parallel_loop3A_560 = arith.addi %parallel_loop3A_402, %parallel_loop3A_559 : i32
        %parallel_loop3A_561 = arith.index_cast %parallel_loop3A_560 : i32 to index
        %parallel_loop3A_562 = tpu.vector_load %arg13[%parallel_loop3A_561] {strides = array<i32>} : memref<3840xf32, #tpu.memory_space<vmem>>, vector<16xf32>,
        tpu.vector_store %arg13[%parallel_loop3A_561], %parallel_loop3A_526#8 {strides = array<i32>} : memref<3840xf32, #tpu.memory_space<vmem>>, vector<16xf32>,
        %parallel_loop3A_563 = arith.constant 144 : i32
        %parallel_loop3A_564 = arith.addi %parallel_loop3A_402, %parallel_loop3A_563 : i32
        %parallel_loop3A_565 = arith.index_cast %parallel_loop3A_564 : i32 to index
        %parallel_loop3A_566 = tpu.vector_load %arg13[%parallel_loop3A_565] {strides = array<i32>} : memref<3840xf32, #tpu.memory_space<vmem>>, vector<16xf32>,
        tpu.vector_store %arg13[%parallel_loop3A_565], %parallel_loop3A_526#9 {strides = array<i32>} : memref<3840xf32, #tpu.memory_space<vmem>>, vector<16xf32>,
        %parallel_loop3A_567 = arith.constant 160 : i32
        %parallel_loop3A_568 = arith.addi %parallel_loop3A_402, %parallel_loop3A_567 : i32
        %parallel_loop3A_569 = arith.index_cast %parallel_loop3A_568 : i32 to index
        %parallel_loop3A_570 = tpu.vector_load %arg13[%parallel_loop3A_569] {strides = array<i32>} : memref<3840xf32, #tpu.memory_space<vmem>>, vector<16xf32>,
        tpu.vector_store %arg13[%parallel_loop3A_569], %parallel_loop3A_526#10 {strides = array<i32>} : memref<3840xf32, #tpu.memory_space<vmem>>, vector<16xf32>,
        %parallel_loop3A_571 = arith.constant 176 : i32
        %parallel_loop3A_572 = arith.addi %parallel_loop3A_402, %parallel_loop3A_571 : i32
        %parallel_loop3A_573 = arith.index_cast %parallel_loop3A_572 : i32 to index
        %parallel_loop3A_574 = tpu.vector_load %arg13[%parallel_loop3A_573] {strides = array<i32>} : memref<3840xf32, #tpu.memory_space<vmem>>, vector<16xf32>,
        tpu.vector_store %arg13[%parallel_loop3A_573], %parallel_loop3A_526#11 {strides = array<i32>} : memref<3840xf32, #tpu.memory_space<vmem>>, vector<16xf32>,
        %parallel_loop3A_575 = arith.constant 192 : i32
        %parallel_loop3A_576 = arith.addi %parallel_loop3A_402, %parallel_loop3A_575 : i32
        %parallel_loop3A_577 = arith.index_cast %parallel_loop3A_576 : i32 to index
        %parallel_loop3A_578 = tpu.vector_load %arg13[%parallel_loop3A_577] {strides = array<i32>} : memref<3840xf32, #tpu.memory_space<vmem>>, vector<16xf32>,
        tpu.vector_store %arg13[%parallel_loop3A_577], %parallel_loop3A_526#12 {strides = array<i32>} : memref<3840xf32, #tpu.memory_space<vmem>>, vector<16xf32>,
        %parallel_loop3A_579 = arith.constant 208 : i32
        %parallel_loop3A_580 = arith.addi %parallel_loop3A_402, %parallel_loop3A_579 : i32
        %parallel_loop3A_581 = arith.index_cast %parallel_loop3A_580 : i32 to index
        %parallel_loop3A_582 = tpu.vector_load %arg13[%parallel_loop3A_581] {strides = array<i32>} : memref<3840xf32, #tpu.memory_space<vmem>>, vector<16xf32>,
        tpu.vector_store %arg13[%parallel_loop3A_581], %parallel_loop3A_526#13 {strides = array<i32>} : memref<3840xf32, #tpu.memory_space<vmem>>, vector<16xf32>,
        %parallel_loop3A_583 = arith.constant 224 : i32
        %parallel_loop3A_584 = arith.addi %parallel_loop3A_402, %parallel_loop3A_583 : i32
        %parallel_loop3A_585 = arith.index_cast %parallel_loop3A_584 : i32 to index
        %parallel_loop3A_586 = tpu.vector_load %arg13[%parallel_loop3A_585] {strides = array<i32>} : memref<3840xf32, #tpu.memory_space<vmem>>, vector<16xf32>,
        tpu.vector_store %arg13[%parallel_loop3A_585], %parallel_loop3A_526#14 {strides = array<i32>} : memref<3840xf32, #tpu.memory_space<vmem>>, vector<16xf32>,
        %parallel_loop3A_587 = arith.constant 240 : i32
        %parallel_loop3A_588 = arith.addi %parallel_loop3A_402, %parallel_loop3A_587 : i32
        %parallel_loop3A_589 = arith.index_cast %parallel_loop3A_588 : i32 to index
        %parallel_loop3A_590 = tpu.vector_load %arg13[%parallel_loop3A_589] {strides = array<i32>} : memref<3840xf32, #tpu.memory_space<vmem>>, vector<16xf32>,
        tpu.vector_store %arg13[%parallel_loop3A_589], %parallel_loop3A_526#15 {strides = array<i32>} : memref<3840xf32, #tpu.memory_space<vmem>>, vector<16xf32>,
        %parallel_loop3A_591 = arith.constant 256 : i32
        %parallel_loop3A_592 = arith.addi %parallel_loop3A_402, %parallel_loop3A_591 : i32
        %parallel_loop3A_593 = arith.index_cast %parallel_loop3A_592 : i32 to index
        %parallel_loop3A_594 = tpu.vector_load %arg13[%parallel_loop3A_593] {strides = array<i32>} : memref<3840xf32, #tpu.memory_space<vmem>>, vector<16xf32>,
        tpu.vector_store %arg13[%parallel_loop3A_593], %parallel_loop3A_526#16 {strides = array<i32>} : memref<3840xf32, #tpu.memory_space<vmem>>, vector<16xf32>,
        %parallel_loop3A_595 = arith.constant 272 : i32
        %parallel_loop3A_596 = arith.addi %parallel_loop3A_402, %parallel_loop3A_595 : i32
        %parallel_loop3A_597 = arith.index_cast %parallel_loop3A_596 : i32 to index
        %parallel_loop3A_598 = tpu.vector_load %arg13[%parallel_loop3A_597] {strides = array<i32>} : memref<3840xf32, #tpu.memory_space<vmem>>, vector<16xf32>,
        tpu.vector_store %arg13[%parallel_loop3A_597], %parallel_loop3A_526#17 {strides = array<i32>} : memref<3840xf32, #tpu.memory_space<vmem>>, vector<16xf32>,
        %parallel_loop3A_599 = arith.constant 288 : i32
        %parallel_loop3A_600 = arith.addi %parallel_loop3A_402, %parallel_loop3A_599 : i32
        %parallel_loop3A_601 = arith.index_cast %parallel_loop3A_600 : i32 to index
        %parallel_loop3A_602 = tpu.vector_load %arg13[%parallel_loop3A_601] {strides = array<i32>} : memref<3840xf32, #tpu.memory_space<vmem>>, vector<16xf32>,
        tpu.vector_store %arg13[%parallel_loop3A_601], %parallel_loop3A_526#18 {strides = array<i32>} : memref<3840xf32, #tpu.memory_space<vmem>>, vector<16xf32>,
        %parallel_loop3A_603 = arith.constant 304 : i32
        %parallel_loop3A_604 = arith.addi %parallel_loop3A_402, %parallel_loop3A_603 : i32
        %parallel_loop3A_605 = arith.index_cast %parallel_loop3A_604 : i32 to index
        %parallel_loop3A_606 = tpu.vector_load %arg13[%parallel_loop3A_605] {strides = array<i32>} : memref<3840xf32, #tpu.memory_space<vmem>>, vector<16xf32>,
        tpu.vector_store %arg13[%parallel_loop3A_605], %parallel_loop3A_526#19 {strides = array<i32>} : memref<3840xf32, #tpu.memory_space<vmem>>, vector<16xf32>,
        %parallel_loop3A_607 = arith.constant 320 : i32
        %parallel_loop3A_608 = arith.addi %parallel_loop3A_402, %parallel_loop3A_607 : i32
        %parallel_loop3A_609 = arith.index_cast %parallel_loop3A_608 : i32 to index
        %parallel_loop3A_610 = tpu.vector_load %arg13[%parallel_loop3A_609] {strides = array<i32>} : memref<3840xf32, #tpu.memory_space<vmem>>, vector<16xf32>,
        tpu.vector_store %arg13[%parallel_loop3A_609], %parallel_loop3A_526#20 {strides = array<i32>} : memref<3840xf32, #tpu.memory_space<vmem>>, vector<16xf32>,
        %parallel_loop3A_611 = arith.constant 336 : i32
        %parallel_loop3A_612 = arith.addi %parallel_loop3A_402, %parallel_loop3A_611 : i32
        %parallel_loop3A_613 = arith.index_cast %parallel_loop3A_612 : i32 to index
        %parallel_loop3A_614 = tpu.vector_load %arg13[%parallel_loop3A_613] {strides = array<i32>} : memref<3840xf32, #tpu.memory_space<vmem>>, vector<16xf32>,
        tpu.vector_store %arg13[%parallel_loop3A_613], %parallel_loop3A_526#21 {strides = array<i32>} : memref<3840xf32, #tpu.memory_space<vmem>>, vector<16xf32>,
        %parallel_loop3A_615 = arith.constant 352 : i32
        %parallel_loop3A_616 = arith.addi %parallel_loop3A_402, %parallel_loop3A_615 : i32
        %parallel_loop3A_617 = arith.index_cast %parallel_loop3A_616 : i32 to index
        %parallel_loop3A_618 = tpu.vector_load %arg13[%parallel_loop3A_617] {strides = array<i32>} : memref<3840xf32, #tpu.memory_space<vmem>>, vector<16xf32>,
        tpu.vector_store %arg13[%parallel_loop3A_617], %parallel_loop3A_526#22 {strides = array<i32>} : memref<3840xf32, #tpu.memory_space<vmem>>, vector<16xf32>,
        %parallel_loop3A_619 = arith.constant 368 : i32
        %parallel_loop3A_620 = arith.addi %parallel_loop3A_402, %parallel_loop3A_619 : i32
        %parallel_loop3A_621 = arith.index_cast %parallel_loop3A_620 : i32 to index
        %parallel_loop3A_622 = tpu.vector_load %arg13[%parallel_loop3A_621] {strides = array<i32>} : memref<3840xf32, #tpu.memory_space<vmem>>, vector<16xf32>,
        tpu.vector_store %arg13[%parallel_loop3A_621], %parallel_loop3A_526#23 {strides = array<i32>} : memref<3840xf32, #tpu.memory_space<vmem>>, vector<16xf32>,
        %parallel_loop3A_623 = arith.constant 384 : i32
        %parallel_loop3A_624 = arith.addi %parallel_loop3A_402, %parallel_loop3A_623 : i32
        %parallel_loop3A_625 = arith.index_cast %parallel_loop3A_624 : i32 to index
        %parallel_loop3A_626 = tpu.vector_load %arg13[%parallel_loop3A_625] {strides = array<i32>} : memref<3840xf32, #tpu.memory_space<vmem>>, vector<16xf32>,
        tpu.vector_store %arg13[%parallel_loop3A_625], %parallel_loop3A_526#24 {strides = array<i32>} : memref<3840xf32, #tpu.memory_space<vmem>>, vector<16xf32>,
        %parallel_loop3A_627 = arith.constant 400 : i32
        %parallel_loop3A_628 = arith.addi %parallel_loop3A_402, %parallel_loop3A_627 : i32
        %parallel_loop3A_629 = arith.index_cast %parallel_loop3A_628 : i32 to index
        %parallel_loop3A_630 = tpu.vector_load %arg13[%parallel_loop3A_629] {strides = array<i32>} : memref<3840xf32, #tpu.memory_space<vmem>>, vector<16xf32>,
        tpu.vector_store %arg13[%parallel_loop3A_629], %parallel_loop3A_526#25 {strides = array<i32>} : memref<3840xf32, #tpu.memory_space<vmem>>, vector<16xf32>,
        %parallel_loop3A_631 = arith.constant 416 : i32
        %parallel_loop3A_632 = arith.addi %parallel_loop3A_402, %parallel_loop3A_631 : i32
        %parallel_loop3A_633 = arith.index_cast %parallel_loop3A_632 : i32 to index
        %parallel_loop3A_634 = tpu.vector_load %arg13[%parallel_loop3A_633] {strides = array<i32>} : memref<3840xf32, #tpu.memory_space<vmem>>, vector<16xf32>,
        tpu.vector_store %arg13[%parallel_loop3A_633], %parallel_loop3A_526#26 {strides = array<i32>} : memref<3840xf32, #tpu.memory_space<vmem>>, vector<16xf32>,
        %parallel_loop3A_635 = arith.constant 432 : i32
        %parallel_loop3A_636 = arith.addi %parallel_loop3A_402, %parallel_loop3A_635 : i32
        %parallel_loop3A_637 = arith.index_cast %parallel_loop3A_636 : i32 to index
        %parallel_loop3A_638 = tpu.vector_load %arg13[%parallel_loop3A_637] {strides = array<i32>} : memref<3840xf32, #tpu.memory_space<vmem>>, vector<16xf32>,
        tpu.vector_store %arg13[%parallel_loop3A_637], %parallel_loop3A_526#27 {strides = array<i32>} : memref<3840xf32, #tpu.memory_space<vmem>>, vector<16xf32>,
        %parallel_loop3A_639 = arith.constant 448 : i32
        %parallel_loop3A_640 = arith.addi %parallel_loop3A_402, %parallel_loop3A_639 : i32
        %parallel_loop3A_641 = arith.index_cast %parallel_loop3A_640 : i32 to index
        %parallel_loop3A_642 = tpu.vector_load %arg13[%parallel_loop3A_641] {strides = array<i32>} : memref<3840xf32, #tpu.memory_space<vmem>>, vector<16xf32>,
        tpu.vector_store %arg13[%parallel_loop3A_641], %parallel_loop3A_526#28 {strides = array<i32>} : memref<3840xf32, #tpu.memory_space<vmem>>, vector<16xf32>,
        %parallel_loop3A_643 = arith.constant 464 : i32
        %parallel_loop3A_644 = arith.addi %parallel_loop3A_402, %parallel_loop3A_643 : i32
        %parallel_loop3A_645 = arith.index_cast %parallel_loop3A_644 : i32 to index
        %parallel_loop3A_646 = tpu.vector_load %arg13[%parallel_loop3A_645] {strides = array<i32>} : memref<3840xf32, #tpu.memory_space<vmem>>, vector<16xf32>,
        tpu.vector_store %arg13[%parallel_loop3A_645], %parallel_loop3A_526#29 {strides = array<i32>} : memref<3840xf32, #tpu.memory_space<vmem>>, vector<16xf32>,
      } {sc.loop_unroll_factor = 1 : i64, sc.parallel_access}
      %swap3A = arith.constant 0 : index
      %swap3A_397 = tpu.vector_load %arg15[%swap3A] {strides = array<i32>} : memref<16xf32, #tpu.memory_space<vmem>>, vector<16xf32>,
      tpu.vector_store %arg15[%swap3A], %add3A_394 {strides = array<i32>} : memref<16xf32, #tpu.memory_space<vmem>>, vector<16xf32>,
      %mul3A_398 = arith.constant 16 : i32
      %mul3A_399 = arith.muli %add3A, %mul3A_398 : i32
      "tpu.region"() ({
        %run_scoped3A = tpu.sem_alloc : memref<!tpu.dma_semaphore, #tpu.memory_space<semaphore_mem>>
        %dma_start3A_400 = tpu.memref_slice %arg8[%mul3A_399] : memref<512xf32, #tpu.memory_space<hbm>> -> memref<16xf32, #tpu.memory_space<hbm>>
        %dma_start3A_401 = tpu.memref_slice %arg8[%mul3A_399] : memref<512xf32, #tpu.memory_space<hbm>> -> memref<16xf32, #tpu.memory_space<hbm>>
        tpu.enqueue_dma source(%arg15 : memref<16xf32, #tpu.memory_space<vmem>>) target(%dma_start3A_401 : memref<16xf32, #tpu.memory_space<hbm>>) target_semaphore(%run_scoped3A : memref<!tpu.dma_semaphore, #tpu.memory_space<semaphore_mem>>)
        %dma_wait3A_402 = tpu.memref_slice %arg8[%mul3A_399] : memref<512xf32, #tpu.memory_space<hbm>> -> memref<16xf32, #tpu.memory_space<hbm>>
        %dma_wait3A_403 = tpu.memref_slice %arg8[%mul3A_399] : memref<512xf32, #tpu.memory_space<hbm>> -> memref<16xf32, #tpu.memory_space<hbm>>
        tpu.wait_dma2 semaphore(%run_scoped3A : memref<!tpu.dma_semaphore, #tpu.memory_space<semaphore_mem>>) src(%arg15 : memref<16xf32, #tpu.memory_space<vmem>>) dst(%dma_wait3A_403 : memref<16xf32, #tpu.memory_space<hbm>>)
        tpu.yield
      }) : () -> ()
    } else {
    }
    %ge3A = arith.constant 2 : i32
    %ge3A_219 = arith.cmpi sge, %select_n3A_30, %ge3A : i32
    %convert_element_type3A_220 = arith.extui %ge3A_219 : i1 to i32
    %cond3A_221 = arith.constant 0 : i32
    %cond3A_222 = arith.cmpi ne, %convert_element_type3A_220, %cond3A_221 : i32
    scf.if %cond3A_222 {
      %swap3A = arith.constant 0 : index
      %swap3A_225 = tpu.vector_load %arg15[%swap3A] {strides = array<i32>} : memref<16xf32, #tpu.memory_space<vmem>>, vector<16xf32>,
      tpu.vector_store %arg15[%swap3A], %scan3A_209 {strides = array<i32>} : memref<16xf32, #tpu.memory_space<vmem>>, vector<16xf32>,
      %mul3A_226 = arith.constant 16 : i32
      %mul3A_227 = arith.muli %add3A, %mul3A_226 : i32
      "tpu.region"() ({
        %run_scoped3A = tpu.sem_alloc : memref<!tpu.dma_semaphore, #tpu.memory_space<semaphore_mem>>
        %dma_start3A_228 = tpu.memref_slice %arg8[%mul3A_227] : memref<512xf32, #tpu.memory_space<hbm>> -> memref<16xf32, #tpu.memory_space<hbm>>
        %dma_start3A_229 = tpu.memref_slice %arg8[%mul3A_227] : memref<512xf32, #tpu.memory_space<hbm>> -> memref<16xf32, #tpu.memory_space<hbm>>
        tpu.enqueue_dma source(%arg15 : memref<16xf32, #tpu.memory_space<vmem>>) target(%dma_start3A_229 : memref<16xf32, #tpu.memory_space<hbm>>) target_semaphore(%run_scoped3A : memref<!tpu.dma_semaphore, #tpu.memory_space<semaphore_mem>>)
        %dma_wait3A = tpu.memref_slice %arg8[%mul3A_227] : memref<512xf32, #tpu.memory_space<hbm>> -> memref<16xf32, #tpu.memory_space<hbm>>
        %dma_wait3A_230 = tpu.memref_slice %arg8[%mul3A_227] : memref<512xf32, #tpu.memory_space<hbm>> -> memref<16xf32, #tpu.memory_space<hbm>>
        tpu.wait_dma2 semaphore(%run_scoped3A : memref<!tpu.dma_semaphore, #tpu.memory_space<semaphore_mem>>) src(%arg15 : memref<16xf32, #tpu.memory_space<vmem>>) dst(%dma_wait3A_230 : memref<16xf32, #tpu.memory_space<hbm>>)
        tpu.yield
      }) : () -> ()
    } else {
    }
    %mul3A_223 = arith.constant 3840 : i32
    %mul3A_224 = arith.muli %add3A, %mul3A_223 : i32
    "tpu.region"() ({
      %run_scoped3A = tpu.sem_alloc : memref<!tpu.dma_semaphore, #tpu.memory_space<semaphore_mem>>
      %dma_start3A_225 = tpu.memref_slice %arg7[%mul3A_224] : memref<122880xf32, #tpu.memory_space<hbm>> -> memref<3840xf32, #tpu.memory_space<hbm>>
      %dma_start3A_226 = tpu.memref_slice %arg7[%mul3A_224] : memref<122880xf32, #tpu.memory_space<hbm>> -> memref<3840xf32, #tpu.memory_space<hbm>>
      tpu.enqueue_dma source(%arg13 : memref<3840xf32, #tpu.memory_space<vmem>>) target(%dma_start3A_226 : memref<3840xf32, #tpu.memory_space<hbm>>) target_semaphore(%run_scoped3A : memref<!tpu.dma_semaphore, #tpu.memory_space<semaphore_mem>>)
      %dma_wait3A = tpu.memref_slice %arg7[%mul3A_224] : memref<122880xf32, #tpu.memory_space<hbm>> -> memref<3840xf32, #tpu.memory_space<hbm>>
      %dma_wait3A_227 = tpu.memref_slice %arg7[%mul3A_224] : memref<122880xf32, #tpu.memory_space<hbm>> -> memref<3840xf32, #tpu.memory_space<hbm>>
      tpu.wait_dma2 semaphore(%run_scoped3A : memref<!tpu.dma_semaphore, #tpu.memory_space<semaphore_mem>>) src(%arg13 : memref<3840xf32, #tpu.memory_space<vmem>>) dst(%dma_wait3A_227 : memref<3840xf32, #tpu.memory_space<hbm>>)
      tpu.yield
    }) : () -> ()
    return
  }
}

module attributes {stable_mosaic.version = 14 : i64} {
  func.func @fin(%arg0: memref<320x384xf32, #tpu.memory_space<vmem>>, %arg1: memref<64x4xf32, #tpu.memory_space<vmem>>, %arg2: memref<1x1xf32, #tpu.memory_space<smem>>) attributes {dimension_semantics = [], scalar_prefetch = 0 : i64, scratch_operands = 0 : i64, tpu.core_type = #tpu.core_type<tc>} {
    %get3A = arith.constant 0 : index
    %get3A_0 = arith.constant 0 : index
    %get3A_1 = vector.load %arg0[%get3A, %get3A_0] : memref<320x384xf32, #tpu.memory_space<vmem>>, vector<320x384xf32>
    %broadcast_in_dim3A = arith.constant 6 : i32
    %broadcast_in_dim3A_2 = vector.broadcast %broadcast_in_dim3A : i32 to vector<320x1xi32>
    %broadcast_in_dim3A_3 = arith.constant 0.000000e+00 : f32
    %broadcast_in_dim3A_4 = vector.broadcast %broadcast_in_dim3A_3 : f32 to vector<320x1xf32>
    %broadcast_in_dim3A_5 = arith.constant 0x7F800000 : f32
    %broadcast_in_dim3A_6 = vector.broadcast %broadcast_in_dim3A_5 : f32 to vector<320x1xf32>
    %lt3A = vector.broadcast %broadcast_in_dim3A_6 : vector<320x1xf32> to vector<320x384xf32>
    %lt3A_7 = arith.cmpf olt, %get3A_1, %lt3A : vector<320x384xf32>
    %jit3A = arith.constant 0xFF800000 : f32
    %broadcast_in_dim3A_8 = vector.broadcast %jit3A : f32 to vector<320x384xf32>
    %select_n3A = arith.select %lt3A_7, %get3A_1, %broadcast_in_dim3A_8 : vector<320x384xi1>, vector<320x384xf32>
    %reduce_max3A = arith.constant dense<0xFF800000> : vector<320xf32>
    %reduce_max3A_9 = vector.multi_reduction <maximumf>, %select_n3A, %reduce_max3A [1] : vector<320x384xf32> to vector<320xf32>
    %broadcast_in_dim3A_10 = vector.shape_cast %reduce_max3A_9 : vector<320xf32> to vector<320x1xf32>
    %eq3A = vector.broadcast %broadcast_in_dim3A_10 : vector<320x1xf32> to vector<320x384xf32>
    %eq3A_11 = arith.cmpf oeq, %get3A_1, %eq3A : vector<320x384xf32>
    %convert_element_type3A = arith.extui %eq3A_11 : vector<320x384xi1> to vector<320x384xi32>
    %reduce_sum3A = arith.constant dense<0> : vector<320xi32>
    %reduce_sum3A_12 = vector.multi_reduction <add>, %convert_element_type3A, %reduce_sum3A [1] : vector<320x384xi32> to vector<320xi32>
    %broadcast_in_dim3A_13 = vector.shape_cast %reduce_sum3A_12 : vector<320xi32> to vector<320x1xi32>
    %gt3A = arith.constant 0 : i32
    %gt3A_14 = vector.broadcast %gt3A : i32 to vector<320x1xi32>
    %gt3A_15 = arith.cmpi sgt, %broadcast_in_dim3A_2, %gt3A_14 : vector<320x1xi32>
    %le3A = arith.cmpi sle, %broadcast_in_dim3A_2, %broadcast_in_dim3A_13 : vector<320x1xi32>
    %and3A = arith.andi %gt3A_15, %le3A : vector<320x1xi1>
    %select_n3A_16 = arith.select %and3A, %broadcast_in_dim3A_10, %broadcast_in_dim3A_4 : vector<320x1xi1>, vector<320x1xf32>
    %sub3A = arith.subi %broadcast_in_dim3A_2, %broadcast_in_dim3A_13 : vector<320x1xi32>
    %lt3A_17 = vector.broadcast %broadcast_in_dim3A_10 : vector<320x1xf32> to vector<320x384xf32>
    %lt3A_18 = arith.cmpf olt, %get3A_1, %lt3A_17 : vector<320x384xf32>
    %jit3A_19 = arith.constant 0xFF800000 : f32
    %broadcast_in_dim3A_20 = vector.broadcast %jit3A_19 : f32 to vector<320x384xf32>
    %select_n3A_21 = arith.select %lt3A_18, %get3A_1, %broadcast_in_dim3A_20 : vector<320x384xi1>, vector<320x384xf32>
    %reduce_max3A_22 = arith.constant dense<0xFF800000> : vector<320xf32>
    %reduce_max3A_23 = vector.multi_reduction <maximumf>, %select_n3A_21, %reduce_max3A_22 [1] : vector<320x384xf32> to vector<320xf32>
    %broadcast_in_dim3A_24 = vector.shape_cast %reduce_max3A_23 : vector<320xf32> to vector<320x1xf32>
    %eq3A_25 = vector.broadcast %broadcast_in_dim3A_24 : vector<320x1xf32> to vector<320x384xf32>
    %eq3A_26 = arith.cmpf oeq, %get3A_1, %eq3A_25 : vector<320x384xf32>
    %convert_element_type3A_27 = arith.extui %eq3A_26 : vector<320x384xi1> to vector<320x384xi32>
    %reduce_sum3A_28 = arith.constant dense<0> : vector<320xi32>
    %reduce_sum3A_29 = vector.multi_reduction <add>, %convert_element_type3A_27, %reduce_sum3A_28 [1] : vector<320x384xi32> to vector<320xi32>
    %broadcast_in_dim3A_30 = vector.shape_cast %reduce_sum3A_29 : vector<320xi32> to vector<320x1xi32>
    %gt3A_31 = arith.constant 0 : i32
    %gt3A_32 = vector.broadcast %gt3A_31 : i32 to vector<320x1xi32>
    %gt3A_33 = arith.cmpi sgt, %sub3A, %gt3A_32 : vector<320x1xi32>
    %le3A_34 = arith.cmpi sle, %sub3A, %broadcast_in_dim3A_30 : vector<320x1xi32>
    %and3A_35 = arith.andi %gt3A_33, %le3A_34 : vector<320x1xi1>
    %select_n3A_36 = arith.select %and3A_35, %broadcast_in_dim3A_24, %select_n3A_16 : vector<320x1xi1>, vector<320x1xf32>
    %sub3A_37 = arith.subi %sub3A, %broadcast_in_dim3A_30 : vector<320x1xi32>
    %lt3A_38 = vector.broadcast %broadcast_in_dim3A_24 : vector<320x1xf32> to vector<320x384xf32>
    %lt3A_39 = arith.cmpf olt, %get3A_1, %lt3A_38 : vector<320x384xf32>
    %jit3A_40 = arith.constant 0xFF800000 : f32
    %broadcast_in_dim3A_41 = vector.broadcast %jit3A_40 : f32 to vector<320x384xf32>
    %select_n3A_42 = arith.select %lt3A_39, %get3A_1, %broadcast_in_dim3A_41 : vector<320x384xi1>, vector<320x384xf32>
    %reduce_max3A_43 = arith.constant dense<0xFF800000> : vector<320xf32>
    %reduce_max3A_44 = vector.multi_reduction <maximumf>, %select_n3A_42, %reduce_max3A_43 [1] : vector<320x384xf32> to vector<320xf32>
    %broadcast_in_dim3A_45 = vector.shape_cast %reduce_max3A_44 : vector<320xf32> to vector<320x1xf32>
    %eq3A_46 = vector.broadcast %broadcast_in_dim3A_45 : vector<320x1xf32> to vector<320x384xf32>
    %eq3A_47 = arith.cmpf oeq, %get3A_1, %eq3A_46 : vector<320x384xf32>
    %convert_element_type3A_48 = arith.extui %eq3A_47 : vector<320x384xi1> to vector<320x384xi32>
    %reduce_sum3A_49 = arith.constant dense<0> : vector<320xi32>
    %reduce_sum3A_50 = vector.multi_reduction <add>, %convert_element_type3A_48, %reduce_sum3A_49 [1] : vector<320x384xi32> to vector<320xi32>
    %broadcast_in_dim3A_51 = vector.shape_cast %reduce_sum3A_50 : vector<320xi32> to vector<320x1xi32>
    %gt3A_52 = arith.constant 0 : i32
    %gt3A_53 = vector.broadcast %gt3A_52 : i32 to vector<320x1xi32>
    %gt3A_54 = arith.cmpi sgt, %sub3A_37, %gt3A_53 : vector<320x1xi32>
    %le3A_55 = arith.cmpi sle, %sub3A_37, %broadcast_in_dim3A_51 : vector<320x1xi32>
    %and3A_56 = arith.andi %gt3A_54, %le3A_55 : vector<320x1xi1>
    %select_n3A_57 = arith.select %and3A_56, %broadcast_in_dim3A_45, %select_n3A_36 : vector<320x1xi1>, vector<320x1xf32>
    %sub3A_58 = arith.subi %sub3A_37, %broadcast_in_dim3A_51 : vector<320x1xi32>
    %lt3A_59 = vector.broadcast %broadcast_in_dim3A_45 : vector<320x1xf32> to vector<320x384xf32>
    %lt3A_60 = arith.cmpf olt, %get3A_1, %lt3A_59 : vector<320x384xf32>
    %jit3A_61 = arith.constant 0xFF800000 : f32
    %broadcast_in_dim3A_62 = vector.broadcast %jit3A_61 : f32 to vector<320x384xf32>
    %select_n3A_63 = arith.select %lt3A_60, %get3A_1, %broadcast_in_dim3A_62 : vector<320x384xi1>, vector<320x384xf32>
    %reduce_max3A_64 = arith.constant dense<0xFF800000> : vector<320xf32>
    %reduce_max3A_65 = vector.multi_reduction <maximumf>, %select_n3A_63, %reduce_max3A_64 [1] : vector<320x384xf32> to vector<320xf32>
    %broadcast_in_dim3A_66 = vector.shape_cast %reduce_max3A_65 : vector<320xf32> to vector<320x1xf32>
    %eq3A_67 = vector.broadcast %broadcast_in_dim3A_66 : vector<320x1xf32> to vector<320x384xf32>
    %eq3A_68 = arith.cmpf oeq, %get3A_1, %eq3A_67 : vector<320x384xf32>
    %convert_element_type3A_69 = arith.extui %eq3A_68 : vector<320x384xi1> to vector<320x384xi32>
    %reduce_sum3A_70 = arith.constant dense<0> : vector<320xi32>
    %reduce_sum3A_71 = vector.multi_reduction <add>, %convert_element_type3A_69, %reduce_sum3A_70 [1] : vector<320x384xi32> to vector<320xi32>
    %broadcast_in_dim3A_72 = vector.shape_cast %reduce_sum3A_71 : vector<320xi32> to vector<320x1xi32>
    %gt3A_73 = arith.constant 0 : i32
    %gt3A_74 = vector.broadcast %gt3A_73 : i32 to vector<320x1xi32>
    %gt3A_75 = arith.cmpi sgt, %sub3A_58, %gt3A_74 : vector<320x1xi32>
    %le3A_76 = arith.cmpi sle, %sub3A_58, %broadcast_in_dim3A_72 : vector<320x1xi32>
    %and3A_77 = arith.andi %gt3A_75, %le3A_76 : vector<320x1xi1>
    %select_n3A_78 = arith.select %and3A_77, %broadcast_in_dim3A_66, %select_n3A_57 : vector<320x1xi1>, vector<320x1xf32>
    %sub3A_79 = arith.subi %sub3A_58, %broadcast_in_dim3A_72 : vector<320x1xi32>
    %lt3A_80 = vector.broadcast %broadcast_in_dim3A_66 : vector<320x1xf32> to vector<320x384xf32>
    %lt3A_81 = arith.cmpf olt, %get3A_1, %lt3A_80 : vector<320x384xf32>
    %jit3A_82 = arith.constant 0xFF800000 : f32
    %broadcast_in_dim3A_83 = vector.broadcast %jit3A_82 : f32 to vector<320x384xf32>
    %select_n3A_84 = arith.select %lt3A_81, %get3A_1, %broadcast_in_dim3A_83 : vector<320x384xi1>, vector<320x384xf32>
    %reduce_max3A_85 = arith.constant dense<0xFF800000> : vector<320xf32>
    %reduce_max3A_86 = vector.multi_reduction <maximumf>, %select_n3A_84, %reduce_max3A_85 [1] : vector<320x384xf32> to vector<320xf32>
    %broadcast_in_dim3A_87 = vector.shape_cast %reduce_max3A_86 : vector<320xf32> to vector<320x1xf32>
    %eq3A_88 = vector.broadcast %broadcast_in_dim3A_87 : vector<320x1xf32> to vector<320x384xf32>
    %eq3A_89 = arith.cmpf oeq, %get3A_1, %eq3A_88 : vector<320x384xf32>
    %convert_element_type3A_90 = arith.extui %eq3A_89 : vector<320x384xi1> to vector<320x384xi32>
    %reduce_sum3A_91 = arith.constant dense<0> : vector<320xi32>
    %reduce_sum3A_92 = vector.multi_reduction <add>, %convert_element_type3A_90, %reduce_sum3A_91 [1] : vector<320x384xi32> to vector<320xi32>
    %broadcast_in_dim3A_93 = vector.shape_cast %reduce_sum3A_92 : vector<320xi32> to vector<320x1xi32>
    %gt3A_94 = arith.constant 0 : i32
    %gt3A_95 = vector.broadcast %gt3A_94 : i32 to vector<320x1xi32>
    %gt3A_96 = arith.cmpi sgt, %sub3A_79, %gt3A_95 : vector<320x1xi32>
    %le3A_97 = arith.cmpi sle, %sub3A_79, %broadcast_in_dim3A_93 : vector<320x1xi32>
    %and3A_98 = arith.andi %gt3A_96, %le3A_97 : vector<320x1xi1>
    %select_n3A_99 = arith.select %and3A_98, %broadcast_in_dim3A_87, %select_n3A_78 : vector<320x1xi1>, vector<320x1xf32>
    %sub3A_100 = arith.subi %sub3A_79, %broadcast_in_dim3A_93 : vector<320x1xi32>
    %lt3A_101 = vector.broadcast %broadcast_in_dim3A_87 : vector<320x1xf32> to vector<320x384xf32>
    %lt3A_102 = arith.cmpf olt, %get3A_1, %lt3A_101 : vector<320x384xf32>
    %jit3A_103 = arith.constant 0xFF800000 : f32
    %broadcast_in_dim3A_104 = vector.broadcast %jit3A_103 : f32 to vector<320x384xf32>
    %select_n3A_105 = arith.select %lt3A_102, %get3A_1, %broadcast_in_dim3A_104 : vector<320x384xi1>, vector<320x384xf32>
    %reduce_max3A_106 = arith.constant dense<0xFF800000> : vector<320xf32>
    %reduce_max3A_107 = vector.multi_reduction <maximumf>, %select_n3A_105, %reduce_max3A_106 [1] : vector<320x384xf32> to vector<320xf32>
    %broadcast_in_dim3A_108 = vector.shape_cast %reduce_max3A_107 : vector<320xf32> to vector<320x1xf32>
    %eq3A_109 = vector.broadcast %broadcast_in_dim3A_108 : vector<320x1xf32> to vector<320x384xf32>
    %eq3A_110 = arith.cmpf oeq, %get3A_1, %eq3A_109 : vector<320x384xf32>
    %convert_element_type3A_111 = arith.extui %eq3A_110 : vector<320x384xi1> to vector<320x384xi32>
    %reduce_sum3A_112 = arith.constant dense<0> : vector<320xi32>
    %reduce_sum3A_113 = vector.multi_reduction <add>, %convert_element_type3A_111, %reduce_sum3A_112 [1] : vector<320x384xi32> to vector<320xi32>
    %broadcast_in_dim3A_114 = vector.shape_cast %reduce_sum3A_113 : vector<320xi32> to vector<320x1xi32>
    %gt3A_115 = arith.constant 0 : i32
    %gt3A_116 = vector.broadcast %gt3A_115 : i32 to vector<320x1xi32>
    %gt3A_117 = arith.cmpi sgt, %sub3A_100, %gt3A_116 : vector<320x1xi32>
    %le3A_118 = arith.cmpi sle, %sub3A_100, %broadcast_in_dim3A_114 : vector<320x1xi32>
    %and3A_119 = arith.andi %gt3A_117, %le3A_118 : vector<320x1xi1>
    %select_n3A_120 = arith.select %and3A_119, %broadcast_in_dim3A_108, %select_n3A_99 : vector<320x1xi1>, vector<320x1xf32>
    %broadcast_in_dim3A_121 = arith.constant 0.000000e+00 : f32
    %broadcast_in_dim3A_122 = vector.broadcast %broadcast_in_dim3A_121 : f32 to vector<64x1xf32>
    %slice3A = vector.extract_strided_slice %select_n3A_120 {offsets = [0, 0], sizes = [64, 1], strides = [1, 1]} : vector<320x1xf32> to vector<64x1xf32>
    %add3A = arith.addf %broadcast_in_dim3A_122, %slice3A : vector<64x1xf32>
    %slice3A_123 = vector.extract_strided_slice %select_n3A_120 {offsets = [64, 0], sizes = [64, 1], strides = [1, 1]} : vector<320x1xf32> to vector<64x1xf32>
    %add3A_124 = arith.addf %add3A, %slice3A_123 : vector<64x1xf32>
    %slice3A_125 = vector.extract_strided_slice %select_n3A_120 {offsets = [128, 0], sizes = [64, 1], strides = [1, 1]} : vector<320x1xf32> to vector<64x1xf32>
    %add3A_126 = arith.addf %add3A_124, %slice3A_125 : vector<64x1xf32>
    %slice3A_127 = vector.extract_strided_slice %select_n3A_120 {offsets = [192, 0], sizes = [64, 1], strides = [1, 1]} : vector<320x1xf32> to vector<64x1xf32>
    %add3A_128 = arith.addf %add3A_126, %slice3A_127 : vector<64x1xf32>
    %slice3A_129 = vector.extract_strided_slice %select_n3A_120 {offsets = [256, 0], sizes = [64, 1], strides = [1, 1]} : vector<320x1xf32> to vector<64x1xf32>
    %add3A_130 = arith.addf %add3A_128, %slice3A_129 : vector<64x1xf32>
    %mul3A = arith.constant 2.000000e-01 : f32
    %mul3A_131 = vector.broadcast %mul3A : f32 to vector<64x1xf32>
    %mul3A_132 = arith.mulf %add3A_130, %mul3A_131 : vector<64x1xf32>
    %get3A_133 = arith.constant 0 : index
    %get3A_134 = arith.constant 0 : index
    %get3A_135 = vector.load %arg1[%get3A_133, %get3A_134] : memref<64x4xf32, #tpu.memory_space<vmem>>, vector<64x4xf32>
    %reduce_sum3A_136 = arith.constant dense<0.000000e+00> : vector<64xf32>
    %reduce_sum3A_137 = vector.multi_reduction <add>, %get3A_135, %reduce_sum3A_136 [1] : vector<64x4xf32> to vector<64xf32>
    %broadcast_in_dim3A_138 = vector.shape_cast %reduce_sum3A_137 : vector<64xf32> to vector<64x1xf32>
    %add3A_139 = arith.constant 1.000000e+00 : f32
    %add3A_140 = vector.broadcast %add3A_139 : f32 to vector<64x1xf32>
    %add3A_141 = arith.addf %add3A_140, %mul3A_132 : vector<64x1xf32>
    %sub3A_142 = arith.subf %add3A_141, %broadcast_in_dim3A_138 : vector<64x1xf32>
    %max3A = arith.constant 0.000000e+00 : f32
    %max3A_143 = vector.broadcast %max3A : f32 to vector<64x1xf32>
    %max3A_144 = arith.maximumf %sub3A_142, %max3A_143 : vector<64x1xf32>
    %reduce_sum3A_145 = vector.shape_cast %max3A_144 : vector<64x1xf32> to vector<1x64x1xf32>
    %reduce_sum3A_146 = arith.constant dense<0.000000e+00> : vector<1xf32>
    %reduce_sum3A_147 = vector.multi_reduction <add>, %reduce_sum3A_145, %reduce_sum3A_146 [1, 2] : vector<1x64x1xf32> to vector<1xf32>
    %reduce_sum3A_148 = vector.shape_cast %reduce_sum3A_147 : vector<1xf32> to vector<1x1x1xf32>
    %reduce_sum3A_149 = vector.extract %reduce_sum3A_148[0, 0, 0] : f32 from vector<1x1x1xf32>
    %mul3A_150 = arith.constant 1.562500e-02 : f32
    %mul3A_151 = arith.mulf %reduce_sum3A_149, %mul3A_150 : f32
    %swap3A = arith.constant 0 : index
    %swap3A_152 = arith.constant 0 : index
    %swap3A_153 = memref.load %arg2[%swap3A, %swap3A_152] : memref<1x1xf32, #tpu.memory_space<smem>>
    memref.store %mul3A_151, %arg2[%swap3A, %swap3A_152] : memref<1x1xf32, #tpu.memory_space<smem>>
    return
  }
}

</mosaic_0001>

<sc_bundles>
// kernel: kernel.4.cloned.1.call-start
scs
__scs_entry_jumppad:
0x0: {  	(pc) =	sbr.rel $0x88, $3  }
0x1: {  	(tag) =	ssettag $0x0;
	lr =	simm.s32 $0x1  }
0x2: {  	[smem:$0x3F9E] =	sst lr;
	_ =	strace $0xD0000000  }
0x3: {  	_ = 	snop  }
0x4: {  	_ = 	snop  }
0x5: {  	_ = 	snop  }
0x6: {  	_ = 	snop  }
0x7: {  	_ = 	snop  }
__scs_overlays_trampoline_lowered:
0x8: {  	[smem:$0x3FAD] =	sst s0  }
0x9: {  	[smem:$0x3FAE] =	sst s1  }
0xa: {  	[smem:$0x3FAF] =	sst s2  }
0xb: {  	[smem:$0x3FB0] =	sst s3  }
0xc: {  	[smem:$0x3FB1] =	sst s4  }
0xd: {  	[smem:$0x3FB2] =	sst s5  }
0xe: {  	[smem:$0x3FB3] =	sst s6  }
0xf: {  	[smem:$0x3FB4] =	sst s7  }
0x10: {  	[smem:$0x3FB5] =	sst s8  }
0x11: {  	[smem:$0x3FB6] =	sst s9;
	s0 =	simm.s32 @!p0 $0x0  }
0x12: {  	s1 =	sld [smem:$0x3F9C];
	s0 =	simm.s32 @p0 $0x1  }
0x13: {  	[smem:$0x3FB7] =	sst s0;
	s0 =	simm.s32 @!p1 $0x0  }
0x14: {  	s2 =	sld [smem:$0x3F9B];
	s0 =	simm.s32 @p1 $0x1  }
0x15: {  	[smem:$0x3FB8] =	sst s0;
	s0 =	simm.s32 @!p2 $0x0  }
0x16: {  	s3 =	sld [smem:$0x3FDB];
	s0 =	simm.s32 @p2 $0x1  }
0x17: {  	s4 =	simm.s32 $0x1BF5;
	[smem:$0x3FBA] =	sst s0  }
0x18: {  	s0 =	sld [smem:$0x3F9D];
	_ =	swait.ge [sflag:s4], $0x0  }
0x19: {  	s7 =	sld [smem:$0x3F9E]  }
0x1a: {  	s8 =	sadd.s32 $0xFFFFE003, lr  }
0x1b: {  	s9 =	sadd.s32 $0xFFFFFEF7, lr;
	s5 =	simm.s32 $0xFFFFFFFF;
	p2 =	slt.u32 s8, $0xFFFFF086  }
0x1c: {  	p1 =	slt.u32 s9, $0xF7A;
	s5 =	simm.s32 @!p2 $0x0  }
0x1d: {  	s5 =	simm.s32 @p1 $0x1;
	p0 =	seq.s32 s7, s2  }
0x1e: {  	s7 =	smul.u32 @!p0 $0xF7A, s2;
	p2 =	seq.s32 @!p0 s5, $0x0  }
0x1f: {  	s9 =	smul.u32 $0xF7A, s1;
	s8 =	simm.s32 @!p0 $0x1BF5;
	p2 =	por !p2, p0  }
0x20: {  	[sflag:s8] =	ssyncset.s32 @!p0 $0xFFFFF086;
	s6 =	sadd.s32 @!p0 s3, s7;
	s7 =	simm.s32 @!p0 $0x108  }
0x21: {  	s3 =	sadd.s32 s3, s9;
	s6 =	sadd.s32 @!p0 $0x88, s6;
	s7 =	simm.s32 @p2 $0x1082  }
0x22: {  	[simem:s7], [sflag:s8] =	dma.local @!p0 [hbm:s6], $0xF7A  }
0x23: {  	s9 =	sor.u32 $0xD0000000, s2;
	s6 =	simm.s32 $0x108;
	_ =	swait.ge @!p0 [sflag:s8], $0x0  }
0x24: {  	s3 =	sadd.s32 $0x88, s3;
	s6 =	simm.s32 @!p1 $0x1082;
	[sflag:s4] =	ssyncset.s32 $0xFFFFF086  }
0x25: {  	[simem:s6], [sflag:s4] =	dma.local [hbm:s3], $0xF7A  }
0x26: {  	[smem:$0x3F9E] =	sst s1;
	(tag) =	ssettag s2;
	_ =	strace s9  }
0x27: {  	s1 =	sld [smem:$0x3FAE]  }
0x28: {  	s2 =	sld [smem:$0x3FAF]  }
0x29: {  	s4 =	sld [smem:$0x3FB1]  }
0x2a: {  	p0 =	seq.s32 s5, $0x0;
	s5 =	sld [smem:$0x3FB2]  }
0x2b: {  	s6 =	sld [smem:$0x3FB3]  }
0x2c: {  	s7 =	sld [smem:$0x3FB4]  }
0x2d: {  	s3 =	simm.s32 $0x108;
	s8 =	sld [smem:$0x3FB5]  }
0x2e: {  	s3 =	simm.s32 @!p0 $0x1082;
	s9 =	sld [smem:$0x3FB6]  }
0x2f: {  	lr =	sadd.s32 s0, s3;
	s0 =	sld [smem:$0x3FAD]  }
0x30: {  	s3 =	sld [smem:$0x3FB0]  }
0x31: {  	[smem:$0x3FB9] =	sst s10  }
0x32: {  	s10 =	sld [smem:$0x3FB7];
	_ =	sdelay $0x3  }
0x33: {  	p0 =	seq.s32 s10, $0x1;
	s10 =	sld [smem:$0x3FB9];
	_ =	sdelay $0x3  }
0x34: {  	[smem:$0x3FB9] =	sst s10  }
0x35: {  	s10 =	sld [smem:$0x3FB8];
	_ =	sdelay $0x3  }
0x36: {  	p1 =	seq.s32 s10, $0x1;
	s10 =	sld [smem:$0x3FB9];
	_ =	sdelay $0x3  }
0x37: {  	[smem:$0x3FB9] =	sst s10  }
0x38: {  	s10 =	sld [smem:$0x3FBA]  }
0x39: {  	_ = 	snop;
	(pc) =	sbr.ind lr, $3  }
0x3a: {  	_ = 	snop  }
0x3b: {  	_ = 	snop  }
0x3c: {  	p2 =	seq.s32 s10, $0x1;
	s10 =	sld [smem:$0x3FB9]  }
0x3d: {  	_ =	shalt  }
0x3e: {  	_ =	shalt  }
0x3f: {  	_ =	shalt  }
0x40: {  	_ =	shalt  }
0x41: {  	_ =	shalt  }
0x42: {  	_ =	shalt  }
0x43: {  	_ =	shalt  }
0x44: {  	_ =	shalt  }
0x45: {  	_ =	shalt  }
0x46: {  	_ =	shalt  }
0x47: {  	_ =	shalt  }
0x48: {  	_ =	shalt  }
0x49: {  	_ =	shalt  }
0x4a: {  	_ =	shalt  }
0x4b: {  	_ =	shalt  }
0x4c: {  	_ =	shalt  }
0x4d: {  	_ =	shalt  }
0x4e: {  	_ =	shalt  }
0x4f: {  	_ =	shalt  }
0x50: {  	_ =	shalt  }
0x51: {  	_ =	shalt  }
0x52: {  	_ =	shalt  }
0x53: {  	_ =	shalt  }
0x54: {  	_ =	shalt  }
0x55: {  	_ =	shalt  }
0x56: {  	_ =	shalt  }
0x57: {  	_ =	shalt  }
0x58: {  	_ =	shalt  }
0x59: {  	_ =	shalt  }
0x5a: {  	_ =	shalt  }
0x5b: {  	_ =	shalt  }
0x5c: {  	_ =	shalt  }
0x5d: {  	_ =	shalt  }
0x5e: {  	_ =	shalt  }
0x5f: {  	_ =	shalt  }
0x60: {  	_ =	shalt  }
0x61: {  	_ =	shalt  }
0x62: {  	_ =	shalt  }
0x63: {  	_ =	shalt  }
0x64: {  	_ =	shalt  }
0x65: {  	_ =	shalt  }
0x66: {  	_ =	shalt  }
0x67: {  	_ =	shalt  }
0x68: {  	_ =	shalt  }
0x69: {  	_ =	shalt  }
0x6a: {  	_ =	shalt  }
0x6b: {  	_ =	shalt  }
0x6c: {  	_ =	shalt  }
0x6d: {  	_ =	shalt  }
0x6e: {  	_ =	shalt  }
0x6f: {  	_ =	shalt  }
0x70: {  	_ =	shalt  }
0x71: {  	_ =	shalt  }
0x72: {  	_ =	shalt  }
0x73: {  	_ =	shalt  }
0x74: {  	_ =	shalt  }
0x75: {  	_ =	shalt  }
0x76: {  	_ =	shalt  }
0x77: {  	_ =	shalt  }
0x78: {  	_ =	shalt  }
0x79: {  	_ =	shalt  }
0x7a: {  	_ =	shalt  }
0x7b: {  	_ =	shalt  }
0x7c: {  	_ =	shalt  }
0x7d: {  	_ =	shalt  }
0x7e: {  	_ =	shalt  }
0x7f: {  	_ =	shalt  }
0x80: {  	_ =	shalt  }
0x81: {  	_ =	shalt  }
0x82: {  	_ =	shalt  }
0x83: {  	_ =	shalt  }
0x84: {  	_ =	shalt  }
0x85: {  	_ =	shalt  }
0x86: {  	_ =	shalt  }
0x87: {  	_ =	shalt  }
.Lfunc_end0:
.L_simem_size_0:
called_computation_lowered:
.L_overlay_start_0:
0x88: {  	s2 =	sld [smem:$0x3FD9]  }
0x89: {  	s3 =	sld [smem:$0x3FFE];
	_ =	sdelay $0x1  }
0x8a: {  	s1 =	srdreg.scid  }
0x8b: {  	s0 =	sand.u32 $0x1, s1  }
0x8c: {  	s17 =	sshll.u32 s0, $0xA;
	s2 =	sadd.s32 s3, s2  }
0x8d: {  	s2 =	sadd.s32 s2, s17  }
0x8e: {  	[smem:$0x3FC5] =	sst s2  }
0x8f: {  	_ = 	snop  }
0x90: {  	s2 =	sld [smem:$0x3FC9]  }
0x91: {  	s18 =	sld [smem:$0x3FC8]  }
0x92: {  	s4 =	sld [smem:$0x3FC7];
	(tm) =	ssettm $0x1  }
0x93: {  	s5 =	sld [smem:$0x3FFB];
	_ =	sdelay $0x3  }
0x94: {  	_ =	strace s5  }
0x95: {  	s5 =	sld [smem:$0x3FFC];
	_ =	sdelay $0x3  }
0x96: {  	_ =	strace s5  }
0x97: {  	s5 =	sld [smem:$0x3FFD];
	_ =	sdelay $0x3  }
0x98: {  	_ =	strace s5  }
0x99: {  	_ =	strace $0x8FFFFFFF  }
0x9a: {  	s19 =	sld [smem:$0x3FDB];
	_ =	sdelay $0x1  }
0x9b: {  	s6 =	simm.s32 $_scs_section_size  }
0x9c: {  	s7 =	simm.s32 $_size__tile_overlayer_lowered;
	s8 =	simm.s32 $_tile_overlayer_lowered  }
0x9d: {  	s22 =	simm.s32 $0x1BFF;
	s21 =	sshll.u32 s8, $0x1;
	s5 =	sadd.s32 s6, s19  }
0x9e: {  	s9 =	simm.s32 $0x0;
	s20 =	sshll.u32 s7, $0x1;
	s7 =	sadd.s32 s21, s5  }
0x9f: {  	[timem:s9], [sflag:s22] =	dma.local [hbm:s7], s20  }
0xa0: {  	_ =	swait.ge [sflag:s22], s20  }
0xa1: {  	s6 =	ssub.s32 $0x0, s20;
	[sflag:s22] =	ssyncset.done $0x0  }
0xa2: {  	[sflag:s22] =	ssyncadd.s32 s6;
	_ =	sdelay $0x1  }
0xa3: {  	s23 =	simm.s32 $0x1B8B  }
0xa4: {  	_ =	swait.ge [sflag:s23], $0x1  }
0xa5: {  	[sflag:s23] =	ssyncset.done $0x0  }
0xa6: {  	s25 =	simm.s32 $0x1B8E;
	s24 =	sld [smem:$0x3FFE];
	[sflag:s23] =	ssyncadd.s32 $0xFFFFFFFF  }
0xa7: {  	s26 =	simm.s32 $execute0_lowered;
	[smem:$0x3FD2] =	sst s25  }
0xa8: {  	s7 =	sshll.u32 s26, $0x1;
	_ =	strace $0x80000046;
	[dreg:$0x1] =	wrdreg $0xFFFFFFFF  }
0xa9: {  	s28 =	simm.s32 $_size_execute0_lowered;
	s5 =	sadd.s32 s5, s7;
	[dreg:$0x0] =	wrdreg $0x0  }
0xaa: {  	s7 =	sshll.u32 s28, $0x1;
	[dreg:$0x2] =	wrdreg s5  }
0xab: {  	[dreg:$0x3] =	wrdreg s7  }
0xac: {  	[dreg:$0x4] =	wrdreg $0xC0  }
0xad: {  	_ =	task [dreg:s9], $0x5FFFF  }
0xae: {  	[dreg:$0x1] =	wrdreg $0xFFFFFFFF  }
0xaf: {  	[dreg:$0x0] =	wrdreg $0x60  }
0xb0: {  	[dreg:$0x2] =	wrdreg s2  }
0xb1: {  	[dreg:$0x3] =	wrdreg s18  }
0xb2: {  	[dreg:$0x4] =	wrdreg s4  }
0xb3: {  	[dreg:$0x5] =	wrdreg s24  }
0xb4: {  	[dreg:$0x6] =	wrdreg $0x9  }
0xb5: {  	_ =	task.clear_ibuf [dreg:s9], $0x7FFFF;
	_ =	strace $0x90000046  }
0xb6: {  	s29 =	simm.s32 $0x9;
	_ =	strace $0x80000048  }
0xb7: {  	_ =	swait.ge [sflag:s29], $0x1  }
0xb8: {  	[sflag:s29] =	ssyncadd.s32 $0xFFFFFFFF  }
0xb9: {  	_ =	strace $0x90000048  }
0xba: {  	_ =	sfence  }
0xbb: {  	s30 =	sld [smem:$0x0];
	_ =	sdelay $0x2  }
0xbc: {  	s31 =	sshll.u32 s1, $0xD;
	s1 =	sshrl.u32 s1, $0x2  }
0xbd: {  	s3 =	sand.u32 $0x4000, s31;
	s1 =	sadd.s32 s1, s30  }
0xbe: {  	s0 =	sor.u32 s3, s0;
	s1 =	sshll.u32 s1, $0x11  }
0xbf: {  	s0 =	sor.u32 s1, s0  }
0xc0: {  	s0 =	sadd.s32 $0x8F2B, s0  }
0xc1: {  	[sflag:s0] =	ssyncadd.remote.s32 $0x1  }
0xc2: {  	_ =	sfence.sel $0xFFFF  }
0xc3: {  	[dreg:$0x0] =	wrdreg $0xFFFFFFFF;
	(pc) =	sbr.abs _section_cstart, $3  }
0xc4: {  	[dreg:$0x1] =	wrdreg $0xFFFFFFFF  }
0xc5: {  	_ =	task.clear_ibuf [dreg:s9], $0x2FFFF;
	_ =	strace $0x9FFFFFFF  }
0xc6: {  	(tm) =	ssettm $0x7FFFFFFF  }
0xc7: {  	_ =	shalt  }
tec
execute0_lowered:
.L_overlay_start_1:
0x0: {  	(tag) =	ssettag $0x1  }
0x1: {  	s1 =	rddreg [dreg:$0x0]  }
0x2: {  	s4 =	rddreg [dreg:$0x2]  }
0x3: {  	s0 =	rddreg [dreg:$0x3];
	s2 =	srdreg.scid  }
0x4: {  	s6 =	stileid.u32;
	s5 =	simm.s32 $0x0;
	s2 =	sand.u32 $0x1, s2  }
0x5: {  	s3 =	sshll.u32 s6, $0x1;
	[smem:$0x7FF] =	sst s5;
	s6 =	sshrl.u32 s6, $0x1  }
0x6: {  	s3 =	sor.u32 s2, s3;
	_ =	strace $0x80000047;
	s14 =	smul.u32 $0xC3800, s6  }
0x7: {  	s7 =	sshll.u32 s6, $0xA;
	s2 =	ssub.s32 $0x2, s2;
	s8 =	smul.u32 $0x1E0, s3  }
0x8: {  	s10 =	sadd.s32 s7, s0;
	s13 =	sand.u32 $0x3, s3;
	s3 =	sshll.u32 s3, $0x1  }
0x9: {  	s20 =	sshrl.u32 s2, $0x1;
	s19 =	smul.u32 $0x30000, s13;
	s22 =	sadd.s32 $0x800, s10  }
0xa: {  	s2 =	ssub.s32 s2, s20;
	s23 =	sadd.s32 $0x2800, s10;
	[dreg:$0x19] =	wrdreg s22  }
0xb: {  	s11 =	sadd.s32 $0x4000, s14;
	s24 =	sadd.s32 $0x4800, s10;
	[dreg:$0x1a] =	wrdreg s23  }
0xc: {  	s25 =	sadd.s32 $0x6800, s10;
	s26 =	sadd.s32 $0x8800, s10;
	[dreg:$0x1b] =	wrdreg s24  }
0xd: {  	s28 =	sadd.s32 $0xA800, s10;
	s29 =	sshrl.u32 s14, $0x3;
	[dreg:$0x1c] =	wrdreg s25  }
0xe: {  	s8 =	sadd.s32 s8, s0;
	s0 =	sadd.s32 s3, s0;
	[dreg:$0x1d] =	wrdreg s26  }
0xf: {  	[dreg:$0x1e] =	wrdreg s28;
	s31 =	sadd.s32 $0x18000, s29;
	s0 =	sadd.s32 $0x10400, s0  }
0x10: {  	s21 =	sadd.s32 s14, s19;
	s18 =	sadd.s32 s4, s31;
	[dreg:$0x1f] =	wrdreg s0  }
0x11: {  	s19 =	sadd.s32 s1, s31;
	s20 =	sadd.s32 $0xC800, s8;
	[smem:$0x7F2] =	sst s18  }
0x12: {  	s9 =	sshrl.u32 s21, $0x3;
	s3 =	sadd.s32 $0x2000, s21;
	[smem:$0x7F3] =	sst s19  }
0x13: {  	s0 =	sadd.s32 s4, s29;
	[smem:$0x7F4] =	sst s20;
	s21 =	smax.u32 s2, $0x1  }
0x14: {  	s7 =	sadd.s32 s4, s9;
	s9 =	sadd.s32 s1, s9;
	[smem:$0x7F5] =	sst s21  }
0x15: {  	s12 =	sadd.s32 $0x6000, s14;
	s14 =	sadd.s32 $0xDB800, s0;
	[dreg:$0x16] =	wrdreg s9  }
0x16: {  	s15 =	sadd.s32 $0x19F000, s0;
	[smem:$0x7EE] =	sst s14  }
0x17: {  	s17 =	sadd.s32 $0x262800, s0;
	[smem:$0x7EF] =	sst s15  }
0x18: {  	s0 =	sadd.s32 $0x326000, s0;
	[smem:$0x7F0] =	sst s17  }
0x19: {  	s30 =	simm.s32 $0x0;
	s3 =	sshrl.u32 s3, $0x3;
	[smem:$0x7F1] =	sst s0  }
0x1a: {  	s9 =	sadd.s32 s4, s3;
	s3 =	sadd.s32 s1, s3;
	[dreg:$0x15] =	wrdreg s7  }
0x1b: {  	s16 =	sshll.u32 s6, $0x3;
	s22 =	sadd.s32 $0xC3800, s7;
	[dreg:$0x18] =	wrdreg s3  }
0x1c: {  	s6 =	smul.u32 $0x18, s13;
	s23 =	sadd.s32 $0x187000, s7;
	[smem:$0x7F6] =	sst s22  }
0x1d: {  	p0 =	seq.s32 s13, $0x1;
	s24 =	sadd.s32 $0x24A800, s7;
	[smem:$0x7F7] =	sst s23  }
0x1e: {  	p1 =	slt.u32 s13, $0x2;
	s25 =	sadd.s32 $0x30E000, s7;
	[smem:$0x7F8] =	sst s24  }
0x1f: {  	p2 =	sne.s32 s13, $0x0;
	s8 =	simm.s32 $0x2;
	[smem:$0x7F9] =	sst s25  }
.Ltmp0:
0x20: {  	s26 =	sadd.s32 $0xC3800, s9;
	[dreg:$0x17] =	wrdreg s9;
	(pc) =	sbr.rel .LBB2_1-.Ltmp0, $4  }
0x21: {  	s20 =	simm.s32 $0x12000;
	s28 =	sadd.s32 $0x187000, s9;
	[smem:$0x7FA] =	sst s26  }
0x22: {  	v0 =	vlaneseq.u32;
	s21 =	simm.s32 $0x16000;
	s29 =	sadd.s32 $0x24A800, s9;
	[smem:$0x7FB] =	sst s28  }
0x23: {  	v2 =	vand.u32 $0x7, v0;
	s31 =	sadd.s32 $0x30E000, s9;
	s3 =	simm.s32 $0x3;
	[smem:$0x7FC] =	sst s29  }
0x24: {  	v1 =	vimm.f32 $-Inf;
	v0 =	vor.u32 s16, v2;
	v2 =	vmul.u32 $0x80, v2;
	s23 =	simm.s32 $0x14000;
	s22 =	simm.s32 $0x1;
	[smem:$0x7FD] =	sst s31  }
.LBB2_27:
0x25: {  	[tilespmem:$0x18F80] =	vst v4;
	s0 =	rddreg [dreg:$0x1f];
	s2 =	simm.s32 $0x18F80  }
0x26: {  	[hbm4b:s0+s5] =	stream.linear.scatter [tilespmem:s2], [sflag:$0x3], $0x10, $0x38;
	[tilespmem:$0x19000] =	vst v63  }
0x27: {  	_ =	swait.ge [sflag:s3], $0x10  }
0x28: {  	[sflag:s3] =	ssyncset.done $0x0  }
0x29: {  	[sflag:s3] =	ssyncadd.s32 $0xFFFFFFF0  }
.LBB2_28:
0x2a: {  	s0 =	sld [smem:$0x7F4];
	_ =	sdelay $0x1  }
0x2b: {  	s2 =	simm.s32 $0x18000  }
0x2c: {  	[hbm4b:s0+s5] =	stream.linear.scatter [tilespmem:s2], [sflag:$0x3], $0xF00, $0x38;
	[tilespmem:$0x19000] =	vst v63  }
0x2d: {  	_ =	swait.ge [sflag:s3], $0xF00  }
0x2e: {  	s31 =	sld [smem:$0x7F5];
	_ =	sdelay $0x1  }
0x2f: {  	s30 =	sadd.s32 $0x1, s30  }
0x30: {  	p3 =	sne.s32 s30, s31  }
.Ltmp1:
0x31: {  	_ = 	snop;
	(pc) =	sbr.rel @!p3 .LBB2_29-.Ltmp1, $3  }
0x32: {  	_ =	sdelay $0x1  }
0x33: {  	[sflag:s3] =	ssyncset.done $0x0  }
0x34: {  	[sflag:s3] =	ssyncadd.s32 $0xFFFFF100  }
.LBB2_1:
0x35: {  	s0 =	rddreg [dreg:$0x1];
	s2 =	simm.s32 $0x18F00  }
0x36: {  	[tilespmem:s2], [sflag:$0x3] =	stream.linear.gather [hbm4b:s0+s5], $0x80, $0x38;
	[tilespmem:$0x19000] =	vst v63  }
0x37: {  	_ =	swait.ge [sflag:s3], $0x80  }
0x38: {  	[sflag:s3] =	ssyncset.done $0x0  }
0x39: {  	[sflag:s3] =	ssyncadd.s32 $0xFFFFFF80  }
0x3a: {  	s0 =	simm.s32 $0x40;
	v3 =	vld.idx.msk [tilespmem:v0+s2+$0x0], $0xffff;
	s2 =	simm.s32 $0x0  }
.LBB2_2:
0x3b: {  	p3 =	sne.s32 s0, $0x3BC0;
	[tilespmem:s2+$0x18000] =	vst v1;
	s2 =	smov.u32 s0;
	s0 =	sadd.s32 $0x40, s0  }
.Ltmp2:
0x3c: {  	(pc) =	sbr.rel @p3 .LBB2_2-.Ltmp2, $2  }
0x3d: {  	_ =	sdelay $0x2  }
0x3e: {  	s2 =	sshra.s32 s2, $0x2  }
0x3f: {  	[smem:$0x7ED] =	sst s30  }
0x40: {  	s0 =	rddreg [dreg:$0x15]  }
0x41: {  	[tilespmem:s2+$0x18000] =	vst v1;
	s16 =	simm.s32 $0x0;
	s30 =	sld [smem:$0x7F6]  }
0x42: {  	[tilespmem:s16], [sflag:$0x1] =	stream.linear.gather [hbm4b:s0+s16], $0x2000, $0x38;
	[tilespmem:$0x19000] =	vst v63  }
0x43: {  	s31 =	simm.s32 $0x2000;
	s3 =	sld [smem:$0x7F7]  }
0x44: {  	[tilespmem:s31], [sflag:$0x1] =	stream.linear.gather [hbm4b:s30+s16], $0x2000, $0x38;
	[tilespmem:$0x19000] =	vst v63  }
0x45: {  	s7 =	simm.s32 $0x4000;
	s9 =	sld [smem:$0x7F8]  }
0x46: {  	[tilespmem:s7], [sflag:$0x1] =	stream.linear.gather [hbm4b:s3+s16], $0x2000, $0x38;
	[tilespmem:$0x19000] =	vst v63  }
0x47: {  	s10 =	simm.s32 $0x6000;
	s13 =	sld [smem:$0x7F9]  }
0x48: {  	[tilespmem:s10], [sflag:$0x1] =	stream.linear.gather [hbm4b:s9+s16], $0x2000, $0x38;
	[tilespmem:$0x19000] =	vst v63  }
0x49: {  	s14 =	simm.s32 $0x8000;
	s15 =	rddreg [dreg:$0x16]  }
0x4a: {  	[tilespmem:s14], [sflag:$0x1] =	stream.linear.gather [hbm4b:s13+s16], $0x2000, $0x38;
	[tilespmem:$0x19000] =	vst v63  }
0x4b: {  	s17 =	rddreg [dreg:$0x17]  }
0x4c: {  	[tilespmem:s23], [sflag:$0x1] =	stream.linear.gather [hbm4b:s15+s16], $0x2000, $0x38;
	[tilespmem:$0x19000] =	vst v63  }
0x4d: {  	s18 =	simm.s32 $0xA000;
	s19 =	sld [smem:$0x7FA]  }
0x4e: {  	[tilespmem:s18], [sflag:$0x2] =	stream.linear.gather [hbm4b:s17+s16], $0x2000, $0x38;
	[tilespmem:$0x19000] =	vst v63  }
0x4f: {  	s24 =	simm.s32 $0xC000;
	s25 =	sld [smem:$0x7FB]  }
0x50: {  	[tilespmem:s24], [sflag:$0x2] =	stream.linear.gather [hbm4b:s19+s16], $0x2000, $0x38;
	[tilespmem:$0x19000] =	vst v63  }
0x51: {  	s26 =	simm.s32 $0xE000;
	s28 =	sld [smem:$0x7FC]  }
0x52: {  	[tilespmem:s26], [sflag:$0x2] =	stream.linear.gather [hbm4b:s25+s16], $0x2000, $0x38;
	[tilespmem:$0x19000] =	vst v63  }
0x53: {  	s29 =	simm.s32 $0x10000;
	s30 =	sld [smem:$0x7FD]  }
0x54: {  	[tilespmem:s29], [sflag:$0x2] =	stream.linear.gather [hbm4b:s28+s16], $0x2000, $0x38;
	[tilespmem:$0x19000] =	vst v63  }
0x55: {  	_ = 	snop  }
0x56: {  	[tilespmem:s20], [sflag:$0x2] =	stream.linear.gather [hbm4b:s30+s16], $0x2000, $0x38;
	[tilespmem:$0x19000] =	vst v63  }
0x57: {  	s31 =	rddreg [dreg:$0x18]  }
0x58: {  	v4 =	vimm.f32 $0.0e+00;
	[tilespmem:s21], [sflag:$0x2] =	stream.linear.gather [hbm4b:s31+s16], $0x2000, $0x38;
	[tilespmem:$0x19000] =	vst v63  }
.LBB2_4:
0x59: {  	_ =	swait.ge [sflag:s22], $0x2000  }
0x5a: {  	[sflag:s22] =	ssyncset.done $0x0  }
0x5b: {  	s0 =	sshll.u32 s16, $0x1;
	[sflag:s22] =	ssyncadd.s32 $0xFFFFE000  }
0x5c: {  	s26 =	sadd.s32 s6, s0;
	_ =	swait.ge [sflag:s22], $0x2000  }
0x5d: {  	s28 =	sshll.u32 s26, $0xA;
	[sflag:s22] =	ssyncset.done $0x0  }
0x5e: {  	v5 =	vmov s28;
	[sflag:s22] =	ssyncadd.s32 $0xFFFFE000  }
0x5f: {  	v5 =	vsub.s32 v3, v5;
	_ =	swait.ge [sflag:s22], $0x2000  }
0x60: {  	vm0 =	vgt.s32 v5, $0x0;
	[sflag:s22] =	ssyncset.done $0x0  }
0x61: {  	v6 =	vnsel vm0, $0x0, v5;
	[sflag:s22] =	ssyncadd.s32 $0xFFFFE000  }
0x62: {  	v6 =	vmin.u32 v6, $0x3FF;
	_ =	swait.ge [sflag:s22], $0x2000  }
0x63: {  	v7 =	vshll.u32 v6, $0x3;
	[sflag:s22] =	ssyncset.done $0x0  }
0x64: {  	v6 =	vand.u32 $0x7F, v6;
	v7 =	vand.u32 $0x1C00, v7;
	[sflag:s22] =	ssyncadd.s32 $0xFFFFE000  }
0x65: {  	v6 =	vor.u32 v7, v6;
	_ =	swait.ge [sflag:s22], $0x2000  }
0x66: {  	v6 =	vor.u32 v2, v6;
	[sflag:s22] =	ssyncset.done $0x0  }
0x67: {  	[sflag:s22] =	ssyncadd.s32 $0xFFFFE000  }
0x68: {  	_ =	swait.ge [sflag:s22], $0x2000  }
0x69: {  	[sflag:s22] =	ssyncset.done $0x0  }
0x6a: {  	[sflag:s22] =	ssyncadd.s32 $0xFFFFE000  }
0x6b: {  	s29 =	simm.s32 $0x0;
	v6 =	vld.idx.msk [tilespmem:v6+s23+$0x0], $0xffff  }
.LBB2_5:
0x6c: {  	s30 =	smul.u32 $0x1E0, s29;
	_ =	sdelay $0x1  }
0x6d: {  	v8 =	vld [tilespmem:s30+$0x18000]  }
0x6e: {  	v7 =	vld [tilespmem:s30+$0x18010]  }
0x6f: {  	s0 =	sshll.u32 s29, $0x7;
	v10 =	vld [tilespmem:s30+$0x18020]  }
0x70: {  	s2 =	sadd.s32 $0x2000, s0;
	v13 =	vld [tilespmem:s30+$0x18030]  }
0x71: {  	s14 =	sadd.s32 $0x4000, s0;
	[dreg:$0x5] =	wrdreg s2;
	v15 =	vld [tilespmem:s30+$0x18040]  }
0x72: {  	s17 =	simm.s32 $0x0;
	s15 =	sadd.s32 $0x6000, s0;
	[dreg:$0x6] =	wrdreg s14;
	v9 =	vld [tilespmem:s30+$0x18060]  }
0x73: {  	s7 =	sand.u32 $0x60, s17;
	[dreg:$0x7] =	wrdreg s15;
	v11 =	vld [tilespmem:s30+$0x18070];
	s15 =	sand.u32 $0x1C00, s17  }
0x74: {  	s14 =	sadd.s32 $0x8000, s0;
	v14 =	vld [tilespmem:s30+$0x18090];
	s13 =	rddreg [dreg:$0x5];
	s9 =	sor.u32 s0, s15  }
0x75: {  	v19 =	vld [tilespmem:s30+$0x180A0];
	[dreg:$0x8] =	wrdreg s14;
	s2 =	sor.u32 s7, s9  }
0x76: {  	s18 =	sadd.s32 s15, s13;
	v16 =	vld [tilespmem:s2+$0x0]  }
0x77: {  	s13 =	sor.u32 $0x10, s7;
	v17 =	vld [tilespmem:s2+$0x14000];
	s24 =	sadd.s32 s7, s18  }
0x78: {  	s10 =	rddreg [dreg:$0x8];
	s25 =	sadd.s32 s13, s18;
	v18 =	vld [tilespmem:s24+$0x0]  }
0x79: {  	s3 =	sor.u32 s13, s9;
	s10 =	sadd.s32 s15, s10;
	v24 =	vld [tilespmem:s25+$0x0]  }
0x7a: {  	v28 =	vld [tilespmem:s3+$0x14000];
	s25 =	sadd.s32 s13, s10  }
0x7b: {  	s19 =	rddreg [dreg:$0x6];
	v41 =	vld [tilespmem:s25+$0x0]  }
0x7c: {  	s31 =	sand.u32 $0xFE0, s30;
	v20 =	vld [tilespmem:s30+$0x180C0];
	s2 =	sadd.s32 s15, s19  }
0x7d: {  	v12 =	vld [tilespmem:s31+$0x18080];
	s17 =	sadd.s32 s7, s2;
	v16 =	vadd.f32 v16, v17  }
0x7e: {  	v21 =	vld [tilespmem:s17+$0x0];
	v18 =	vadd.f32 v18, v17  }
0x7f: {  	v22 =	vld [tilespmem:s30+$0x180D0];
	s19 =	rddreg [dreg:$0x7];
	v24 =	vadd.f32 v24, v28;
	v25 =	vmin.f32 v8, v16  }
0x80: {  	v23 =	vld [tilespmem:s30+$0x180E0];
	s18 =	sadd.s32 s15, s19;
	v29 =	vmax.f32 v8, v16;
	v41 =	vadd.f32 v41, v28;
	v26 =	vmin.f32 v9, v18  }
0x81: {  	v35 =	vld [tilespmem:s30+$0x180B0];
	s19 =	sadd.s32 s7, s18;
	v27 =	vmin.f32 v7, v25;
	v9 =	vmax.f32 v9, v18;
	v25 =	vmax.f32 v7, v25  }
0x82: {  	s7 =	sadd.s32 s7, s10;
	v30 =	vmax.f32 v11, v26;
	v11 =	vmin.f32 v11, v26;
	v26 =	vld [tilespmem:s19+$0x0];
	v33 =	vmin.f32 v10, v27  }
0x83: {  	v31 =	vmax.f32 v12, v11;
	v11 =	vmin.f32 v12, v11;
	v12 =	vadd.f32 v21, v17;
	v21 =	vld [tilespmem:s7+$0x0]  }
0x84: {  	v34 =	vld [tilespmem:s31+$0x18180];
	s24 =	sadd.s32 s13, s18;
	v27 =	vmax.f32 v10, v27;
	v39 =	vmin.f32 v13, v33;
	v18 =	vmin.f32 v14, v11  }
0x85: {  	v37 =	vld [tilespmem:s24+$0x0];
	v14 =	vmax.f32 v14, v11;
	v7 =	vmax.f32 v20, v12;
	v20 =	vmin.f32 v20, v12  }
0x86: {  	v40 =	vld [tilespmem:s30+$0x18120];
	v12 =	vmax.f32 v19, v18;
	v18 =	vmin.f32 v19, v18;
	v36 =	vmin.f32 v22, v20  }
0x87: {  	v43 =	vmin.f32 v15, v39;
	v10 =	vmax.f32 v35, v18;
	v8 =	vmax.f32 v23, v36  }
0x88: {  	v32 =	vld [tilespmem:s30+$0x18050];
	v38 =	vadd.f32 v26, v17;
	v16 =	vadd.f32 v21, v17;
	v17 =	vmin.f32 v9, v24  }
0x89: {  	v26 =	vld [tilespmem:s30+$0x18190];
	v9 =	vmax.f32 v9, v24;
	v11 =	vmax.f32 v30, v17;
	v17 =	vmin.f32 v30, v17  }
0x8a: {  	v42 =	vld [tilespmem:s30+$0x181A0];
	v30 =	vadd.f32 v37, v28;
	v44 =	vmax.f32 v34, v16;
	v24 =	vmin.f32 v31, v17  }
0x8b: {  	v47 =	vld [tilespmem:s30+$0x180F0];
	v45 =	vmin.f32 v34, v16;
	v16 =	vmax.f32 v31, v17;
	v34 =	vmax.f32 v40, v38  }
0x8c: {  	v57 =	vld [tilespmem:s30+$0x18140];
	v31 =	vmax.f32 v13, v33;
	v46 =	vmin.f32 v14, v24;
	v14 =	vmax.f32 v14, v24  }
0x8d: {  	v19 =	vld [tilespmem:s30+$0x18130];
	v24 =	vmax.f32 v32, v43;
	v18 =	vmin.f32 v34, v30;
	v13 =	vmax.f32 v44, v41  }
0x8e: {  	v58 =	vld [tilespmem:s30+$0x18150];
	v41 =	vmin.f32 v44, v41;
	v17 =	vmin.f32 v12, v46;
	v21 =	vmax.f32 v26, v45  }
0x8f: {  	v56 =	vld [tilespmem:s31+$0x18100];
	v45 =	vmin.f32 v26, v45;
	v12 =	vmax.f32 v12, v46;
	v26 =	vmax.f32 v15, v39  }
0x90: {  	v59 =	vld [tilespmem:s30+$0x18110];
	v15 =	vmin.f32 v23, v36;
	v23 =	vmin.f32 v40, v38;
	v39 =	vmax.f32 v22, v20  }
0x91: {  	v32 =	vmax.f32 v42, v45;
	v10 =	vmax.f32 v10, v17;
	v17 =	vld [tilespmem:s30+$0x18160];
	v60 =	vmin.f32 v47, v15  }
0x92: {  	s2 =	sadd.s32 s13, s2;
	v40 =	vmax.f32 v19, v23;
	v19 =	vmin.f32 v19, v23;
	v23 =	vld [tilespmem:s3+$0x0];
	v38 =	vmax.f32 v47, v15  }
0x93: {  	v22 =	vld [tilespmem:s2+$0x0];
	v43 =	vmin.f32 v42, v45;
	v20 =	vmax.f32 v57, v19;
	v19 =	vmin.f32 v57, v19  }
0x94: {  	v61 =	vmin.f32 v56, v60;
	v49 =	vmin.f32 v40, v18;
	v36 =	vmax.f32 v56, v60  }
0x95: {  	v50 =	vld [tilespmem:s30+$0x18170];
	v48 =	vmax.f32 v58, v19;
	v19 =	vmin.f32 v58, v19;
	v62 =	vmin.f32 v20, v49  }
0x96: {  	v35 =	vmax.f32 v59, v61;
	v51 =	vmin.f32 v48, v62;
	v63 =	vmax.f32 v17, v19  }
0x97: {  	v52 =	vmin.f32 v17, v19;
	v17 =	vmax.f32 v20, v49;
	v37 =	vadd.f32 v23, v28;
	v20 =	vld [tilespmem:s30+$0x181B0]  }
0x98: {  	v42 =	vadd.f32 v22, v28;
	v22 =	vmax.f32 v48, v62;
	v23 =	vmax.f32 v40, v18  }
0x99: {  	v19 =	vld [tilespmem:s30+$0x181C0];
	v40 =	vmin.f32 v21, v41;
	v15 =	vmax.f32 v63, v51;
	v45 =	vmin.f32 v29, v37  }
0x9a: {  	s14 =	simm.s32 $0x20;
	s13 =	simm.s32 $0x100;
	s2 =	simm.s32 $0x0;
	v18 =	vld [tilespmem:s30+$0x181D0];
	v33 =	vmin.f32 v63, v51;
	v28 =	vmax.f32 v50, v52;
	v44 =	vmin.f32 v25, v45  }
.LBB2_6:
0x9b: {  	s7 =	sand.u32 $0x1C00, s13;
	v29 =	vmax.f32 v29, v37;
	v37 =	vmax.f32 v34, v30;
	v28 =	vmax.f32 v28, v33  }
0x9c: {  	s10 =	sand.u32 $0x60, s14;
	v30 =	vmax.f32 v20, v43;
	v25 =	vmax.f32 v25, v45;
	v33 =	vmax.f32 v32, v40;
	s15 =	sor.u32 s0, s7  }
0x9d: {  	s9 =	rddreg [dreg:$0x5];
	v20 =	vmin.f32 v20, v43;
	v53 =	vmin.f32 v7, v42;
	v54 =	vmin.f32 v32, v40;
	s19 =	sor.u32 s10, s15  }
0x9e: {  	s17 =	rddreg [dreg:$0x8];
	v45 =	vmax.f32 v27, v44;
	v32 =	vmax.f32 v21, v41;
	v57 =	vmax.f32 v7, v42;
	s9 =	sadd.s32 s7, s9;
	v55 =	vld [tilespmem:s19+$0x0]  }
0x9f: {  	s24 =	rddreg [dreg:$0x6];
	v27 =	vmin.f32 v27, v44;
	s3 =	sor.u32 $0x10, s10;
	v46 =	vmin.f32 v39, v53;
	v47 =	vmin.f32 v30, v54;
	s18 =	sadd.s32 s10, s9;
	v48 =	vld [tilespmem:s19+$0x14000]  }
0xa0: {  	s25 =	rddreg [dreg:$0x7];
	s17 =	sadd.s32 s7, s17;
	v49 =	vmax.f32 v19, v20;
	v19 =	vmin.f32 v19, v20;
	v39 =	vmax.f32 v39, v53;
	s15 =	sor.u32 s3, s15;
	v56 =	vld [tilespmem:s18+$0x0]  }
0xa1: {  	v20 =	vmax.f32 v30, v54;
	v44 =	vmax.f32 v31, v27;
	v27 =	vmin.f32 v31, v27;
	s19 =	sadd.s32 s7, s24;
	s24 =	sadd.s32 s10, s17;
	s7 =	sadd.s32 s7, s25;
	v51 =	vld [tilespmem:s15+$0x14000]  }
0xa2: {  	s9 =	sadd.s32 s3, s9;
	v18 =	vmax.f32 v18, v19;
	v19 =	vmin.f32 v8, v46;
	v21 =	vmin.f32 v49, v47;
	s18 =	sadd.s32 s10, s19;
	s10 =	sadd.s32 s10, s7;
	v52 =	vld [tilespmem:s24+$0x0]  }
0xa3: {  	v43 =	vmax.f32 v8, v46;
	v58 =	vmin.f32 v26, v27;
	v26 =	vmax.f32 v26, v27;
	s19 =	sadd.s32 s3, s19;
	s7 =	sadd.s32 s3, s7;
	s3 =	sadd.s32 s3, s17;
	v61 =	vld [tilespmem:s10+$0x0]  }
0xa4: {  	v30 =	vmin.f32 v38, v19;
	v38 =	vmax.f32 v38, v19;
	v19 =	vmax.f32 v49, v47;
	v47 =	vld [tilespmem:s3+$0x0]  }
0xa5: {  	v18 =	vmax.f32 v18, v21;
	v21 =	vadd.f32 v55, v48;
	v8 =	vadd.f32 v56, v48  }
0xa6: {  	v24 =	vmax.f32 v24, v58;
	v50 =	vmin.f32 v36, v30;
	v36 =	vmax.f32 v36, v30;
	v7 =	vld [tilespmem:s18+$0x0]  }
0xa7: {  	v35 =	vmax.f32 v35, v50;
	v31 =	vmin.f32 v29, v21;
	v59 =	vmin.f32 v9, v8  }
0xa8: {  	v9 =	vmax.f32 v9, v8;
	v29 =	vmax.f32 v29, v21;
	v50 =	vadd.f32 v61, v48  }
0xa9: {  	v21 =	vadd.f32 v52, v48;
	v47 =	vadd.f32 v47, v51;
	v49 =	vmin.f32 v25, v31  }
0xaa: {  	v30 =	vld [tilespmem:s9+$0x0];
	v60 =	vmax.f32 v11, v59;
	v11 =	vmin.f32 v11, v59;
	v25 =	vmax.f32 v25, v31  }
0xab: {  	v27 =	vmax.f32 v16, v11;
	v11 =	vmin.f32 v16, v11;
	v16 =	vadd.f32 v7, v48  }
0xac: {  	v53 =	vmin.f32 v45, v49;
	v46 =	vmax.f32 v13, v21;
	v13 =	vmin.f32 v13, v21  }
0xad: {  	v41 =	vld [tilespmem:s19+$0x0];
	v54 =	vmin.f32 v14, v11;
	v56 =	vmin.f32 v44, v53;
	v14 =	vmax.f32 v14, v11  }
0xae: {  	v21 =	vmax.f32 v32, v13;
	v7 =	vmax.f32 v57, v16;
	v42 =	vmin.f32 v57, v16  }
0xaf: {  	v31 =	vmax.f32 v12, v54;
	v16 =	vadd.f32 v30, v51;
	v63 =	vmin.f32 v26, v56  }
0xb0: {  	v34 =	vld [tilespmem:s7+$0x0];
	v54 =	vmin.f32 v12, v54;
	v26 =	vmax.f32 v26, v56;
	v55 =	vmin.f32 v39, v42  }
0xb1: {  	v24 =	vmax.f32 v24, v63;
	v10 =	vmax.f32 v10, v54;
	v39 =	vmax.f32 v39, v42  }
0xb2: {  	v42 =	vadd.f32 v41, v51;
	v41 =	vmin.f32 v46, v47;
	v30 =	vmin.f32 v9, v16  }
0xb3: {  	v8 =	vmax.f32 v43, v55;
	v11 =	vmax.f32 v60, v30;
	v30 =	vmin.f32 v60, v30  }
0xb4: {  	v9 =	vmax.f32 v9, v16;
	v43 =	vmin.f32 v43, v55;
	v62 =	vmin.f32 v27, v30  }
0xb5: {  	v16 =	vmax.f32 v27, v30;
	v30 =	vadd.f32 v34, v51;
	v27 =	vmax.f32 v45, v49  }
0xb6: {  	v34 =	vmax.f32 v37, v50;
	v45 =	vmin.f32 v32, v13;
	v37 =	vmin.f32 v37, v50  }
0xb7: {  	v13 =	vmax.f32 v46, v47;
	v57 =	vmin.f32 v14, v62;
	v14 =	vmax.f32 v14, v62  }
0xb8: {  	v32 =	vmax.f32 v33, v45;
	v58 =	vmin.f32 v31, v57;
	v12 =	vmax.f32 v31, v57  }
0xb9: {  	v56 =	vmin.f32 v34, v30;
	v31 =	vmax.f32 v44, v53;
	v57 =	vmin.f32 v38, v43  }
0xba: {  	v40 =	vld [tilespmem:s15+$0x0];
	v10 =	vmax.f32 v10, v58;
	v58 =	vmax.f32 v23, v37;
	v23 =	vmin.f32 v23, v37  }
0xbb: {  	v38 =	vmax.f32 v38, v43;
	v43 =	vmin.f32 v33, v45;
	v37 =	vmax.f32 v17, v23  }
0xbc: {  	s2 =	sadd.s32 $0x2, s2;
	v17 =	vmin.f32 v17, v23;
	v23 =	vmin.f32 v36, v57;
	v60 =	vmin.f32 v58, v56  }
0xbd: {  	p3 =	slt.u32 s2, $0x3E;
	v36 =	vmax.f32 v36, v57;
	v59 =	vmax.f32 v22, v17;
	v17 =	vmin.f32 v22, v17  }
.Ltmp3:
0xbe: {  	v22 =	vmin.f32 v37, v60;
	v35 =	vmax.f32 v35, v23;
	v61 =	vmax.f32 v15, v17;
	(pc) =	sbr.rel @p3 .LBB2_6-.Ltmp3, $4  }
0xbf: {  	v63 =	vmin.f32 v15, v17;
	v17 =	vmax.f32 v37, v60;
	v37 =	vadd.f32 v40, v51  }
0xc0: {  	v23 =	vmax.f32 v58, v56;
	v62 =	vmin.f32 v59, v22;
	v40 =	vmin.f32 v21, v41  }
0xc1: {  	v22 =	vmax.f32 v59, v22;
	v15 =	vmax.f32 v61, v62;
	v45 =	vmin.f32 v29, v37  }
0xc2: {  	s13 =	sadd.s32 $0x100, s13;
	s14 =	sadd.s32 $0x20, s14;
	v33 =	vmin.f32 v61, v62;
	v28 =	vmax.f32 v28, v63;
	v44 =	vmin.f32 v25, v45  }
0xc3: {  	[tilespmem:s30+$0x18060] =	vst v9  }
0xc4: {  	v29 =	vmax.f32 v29, v37;
	[tilespmem:s30+$0x18070] =	vst v11  }
0xc5: {  	v25 =	vmax.f32 v25, v45;
	[tilespmem:s30+$0x18000] =	vst v29  }
0xc6: {  	v50 =	vmax.f32 v27, v44;
	v51 =	vmin.f32 v27, v44;
	[tilespmem:s30+$0x18010] =	vst v25  }
0xc7: {  	v52 =	vmax.f32 v31, v51;
	v27 =	vmin.f32 v31, v51;
	[tilespmem:s30+$0x18020] =	vst v50  }
0xc8: {  	v53 =	vmin.f32 v26, v27;
	v54 =	vmax.f32 v26, v27;
	[tilespmem:s30+$0x18030] =	vst v52  }
0xc9: {  	v24 =	vmax.f32 v24, v53;
	[tilespmem:s30+$0x18040] =	vst v54  }
0xca: {  	[tilespmem:s30+$0x18050] =	vst v24  }
0xcb: {  	[tilespmem:s31+$0x18080] =	vst v16  }
0xcc: {  	[tilespmem:s30+$0x18090] =	vst v14  }
0xcd: {  	[tilespmem:s30+$0x180A0] =	vst v12  }
0xce: {  	v55 =	vmin.f32 v7, v42;
	v7 =	vmax.f32 v7, v42;
	[tilespmem:s30+$0x180B0] =	vst v10  }
0xcf: {  	v56 =	vmin.f32 v39, v55;
	v9 =	vmax.f32 v39, v55;
	[tilespmem:s30+$0x180C0] =	vst v7  }
0xd0: {  	v7 =	vmin.f32 v8, v56;
	v8 =	vmax.f32 v8, v56;
	[tilespmem:s30+$0x180D0] =	vst v9  }
0xd1: {  	v57 =	vmin.f32 v38, v7;
	v7 =	vmax.f32 v38, v7;
	[tilespmem:s30+$0x180E0] =	vst v8  }
0xd2: {  	v8 =	vmin.f32 v36, v57;
	v9 =	vmax.f32 v36, v57;
	[tilespmem:s30+$0x180F0] =	vst v7  }
0xd3: {  	v7 =	vmax.f32 v35, v8;
	[tilespmem:s31+$0x18100] =	vst v9  }
0xd4: {  	v8 =	vmax.f32 v34, v30;
	[tilespmem:s30+$0x18110] =	vst v7  }
0xd5: {  	[tilespmem:s30+$0x18120] =	vst v8  }
0xd6: {  	[tilespmem:s30+$0x18130] =	vst v23  }
0xd7: {  	[tilespmem:s30+$0x18140] =	vst v17  }
0xd8: {  	[tilespmem:s30+$0x18150] =	vst v22  }
0xd9: {  	v7 =	vmax.f32 v28, v33;
	[tilespmem:s30+$0x18160] =	vst v15  }
0xda: {  	s29 =	sadd.s32 $0x1, s29;
	[tilespmem:s30+$0x18170] =	vst v7  }
0xdb: {  	v58 =	vmax.f32 v21, v41;
	v59 =	vmax.f32 v32, v40;
	v60 =	vmin.f32 v20, v43;
	p3 =	sne.s32 s29, $0x8;
	[tilespmem:s31+$0x18180] =	vst v13  }
.Ltmp4:
0xdc: {  	v62 =	vmax.f32 v19, v60;
	v8 =	vmin.f32 v32, v40;
	v7 =	vmax.f32 v20, v43;
	[tilespmem:s30+$0x18190] =	vst v58;
	(pc) =	sbr.rel @p3 .LBB2_5-.Ltmp4, $4  }
0xdd: {  	v11 =	vmin.f32 v19, v60;
	v61 =	vmin.f32 v7, v8;
	v7 =	vmax.f32 v7, v8;
	[tilespmem:s30+$0x181A0] =	vst v59  }
0xde: {  	v8 =	vmax.f32 v18, v11;
	v63 =	vmin.f32 v62, v61;
	v9 =	vmax.f32 v62, v61;
	[tilespmem:s30+$0x181B0] =	vst v7  }
0xdf: {  	v7 =	vmax.f32 v8, v63;
	[tilespmem:s30+$0x181C0] =	vst v9  }
0xe0: {  	[tilespmem:s30+$0x181D0] =	vst v7  }
0xe1: {  	p3 =	seq.s32 s16, $0xB  }
0xe2: {  	s0 =	sshll.u32 @!p3 s26, $0xD  }
0xe3: {  	s0 =	sadd.s32 @!p3 s0, s11  }
0xe4: {  	s0 =	sshrl.u32 @!p3 s0, $0x3  }
0xe5: {  	s3 =	simm.s32 @!p3 $0x0;
	s2 =	sadd.s32 @!p3 s4, s0  }
0xe6: {  	[tilespmem:s3], [sflag:$0x1] =	stream.linear.gather @!p3 [hbm4b:s2+s3], $0x2000, $0x38;
	[tilespmem:$0x19000] =	vst v63  }
0xe7: {  	s9 =	simm.s32 @!p3 $0x2000;
	s7 =	sadd.s32 @!p3 $0xC3800, s2  }
0xe8: {  	[tilespmem:s9], [sflag:$0x1] =	stream.linear.gather @!p3 [hbm4b:s7+s3], $0x2000, $0x38;
	[tilespmem:$0x19000] =	vst v63  }
0xe9: {  	s7 =	sadd.s32 @!p3 $0x187000, s2;
	s9 =	simm.s32 @!p3 $0x4000  }
0xea: {  	[tilespmem:s9], [sflag:$0x1] =	stream.linear.gather @!p3 [hbm4b:s7+s3], $0x2000, $0x38;
	[tilespmem:$0x19000] =	vst v63  }
0xeb: {  	s7 =	sadd.s32 @!p3 $0x24A800, s2;
	s9 =	simm.s32 @!p3 $0x6000  }
0xec: {  	[tilespmem:s9], [sflag:$0x1] =	stream.linear.gather @!p3 [hbm4b:s7+s3], $0x2000, $0x38;
	[tilespmem:$0x19000] =	vst v63  }
0xed: {  	s2 =	sadd.s32 @!p3 $0x30E000, s2;
	s7 =	simm.s32 @!p3 $0x8000  }
0xee: {  	[tilespmem:s7], [sflag:$0x1] =	stream.linear.gather @!p3 [hbm4b:s2+s3], $0x2000, $0x38;
	[tilespmem:$0x19000] =	vst v63  }
0xef: {  	s0 =	sadd.s32 @!p3 s1, s0;
	s2 =	simm.s32 @!p3 $0x14000  }
0xf0: {  	[tilespmem:s2], [sflag:$0x1] =	stream.linear.gather @!p3 [hbm4b:s0+s3], $0x2000, $0x38;
	[tilespmem:$0x19000] =	vst v63  }
0xf1: {  	_ =	swait.ge [sflag:s8], $0x2000  }
0xf2: {  	[sflag:s8] =	ssyncset.done $0x0  }
0xf3: {  	[sflag:s8] =	ssyncadd.s32 $0xFFFFE000  }
0xf4: {  	_ =	swait.ge [sflag:s8], $0x2000  }
0xf5: {  	s31 =	sor.u32 $0x400, s28;
	[sflag:s8] =	ssyncset.done $0x0  }
0xf6: {  	v7 =	vmov s31;
	[sflag:s8] =	ssyncadd.s32 $0xFFFFE000  }
0xf7: {  	v7 =	vsub.s32 v3, v7;
	_ =	swait.ge [sflag:s8], $0x2000  }
0xf8: {  	vm0 =	vgt.s32 v7, $0x0;
	[sflag:s8] =	ssyncset.done $0x0  }
0xf9: {  	v8 =	vnsel vm0, $0x0, v7;
	[sflag:s8] =	ssyncadd.s32 $0xFFFFE000  }
0xfa: {  	v8 =	vmin.u32 v8, $0x3FF;
	_ =	swait.ge [sflag:s8], $0x2000  }
0xfb: {  	v9 =	vshll.u32 v8, $0x3;
	[sflag:s8] =	ssyncset.done $0x0  }
0xfc: {  	v8 =	vand.u32 $0x7F, v8;
	v9 =	vand.u32 $0x1C00, v9;
	[sflag:s8] =	ssyncadd.s32 $0xFFFFE000  }
0xfd: {  	v8 =	vor.u32 v9, v8;
	_ =	swait.ge [sflag:s8], $0x2000  }
0xfe: {  	v8 =	vor.u32 v2, v8;
	[sflag:s8] =	ssyncset.done $0x0  }
0xff: {  	[sflag:s8] =	ssyncadd.s32 $0xFFFFE000  }
0x100: {  	vm1 =	vlt.u32 v5, $0x400;
	vm0 =	vmmov $0xff;
	_ =	swait.ge [sflag:s8], $0x2000  }
0x101: {  	vm1 =	vmand vm1, vm0;
	[sflag:s8] =	ssyncset.done $0x0  }
0x102: {  	v5 =	vnsel vm1, $0x0, v6;
	[sflag:s8] =	ssyncadd.s32 $0xFFFFE000  }
0x103: {  	s28 =	simm.s32 $0x0;
	s29 =	simm.s32 $0x0;
	v4 =	vadd.f32 v5, v4;
	v5 =	vld.idx.msk [tilespmem:v8+s21+$0x0], $0xffff  }
.LBB2_9:
0x104: {  	s30 =	smul.u32 $0x1E0, s29;
	_ =	sdelay $0x1  }
0x105: {  	v8 =	vld [tilespmem:s30+$0x18000]  }
0x106: {  	v6 =	vld [tilespmem:s30+$0x18010]  }
0x107: {  	v10 =	vld [tilespmem:s30+$0x18020]  }
0x108: {  	s0 =	sshll.u32 s29, $0x7;
	v13 =	vld [tilespmem:s30+$0x18030]  }
0x109: {  	s2 =	sadd.s32 $0xC000, s0;
	v15 =	vld [tilespmem:s30+$0x18040]  }
0x10a: {  	s3 =	sand.u32 $0x1C00, s28;
	s19 =	sadd.s32 $0xE000, s0;
	[dreg:$0x9] =	wrdreg s2;
	v9 =	vld [tilespmem:s30+$0x18060]  }
0x10b: {  	s9 =	sand.u32 $0x60, s28;
	s24 =	sadd.s32 $0x10000, s0;
	[dreg:$0xa] =	wrdreg s19;
	v11 =	vld [tilespmem:s30+$0x18070]  }
0x10c: {  	s7 =	sadd.s32 $0x12000, s0;
	s10 =	sor.u32 s0, s3;
	[dreg:$0xb] =	wrdreg s24;
	v14 =	vld [tilespmem:s30+$0x18090]  }
0x10d: {  	[dreg:$0xc] =	wrdreg s7;
	s13 =	sor.u32 s9, s10;
	v19 =	vld [tilespmem:s30+$0x180A0]  }
0x10e: {  	v16 =	vld [tilespmem:s13+$0xA000]  }
0x10f: {  	s25 =	rddreg [dreg:$0x9];
	v17 =	vld [tilespmem:s13+$0x16000];
	s13 =	sor.u32 $0x10, s9  }
0x110: {  	v20 =	vld [tilespmem:s30+$0x180C0];
	s14 =	sadd.s32 s3, s25;
	s24 =	sor.u32 s13, s10  }
0x111: {  	s17 =	sadd.s32 s9, s14;
	v28 =	vld [tilespmem:s24+$0x16000]  }
0x112: {  	s15 =	rddreg [dreg:$0xa];
	s19 =	sadd.s32 s13, s14;
	v18 =	vld [tilespmem:s17+$0x0]  }
0x113: {  	s18 =	rddreg [dreg:$0xb];
	v24 =	vld [tilespmem:s19+$0x0]  }
0x114: {  	s31 =	sand.u32 $0xFE0, s30;
	v22 =	vld [tilespmem:s30+$0x180D0];
	s2 =	sadd.s32 s3, s15;
	s17 =	rddreg [dreg:$0xc]  }
0x115: {  	v12 =	vld [tilespmem:s31+$0x18080];
	s7 =	sadd.s32 s3, s18;
	s15 =	sadd.s32 s9, s2;
	s3 =	sadd.s32 s3, s17;
	v16 =	vadd.f32 v16, v17  }
0x116: {  	s25 =	sadd.s32 s9, s7;
	v21 =	vld [tilespmem:s15+$0x0];
	s9 =	sadd.s32 s9, s3;
	s3 =	sadd.s32 s13, s3  }
0x117: {  	v41 =	vld [tilespmem:s3+$0x0];
	v25 =	vmin.f32 v8, v16;
	v29 =	vmax.f32 v8, v16;
	v18 =	vadd.f32 v18, v17  }
0x118: {  	v23 =	vld [tilespmem:s30+$0x180E0];
	v27 =	vmin.f32 v6, v25;
	v25 =	vmax.f32 v6, v25;
	v24 =	vadd.f32 v24, v28  }
0x119: {  	v35 =	vld [tilespmem:s30+$0x180B0];
	v33 =	vmin.f32 v10, v27;
	v27 =	vmax.f32 v10, v27;
	v26 =	vmin.f32 v9, v18  }
0x11a: {  	v39 =	vmin.f32 v13, v33;
	v30 =	vmax.f32 v11, v26;
	v11 =	vmin.f32 v11, v26;
	v26 =	vld [tilespmem:s25+$0x0]  }
0x11b: {  	v31 =	vmax.f32 v12, v11;
	v11 =	vmin.f32 v12, v11;
	v12 =	vadd.f32 v21, v17;
	v21 =	vld [tilespmem:s9+$0x0]  }
0x11c: {  	v34 =	vld [tilespmem:s31+$0x18180];
	s7 =	sadd.s32 s13, s7;
	v9 =	vmax.f32 v9, v18;
	v43 =	vmin.f32 v15, v39;
	v41 =	vadd.f32 v41, v28  }
0x11d: {  	v37 =	vld [tilespmem:s7+$0x0];
	v18 =	vmin.f32 v14, v11;
	v6 =	vmax.f32 v20, v12;
	v20 =	vmin.f32 v20, v12  }
0x11e: {  	v40 =	vld [tilespmem:s30+$0x18120];
	v12 =	vmax.f32 v19, v18;
	v18 =	vmin.f32 v19, v18;
	v36 =	vmin.f32 v22, v20  }
0x11f: {  	v14 =	vmax.f32 v14, v11;
	v10 =	vmax.f32 v35, v18;
	v8 =	vmax.f32 v23, v36  }
0x120: {  	v32 =	vld [tilespmem:s30+$0x18050];
	v38 =	vadd.f32 v26, v17;
	v16 =	vadd.f32 v21, v17;
	v17 =	vmin.f32 v9, v24  }
0x121: {  	v26 =	vld [tilespmem:s30+$0x18190];
	v9 =	vmax.f32 v9, v24;
	v11 =	vmax.f32 v30, v17;
	v17 =	vmin.f32 v30, v17  }
0x122: {  	v42 =	vld [tilespmem:s30+$0x181A0];
	v30 =	vadd.f32 v37, v28;
	v44 =	vmax.f32 v34, v16;
	v24 =	vmin.f32 v31, v17  }
0x123: {  	v47 =	vld [tilespmem:s30+$0x180F0];
	v45 =	vmin.f32 v34, v16;
	v16 =	vmax.f32 v31, v17;
	v34 =	vmax.f32 v40, v38  }
0x124: {  	v57 =	vld [tilespmem:s30+$0x18140];
	v31 =	vmax.f32 v13, v33;
	v46 =	vmin.f32 v14, v24;
	v14 =	vmax.f32 v14, v24  }
0x125: {  	v19 =	vld [tilespmem:s30+$0x18130];
	v24 =	vmax.f32 v32, v43;
	v18 =	vmin.f32 v34, v30;
	v13 =	vmax.f32 v44, v41  }
0x126: {  	v58 =	vld [tilespmem:s30+$0x18150];
	v41 =	vmin.f32 v44, v41;
	v17 =	vmin.f32 v12, v46;
	v21 =	vmax.f32 v26, v45  }
0x127: {  	v56 =	vld [tilespmem:s31+$0x18100];
	v45 =	vmin.f32 v26, v45;
	v12 =	vmax.f32 v12, v46;
	v26 =	vmax.f32 v15, v39  }
0x128: {  	v59 =	vld [tilespmem:s30+$0x18110];
	v15 =	vmin.f32 v23, v36;
	v23 =	vmin.f32 v40, v38;
	v39 =	vmax.f32 v22, v20  }
0x129: {  	v32 =	vmax.f32 v42, v45;
	v10 =	vmax.f32 v10, v17;
	v17 =	vld [tilespmem:s30+$0x18160];
	v60 =	vmin.f32 v47, v15  }
0x12a: {  	s2 =	sadd.s32 s13, s2;
	v40 =	vmax.f32 v19, v23;
	v19 =	vmin.f32 v19, v23;
	v23 =	vld [tilespmem:s24+$0xA000];
	v38 =	vmax.f32 v47, v15  }
0x12b: {  	v22 =	vld [tilespmem:s2+$0x0];
	v43 =	vmin.f32 v42, v45;
	v20 =	vmax.f32 v57, v19;
	v19 =	vmin.f32 v57, v19  }
0x12c: {  	v61 =	vmin.f32 v56, v60;
	v49 =	vmin.f32 v40, v18;
	v36 =	vmax.f32 v56, v60  }
0x12d: {  	v50 =	vld [tilespmem:s30+$0x18170];
	v48 =	vmax.f32 v58, v19;
	v19 =	vmin.f32 v58, v19;
	v62 =	vmin.f32 v20, v49  }
0x12e: {  	v35 =	vmax.f32 v59, v61;
	v51 =	vmin.f32 v48, v62;
	v63 =	vmax.f32 v17, v19  }
0x12f: {  	v52 =	vmin.f32 v17, v19;
	v17 =	vmax.f32 v20, v49;
	v37 =	vadd.f32 v23, v28;
	v20 =	vld [tilespmem:s30+$0x181B0]  }
0x130: {  	v42 =	vadd.f32 v22, v28;
	v22 =	vmax.f32 v48, v62;
	v23 =	vmax.f32 v40, v18  }
0x131: {  	v19 =	vld [tilespmem:s30+$0x181C0];
	v40 =	vmin.f32 v21, v41;
	v15 =	vmax.f32 v63, v51;
	v45 =	vmin.f32 v29, v37  }
0x132: {  	s14 =	simm.s32 $0x20;
	s13 =	simm.s32 $0x100;
	s2 =	simm.s32 $0x0;
	v18 =	vld [tilespmem:s30+$0x181D0];
	v33 =	vmin.f32 v63, v51;
	v28 =	vmax.f32 v50, v52;
	v44 =	vmin.f32 v25, v45  }
.LBB2_10:
0x133: {  	s3 =	sand.u32 $0x1C00, s13;
	v29 =	vmax.f32 v29, v37;
	v37 =	vmax.f32 v34, v30;
	v28 =	vmax.f32 v28, v33  }
0x134: {  	s9 =	sand.u32 $0x60, s14;
	v30 =	vmax.f32 v20, v43;
	v25 =	vmax.f32 v25, v45;
	v33 =	vmax.f32 v32, v40;
	s10 =	sor.u32 s0, s3  }
0x135: {  	s7 =	rddreg [dreg:$0x9];
	v20 =	vmin.f32 v20, v43;
	v53 =	vmin.f32 v6, v42;
	v54 =	vmin.f32 v32, v40;
	s17 =	sor.u32 s9, s10  }
0x136: {  	s15 =	rddreg [dreg:$0xc];
	v45 =	vmax.f32 v27, v44;
	v32 =	vmax.f32 v21, v41;
	v57 =	vmax.f32 v6, v42;
	s7 =	sadd.s32 s3, s7;
	v55 =	vld [tilespmem:s17+$0xA000]  }
0x137: {  	s18 =	rddreg [dreg:$0xa];
	v27 =	vmin.f32 v27, v44;
	s24 =	sor.u32 $0x10, s9;
	v46 =	vmin.f32 v39, v53;
	v47 =	vmin.f32 v30, v54;
	s25 =	sadd.s32 s9, s7;
	v48 =	vld [tilespmem:s17+$0x16000]  }
0x138: {  	s19 =	rddreg [dreg:$0xb];
	s15 =	sadd.s32 s3, s15;
	v49 =	vmax.f32 v19, v20;
	v19 =	vmin.f32 v19, v20;
	v20 =	vmax.f32 v30, v54;
	s10 =	sor.u32 s24, s10;
	v56 =	vld [tilespmem:s25+$0x0]  }
0x139: {  	v18 =	vmax.f32 v18, v19;
	v19 =	vmin.f32 v8, v46;
	v21 =	vmin.f32 v49, v47;
	s17 =	sadd.s32 s3, s18;
	s18 =	sadd.s32 s9, s15;
	s15 =	sadd.s32 s24, s15;
	v51 =	vld [tilespmem:s10+$0x16000]  }
0x13a: {  	s3 =	sadd.s32 s3, s19;
	v30 =	vmin.f32 v38, v19;
	v38 =	vmax.f32 v38, v19;
	v19 =	vmax.f32 v49, v47;
	v47 =	vld [tilespmem:s15+$0x0]  }
0x13b: {  	v39 =	vmax.f32 v39, v53;
	v44 =	vmax.f32 v31, v27;
	v27 =	vmin.f32 v31, v27;
	s25 =	sadd.s32 s9, s17;
	s9 =	sadd.s32 s9, s3;
	v52 =	vld [tilespmem:s18+$0x0]  }
0x13c: {  	v43 =	vmax.f32 v8, v46;
	v58 =	vmin.f32 v26, v27;
	v26 =	vmax.f32 v26, v27;
	v61 =	vld [tilespmem:s9+$0x0]  }
0x13d: {  	v18 =	vmax.f32 v18, v21;
	v24 =	vmax.f32 v24, v58;
	v21 =	vadd.f32 v55, v48  }
0x13e: {  	v50 =	vmin.f32 v36, v30;
	v36 =	vmax.f32 v36, v30;
	v6 =	vld [tilespmem:s25+$0x0];
	v8 =	vadd.f32 v56, v48  }
0x13f: {  	v35 =	vmax.f32 v35, v50;
	v47 =	vadd.f32 v47, v51;
	v31 =	vmin.f32 v29, v21  }
0x140: {  	v59 =	vmin.f32 v9, v8;
	v9 =	vmax.f32 v9, v8;
	v29 =	vmax.f32 v29, v21  }
0x141: {  	s7 =	sadd.s32 s24, s7;
	v50 =	vadd.f32 v61, v48;
	v21 =	vadd.f32 v52, v48;
	v49 =	vmin.f32 v25, v31  }
0x142: {  	v30 =	vld [tilespmem:s7+$0x0];
	v60 =	vmax.f32 v11, v59;
	v11 =	vmin.f32 v11, v59;
	v25 =	vmax.f32 v25, v31  }
0x143: {  	v27 =	vmax.f32 v16, v11;
	v11 =	vmin.f32 v16, v11;
	v16 =	vadd.f32 v6, v48  }
0x144: {  	s17 =	sadd.s32 s24, s17;
	v53 =	vmin.f32 v45, v49;
	v46 =	vmax.f32 v13, v21;
	v13 =	vmin.f32 v13, v21  }
0x145: {  	v41 =	vld [tilespmem:s17+$0x0];
	v54 =	vmin.f32 v14, v11;
	v56 =	vmin.f32 v44, v53;
	v14 =	vmax.f32 v14, v11  }
0x146: {  	v21 =	vmax.f32 v32, v13;
	v6 =	vmax.f32 v57, v16;
	v42 =	vmin.f32 v57, v16  }
0x147: {  	s3 =	sadd.s32 s24, s3;
	v31 =	vmax.f32 v12, v54;
	v16 =	vadd.f32 v30, v51;
	v63 =	vmin.f32 v26, v56  }
0x148: {  	v34 =	vld [tilespmem:s3+$0x0];
	v54 =	vmin.f32 v12, v54;
	v26 =	vmax.f32 v26, v56;
	v55 =	vmin.f32 v39, v42  }
0x149: {  	v24 =	vmax.f32 v24, v63;
	v10 =	vmax.f32 v10, v54;
	v39 =	vmax.f32 v39, v42  }
0x14a: {  	v42 =	vadd.f32 v41, v51;
	v41 =	vmin.f32 v46, v47;
	v30 =	vmin.f32 v9, v16  }
0x14b: {  	v8 =	vmax.f32 v43, v55;
	v11 =	vmax.f32 v60, v30;
	v30 =	vmin.f32 v60, v30  }
0x14c: {  	v9 =	vmax.f32 v9, v16;
	v43 =	vmin.f32 v43, v55;
	v62 =	vmin.f32 v27, v30  }
0x14d: {  	v16 =	vmax.f32 v27, v30;
	v30 =	vadd.f32 v34, v51;
	v27 =	vmax.f32 v45, v49  }
0x14e: {  	v34 =	vmax.f32 v37, v50;
	v45 =	vmin.f32 v32, v13;
	v37 =	vmin.f32 v37, v50  }
0x14f: {  	v13 =	vmax.f32 v46, v47;
	v57 =	vmin.f32 v14, v62;
	v14 =	vmax.f32 v14, v62  }
0x150: {  	v32 =	vmax.f32 v33, v45;
	v58 =	vmin.f32 v31, v57;
	v12 =	vmax.f32 v31, v57  }
0x151: {  	v56 =	vmin.f32 v34, v30;
	v31 =	vmax.f32 v44, v53;
	v57 =	vmin.f32 v38, v43  }
0x152: {  	v40 =	vld [tilespmem:s10+$0xA000];
	v10 =	vmax.f32 v10, v58;
	v58 =	vmax.f32 v23, v37;
	v23 =	vmin.f32 v23, v37  }
0x153: {  	v38 =	vmax.f32 v38, v43;
	v43 =	vmin.f32 v33, v45;
	v37 =	vmax.f32 v17, v23  }
0x154: {  	s2 =	sadd.s32 $0x2, s2;
	v17 =	vmin.f32 v17, v23;
	v23 =	vmin.f32 v36, v57;
	v60 =	vmin.f32 v58, v56  }
0x155: {  	p4 =	slt.u32 s2, $0x3E;
	v36 =	vmax.f32 v36, v57;
	v59 =	vmax.f32 v22, v17;
	v17 =	vmin.f32 v22, v17  }
.Ltmp5:
0x156: {  	v22 =	vmin.f32 v37, v60;
	v35 =	vmax.f32 v35, v23;
	v61 =	vmax.f32 v15, v17;
	(pc) =	sbr.rel @p4 .LBB2_10-.Ltmp5, $4  }
0x157: {  	v63 =	vmin.f32 v15, v17;
	v17 =	vmax.f32 v37, v60;
	v37 =	vadd.f32 v40, v51  }
0x158: {  	v23 =	vmax.f32 v58, v56;
	v62 =	vmin.f32 v59, v22;
	v40 =	vmin.f32 v21, v41  }
0x159: {  	v22 =	vmax.f32 v59, v22;
	v15 =	vmax.f32 v61, v62;
	v45 =	vmin.f32 v29, v37  }
0x15a: {  	s13 =	sadd.s32 $0x100, s13;
	s14 =	sadd.s32 $0x20, s14;
	v33 =	vmin.f32 v61, v62;
	v28 =	vmax.f32 v28, v63;
	v44 =	vmin.f32 v25, v45  }
0x15b: {  	[tilespmem:s30+$0x18060] =	vst v9  }
0x15c: {  	v29 =	vmax.f32 v29, v37;
	[tilespmem:s30+$0x18070] =	vst v11  }
0x15d: {  	v25 =	vmax.f32 v25, v45;
	[tilespmem:s30+$0x18000] =	vst v29  }
0x15e: {  	v50 =	vmax.f32 v27, v44;
	v51 =	vmin.f32 v27, v44;
	[tilespmem:s30+$0x18010] =	vst v25  }
0x15f: {  	v52 =	vmax.f32 v31, v51;
	v27 =	vmin.f32 v31, v51;
	[tilespmem:s30+$0x18020] =	vst v50  }
0x160: {  	v53 =	vmin.f32 v26, v27;
	v54 =	vmax.f32 v26, v27;
	[tilespmem:s30+$0x18030] =	vst v52  }
0x161: {  	v24 =	vmax.f32 v24, v53;
	[tilespmem:s30+$0x18040] =	vst v54  }
0x162: {  	[tilespmem:s30+$0x18050] =	vst v24  }
0x163: {  	[tilespmem:s31+$0x18080] =	vst v16  }
0x164: {  	[tilespmem:s30+$0x18090] =	vst v14  }
0x165: {  	[tilespmem:s30+$0x180A0] =	vst v12  }
0x166: {  	v55 =	vmin.f32 v6, v42;
	v6 =	vmax.f32 v6, v42;
	[tilespmem:s30+$0x180B0] =	vst v10  }
0x167: {  	v56 =	vmin.f32 v39, v55;
	v9 =	vmax.f32 v39, v55;
	[tilespmem:s30+$0x180C0] =	vst v6  }
0x168: {  	v6 =	vmin.f32 v8, v56;
	v8 =	vmax.f32 v8, v56;
	[tilespmem:s30+$0x180D0] =	vst v9  }
0x169: {  	v57 =	vmin.f32 v38, v6;
	v6 =	vmax.f32 v38, v6;
	[tilespmem:s30+$0x180E0] =	vst v8  }
0x16a: {  	v8 =	vmin.f32 v36, v57;
	v9 =	vmax.f32 v36, v57;
	[tilespmem:s30+$0x180F0] =	vst v6  }
0x16b: {  	v6 =	vmax.f32 v35, v8;
	[tilespmem:s31+$0x18100] =	vst v9  }
0x16c: {  	v8 =	vmax.f32 v34, v30;
	[tilespmem:s30+$0x18110] =	vst v6  }
0x16d: {  	[tilespmem:s30+$0x18120] =	vst v8  }
0x16e: {  	[tilespmem:s30+$0x18130] =	vst v23  }
0x16f: {  	[tilespmem:s30+$0x18140] =	vst v17  }
0x170: {  	[tilespmem:s30+$0x18150] =	vst v22  }
0x171: {  	v6 =	vmax.f32 v28, v33;
	[tilespmem:s30+$0x18160] =	vst v15  }
0x172: {  	s29 =	sadd.s32 $0x1, s29;
	[tilespmem:s30+$0x18170] =	vst v6  }
0x173: {  	v58 =	vmax.f32 v21, v41;
	v59 =	vmax.f32 v32, v40;
	v60 =	vmin.f32 v20, v43;
	p4 =	sne.s32 s29, $0x8;
	[tilespmem:s31+$0x18180] =	vst v13  }
.Ltmp6:
0x174: {  	v62 =	vmax.f32 v19, v60;
	v8 =	vmin.f32 v32, v40;
	v6 =	vmax.f32 v20, v43;
	[tilespmem:s30+$0x18190] =	vst v58;
	(pc) =	sbr.rel @p4 .LBB2_9-.Ltmp6, $4  }
0x175: {  	v11 =	vmin.f32 v19, v60;
	v61 =	vmin.f32 v6, v8;
	v6 =	vmax.f32 v6, v8;
	[tilespmem:s30+$0x181A0] =	vst v59  }
0x176: {  	v8 =	vmax.f32 v18, v11;
	v63 =	vmin.f32 v62, v61;
	v9 =	vmax.f32 v62, v61;
	[tilespmem:s30+$0x181B0] =	vst v6  }
0x177: {  	v6 =	vmax.f32 v8, v63;
	[tilespmem:s30+$0x181C0] =	vst v9  }
0x178: {  	[tilespmem:s30+$0x181D0] =	vst v6  }
.Ltmp7:
0x179: {  	vm1 =	vlt.u32 v7, $0x400;
	(pc) =	sbr.rel @p3 .LBB2_14-.Ltmp7, $3  }
0x17a: {  	vm1 =	vmand vm1, vm0  }
0x17b: {  	v5 =	vnsel vm1, $0x0, v5  }
0x17c: {  	v4 =	vadd.f32 v5, v4;
	_ =	sdelay $0x1  }
0x17d: {  	s0 =	sshll.u32 s26, $0xD  }
0x17e: {  	s0 =	sadd.s32 s0, s12  }
0x17f: {  	s0 =	sshrl.u32 s0, $0x3  }
0x180: {  	s3 =	simm.s32 $0xA000;
	s2 =	sadd.s32 s4, s0  }
0x181: {  	[tilespmem:s3], [sflag:$0x2] =	stream.linear.gather [hbm4b:s2+s5], $0x2000, $0x38;
	[tilespmem:$0x19000] =	vst v63  }
0x182: {  	s7 =	simm.s32 $0xC000;
	s26 =	sadd.s32 $0xC3800, s2  }
0x183: {  	[tilespmem:s7], [sflag:$0x2] =	stream.linear.gather [hbm4b:s26+s5], $0x2000, $0x38;
	[tilespmem:$0x19000] =	vst v63  }
0x184: {  	s29 =	simm.s32 $0xE000;
	s28 =	sadd.s32 $0x187000, s2  }
0x185: {  	[tilespmem:s29], [sflag:$0x2] =	stream.linear.gather [hbm4b:s28+s5], $0x2000, $0x38;
	[tilespmem:$0x19000] =	vst v63  }
0x186: {  	s31 =	simm.s32 $0x10000;
	s30 =	sadd.s32 $0x24A800, s2  }
0x187: {  	[tilespmem:s31], [sflag:$0x2] =	stream.linear.gather [hbm4b:s30+s5], $0x2000, $0x38;
	[tilespmem:$0x19000] =	vst v63  }
.Ltmp8:
0x188: {  	_ = 	snop;
	(pc) =	sbr.rel .LBB2_4-.Ltmp8, $4  }
0x189: {  	s2 =	sadd.s32 $0x30E000, s2  }
0x18a: {  	[tilespmem:s20], [sflag:$0x2] =	stream.linear.gather [hbm4b:s2+s5], $0x2000, $0x38;
	[tilespmem:$0x19000] =	vst v63  }
0x18b: {  	s16 =	sadd.s32 $0x1, s16;
	s0 =	sadd.s32 s1, s0  }
0x18c: {  	[tilespmem:s21], [sflag:$0x2] =	stream.linear.gather [hbm4b:s0+s5], $0x2000, $0x38;
	[tilespmem:$0x19000] =	vst v63  }
.LBB2_14:
.Ltmp9:
0x18d: {  	(pc) =	sbr.rel @p0 .LBB2_21-.Ltmp9, $1  }
0x18e: {  	_ =	sdelay $0x3  }
.Ltmp10:
0x18f: {  	(pc) =	sbr.rel @p2 .LBB2_27-.Ltmp10, $2  }
0x190: {  	_ =	sdelay $0x2  }
0x191: {  	s3 =	simm.s32 $0x3;
	s30 =	sld [smem:$0x7ED]  }
0x192: {  	s0 =	sld [smem:$0x7F2];
	_ =	sdelay $0x1  }
0x193: {  	s16 =	simm.s32 $0x0;
	s18 =	sld [smem:$0x7EE]  }
0x194: {  	[tilespmem:s16], [sflag:$0x1] =	stream.linear.gather [hbm4b:s0+s16], $0x2000, $0x38;
	[tilespmem:$0x19000] =	vst v63  }
0x195: {  	s2 =	simm.s32 $0x2000;
	s19 =	sld [smem:$0x7EF]  }
0x196: {  	[tilespmem:s2], [sflag:$0x1] =	stream.linear.gather [hbm4b:s18+s16], $0x2000, $0x38;
	[tilespmem:$0x19000] =	vst v63  }
0x197: {  	s24 =	simm.s32 $0x4000;
	s25 =	sld [smem:$0x7F0]  }
0x198: {  	[tilespmem:s24], [sflag:$0x1] =	stream.linear.gather [hbm4b:s19+s16], $0x2000, $0x38;
	[tilespmem:$0x19000] =	vst v63  }
0x199: {  	s26 =	simm.s32 $0x6000;
	s28 =	sld [smem:$0x7F1]  }
0x19a: {  	[tilespmem:s26], [sflag:$0x1] =	stream.linear.gather [hbm4b:s25+s16], $0x2000, $0x38;
	[tilespmem:$0x19000] =	vst v63  }
0x19b: {  	s29 =	simm.s32 $0x8000;
	s31 =	sld [smem:$0x7F3]  }
0x19c: {  	[tilespmem:s29], [sflag:$0x1] =	stream.linear.gather [hbm4b:s28+s16], $0x2000, $0x38;
	[tilespmem:$0x19000] =	vst v63  }
0x19d: {  	_ = 	snop  }
0x19e: {  	[tilespmem:s23], [sflag:$0x1] =	stream.linear.gather [hbm4b:s31+s16], $0x2000, $0x38;
	[tilespmem:$0x19000] =	vst v63  }
0x19f: {  	_ =	swait.ge [sflag:s22], $0x2000  }
0x1a0: {  	[sflag:s22] =	ssyncset.done $0x0  }
0x1a1: {  	[sflag:s22] =	ssyncadd.s32 $0xFFFFE000  }
0x1a2: {  	_ =	swait.ge [sflag:s22], $0x2000  }
0x1a3: {  	[sflag:s22] =	ssyncset.done $0x0  }
0x1a4: {  	[sflag:s22] =	ssyncadd.s32 $0xFFFFE000  }
0x1a5: {  	v5 =	vadd.s32 $0xFFFE8000, v3;
	_ =	swait.ge [sflag:s22], $0x2000  }
0x1a6: {  	vm1 =	vgt.s32 v5, $0x0;
	[sflag:s22] =	ssyncset.done $0x0  }
0x1a7: {  	v5 =	vnsel vm1, $0x0, v5;
	[sflag:s22] =	ssyncadd.s32 $0xFFFFE000  }
0x1a8: {  	v5 =	vmin.u32 v5, $0x3FF;
	_ =	swait.ge [sflag:s22], $0x2000  }
0x1a9: {  	v6 =	vshll.u32 v5, $0x3;
	[sflag:s22] =	ssyncset.done $0x0  }
0x1aa: {  	v5 =	vand.u32 $0x7F, v5;
	v6 =	vand.u32 $0x1C00, v6;
	[sflag:s22] =	ssyncadd.s32 $0xFFFFE000  }
0x1ab: {  	v5 =	vor.u32 v6, v5;
	_ =	swait.ge [sflag:s22], $0x2000  }
0x1ac: {  	v5 =	vor.u32 v2, v5;
	[sflag:s22] =	ssyncset.done $0x0  }
0x1ad: {  	[sflag:s22] =	ssyncadd.s32 $0xFFFFE000  }
0x1ae: {  	_ =	swait.ge [sflag:s22], $0x2000  }
0x1af: {  	[sflag:s22] =	ssyncset.done $0x0  }
0x1b0: {  	[sflag:s22] =	ssyncadd.s32 $0xFFFFE000  }
0x1b1: {  	s26 =	simm.s32 $0x0;
	v5 =	vld.idx.msk [tilespmem:v5+s23+$0x0], $0xffff  }
.LBB2_17:
0x1b2: {  	s28 =	smul.u32 $0x1E0, s26;
	_ =	sdelay $0x1  }
0x1b3: {  	v7 =	vld [tilespmem:s28+$0x18000]  }
0x1b4: {  	v6 =	vld [tilespmem:s28+$0x18010]  }
0x1b5: {  	v9 =	vld [tilespmem:s28+$0x18020]  }
0x1b6: {  	s0 =	sshll.u32 s26, $0x7;
	v12 =	vld [tilespmem:s28+$0x18030]  }
0x1b7: {  	s2 =	sadd.s32 $0x2000, s0;
	v14 =	vld [tilespmem:s28+$0x18040]  }
0x1b8: {  	s3 =	sand.u32 $0x1C00, s16;
	s10 =	sadd.s32 $0x4000, s0;
	[dreg:$0xd] =	wrdreg s2;
	v8 =	vld [tilespmem:s28+$0x18060]  }
0x1b9: {  	s9 =	sand.u32 $0x60, s16;
	s13 =	sadd.s32 $0x6000, s0;
	[dreg:$0xe] =	wrdreg s10;
	v10 =	vld [tilespmem:s28+$0x18070]  }
0x1ba: {  	s7 =	sadd.s32 $0x8000, s0;
	[dreg:$0xf] =	wrdreg s13;
	s10 =	sor.u32 s0, s3;
	v13 =	vld [tilespmem:s28+$0x18090]  }
0x1bb: {  	[dreg:$0x10] =	wrdreg s7;
	v18 =	vld [tilespmem:s28+$0x180A0];
	s15 =	sor.u32 s9, s10  }
0x1bc: {  	s13 =	sor.u32 $0x10, s9;
	s14 =	rddreg [dreg:$0xd];
	v15 =	vld [tilespmem:s15+$0x0]  }
0x1bd: {  	s17 =	rddreg [dreg:$0xe];
	s25 =	sor.u32 s13, s10;
	s14 =	sadd.s32 s3, s14;
	v16 =	vld [tilespmem:s15+$0x14000]  }
0x1be: {  	s19 =	rddreg [dreg:$0xf];
	v27 =	vld [tilespmem:s25+$0x14000];
	s18 =	sadd.s32 s9, s14  }
0x1bf: {  	s2 =	sadd.s32 s3, s17;
	s17 =	rddreg [dreg:$0x10];
	s24 =	sadd.s32 s13, s14;
	v17 =	vld [tilespmem:s18+$0x0]  }
0x1c0: {  	s7 =	sadd.s32 s3, s19;
	s15 =	sadd.s32 s9, s2;
	s3 =	sadd.s32 s3, s17;
	v23 =	vld [tilespmem:s24+$0x0]  }
0x1c1: {  	v19 =	vld [tilespmem:s28+$0x180C0];
	s31 =	sadd.s32 s9, s7;
	s9 =	sadd.s32 s9, s3;
	s3 =	sadd.s32 s13, s3  }
0x1c2: {  	s29 =	sand.u32 $0xFE0, s28;
	v40 =	vld [tilespmem:s3+$0x0]  }
0x1c3: {  	v11 =	vld [tilespmem:s29+$0x18080];
	v15 =	vadd.f32 v15, v16  }
0x1c4: {  	v20 =	vld [tilespmem:s15+$0x0]  }
0x1c5: {  	v21 =	vld [tilespmem:s28+$0x180D0];
	v17 =	vadd.f32 v17, v16;
	v24 =	vmin.f32 v7, v15;
	v23 =	vadd.f32 v23, v27  }
0x1c6: {  	v22 =	vld [tilespmem:s28+$0x180E0];
	v28 =	vmax.f32 v7, v15;
	v26 =	vmin.f32 v6, v24;
	v24 =	vmax.f32 v6, v24  }
0x1c7: {  	v34 =	vld [tilespmem:s28+$0x180B0];
	v40 =	vadd.f32 v40, v27;
	v25 =	vmin.f32 v8, v17;
	v32 =	vmin.f32 v9, v26  }
0x1c8: {  	v29 =	vmax.f32 v10, v25;
	v10 =	vmin.f32 v10, v25;
	v25 =	vld [tilespmem:s31+$0x0];
	v38 =	vmin.f32 v12, v32  }
0x1c9: {  	v30 =	vmax.f32 v11, v10;
	v10 =	vmin.f32 v11, v10;
	v11 =	vadd.f32 v20, v16;
	v20 =	vld [tilespmem:s9+$0x0]  }
0x1ca: {  	v33 =	vld [tilespmem:s29+$0x18180];
	s7 =	sadd.s32 s13, s7;
	v8 =	vmax.f32 v8, v17;
	v26 =	vmax.f32 v9, v26;
	v42 =	vmin.f32 v14, v38  }
0x1cb: {  	v36 =	vld [tilespmem:s7+$0x0];
	v17 =	vmin.f32 v13, v10;
	v6 =	vmax.f32 v19, v11;
	v19 =	vmin.f32 v19, v11  }
0x1cc: {  	v39 =	vld [tilespmem:s28+$0x18120];
	v11 =	vmax.f32 v18, v17;
	v17 =	vmin.f32 v18, v17;
	v35 =	vmin.f32 v21, v19  }
0x1cd: {  	v31 =	vld [tilespmem:s28+$0x18050];
	v13 =	vmax.f32 v13, v10;
	v9 =	vmax.f32 v34, v17;
	v7 =	vmax.f32 v22, v35  }
0x1ce: {  	v41 =	vld [tilespmem:s28+$0x181A0];
	v37 =	vadd.f32 v25, v16;
	v15 =	vadd.f32 v20, v16;
	v16 =	vmin.f32 v8, v23  }
0x1cf: {  	v25 =	vld [tilespmem:s28+$0x18190];
	v8 =	vmax.f32 v8, v23;
	v10 =	vmax.f32 v29, v16;
	v16 =	vmin.f32 v29, v16  }
0x1d0: {  	v46 =	vld [tilespmem:s28+$0x180F0];
	v29 =	vadd.f32 v36, v27;
	v43 =	vmax.f32 v33, v15;
	v23 =	vmin.f32 v30, v16  }
0x1d1: {  	v57 =	vld [tilespmem:s28+$0x18140];
	v44 =	vmin.f32 v33, v15;
	v15 =	vmax.f32 v30, v16;
	v33 =	vmax.f32 v39, v37  }
0x1d2: {  	v58 =	vld [tilespmem:s28+$0x18150];
	v30 =	vmax.f32 v12, v32;
	v45 =	vmin.f32 v13, v23;
	v13 =	vmax.f32 v13, v23  }
0x1d3: {  	v18 =	vld [tilespmem:s28+$0x18130];
	v23 =	vmax.f32 v31, v42;
	v17 =	vmin.f32 v33, v29;
	v12 =	vmax.f32 v43, v40  }
0x1d4: {  	v59 =	vld [tilespmem:s28+$0x18110];
	v40 =	vmin.f32 v43, v40;
	v16 =	vmin.f32 v11, v45;
	v20 =	vmax.f32 v25, v44  }
0x1d5: {  	v56 =	vld [tilespmem:s29+$0x18100];
	s2 =	sadd.s32 s13, s2;
	v44 =	vmin.f32 v25, v44;
	v11 =	vmax.f32 v11, v45;
	v25 =	vmax.f32 v14, v38  }
0x1d6: {  	v14 =	vmin.f32 v22, v35;
	v22 =	vmin.f32 v39, v37;
	v38 =	vmax.f32 v21, v19;
	v21 =	vld [tilespmem:s2+$0x0]  }
0x1d7: {  	v31 =	vmax.f32 v41, v44;
	v9 =	vmax.f32 v9, v16;
	v16 =	vld [tilespmem:s28+$0x18160];
	v60 =	vmin.f32 v46, v14  }
0x1d8: {  	v39 =	vmax.f32 v18, v22;
	v18 =	vmin.f32 v18, v22;
	v22 =	vld [tilespmem:s25+$0x0];
	v37 =	vmax.f32 v46, v14  }
0x1d9: {  	v42 =	vmin.f32 v41, v44;
	v19 =	vmax.f32 v57, v18;
	v18 =	vmin.f32 v57, v18  }
0x1da: {  	v61 =	vmin.f32 v56, v60;
	v48 =	vmin.f32 v39, v17;
	v35 =	vmax.f32 v56, v60  }
0x1db: {  	v49 =	vld [tilespmem:s28+$0x18170];
	v47 =	vmax.f32 v58, v18;
	v18 =	vmin.f32 v58, v18;
	v62 =	vmin.f32 v19, v48  }
0x1dc: {  	v34 =	vmax.f32 v59, v61;
	v50 =	vmin.f32 v47, v62;
	v41 =	vadd.f32 v21, v27  }
0x1dd: {  	v21 =	vmax.f32 v47, v62;
	v63 =	vmax.f32 v16, v18;
	v36 =	vadd.f32 v22, v27  }
0x1de: {  	v51 =	vmin.f32 v16, v18;
	v16 =	vmax.f32 v19, v48;
	v19 =	vld [tilespmem:s28+$0x181B0];
	v22 =	vmax.f32 v39, v17  }
0x1df: {  	v18 =	vld [tilespmem:s28+$0x181C0];
	v39 =	vmin.f32 v20, v40;
	v14 =	vmax.f32 v63, v50;
	v44 =	vmin.f32 v28, v36  }
0x1e0: {  	s14 =	simm.s32 $0x20;
	s13 =	simm.s32 $0x100;
	s2 =	simm.s32 $0x0;
	v17 =	vld [tilespmem:s28+$0x181D0];
	v32 =	vmin.f32 v63, v50;
	v27 =	vmax.f32 v49, v51;
	v43 =	vmin.f32 v24, v44  }
.LBB2_18:
0x1e1: {  	s3 =	sand.u32 $0x1C00, s13  }
0x1e2: {  	s7 =	rddreg [dreg:$0xd];
	v28 =	vmax.f32 v28, v36;
	v36 =	vmax.f32 v33, v29;
	v27 =	vmax.f32 v27, v32;
	s9 =	sand.u32 $0x60, s14;
	s10 =	sor.u32 s0, s3  }
0x1e3: {  	s15 =	rddreg [dreg:$0x10];
	v29 =	vmax.f32 v19, v42;
	v24 =	vmax.f32 v24, v44;
	v32 =	vmax.f32 v31, v39;
	s17 =	sor.u32 s9, s10  }
0x1e4: {  	s18 =	rddreg [dreg:$0xe];
	v19 =	vmin.f32 v19, v42;
	v54 =	vmin.f32 v6, v41;
	v31 =	vmin.f32 v31, v39;
	s7 =	sadd.s32 s3, s7;
	v55 =	vld [tilespmem:s17+$0x0]  }
0x1e5: {  	s19 =	rddreg [dreg:$0xf];
	s24 =	sor.u32 $0x10, s9;
	v45 =	vmin.f32 v38, v54;
	v46 =	vmin.f32 v29, v31;
	v48 =	vmax.f32 v18, v19;
	s31 =	sadd.s32 s9, s7;
	v47 =	vld [tilespmem:s17+$0x14000]  }
0x1e6: {  	s15 =	sadd.s32 s3, s15;
	v18 =	vmin.f32 v18, v19;
	s18 =	sadd.s32 s3, s18;
	v19 =	vmax.f32 v29, v31;
	v31 =	vmax.f32 v20, v40;
	s10 =	sor.u32 s24, s10;
	v56 =	vld [tilespmem:s31+$0x0]  }
0x1e7: {  	s3 =	sadd.s32 s3, s19;
	v17 =	vmax.f32 v17, v18;
	v18 =	vmin.f32 v7, v45;
	v20 =	vmin.f32 v48, v46;
	s31 =	sadd.s32 s9, s15;
	s15 =	sadd.s32 s24, s15;
	v50 =	vld [tilespmem:s10+$0x14000]  }
0x1e8: {  	s25 =	sadd.s32 s9, s18;
	v29 =	vmin.f32 v37, v18;
	s9 =	sadd.s32 s9, s3;
	v37 =	vmax.f32 v37, v18;
	v18 =	vmax.f32 v48, v46;
	v46 =	vld [tilespmem:s15+$0x0]  }
0x1e9: {  	v44 =	vmax.f32 v26, v43;
	v57 =	vmax.f32 v6, v41;
	v26 =	vmin.f32 v26, v43;
	v61 =	vld [tilespmem:s9+$0x0]  }
0x1ea: {  	v38 =	vmax.f32 v38, v54;
	v43 =	vmax.f32 v30, v26;
	v26 =	vmin.f32 v30, v26  }
0x1eb: {  	v42 =	vmax.f32 v7, v45;
	v58 =	vmin.f32 v25, v26;
	v25 =	vmax.f32 v25, v26;
	v51 =	vld [tilespmem:s31+$0x0]  }
0x1ec: {  	v17 =	vmax.f32 v17, v20;
	v23 =	vmax.f32 v23, v58;
	v49 =	vmin.f32 v35, v29  }
0x1ed: {  	v6 =	vld [tilespmem:s25+$0x0];
	v35 =	vmax.f32 v35, v29;
	v20 =	vadd.f32 v55, v47;
	v7 =	vadd.f32 v56, v47  }
0x1ee: {  	v34 =	vmax.f32 v34, v49;
	v49 =	vadd.f32 v61, v47;
	v46 =	vadd.f32 v46, v50  }
0x1ef: {  	v30 =	vmin.f32 v28, v20;
	v59 =	vmin.f32 v8, v7;
	v8 =	vmax.f32 v8, v7  }
0x1f0: {  	s7 =	sadd.s32 s24, s7;
	v28 =	vmax.f32 v28, v20;
	v20 =	vadd.f32 v51, v47;
	v48 =	vmin.f32 v24, v30  }
0x1f1: {  	v29 =	vld [tilespmem:s7+$0x0];
	v60 =	vmax.f32 v10, v59;
	v10 =	vmin.f32 v10, v59;
	v24 =	vmax.f32 v24, v30  }
0x1f2: {  	v26 =	vmax.f32 v15, v10;
	v10 =	vmin.f32 v15, v10;
	v15 =	vadd.f32 v6, v47  }
0x1f3: {  	s17 =	sadd.s32 s24, s18;
	v52 =	vmin.f32 v44, v48;
	v45 =	vmax.f32 v12, v20;
	v12 =	vmin.f32 v12, v20  }
0x1f4: {  	v40 =	vld [tilespmem:s17+$0x0];
	v53 =	vmin.f32 v13, v10;
	v55 =	vmin.f32 v43, v52;
	v13 =	vmax.f32 v13, v10  }
0x1f5: {  	v20 =	vmax.f32 v31, v12;
	v6 =	vmax.f32 v57, v15;
	v41 =	vmin.f32 v57, v15  }
0x1f6: {  	s3 =	sadd.s32 s24, s3;
	v30 =	vmax.f32 v11, v53;
	v15 =	vadd.f32 v29, v50;
	v63 =	vmin.f32 v25, v55  }
0x1f7: {  	v33 =	vld [tilespmem:s3+$0x0];
	v53 =	vmin.f32 v11, v53;
	v25 =	vmax.f32 v25, v55;
	v54 =	vmin.f32 v38, v41  }
0x1f8: {  	v23 =	vmax.f32 v23, v63;
	v9 =	vmax.f32 v9, v53;
	v38 =	vmax.f32 v38, v41  }
0x1f9: {  	v41 =	vadd.f32 v40, v50;
	v40 =	vmin.f32 v45, v46;
	v29 =	vmin.f32 v8, v15  }
0x1fa: {  	v7 =	vmax.f32 v42, v54;
	v10 =	vmax.f32 v60, v29;
	v29 =	vmin.f32 v60, v29  }
0x1fb: {  	v8 =	vmax.f32 v8, v15;
	v42 =	vmin.f32 v42, v54;
	v62 =	vmin.f32 v26, v29  }
0x1fc: {  	v15 =	vmax.f32 v26, v29;
	v29 =	vadd.f32 v33, v50;
	v26 =	vmax.f32 v44, v48  }
0x1fd: {  	v33 =	vmax.f32 v36, v49;
	v44 =	vmin.f32 v31, v12;
	v36 =	vmin.f32 v36, v49  }
0x1fe: {  	v12 =	vmax.f32 v45, v46;
	v56 =	vmin.f32 v13, v62;
	v13 =	vmax.f32 v13, v62  }
0x1ff: {  	v31 =	vmax.f32 v32, v44;
	v58 =	vmax.f32 v22, v36;
	v22 =	vmin.f32 v22, v36  }
0x200: {  	v57 =	vmin.f32 v30, v56;
	v11 =	vmax.f32 v30, v56;
	v56 =	vmin.f32 v33, v29  }
0x201: {  	v39 =	vld [tilespmem:s10+$0x0];
	v30 =	vmax.f32 v43, v52;
	v36 =	vmax.f32 v16, v22;
	v16 =	vmin.f32 v16, v22  }
0x202: {  	v9 =	vmax.f32 v9, v57;
	v57 =	vmin.f32 v37, v42;
	v59 =	vmax.f32 v21, v16  }
0x203: {  	s2 =	sadd.s32 $0x2, s2;
	v60 =	vmin.f32 v58, v56;
	v16 =	vmin.f32 v21, v16;
	v37 =	vmax.f32 v37, v42  }
0x204: {  	p3 =	slt.u32 s2, $0x3E;
	v42 =	vmin.f32 v32, v44;
	v22 =	vmin.f32 v35, v57;
	v35 =	vmax.f32 v35, v57  }
.Ltmp11:
0x205: {  	v21 =	vmin.f32 v36, v60;
	v61 =	vmax.f32 v14, v16;
	v63 =	vmin.f32 v14, v16;
	(pc) =	sbr.rel @p3 .LBB2_18-.Ltmp11, $4  }
0x206: {  	v16 =	vmax.f32 v36, v60;
	v36 =	vadd.f32 v39, v50;
	v39 =	vmin.f32 v20, v40  }
0x207: {  	v62 =	vmin.f32 v59, v21;
	v34 =	vmax.f32 v34, v22;
	v22 =	vmax.f32 v58, v56  }
0x208: {  	v27 =	vmax.f32 v27, v63;
	v21 =	vmax.f32 v59, v21;
	v44 =	vmin.f32 v28, v36  }
0x209: {  	s13 =	sadd.s32 $0x100, s13;
	s14 =	sadd.s32 $0x20, s14;
	v14 =	vmax.f32 v61, v62;
	v32 =	vmin.f32 v61, v62;
	v43 =	vmin.f32 v24, v44  }
0x20a: {  	[tilespmem:s28+$0x18060] =	vst v8  }
0x20b: {  	v28 =	vmax.f32 v28, v36;
	[tilespmem:s28+$0x18070] =	vst v10  }
0x20c: {  	v24 =	vmax.f32 v24, v44;
	[tilespmem:s28+$0x18000] =	vst v28  }
0x20d: {  	v50 =	vmax.f32 v26, v43;
	v51 =	vmin.f32 v26, v43;
	[tilespmem:s28+$0x18010] =	vst v24  }
0x20e: {  	v52 =	vmax.f32 v30, v51;
	v26 =	vmin.f32 v30, v51;
	[tilespmem:s28+$0x18020] =	vst v50  }
0x20f: {  	v53 =	vmin.f32 v25, v26;
	v54 =	vmax.f32 v25, v26;
	[tilespmem:s28+$0x18030] =	vst v52  }
0x210: {  	v23 =	vmax.f32 v23, v53;
	[tilespmem:s28+$0x18040] =	vst v54  }
0x211: {  	[tilespmem:s28+$0x18050] =	vst v23  }
0x212: {  	[tilespmem:s29+$0x18080] =	vst v15  }
0x213: {  	[tilespmem:s28+$0x18090] =	vst v13  }
0x214: {  	[tilespmem:s28+$0x180A0] =	vst v11  }
0x215: {  	v55 =	vmin.f32 v6, v41;
	v6 =	vmax.f32 v6, v41;
	[tilespmem:s28+$0x180B0] =	vst v9  }
0x216: {  	v56 =	vmin.f32 v38, v55;
	v8 =	vmax.f32 v38, v55;
	[tilespmem:s28+$0x180C0] =	vst v6  }
0x217: {  	v6 =	vmin.f32 v7, v56;
	v7 =	vmax.f32 v7, v56;
	[tilespmem:s28+$0x180D0] =	vst v8  }
0x218: {  	v57 =	vmin.f32 v37, v6;
	v6 =	vmax.f32 v37, v6;
	[tilespmem:s28+$0x180E0] =	vst v7  }
0x219: {  	v7 =	vmin.f32 v35, v57;
	v8 =	vmax.f32 v35, v57;
	[tilespmem:s28+$0x180F0] =	vst v6  }
0x21a: {  	v6 =	vmax.f32 v34, v7;
	[tilespmem:s29+$0x18100] =	vst v8  }
0x21b: {  	v7 =	vmax.f32 v33, v29;
	[tilespmem:s28+$0x18110] =	vst v6  }
0x21c: {  	[tilespmem:s28+$0x18120] =	vst v7  }
0x21d: {  	[tilespmem:s28+$0x18130] =	vst v22  }
0x21e: {  	[tilespmem:s28+$0x18140] =	vst v16  }
0x21f: {  	[tilespmem:s28+$0x18150] =	vst v21  }
0x220: {  	v6 =	vmax.f32 v27, v32;
	[tilespmem:s28+$0x18160] =	vst v14  }
0x221: {  	s26 =	sadd.s32 $0x1, s26;
	[tilespmem:s28+$0x18170] =	vst v6  }
0x222: {  	v58 =	vmax.f32 v20, v40;
	v59 =	vmax.f32 v31, v39;
	v60 =	vmin.f32 v19, v42;
	p3 =	seq.s32 s26, $0x8;
	[tilespmem:s29+$0x18180] =	vst v12  }
.Ltmp12:
0x223: {  	v62 =	vmax.f32 v18, v60;
	v7 =	vmin.f32 v31, v39;
	v6 =	vmax.f32 v19, v42;
	[tilespmem:s28+$0x18190] =	vst v58;
	(pc) =	sbr.rel @!p3 .LBB2_17-.Ltmp12, $4  }
0x224: {  	v10 =	vmin.f32 v18, v60;
	v61 =	vmin.f32 v6, v7;
	v6 =	vmax.f32 v6, v7;
	[tilespmem:s28+$0x181A0] =	vst v59  }
0x225: {  	v7 =	vmax.f32 v17, v10;
	v63 =	vmin.f32 v62, v61;
	v8 =	vmax.f32 v62, v61;
	[tilespmem:s28+$0x181B0] =	vst v6  }
0x226: {  	v6 =	vmax.f32 v7, v63;
	[tilespmem:s28+$0x181C0] =	vst v8  }
0x227: {  	[tilespmem:s28+$0x181D0] =	vst v6  }
.Ltmp13:
0x228: {  	(pc) =	sbr.rel .LBB2_26-.Ltmp13, $2  }
0x229: {  	_ =	sdelay $0x2  }
0x22a: {  	v6 =	vimm.s32 $0x18000  }
.LBB2_21:
0x22b: {  	s16 =	simm.s32 $0x0;
	s0 =	rddreg [dreg:$0x19]  }
0x22c: {  	[tilespmem:s16], [sflag:$0x1] =	stream.linear.gather [hbm4b:s0+s16], $0x2000, $0x38;
	[tilespmem:$0x19000] =	vst v63  }
0x22d: {  	s18 =	rddreg [dreg:$0x1a];
	s2 =	simm.s32 $0x2000  }
0x22e: {  	[tilespmem:s2], [sflag:$0x1] =	stream.linear.gather [hbm4b:s18+s16], $0x2000, $0x38;
	[tilespmem:$0x19000] =	vst v63  }
0x22f: {  	s19 =	rddreg [dreg:$0x1b];
	s24 =	simm.s32 $0x4000  }
0x230: {  	[tilespmem:s24], [sflag:$0x1] =	stream.linear.gather [hbm4b:s19+s16], $0x2000, $0x38;
	[tilespmem:$0x19000] =	vst v63  }
0x231: {  	s25 =	rddreg [dreg:$0x1c];
	s26 =	simm.s32 $0x6000  }
0x232: {  	[tilespmem:s26], [sflag:$0x1] =	stream.linear.gather [hbm4b:s25+s16], $0x2000, $0x38;
	[tilespmem:$0x19000] =	vst v63  }
0x233: {  	s28 =	rddreg [dreg:$0x1d];
	s29 =	simm.s32 $0x8000  }
0x234: {  	[tilespmem:s29], [sflag:$0x1] =	stream.linear.gather [hbm4b:s28+s16], $0x2000, $0x38;
	[tilespmem:$0x19000] =	vst v63  }
0x235: {  	s31 =	rddreg [dreg:$0x1e]  }
0x236: {  	[tilespmem:s23], [sflag:$0x1] =	stream.linear.gather [hbm4b:s31+s16], $0x2000, $0x38;
	[tilespmem:$0x19000] =	vst v63  }
0x237: {  	_ =	swait.ge [sflag:s22], $0x2000  }
0x238: {  	[sflag:s22] =	ssyncset.done $0x0  }
0x239: {  	[sflag:s22] =	ssyncadd.s32 $0xFFFFE000  }
0x23a: {  	_ =	swait.ge [sflag:s22], $0x2000  }
0x23b: {  	[sflag:s22] =	ssyncset.done $0x0  }
0x23c: {  	[sflag:s22] =	ssyncadd.s32 $0xFFFFE000  }
0x23d: {  	v5 =	vadd.s32 $0xFFFE7C00, v3;
	_ =	swait.ge [sflag:s22], $0x2000  }
0x23e: {  	vm1 =	vgt.s32 v5, $0x0;
	[sflag:s22] =	ssyncset.done $0x0  }
0x23f: {  	v5 =	vnsel vm1, $0x0, v5;
	[sflag:s22] =	ssyncadd.s32 $0xFFFFE000  }
0x240: {  	v5 =	vmin.u32 v5, $0x3FF;
	_ =	swait.ge [sflag:s22], $0x2000  }
0x241: {  	v6 =	vshll.u32 v5, $0x3;
	[sflag:s22] =	ssyncset.done $0x0  }
0x242: {  	v5 =	vand.u32 $0x7F, v5;
	v6 =	vand.u32 $0x1C00, v6;
	[sflag:s22] =	ssyncadd.s32 $0xFFFFE000  }
0x243: {  	v5 =	vor.u32 v6, v5;
	_ =	swait.ge [sflag:s22], $0x2000  }
0x244: {  	v5 =	vor.u32 v2, v5;
	[sflag:s22] =	ssyncset.done $0x0  }
0x245: {  	[sflag:s22] =	ssyncadd.s32 $0xFFFFE000  }
0x246: {  	_ =	swait.ge [sflag:s22], $0x2000  }
0x247: {  	[sflag:s22] =	ssyncset.done $0x0  }
0x248: {  	[sflag:s22] =	ssyncadd.s32 $0xFFFFE000  }
0x249: {  	s26 =	simm.s32 $0x0;
	s30 =	sld [smem:$0x7ED];
	v5 =	vld.idx.msk [tilespmem:v5+s23+$0x0], $0xffff  }
.LBB2_22:
0x24a: {  	s28 =	smul.u32 $0x1E0, s26;
	_ =	sdelay $0x1  }
0x24b: {  	v7 =	vld [tilespmem:s28+$0x18000]  }
0x24c: {  	v6 =	vld [tilespmem:s28+$0x18010]  }
0x24d: {  	v9 =	vld [tilespmem:s28+$0x18020]  }
0x24e: {  	s0 =	sshll.u32 s26, $0x7;
	v12 =	vld [tilespmem:s28+$0x18030]  }
0x24f: {  	s2 =	sadd.s32 $0x2000, s0;
	v14 =	vld [tilespmem:s28+$0x18040]  }
0x250: {  	s3 =	sand.u32 $0x1C00, s16;
	s10 =	sadd.s32 $0x4000, s0;
	[dreg:$0x11] =	wrdreg s2;
	v8 =	vld [tilespmem:s28+$0x18060]  }
0x251: {  	s9 =	sand.u32 $0x60, s16;
	s13 =	sadd.s32 $0x6000, s0;
	[dreg:$0x12] =	wrdreg s10;
	v10 =	vld [tilespmem:s28+$0x18070]  }
0x252: {  	s7 =	sadd.s32 $0x8000, s0;
	[dreg:$0x13] =	wrdreg s13;
	s10 =	sor.u32 s0, s3;
	v13 =	vld [tilespmem:s28+$0x18090]  }
0x253: {  	[dreg:$0x14] =	wrdreg s7;
	v18 =	vld [tilespmem:s28+$0x180A0];
	s15 =	sor.u32 s9, s10  }
0x254: {  	s13 =	sor.u32 $0x10, s9;
	s14 =	rddreg [dreg:$0x11];
	v15 =	vld [tilespmem:s15+$0x0]  }
0x255: {  	s17 =	rddreg [dreg:$0x12];
	s25 =	sor.u32 s13, s10;
	s14 =	sadd.s32 s3, s14;
	v16 =	vld [tilespmem:s15+$0x14000]  }
0x256: {  	s19 =	rddreg [dreg:$0x13];
	v27 =	vld [tilespmem:s25+$0x14000];
	s18 =	sadd.s32 s9, s14  }
0x257: {  	s2 =	sadd.s32 s3, s17;
	s17 =	rddreg [dreg:$0x14];
	s24 =	sadd.s32 s13, s14;
	v17 =	vld [tilespmem:s18+$0x0]  }
0x258: {  	s7 =	sadd.s32 s3, s19;
	s15 =	sadd.s32 s9, s2;
	s3 =	sadd.s32 s3, s17;
	v23 =	vld [tilespmem:s24+$0x0]  }
0x259: {  	v19 =	vld [tilespmem:s28+$0x180C0];
	s31 =	sadd.s32 s9, s7;
	s9 =	sadd.s32 s9, s3;
	s3 =	sadd.s32 s13, s3  }
0x25a: {  	s29 =	sand.u32 $0xFE0, s28;
	v40 =	vld [tilespmem:s3+$0x0]  }
0x25b: {  	v11 =	vld [tilespmem:s29+$0x18080];
	v15 =	vadd.f32 v15, v16  }
0x25c: {  	v20 =	vld [tilespmem:s15+$0x0]  }
0x25d: {  	v21 =	vld [tilespmem:s28+$0x180D0];
	v17 =	vadd.f32 v17, v16;
	v24 =	vmin.f32 v7, v15;
	v23 =	vadd.f32 v23, v27  }
0x25e: {  	v22 =	vld [tilespmem:s28+$0x180E0];
	v28 =	vmax.f32 v7, v15;
	v26 =	vmin.f32 v6, v24;
	v24 =	vmax.f32 v6, v24  }
0x25f: {  	v34 =	vld [tilespmem:s28+$0x180B0];
	v40 =	vadd.f32 v40, v27;
	v25 =	vmin.f32 v8, v17;
	v32 =	vmin.f32 v9, v26  }
0x260: {  	v29 =	vmax.f32 v10, v25;
	v10 =	vmin.f32 v10, v25;
	v25 =	vld [tilespmem:s31+$0x0];
	v38 =	vmin.f32 v12, v32  }
0x261: {  	v30 =	vmax.f32 v11, v10;
	v10 =	vmin.f32 v11, v10;
	v11 =	vadd.f32 v20, v16;
	v20 =	vld [tilespmem:s9+$0x0]  }
0x262: {  	v33 =	vld [tilespmem:s29+$0x18180];
	s7 =	sadd.s32 s13, s7;
	v8 =	vmax.f32 v8, v17;
	v26 =	vmax.f32 v9, v26;
	v42 =	vmin.f32 v14, v38  }
0x263: {  	v36 =	vld [tilespmem:s7+$0x0];
	v17 =	vmin.f32 v13, v10;
	v6 =	vmax.f32 v19, v11;
	v19 =	vmin.f32 v19, v11  }
0x264: {  	v39 =	vld [tilespmem:s28+$0x18120];
	v11 =	vmax.f32 v18, v17;
	v17 =	vmin.f32 v18, v17;
	v35 =	vmin.f32 v21, v19  }
0x265: {  	v31 =	vld [tilespmem:s28+$0x18050];
	v13 =	vmax.f32 v13, v10;
	v9 =	vmax.f32 v34, v17;
	v7 =	vmax.f32 v22, v35  }
0x266: {  	v41 =	vld [tilespmem:s28+$0x181A0];
	v37 =	vadd.f32 v25, v16;
	v15 =	vadd.f32 v20, v16;
	v16 =	vmin.f32 v8, v23  }
0x267: {  	v25 =	vld [tilespmem:s28+$0x18190];
	v8 =	vmax.f32 v8, v23;
	v10 =	vmax.f32 v29, v16;
	v16 =	vmin.f32 v29, v16  }
0x268: {  	v46 =	vld [tilespmem:s28+$0x180F0];
	v29 =	vadd.f32 v36, v27;
	v43 =	vmax.f32 v33, v15;
	v23 =	vmin.f32 v30, v16  }
0x269: {  	v57 =	vld [tilespmem:s28+$0x18140];
	v44 =	vmin.f32 v33, v15;
	v15 =	vmax.f32 v30, v16;
	v33 =	vmax.f32 v39, v37  }
0x26a: {  	v58 =	vld [tilespmem:s28+$0x18150];
	v30 =	vmax.f32 v12, v32;
	v45 =	vmin.f32 v13, v23;
	v13 =	vmax.f32 v13, v23  }
0x26b: {  	v18 =	vld [tilespmem:s28+$0x18130];
	v23 =	vmax.f32 v31, v42;
	v17 =	vmin.f32 v33, v29;
	v12 =	vmax.f32 v43, v40  }
0x26c: {  	v59 =	vld [tilespmem:s28+$0x18110];
	v40 =	vmin.f32 v43, v40;
	v16 =	vmin.f32 v11, v45;
	v20 =	vmax.f32 v25, v44  }
0x26d: {  	v56 =	vld [tilespmem:s29+$0x18100];
	s2 =	sadd.s32 s13, s2;
	v44 =	vmin.f32 v25, v44;
	v11 =	vmax.f32 v11, v45;
	v25 =	vmax.f32 v14, v38  }
0x26e: {  	v14 =	vmin.f32 v22, v35;
	v22 =	vmin.f32 v39, v37;
	v38 =	vmax.f32 v21, v19;
	v21 =	vld [tilespmem:s2+$0x0]  }
0x26f: {  	v31 =	vmax.f32 v41, v44;
	v9 =	vmax.f32 v9, v16;
	v16 =	vld [tilespmem:s28+$0x18160];
	v60 =	vmin.f32 v46, v14  }
0x270: {  	v39 =	vmax.f32 v18, v22;
	v18 =	vmin.f32 v18, v22;
	v22 =	vld [tilespmem:s25+$0x0];
	v37 =	vmax.f32 v46, v14  }
0x271: {  	v42 =	vmin.f32 v41, v44;
	v19 =	vmax.f32 v57, v18;
	v18 =	vmin.f32 v57, v18  }
0x272: {  	v61 =	vmin.f32 v56, v60;
	v48 =	vmin.f32 v39, v17;
	v35 =	vmax.f32 v56, v60  }
0x273: {  	v49 =	vld [tilespmem:s28+$0x18170];
	v47 =	vmax.f32 v58, v18;
	v18 =	vmin.f32 v58, v18;
	v62 =	vmin.f32 v19, v48  }
0x274: {  	v34 =	vmax.f32 v59, v61;
	v50 =	vmin.f32 v47, v62;
	v41 =	vadd.f32 v21, v27  }
0x275: {  	v21 =	vmax.f32 v47, v62;
	v63 =	vmax.f32 v16, v18;
	v36 =	vadd.f32 v22, v27  }
0x276: {  	v51 =	vmin.f32 v16, v18;
	v16 =	vmax.f32 v19, v48;
	v19 =	vld [tilespmem:s28+$0x181B0];
	v22 =	vmax.f32 v39, v17  }
0x277: {  	v18 =	vld [tilespmem:s28+$0x181C0];
	v39 =	vmin.f32 v20, v40;
	v14 =	vmax.f32 v63, v50;
	v44 =	vmin.f32 v28, v36  }
0x278: {  	s14 =	simm.s32 $0x20;
	s13 =	simm.s32 $0x100;
	s2 =	simm.s32 $0x0;
	v17 =	vld [tilespmem:s28+$0x181D0];
	v32 =	vmin.f32 v63, v50;
	v27 =	vmax.f32 v49, v51;
	v43 =	vmin.f32 v24, v44  }
.LBB2_23:
0x279: {  	s3 =	sand.u32 $0x1C00, s13  }
0x27a: {  	s7 =	rddreg [dreg:$0x11];
	v28 =	vmax.f32 v28, v36;
	v36 =	vmax.f32 v33, v29;
	v27 =	vmax.f32 v27, v32;
	s9 =	sand.u32 $0x60, s14;
	s10 =	sor.u32 s0, s3  }
0x27b: {  	s15 =	rddreg [dreg:$0x14];
	v29 =	vmax.f32 v19, v42;
	v24 =	vmax.f32 v24, v44;
	v32 =	vmax.f32 v31, v39;
	s17 =	sor.u32 s9, s10  }
0x27c: {  	s18 =	rddreg [dreg:$0x12];
	v19 =	vmin.f32 v19, v42;
	v54 =	vmin.f32 v6, v41;
	v31 =	vmin.f32 v31, v39;
	s7 =	sadd.s32 s3, s7;
	v55 =	vld [tilespmem:s17+$0x0]  }
0x27d: {  	s19 =	rddreg [dreg:$0x13];
	s24 =	sor.u32 $0x10, s9;
	v45 =	vmin.f32 v38, v54;
	v46 =	vmin.f32 v29, v31;
	v48 =	vmax.f32 v18, v19;
	s31 =	sadd.s32 s9, s7;
	v47 =	vld [tilespmem:s17+$0x14000]  }
0x27e: {  	s15 =	sadd.s32 s3, s15;
	v18 =	vmin.f32 v18, v19;
	s18 =	sadd.s32 s3, s18;
	v19 =	vmax.f32 v29, v31;
	v31 =	vmax.f32 v20, v40;
	s10 =	sor.u32 s24, s10;
	v56 =	vld [tilespmem:s31+$0x0]  }
0x27f: {  	s3 =	sadd.s32 s3, s19;
	v17 =	vmax.f32 v17, v18;
	v18 =	vmin.f32 v7, v45;
	v20 =	vmin.f32 v48, v46;
	s31 =	sadd.s32 s9, s15;
	s15 =	sadd.s32 s24, s15;
	v50 =	vld [tilespmem:s10+$0x14000]  }
0x280: {  	s25 =	sadd.s32 s9, s18;
	v29 =	vmin.f32 v37, v18;
	s9 =	sadd.s32 s9, s3;
	v37 =	vmax.f32 v37, v18;
	v18 =	vmax.f32 v48, v46;
	v46 =	vld [tilespmem:s15+$0x0]  }
0x281: {  	v44 =	vmax.f32 v26, v43;
	v57 =	vmax.f32 v6, v41;
	v26 =	vmin.f32 v26, v43;
	v61 =	vld [tilespmem:s9+$0x0]  }
0x282: {  	v38 =	vmax.f32 v38, v54;
	v43 =	vmax.f32 v30, v26;
	v26 =	vmin.f32 v30, v26  }
0x283: {  	v42 =	vmax.f32 v7, v45;
	v58 =	vmin.f32 v25, v26;
	v25 =	vmax.f32 v25, v26;
	v51 =	vld [tilespmem:s31+$0x0]  }
0x284: {  	v17 =	vmax.f32 v17, v20;
	v23 =	vmax.f32 v23, v58;
	v49 =	vmin.f32 v35, v29  }
0x285: {  	v6 =	vld [tilespmem:s25+$0x0];
	v35 =	vmax.f32 v35, v29;
	v20 =	vadd.f32 v55, v47;
	v7 =	vadd.f32 v56, v47  }
0x286: {  	v34 =	vmax.f32 v34, v49;
	v49 =	vadd.f32 v61, v47;
	v46 =	vadd.f32 v46, v50  }
0x287: {  	v30 =	vmin.f32 v28, v20;
	v59 =	vmin.f32 v8, v7;
	v8 =	vmax.f32 v8, v7  }
0x288: {  	s7 =	sadd.s32 s24, s7;
	v28 =	vmax.f32 v28, v20;
	v20 =	vadd.f32 v51, v47;
	v48 =	vmin.f32 v24, v30  }
0x289: {  	v29 =	vld [tilespmem:s7+$0x0];
	v60 =	vmax.f32 v10, v59;
	v10 =	vmin.f32 v10, v59;
	v24 =	vmax.f32 v24, v30  }
0x28a: {  	v26 =	vmax.f32 v15, v10;
	v10 =	vmin.f32 v15, v10;
	v15 =	vadd.f32 v6, v47  }
0x28b: {  	s17 =	sadd.s32 s24, s18;
	v52 =	vmin.f32 v44, v48;
	v45 =	vmax.f32 v12, v20;
	v12 =	vmin.f32 v12, v20  }
0x28c: {  	v40 =	vld [tilespmem:s17+$0x0];
	v53 =	vmin.f32 v13, v10;
	v55 =	vmin.f32 v43, v52;
	v13 =	vmax.f32 v13, v10  }
0x28d: {  	v20 =	vmax.f32 v31, v12;
	v6 =	vmax.f32 v57, v15;
	v41 =	vmin.f32 v57, v15  }
0x28e: {  	s3 =	sadd.s32 s24, s3;
	v30 =	vmax.f32 v11, v53;
	v15 =	vadd.f32 v29, v50;
	v63 =	vmin.f32 v25, v55  }
0x28f: {  	v33 =	vld [tilespmem:s3+$0x0];
	v53 =	vmin.f32 v11, v53;
	v25 =	vmax.f32 v25, v55;
	v54 =	vmin.f32 v38, v41  }
0x290: {  	v23 =	vmax.f32 v23, v63;
	v9 =	vmax.f32 v9, v53;
	v38 =	vmax.f32 v38, v41  }
0x291: {  	v41 =	vadd.f32 v40, v50;
	v40 =	vmin.f32 v45, v46;
	v29 =	vmin.f32 v8, v15  }
0x292: {  	v7 =	vmax.f32 v42, v54;
	v10 =	vmax.f32 v60, v29;
	v29 =	vmin.f32 v60, v29  }
0x293: {  	v8 =	vmax.f32 v8, v15;
	v42 =	vmin.f32 v42, v54;
	v62 =	vmin.f32 v26, v29  }
0x294: {  	v15 =	vmax.f32 v26, v29;
	v29 =	vadd.f32 v33, v50;
	v26 =	vmax.f32 v44, v48  }
0x295: {  	v33 =	vmax.f32 v36, v49;
	v44 =	vmin.f32 v31, v12;
	v36 =	vmin.f32 v36, v49  }
0x296: {  	v12 =	vmax.f32 v45, v46;
	v56 =	vmin.f32 v13, v62;
	v13 =	vmax.f32 v13, v62  }
0x297: {  	v31 =	vmax.f32 v32, v44;
	v58 =	vmax.f32 v22, v36;
	v22 =	vmin.f32 v22, v36  }
0x298: {  	v57 =	vmin.f32 v30, v56;
	v11 =	vmax.f32 v30, v56;
	v56 =	vmin.f32 v33, v29  }
0x299: {  	v39 =	vld [tilespmem:s10+$0x0];
	v30 =	vmax.f32 v43, v52;
	v36 =	vmax.f32 v16, v22;
	v16 =	vmin.f32 v16, v22  }
0x29a: {  	v9 =	vmax.f32 v9, v57;
	v57 =	vmin.f32 v37, v42;
	v59 =	vmax.f32 v21, v16  }
0x29b: {  	s2 =	sadd.s32 $0x2, s2;
	v60 =	vmin.f32 v58, v56;
	v16 =	vmin.f32 v21, v16;
	v37 =	vmax.f32 v37, v42  }
0x29c: {  	p3 =	slt.u32 s2, $0x3E;
	v42 =	vmin.f32 v32, v44;
	v22 =	vmin.f32 v35, v57;
	v35 =	vmax.f32 v35, v57  }
.Ltmp14:
0x29d: {  	v21 =	vmin.f32 v36, v60;
	v61 =	vmax.f32 v14, v16;
	v63 =	vmin.f32 v14, v16;
	(pc) =	sbr.rel @p3 .LBB2_23-.Ltmp14, $4  }
0x29e: {  	v16 =	vmax.f32 v36, v60;
	v36 =	vadd.f32 v39, v50;
	v39 =	vmin.f32 v20, v40  }
0x29f: {  	v62 =	vmin.f32 v59, v21;
	v34 =	vmax.f32 v34, v22;
	v22 =	vmax.f32 v58, v56  }
0x2a0: {  	v27 =	vmax.f32 v27, v63;
	v21 =	vmax.f32 v59, v21;
	v44 =	vmin.f32 v28, v36  }
0x2a1: {  	s13 =	sadd.s32 $0x100, s13;
	s14 =	sadd.s32 $0x20, s14;
	v14 =	vmax.f32 v61, v62;
	v32 =	vmin.f32 v61, v62;
	v43 =	vmin.f32 v24, v44  }
0x2a2: {  	[tilespmem:s28+$0x18060] =	vst v8  }
0x2a3: {  	v28 =	vmax.f32 v28, v36;
	[tilespmem:s28+$0x18070] =	vst v10  }
0x2a4: {  	v24 =	vmax.f32 v24, v44;
	[tilespmem:s28+$0x18000] =	vst v28  }
0x2a5: {  	v50 =	vmax.f32 v26, v43;
	v51 =	vmin.f32 v26, v43;
	[tilespmem:s28+$0x18010] =	vst v24  }
0x2a6: {  	v52 =	vmax.f32 v30, v51;
	v26 =	vmin.f32 v30, v51;
	[tilespmem:s28+$0x18020] =	vst v50  }
0x2a7: {  	v53 =	vmin.f32 v25, v26;
	v54 =	vmax.f32 v25, v26;
	[tilespmem:s28+$0x18030] =	vst v52  }
0x2a8: {  	v23 =	vmax.f32 v23, v53;
	[tilespmem:s28+$0x18040] =	vst v54  }
0x2a9: {  	[tilespmem:s28+$0x18050] =	vst v23  }
0x2aa: {  	[tilespmem:s29+$0x18080] =	vst v15  }
0x2ab: {  	[tilespmem:s28+$0x18090] =	vst v13  }
0x2ac: {  	[tilespmem:s28+$0x180A0] =	vst v11  }
0x2ad: {  	v55 =	vmin.f32 v6, v41;
	v6 =	vmax.f32 v6, v41;
	[tilespmem:s28+$0x180B0] =	vst v9  }
0x2ae: {  	v56 =	vmin.f32 v38, v55;
	v8 =	vmax.f32 v38, v55;
	[tilespmem:s28+$0x180C0] =	vst v6  }
0x2af: {  	v6 =	vmin.f32 v7, v56;
	v7 =	vmax.f32 v7, v56;
	[tilespmem:s28+$0x180D0] =	vst v8  }
0x2b0: {  	v57 =	vmin.f32 v37, v6;
	v6 =	vmax.f32 v37, v6;
	[tilespmem:s28+$0x180E0] =	vst v7  }
0x2b1: {  	v7 =	vmin.f32 v35, v57;
	v8 =	vmax.f32 v35, v57;
	[tilespmem:s28+$0x180F0] =	vst v6  }
0x2b2: {  	v6 =	vmax.f32 v34, v7;
	[tilespmem:s29+$0x18100] =	vst v8  }
0x2b3: {  	v7 =	vmax.f32 v33, v29;
	[tilespmem:s28+$0x18110] =	vst v6  }
0x2b4: {  	[tilespmem:s28+$0x18120] =	vst v7  }
0x2b5: {  	[tilespmem:s28+$0x18130] =	vst v22  }
0x2b6: {  	[tilespmem:s28+$0x18140] =	vst v16  }
0x2b7: {  	[tilespmem:s28+$0x18150] =	vst v21  }
0x2b8: {  	v6 =	vmax.f32 v27, v32;
	[tilespmem:s28+$0x18160] =	vst v14  }
0x2b9: {  	s26 =	sadd.s32 $0x1, s26;
	[tilespmem:s28+$0x18170] =	vst v6  }
0x2ba: {  	v58 =	vmax.f32 v20, v40;
	v59 =	vmax.f32 v31, v39;
	v60 =	vmin.f32 v19, v42;
	p3 =	sne.s32 s26, $0x8;
	[tilespmem:s29+$0x18180] =	vst v12  }
.Ltmp15:
0x2bb: {  	v62 =	vmax.f32 v18, v60;
	v7 =	vmin.f32 v31, v39;
	v6 =	vmax.f32 v19, v42;
	[tilespmem:s28+$0x18190] =	vst v58;
	(pc) =	sbr.rel @p3 .LBB2_22-.Ltmp15, $4  }
0x2bc: {  	v10 =	vmin.f32 v18, v60;
	v61 =	vmin.f32 v6, v7;
	v6 =	vmax.f32 v6, v7;
	[tilespmem:s28+$0x181A0] =	vst v59  }
0x2bd: {  	v7 =	vmax.f32 v17, v10;
	v63 =	vmin.f32 v62, v61;
	v8 =	vmax.f32 v62, v61;
	[tilespmem:s28+$0x181B0] =	vst v6  }
0x2be: {  	v6 =	vmax.f32 v7, v63;
	[tilespmem:s28+$0x181C0] =	vst v8  }
0x2bf: {  	[tilespmem:s28+$0x181D0] =	vst v6  }
0x2c0: {  	v6 =	vimm.s32 $0x18400  }
.LBB2_26:
0x2c1: {  	v3 =	vand.u32 $0xFFFFFC00, v3  }
0x2c2: {  	vm1 =	veq.s32 v3, v6  }
0x2c3: {  	vm0 =	vmand vm1, vm0  }
0x2c4: {  	v3 =	vnsel vm0, $0x0, v5  }
0x2c5: {  	v3 =	vadd.f32 v3, v4;
	_ =	sdelay $0x1  }
0x2c6: {  	s0 =	rddreg [dreg:$0x1f];
	s2 =	simm.s32 $0x18F80;
	[tilespmem:$0x18F80] =	vst v3  }
0x2c7: {  	[hbm4b:s0+s5] =	stream.linear.scatter [tilespmem:s2], [sflag:$0x3], $0x10, $0x38;
	[tilespmem:$0x19000] =	vst v63  }
.Ltmp16:
0x2c8: {  	_ = 	snop;
	(pc) =	sbr.rel @p1 .LBB2_28-.Ltmp16, $4  }
.Ltmp17:
0x2c9: {  	s3 =	simm.s32 $0x3;
	(pc) =	sbr.rel @!p1 .LBB2_27-.Ltmp17, $4  }
0x2ca: {  	_ =	swait.ge [sflag:s3], $0x10  }
0x2cb: {  	[sflag:s3] =	ssyncset.done $0x0  }
0x2cc: {  	[sflag:s3] =	ssyncadd.s32 $0xFFFFFFF0  }
0x2cd: {  	_ = 	snop  }
.LBB2_29:
0x2ce: {  	_ =	sfence.sel $0x180000  }
0x2cf: {  	[bflag:$0x0] =	sbarrier.arrive $0xFFFF  }
0x2d0: {  	_ =	strace $0x90000047  }
0x2d1: {  	s0 =	stileid.u32;
	[bflag:$0x2] =	sbarrier.arrive $0xFFFF  }
0x2d2: {  	p0 =	sne.s32 s0, $0x0;
	s0 =	rddreg [dreg:$0x4]  }
0x2d3: {  	s0 =	sadd.s32 @!p0 $0x100000, s0  }
0x2d4: {  	[sflag:s0] =	ssyncadd.tile.s32 @!p0 $0x1;
	_ =	shalt  }
.Lfunc_end2:
_tile_overlayer_lowered:
.L_overlay_start_2:
0x2d5: {  	(tag) =	ssettag $0x2  }
0x2d6: {  	s0 =	rddreg [dreg:$0x0];
	s2 =	stileid.u32  }
0x2d7: {  	s1 =	rddreg [dreg:$0x1];
	p0 =	sne.s32 s2, $0x0  }
0x2d8: {  	s3 =	rddreg [dreg:$0x2];
	[bflag:$0x3] =	sbarrier.arrive $0xFFFF;
	s2 =	simm.s32 @!p0 $0x1C03  }
0x2d9: {  	[timem:s3], [sflag:s2] =	dma.local @!p0 [hbm:s0], s1  }
0x2da: {  	s0 =	simm.s32 @!p0 $0x3  }
0x2db: {  	_ =	swait.ge @!p0 [sflag:s0], s1  }
0x2dc: {  	s1 =	ssub.s32 @!p0 $0x0, s1;
	[sflag:s0] =	ssyncset.done @!p0 $0x0  }
0x2dd: {  	[sflag:s0] =	ssyncadd.s32 @!p0 s1  }
0x2de: {  	[bflag:$0x3] =	sbarrier.arrive $0xFFFF  }
0x2df: {  	_ =	shalt  }

</sc_bundles>
